<compile_context>
chip_gen: v7x
topology: tpu7x:2x2x1
jax: 0.10.2.dev20260603
libtpu: 0.0.44.dev20260713+nightly
codegen_flags: <defaults>
</compile_context>

<pallas_src>
import jax
import jax.numpy as jnp
from jax import lax
from jax.experimental import pallas as pl
from jax.experimental.pallas import tpu as pltpu
from jax.experimental.pallas import tpu_sc as plsc

N = 10000
E = 160000
D = 256
HALF = 128
NC = 2
NS = 16
NPAD = 10240
SEG = NPAD // NS
EPT_DEG = E // (NC * NS)
EPT = E // NS
CH = 80
NCH = EPT // CH
APAD = 10112
RPT = APAD // NS
BN = 400

_MESH = plsc.VectorSubcoreMesh(core_axis_name="c", subcore_axis_name="s")
_SC_PARAMS = pltpu.CompilerParams(needs_layout_passes=False)


def _deg_body(dst_hbm, out_hbm, deg_sh, hist, dbuf, sbuf, acc):
    c = lax.axis_index("c")
    s = lax.axis_index("s")
    tid = c * NS + s

    def zero(i, carry):
        hist[pl.ds(i * 16, 16)] = jnp.zeros((16,), jnp.float32)
        return carry

    lax.fori_loop(0, NPAD // 16, zero, 0)

    pltpu.sync_copy(dst_hbm.at[pl.ds(tid * EPT_DEG, EPT_DEG)],
                    dbuf.at[pl.ds(0, EPT_DEG)])
    lane = lax.iota(jnp.int32, 16)
    tail = dbuf[pl.ds(EPT_DEG - 8, 16)]
    dbuf[pl.ds(EPT_DEG - 8, 16)] = jnp.where(lane < 8, tail, N)

    ones = jnp.ones((16,), jnp.float32)

    def count(i, carry):
        idx = dbuf[pl.ds(i * 16, 16)]
        plsc.addupdate_scatter(hist, [idx], ones)
        return carry

    lax.fori_loop(0, (EPT_DEG + 8) // 16, count, 0)

    pltpu.sync_copy(hist, deg_sh.at[s])
    plsc.subcore_barrier()
    for t in range(NS):
        pltpu.sync_copy(deg_sh.at[t, pl.ds(s * SEG, SEG)], sbuf.at[t])

    def reduce(j, carry):
        a = sbuf[0, pl.ds(j * 16, 16)]
        for t in range(1, NS):
            a = a + sbuf[t, pl.ds(j * 16, 16)]
        acc[pl.ds(j * 16, 16)] = a
        return carry

    lax.fori_loop(0, SEG // 16, reduce, 0)
    pltpu.sync_copy(acc, out_hbm.at[c, pl.ds(s * SEG, SEG)])


_deg_call = pl.kernel(
    _deg_body,
    out_type=jax.ShapeDtypeStruct((NC, NPAD), jnp.float32),
    mesh=_MESH,
    compiler_params=_SC_PARAMS,
    scratch_types=[
        pltpu.VMEM_SHARED((NS, NPAD), jnp.float32),
        pltpu.VMEM((NPAD,), jnp.float32),
        pltpu.VMEM((EPT_DEG + 16,), jnp.int32),
        pltpu.VMEM((NS, SEG), jnp.float32),
        pltpu.VMEM((SEG,), jnp.float32),
    ],
)


def _round_body(g_hbm, sd_hbm, zeros_hbm, out_hbm, agg_sh,
                sd0, sd1, sd2, sd3, rows0, rows1,
                sg0, sg1, ss0, ss1, si0, si1, si2, si3):
    c = lax.axis_index("c")
    s = lax.axis_index("s")

    pltpu.sync_copy(zeros_hbm, agg_sh.at[pl.ds(s * RPT, RPT)])

    sd = (sd0, sd1, sd2, sd3)
    rows = (rows0, rows1)
    sg = (sg0, sg1)
    ss = (ss0, ss1)
    si = (si0, si1, si2, si3)

    def i_issue(i, q):
        pltpu.async_copy(sd_hbm.at[c, s, pl.ds(i, 1)], sd[q], si[q])

    def i_wait(i, q):
        pltpu.make_async_copy(sd_hbm.at[c, s, pl.ds(i, 1)], sd[q], si[q]).wait()

    def g_issue(b, q):
        pltpu.async_copy(g_hbm.at[sd[q].at[0, 0]], rows[b], sg[b])

    def g_wait(b, q):
        pltpu.make_async_copy(g_hbm.at[sd[q].at[0, 0]], rows[b], sg[b]).wait()

    def scat_issue(b, q):
        pltpu.async_copy(rows[b], agg_sh.at[sd[q].at[0, 1]], ss[b], add=True)

    def scat_wait(b, q):
        pltpu.make_async_copy(rows[b], agg_sh.at[sd[q].at[0, 1]], ss[b]).wait()

    plsc.subcore_barrier()

    pltpu.sync_copy(sd_hbm.at[c, s, pl.ds(0, 1)], sd0)
    g_issue(0, 0)
    i_issue(1, 1)

    def step(i, b, q, s_wait_prev, issue_next):
        nb = 1 - b
        q1 = (q + 1) % 4
        q2 = (q + 2) % 4
        q3 = (q + 3) % 4
        g_wait(b, q)
        i_wait(i + 1, q1)
        if s_wait_prev:
            scat_wait(nb, q3)
        g_issue(nb, q1)
        scat_issue(b, q)
        if issue_next:
            i_issue(i + 2, q2)

    step(0, 0, 0, False, True)
    step(1, 1, 1, True, True)

    def quad(k, carry):
        i = 4 * k + 2
        step(i, 0, 2, True, True)
        step(i + 1, 1, 3, True, True)
        step(i + 2, 0, 0, True, True)
        step(i + 3, 1, 1, True, True)
        return carry

    lax.fori_loop(0, (NCH - 5) // 4, quad, 0)
    step(NCH - 3, 0, 2, True, True)
    step(NCH - 2, 1, 3, True, False)
    g_wait(0, 0)
    scat_wait(1, 3)
    scat_issue(0, 0)
    scat_wait(0, 0)
    plsc.subcore_barrier()
    pltpu.sync_copy(agg_sh.at[pl.ds(s * RPT, RPT)],
                    out_hbm.at[pl.ds(c * APAD + s * RPT, RPT)])


_round_call = pl.kernel(
    _round_body,
    out_type=jax.ShapeDtypeStruct((NC * APAD, HALF), jnp.float32),
    mesh=_MESH,
    compiler_params=_SC_PARAMS,
    scratch_types=(
        [pltpu.VMEM_SHARED((APAD, HALF), jnp.float32)]
        + [pltpu.VMEM((1, 2, CH), jnp.int32) for _ in range(4)]
        + [pltpu.VMEM((CH, HALF), jnp.float32) for _ in range(2)]
        + [pltpu.SemaphoreType.DMA for _ in range(8)]
    ),
)


def _tc_b_body(feat_ref, wt_ref, degp_ref, g1_ref, ri_ref, nrm_ref, niv_ref):
    x = feat_ref[...]
    h0 = lax.dot_general(x, wt_ref[...], (((1,), (0,)), ((), ())),
                         preferred_element_type=jnp.float32)
    dp = degp_ref[...]
    deg = jnp.maximum(dp[:, 0:1] + dp[:, 1:2], 1.0)
    norm = lax.rsqrt(deg)
    ninv = 1.0 / deg
    g1 = h0 * norm
    ri = h0 * ninv
    g1_ref[0] = g1[:, :HALF]
    g1_ref[1] = g1[:, HALF:]
    ri_ref[0] = ri[:, :HALF]
    ri_ref[1] = ri[:, HALF:]
    nrm_ref[...] = norm
    niv_ref[...] = ninv


_tc_b_call = pl.pallas_call(
    _tc_b_body,
    grid=(N // BN,),
    in_specs=[
        pl.BlockSpec((BN, D), lambda i: (i, 0)),
        pl.BlockSpec((D, D), lambda i: (0, 0)),
        pl.BlockSpec((BN, 2), lambda i: (i, 0)),
    ],
    out_specs=[
        pl.BlockSpec((NC, BN, HALF), lambda i: (0, i, 0)),
        pl.BlockSpec((NC, BN, HALF), lambda i: (0, i, 0)),
        pl.BlockSpec((BN, 1), lambda i: (i, 0)),
        pl.BlockSpec((BN, 1), lambda i: (i, 0)),
    ],
    out_shape=[
        jax.ShapeDtypeStruct((NC, N, HALF), jnp.float32),
        jax.ShapeDtypeStruct((NC, N, HALF), jnp.float32),
        jax.ShapeDtypeStruct((N, 1), jnp.float32),
        jax.ShapeDtypeStruct((N, 1), jnp.float32),
    ],
)


def _tc_d_body(agg_ref, g1_ref, niv_ref, g2_ref):
    nv = niv_ref[...][None]
    g2_ref[...] = (agg_ref[...] + g1_ref[...]) * nv


_tc_d_call = pl.pallas_call(
    _tc_d_body,
    grid=(N // BN,),
    in_specs=[
        pl.BlockSpec((NC, BN, HALF), lambda i: (0, i, 0)),
        pl.BlockSpec((NC, BN, HALF), lambda i: (0, i, 0)),
        pl.BlockSpec((BN, 1), lambda i: (i, 0)),
    ],
    out_specs=pl.BlockSpec((NC, BN, HALF), lambda i: (0, i, 0)),
    out_shape=jax.ShapeDtypeStruct((NC, N, HALF), jnp.float32),
)


def _tc_f_body(agg_ref, ri_ref, nrm_ref, out_ref):
    nm = nrm_ref[...]
    a = agg_ref[...]
    r = ri_ref[...]
    out_ref[:, :HALF] = a[0] * nm + r[0]
    out_ref[:, HALF:] = a[1] * nm + r[1]


_tc_f_call = pl.pallas_call(
    _tc_f_body,
    grid=(N // BN,),
    in_specs=[
        pl.BlockSpec((NC, BN, HALF), lambda i: (0, i, 0)),
        pl.BlockSpec((NC, BN, HALF), lambda i: (0, i, 0)),
        pl.BlockSpec((BN, 1), lambda i: (i, 0)),
    ],
    out_specs=pl.BlockSpec((BN, D), lambda i: (i, 0)),
    out_shape=jax.ShapeDtypeStruct((N, D), jnp.float32),
)


def kernel(features, edge_index, W):
    src = edge_index[0]
    dst = edge_index[1]
    wt = W.T
    dstr = dst.reshape(NS, NCH, CH)
    sd = jnp.stack([
        jnp.stack([(src + cc * N).reshape(NS, NCH, CH), dstr], axis=2)
        for cc in range(NC)], axis=0)
    zeros = jnp.zeros((RPT, HALF), jnp.float32)
    degp = _deg_call(dst)
    degp_t = degp.T
    g1, ri, nrm, niv = _tc_b_call(features, wt, degp_t)
    agg1 = _round_call(g1.reshape(NC * N, HALF), sd, zeros)
    g2 = _tc_d_call(agg1.reshape(NC, APAD, HALF), g1, niv)
    agg2 = _round_call(g2.reshape(NC * N, HALF), sd, zeros)
    out = _tc_f_call(agg2.reshape(NC, APAD, HALF), ri, nrm)
    return out

# --- scband reference (transcript-rebuilt; emitter-appended) ---
"""Pipeline reference for scband-vsgclayer-32306744000542 (READ-ONLY COPY).

The authoritative reference and input builder live on the scoring server;
editing this copy changes nothing except your own understanding.
"""

import jax, jax.numpy as jnp
import numpy as np

N = 10000
E = 160000
D = 256
K = 2
ALPHA = 1.0

def setup_inputs(seed: int = 0) -> dict:
    key = jax.random.key(seed)
    k1, k2, k3 = jax.random.split(key, 3)
    features = jax.random.normal(k1, (N, D), dtype=jnp.float32)
    edge_index = jax.random.randint(k2, (2, E), 0, N, dtype=jnp.int32)
    limit = float(np.sqrt(6.0 / (D + D)))  # xavier_uniform for Linear(D, D)
    W = jax.random.uniform(k3, (D, D), minval=-limit, maxval=limit, dtype=jnp.float32)
    return {"features": features, "edge_index": edge_index, "W": W}

def reference(features, edge_index, W):
    src = edge_index[0]
    dst = edge_index[1]
    # in-degrees (messages arrive at dst), clamped to min 1
    deg = jnp.zeros((N,), dtype=features.dtype).at[dst].add(1.0)
    deg = jnp.maximum(deg, 1.0)
    norm = (deg ** -0.5)[:, None]
    norm_1 = (deg ** -1.0)[:, None]
    # dropout p=0 -> identity; Linear bias=False
    h = features @ W.T
    h_pre = h
    ri = h * norm_1
    for _ in range(K):
        h = h * norm
        # copy_u('h','m') + sum('m','h'): scatter-add of src features onto dst
        agg = jnp.zeros((N, D), dtype=h.dtype).at[dst].add(h[src])
        h = agg * norm
        h = ALPHA * h + ALPHA * ri + (1.0 - ALPHA) * h_pre
        h_pre = h
    return h

if __name__ == "__main__":
    import jax
    _d = setup_inputs()
    print(jax.jit(kernel)(*tuple(_d.values())))

</pallas_src>

<mosaic_0001>
#map = affine_map<(d0, d1) -> (0, 0)>
#map1 = affine_map<(d0, d1) -> (0, 0, 0, 0, 0)>
module attributes {stable_mosaic.version = 14 : i64} {
  func.func @_round_body(%arg0: i32, %arg1: i32, %arg2: memref<20000x128xf32, #tpu.memory_space<hbm>>, %arg3: memref<2x16x125x2x80xi32, #tpu.memory_space<hbm>>, %arg4: memref<632x128xf32, #tpu.memory_space<hbm>>, %arg5: memref<20224x128xf32, #tpu.memory_space<hbm>>, %arg6: memref<10112x128xf32, #tpu.memory_space<vmem_shared>>, %arg7: memref<1x2x80xi32, #tpu.memory_space<vmem>>, %arg8: memref<1x2x80xi32, #tpu.memory_space<vmem>>, %arg9: memref<1x2x80xi32, #tpu.memory_space<vmem>>, %arg10: memref<1x2x80xi32, #tpu.memory_space<vmem>>, %arg11: memref<80x128xf32, #tpu.memory_space<vmem>>, %arg12: memref<80x128xf32, #tpu.memory_space<vmem>>, %arg13: memref<!tpu.dma_semaphore, #tpu.memory_space<semaphore_mem>>, %arg14: memref<!tpu.dma_semaphore, #tpu.memory_space<semaphore_mem>>, %arg15: memref<!tpu.dma_semaphore, #tpu.memory_space<semaphore_mem>>, %arg16: memref<!tpu.dma_semaphore, #tpu.memory_space<semaphore_mem>>, %arg17: memref<!tpu.dma_semaphore, #tpu.memory_space<semaphore_mem>>, %arg18: memref<!tpu.dma_semaphore, #tpu.memory_space<semaphore_mem>>, %arg19: memref<!tpu.dma_semaphore, #tpu.memory_space<semaphore_mem>>, %arg20: memref<!tpu.dma_semaphore, #tpu.memory_space<semaphore_mem>>) attributes {dimension_semantics = [#tpu.dimension_semantics<core_parallel>, #tpu.dimension_semantics<subcore_parallel>], iteration_bounds = array<i64: 2, 16>, scalar_prefetch = 0 : i64, scratch_operands = 15 : i64, tpu.core_type = #tpu.core_type<sc_vector_subcore>, window_params = [{transform_indices = #map}, {transform_indices = #map1}, {transform_indices = #map}, {transform_indices = #map}]} {
    %mul3A = arith.constant 632 : i32
    %mul3A_0 = arith.muli %arg1, %mul3A : i32
    "tpu.region"() ({
      %run_scoped3A = tpu.sem_alloc : memref<!tpu.dma_semaphore, #tpu.memory_space<semaphore_mem>>
      %dma_start3A_251 = arith.constant 0 : i32
      %dma_start3A_252 = tpu.memref_slice %arg6[%mul3A_0, %dma_start3A_251] : memref<10112x128xf32, #tpu.memory_space<vmem_shared>> -> memref<632x128xf32, #tpu.memory_space<vmem_shared>>
      tpu.enqueue_dma source(%arg4 : memref<632x128xf32, #tpu.memory_space<hbm>>) target(%dma_start3A_252 : memref<632x128xf32, #tpu.memory_space<vmem_shared>>) target_semaphore(%run_scoped3A : memref<!tpu.dma_semaphore, #tpu.memory_space<semaphore_mem>>)
      %dma_wait3A_253 = arith.constant 0 : i32
      %dma_wait3A_254 = tpu.memref_slice %arg6[%mul3A_0, %dma_wait3A_253] : memref<10112x128xf32, #tpu.memory_space<vmem_shared>> -> memref<632x128xf32, #tpu.memory_space<vmem_shared>>
      tpu.wait_dma2 semaphore(%run_scoped3A : memref<!tpu.dma_semaphore, #tpu.memory_space<semaphore_mem>>) src(%arg4 : memref<632x128xf32, #tpu.memory_space<hbm>>) dst(%dma_wait3A_254 : memref<632x128xf32, #tpu.memory_space<vmem_shared>>)
      tpu.yield
    }) : () -> ()
    %barrier3A = arith.constant 0 : index
    tpu.barrier barrier_id(%barrier3A)
    "tpu.region"() ({
      %run_scoped3A = tpu.sem_alloc : memref<!tpu.dma_semaphore, #tpu.memory_space<semaphore_mem>>
      %dma_start3A_251 = arith.constant 0 : i32
      %dma_start3A_252 = arith.constant 0 : i32
      %dma_start3A_253 = arith.constant 0 : i32
      %dma_start3A_254 = tpu.memref_slice %arg3[%arg0, %arg1, %dma_start3A_251, %dma_start3A_252, %dma_start3A_253] : memref<2x16x125x2x80xi32, #tpu.memory_space<hbm>> -> memref<1x1x1x2x80xi32, #tpu.memory_space<hbm>>
      %dma_start3A_255 = tpu.memref_squeeze %dma_start3A_254 : memref<1x1x1x2x80xi32, #tpu.memory_space<hbm>> -> memref<1x2x80xi32, #tpu.memory_space<hbm>>
      %dma_start3A_256 = arith.constant 0 : i32
      %dma_start3A_257 = arith.constant 0 : i32
      %dma_start3A_258 = arith.constant 0 : i32
      %dma_start3A_259 = tpu.memref_slice %arg3[%arg0, %arg1, %dma_start3A_256, %dma_start3A_257, %dma_start3A_258] : memref<2x16x125x2x80xi32, #tpu.memory_space<hbm>> -> memref<1x1x1x2x80xi32, #tpu.memory_space<hbm>>
      %dma_start3A_260 = tpu.memref_squeeze %dma_start3A_259 : memref<1x1x1x2x80xi32, #tpu.memory_space<hbm>> -> memref<1x2x80xi32, #tpu.memory_space<hbm>>
      tpu.enqueue_dma source(%dma_start3A_260 : memref<1x2x80xi32, #tpu.memory_space<hbm>>) target(%arg7 : memref<1x2x80xi32, #tpu.memory_space<vmem>>) target_semaphore(%run_scoped3A : memref<!tpu.dma_semaphore, #tpu.memory_space<semaphore_mem>>)
      %dma_wait3A_261 = arith.constant 0 : i32
      %dma_wait3A_262 = arith.constant 0 : i32
      %dma_wait3A_263 = arith.constant 0 : i32
      %dma_wait3A_264 = tpu.memref_slice %arg3[%arg0, %arg1, %dma_wait3A_261, %dma_wait3A_262, %dma_wait3A_263] : memref<2x16x125x2x80xi32, #tpu.memory_space<hbm>> -> memref<1x1x1x2x80xi32, #tpu.memory_space<hbm>>
      %dma_wait3A_265 = tpu.memref_squeeze %dma_wait3A_264 : memref<1x1x1x2x80xi32, #tpu.memory_space<hbm>> -> memref<1x2x80xi32, #tpu.memory_space<hbm>>
      %dma_wait3A_266 = arith.constant 0 : i32
      %dma_wait3A_267 = arith.constant 0 : i32
      %dma_wait3A_268 = arith.constant 0 : i32
      %dma_wait3A_269 = tpu.memref_slice %arg3[%arg0, %arg1, %dma_wait3A_266, %dma_wait3A_267, %dma_wait3A_268] : memref<2x16x125x2x80xi32, #tpu.memory_space<hbm>> -> memref<1x1x1x2x80xi32, #tpu.memory_space<hbm>>
      %dma_wait3A_270 = tpu.memref_squeeze %dma_wait3A_269 : memref<1x1x1x2x80xi32, #tpu.memory_space<hbm>> -> memref<1x2x80xi32, #tpu.memory_space<hbm>>
      tpu.wait_dma2 semaphore(%run_scoped3A : memref<!tpu.dma_semaphore, #tpu.memory_space<semaphore_mem>>) src(%dma_wait3A_270 : memref<1x2x80xi32, #tpu.memory_space<hbm>>) dst(%arg7 : memref<1x2x80xi32, #tpu.memory_space<vmem>>)
      tpu.yield
    }) : () -> ()
    %dma_start3A = arith.constant 0 : i32
    %dma_start3A_1 = arith.constant 0 : i32
    %dma_start3A_2 = arith.constant 0 : i32
    %dma_start3A_3 = tpu.memref_slice %arg7[%dma_start3A, %dma_start3A_1, %dma_start3A_2] : memref<1x2x80xi32, #tpu.memory_space<vmem>> -> memref<1x1x80xi32, #tpu.memory_space<vmem>>
    %dma_start3A_4 = tpu.memref_squeeze %dma_start3A_3 : memref<1x1x80xi32, #tpu.memory_space<vmem>> -> memref<80xi32, #tpu.memory_space<vmem>>
    %dma_start3A_5 = arith.constant 0 : i32
    %dma_start3A_6 = arith.constant 0 : i32
    %dma_start3A_7 = tpu.memref_slice %arg2[%dma_start3A_5, %dma_start3A_6] : memref<20000x128xf32, #tpu.memory_space<hbm>> -> memref<20000x128xf32, #tpu.memory_space<hbm>>
    tpu.enqueue_indirect_dma source(%dma_start3A_7 : memref<20000x128xf32, #tpu.memory_space<hbm>>) target(%arg11 : memref<80x128xf32, #tpu.memory_space<vmem>>) offsets(%dma_start3A_4 : memref<80xi32, #tpu.memory_space<vmem>>) semaphore(%arg13 : memref<!tpu.dma_semaphore, #tpu.memory_space<semaphore_mem>>)
    %dma_start3A_8 = arith.constant 1 : i32
    %dma_start3A_9 = arith.constant 0 : i32
    %dma_start3A_10 = arith.constant 0 : i32
    %dma_start3A_11 = tpu.memref_slice %arg3[%arg0, %arg1, %dma_start3A_8, %dma_start3A_9, %dma_start3A_10] : memref<2x16x125x2x80xi32, #tpu.memory_space<hbm>> -> memref<1x1x1x2x80xi32, #tpu.memory_space<hbm>>
    %dma_start3A_12 = tpu.memref_squeeze %dma_start3A_11 : memref<1x1x1x2x80xi32, #tpu.memory_space<hbm>> -> memref<1x2x80xi32, #tpu.memory_space<hbm>>
    %dma_start3A_13 = arith.constant 1 : i32
    %dma_start3A_14 = arith.constant 0 : i32
    %dma_start3A_15 = arith.constant 0 : i32
    %dma_start3A_16 = tpu.memref_slice %arg3[%arg0, %arg1, %dma_start3A_13, %dma_start3A_14, %dma_start3A_15] : memref<2x16x125x2x80xi32, #tpu.memory_space<hbm>> -> memref<1x1x1x2x80xi32, #tpu.memory_space<hbm>>
    %dma_start3A_17 = tpu.memref_squeeze %dma_start3A_16 : memref<1x1x1x2x80xi32, #tpu.memory_space<hbm>> -> memref<1x2x80xi32, #tpu.memory_space<hbm>>
    tpu.enqueue_dma source(%dma_start3A_17 : memref<1x2x80xi32, #tpu.memory_space<hbm>>) target(%arg8 : memref<1x2x80xi32, #tpu.memory_space<vmem>>) target_semaphore(%arg18 : memref<!tpu.dma_semaphore, #tpu.memory_space<semaphore_mem>>)
    %dma_wait3A = arith.constant 0 : i32
    %dma_wait3A_18 = arith.constant 0 : i32
    %dma_wait3A_19 = arith.constant 0 : i32
    %dma_wait3A_20 = tpu.memref_slice %arg7[%dma_wait3A, %dma_wait3A_18, %dma_wait3A_19] : memref<1x2x80xi32, #tpu.memory_space<vmem>> -> memref<1x1x80xi32, #tpu.memory_space<vmem>>
    %dma_wait3A_21 = tpu.memref_squeeze %dma_wait3A_20 : memref<1x1x80xi32, #tpu.memory_space<vmem>> -> memref<80xi32, #tpu.memory_space<vmem>>
    %dma_wait3A_22 = arith.constant 0 : i32
    %dma_wait3A_23 = arith.constant 0 : i32
    %dma_wait3A_24 = tpu.memref_slice %arg2[%dma_wait3A_22, %dma_wait3A_23] : memref<20000x128xf32, #tpu.memory_space<hbm>> -> memref<20000x128xf32, #tpu.memory_space<hbm>>
    tpu.wait_indirect_dma semaphore(%arg13 : memref<!tpu.dma_semaphore, #tpu.memory_space<semaphore_mem>>) src(%dma_wait3A_24 : memref<20000x128xf32, #tpu.memory_space<hbm>>) dst(%arg11 : memref<80x128xf32, #tpu.memory_space<vmem>>)
    %dma_wait3A_25 = arith.constant 1 : i32
    %dma_wait3A_26 = arith.constant 0 : i32
    %dma_wait3A_27 = arith.constant 0 : i32
    %dma_wait3A_28 = tpu.memref_slice %arg3[%arg0, %arg1, %dma_wait3A_25, %dma_wait3A_26, %dma_wait3A_27] : memref<2x16x125x2x80xi32, #tpu.memory_space<hbm>> -> memref<1x1x1x2x80xi32, #tpu.memory_space<hbm>>
    %dma_wait3A_29 = tpu.memref_squeeze %dma_wait3A_28 : memref<1x1x1x2x80xi32, #tpu.memory_space<hbm>> -> memref<1x2x80xi32, #tpu.memory_space<hbm>>
    %dma_wait3A_30 = arith.constant 1 : i32
    %dma_wait3A_31 = arith.constant 0 : i32
    %dma_wait3A_32 = arith.constant 0 : i32
    %dma_wait3A_33 = tpu.memref_slice %arg3[%arg0, %arg1, %dma_wait3A_30, %dma_wait3A_31, %dma_wait3A_32] : memref<2x16x125x2x80xi32, #tpu.memory_space<hbm>> -> memref<1x1x1x2x80xi32, #tpu.memory_space<hbm>>
    %dma_wait3A_34 = tpu.memref_squeeze %dma_wait3A_33 : memref<1x1x1x2x80xi32, #tpu.memory_space<hbm>> -> memref<1x2x80xi32, #tpu.memory_space<hbm>>
    tpu.wait_dma2 semaphore(%arg18 : memref<!tpu.dma_semaphore, #tpu.memory_space<semaphore_mem>>) src(%dma_wait3A_34 : memref<1x2x80xi32, #tpu.memory_space<hbm>>) dst(%arg8 : memref<1x2x80xi32, #tpu.memory_space<vmem>>)
    %dma_start3A_35 = arith.constant 0 : i32
    %dma_start3A_36 = arith.constant 0 : i32
    %dma_start3A_37 = arith.constant 0 : i32
    %dma_start3A_38 = tpu.memref_slice %arg8[%dma_start3A_35, %dma_start3A_36, %dma_start3A_37] : memref<1x2x80xi32, #tpu.memory_space<vmem>> -> memref<1x1x80xi32, #tpu.memory_space<vmem>>
    %dma_start3A_39 = tpu.memref_squeeze %dma_start3A_38 : memref<1x1x80xi32, #tpu.memory_space<vmem>> -> memref<80xi32, #tpu.memory_space<vmem>>
    %dma_start3A_40 = arith.constant 0 : i32
    %dma_start3A_41 = arith.constant 0 : i32
    %dma_start3A_42 = tpu.memref_slice %arg2[%dma_start3A_40, %dma_start3A_41] : memref<20000x128xf32, #tpu.memory_space<hbm>> -> memref<20000x128xf32, #tpu.memory_space<hbm>>
    tpu.enqueue_indirect_dma source(%dma_start3A_42 : memref<20000x128xf32, #tpu.memory_space<hbm>>) target(%arg12 : memref<80x128xf32, #tpu.memory_space<vmem>>) offsets(%dma_start3A_39 : memref<80xi32, #tpu.memory_space<vmem>>) semaphore(%arg14 : memref<!tpu.dma_semaphore, #tpu.memory_space<semaphore_mem>>)
    %dma_start3A_43 = arith.constant 0 : i32
    %dma_start3A_44 = arith.constant 1 : i32
    %dma_start3A_45 = arith.constant 0 : i32
    %dma_start3A_46 = tpu.memref_slice %arg7[%dma_start3A_43, %dma_start3A_44, %dma_start3A_45] : memref<1x2x80xi32, #tpu.memory_space<vmem>> -> memref<1x1x80xi32, #tpu.memory_space<vmem>>
    %dma_start3A_47 = tpu.memref_squeeze %dma_start3A_46 : memref<1x1x80xi32, #tpu.memory_space<vmem>> -> memref<80xi32, #tpu.memory_space<vmem>>
    %dma_start3A_48 = arith.constant 0 : i32
    %dma_start3A_49 = arith.constant 0 : i32
    %dma_start3A_50 = tpu.memref_slice %arg6[%dma_start3A_48, %dma_start3A_49] : memref<10112x128xf32, #tpu.memory_space<vmem_shared>> -> memref<10112x128xf32, #tpu.memory_space<vmem_shared>>
    tpu.enqueue_indirect_dma source(%arg11 : memref<80x128xf32, #tpu.memory_space<vmem>>) target(%dma_start3A_50 : memref<10112x128xf32, #tpu.memory_space<vmem_shared>>) offsets(%dma_start3A_47 : memref<80xi32, #tpu.memory_space<vmem>>) semaphore(%arg15 : memref<!tpu.dma_semaphore, #tpu.memory_space<semaphore_mem>>) {add = true}
    %dma_start3A_51 = arith.constant 2 : i32
    %dma_start3A_52 = arith.constant 0 : i32
    %dma_start3A_53 = arith.constant 0 : i32
    %dma_start3A_54 = tpu.memref_slice %arg3[%arg0, %arg1, %dma_start3A_51, %dma_start3A_52, %dma_start3A_53] : memref<2x16x125x2x80xi32, #tpu.memory_space<hbm>> -> memref<1x1x1x2x80xi32, #tpu.memory_space<hbm>>
    %dma_start3A_55 = tpu.memref_squeeze %dma_start3A_54 : memref<1x1x1x2x80xi32, #tpu.memory_space<hbm>> -> memref<1x2x80xi32, #tpu.memory_space<hbm>>
    %dma_start3A_56 = arith.constant 2 : i32
    %dma_start3A_57 = arith.constant 0 : i32
    %dma_start3A_58 = arith.constant 0 : i32
    %dma_start3A_59 = tpu.memref_slice %arg3[%arg0, %arg1, %dma_start3A_56, %dma_start3A_57, %dma_start3A_58] : memref<2x16x125x2x80xi32, #tpu.memory_space<hbm>> -> memref<1x1x1x2x80xi32, #tpu.memory_space<hbm>>
    %dma_start3A_60 = tpu.memref_squeeze %dma_start3A_59 : memref<1x1x1x2x80xi32, #tpu.memory_space<hbm>> -> memref<1x2x80xi32, #tpu.memory_space<hbm>>
    tpu.enqueue_dma source(%dma_start3A_60 : memref<1x2x80xi32, #tpu.memory_space<hbm>>) target(%arg9 : memref<1x2x80xi32, #tpu.memory_space<vmem>>) target_semaphore(%arg19 : memref<!tpu.dma_semaphore, #tpu.memory_space<semaphore_mem>>)
    %dma_wait3A_61 = arith.constant 0 : i32
    %dma_wait3A_62 = arith.constant 0 : i32
    %dma_wait3A_63 = arith.constant 0 : i32
    %dma_wait3A_64 = tpu.memref_slice %arg8[%dma_wait3A_61, %dma_wait3A_62, %dma_wait3A_63] : memref<1x2x80xi32, #tpu.memory_space<vmem>> -> memref<1x1x80xi32, #tpu.memory_space<vmem>>
    %dma_wait3A_65 = tpu.memref_squeeze %dma_wait3A_64 : memref<1x1x80xi32, #tpu.memory_space<vmem>> -> memref<80xi32, #tpu.memory_space<vmem>>
    %dma_wait3A_66 = arith.constant 0 : i32
    %dma_wait3A_67 = arith.constant 0 : i32
    %dma_wait3A_68 = tpu.memref_slice %arg2[%dma_wait3A_66, %dma_wait3A_67] : memref<20000x128xf32, #tpu.memory_space<hbm>> -> memref<20000x128xf32, #tpu.memory_space<hbm>>
    tpu.wait_indirect_dma semaphore(%arg14 : memref<!tpu.dma_semaphore, #tpu.memory_space<semaphore_mem>>) src(%dma_wait3A_68 : memref<20000x128xf32, #tpu.memory_space<hbm>>) dst(%arg12 : memref<80x128xf32, #tpu.memory_space<vmem>>)
    %dma_wait3A_69 = arith.constant 2 : i32
    %dma_wait3A_70 = arith.constant 0 : i32
    %dma_wait3A_71 = arith.constant 0 : i32
    %dma_wait3A_72 = tpu.memref_slice %arg3[%arg0, %arg1, %dma_wait3A_69, %dma_wait3A_70, %dma_wait3A_71] : memref<2x16x125x2x80xi32, #tpu.memory_space<hbm>> -> memref<1x1x1x2x80xi32, #tpu.memory_space<hbm>>
    %dma_wait3A_73 = tpu.memref_squeeze %dma_wait3A_72 : memref<1x1x1x2x80xi32, #tpu.memory_space<hbm>> -> memref<1x2x80xi32, #tpu.memory_space<hbm>>
    %dma_wait3A_74 = arith.constant 2 : i32
    %dma_wait3A_75 = arith.constant 0 : i32
    %dma_wait3A_76 = arith.constant 0 : i32
    %dma_wait3A_77 = tpu.memref_slice %arg3[%arg0, %arg1, %dma_wait3A_74, %dma_wait3A_75, %dma_wait3A_76] : memref<2x16x125x2x80xi32, #tpu.memory_space<hbm>> -> memref<1x1x1x2x80xi32, #tpu.memory_space<hbm>>
    %dma_wait3A_78 = tpu.memref_squeeze %dma_wait3A_77 : memref<1x1x1x2x80xi32, #tpu.memory_space<hbm>> -> memref<1x2x80xi32, #tpu.memory_space<hbm>>
    tpu.wait_dma2 semaphore(%arg19 : memref<!tpu.dma_semaphore, #tpu.memory_space<semaphore_mem>>) src(%dma_wait3A_78 : memref<1x2x80xi32, #tpu.memory_space<hbm>>) dst(%arg9 : memref<1x2x80xi32, #tpu.memory_space<vmem>>)
    %dma_wait3A_79 = arith.constant 0 : i32
    %dma_wait3A_80 = arith.constant 1 : i32
    %dma_wait3A_81 = arith.constant 0 : i32
    %dma_wait3A_82 = tpu.memref_slice %arg7[%dma_wait3A_79, %dma_wait3A_80, %dma_wait3A_81] : memref<1x2x80xi32, #tpu.memory_space<vmem>> -> memref<1x1x80xi32, #tpu.memory_space<vmem>>
    %dma_wait3A_83 = tpu.memref_squeeze %dma_wait3A_82 : memref<1x1x80xi32, #tpu.memory_space<vmem>> -> memref<80xi32, #tpu.memory_space<vmem>>
    %dma_wait3A_84 = arith.constant 0 : i32
    %dma_wait3A_85 = arith.constant 0 : i32
    %dma_wait3A_86 = tpu.memref_slice %arg6[%dma_wait3A_84, %dma_wait3A_85] : memref<10112x128xf32, #tpu.memory_space<vmem_shared>> -> memref<10112x128xf32, #tpu.memory_space<vmem_shared>>
    tpu.wait_indirect_dma semaphore(%arg15 : memref<!tpu.dma_semaphore, #tpu.memory_space<semaphore_mem>>) src(%arg11 : memref<80x128xf32, #tpu.memory_space<vmem>>) dst(%dma_wait3A_86 : memref<10112x128xf32, #tpu.memory_space<vmem_shared>>)
    %dma_start3A_87 = arith.constant 0 : i32
    %dma_start3A_88 = arith.constant 0 : i32
    %dma_start3A_89 = arith.constant 0 : i32
    %dma_start3A_90 = tpu.memref_slice %arg9[%dma_start3A_87, %dma_start3A_88, %dma_start3A_89] : memref<1x2x80xi32, #tpu.memory_space<vmem>> -> memref<1x1x80xi32, #tpu.memory_space<vmem>>
    %dma_start3A_91 = tpu.memref_squeeze %dma_start3A_90 : memref<1x1x80xi32, #tpu.memory_space<vmem>> -> memref<80xi32, #tpu.memory_space<vmem>>
    %dma_start3A_92 = arith.constant 0 : i32
    %dma_start3A_93 = arith.constant 0 : i32
    %dma_start3A_94 = tpu.memref_slice %arg2[%dma_start3A_92, %dma_start3A_93] : memref<20000x128xf32, #tpu.memory_space<hbm>> -> memref<20000x128xf32, #tpu.memory_space<hbm>>
    tpu.enqueue_indirect_dma source(%dma_start3A_94 : memref<20000x128xf32, #tpu.memory_space<hbm>>) target(%arg11 : memref<80x128xf32, #tpu.memory_space<vmem>>) offsets(%dma_start3A_91 : memref<80xi32, #tpu.memory_space<vmem>>) semaphore(%arg13 : memref<!tpu.dma_semaphore, #tpu.memory_space<semaphore_mem>>)
    %dma_start3A_95 = arith.constant 0 : i32
    %dma_start3A_96 = arith.constant 1 : i32
    %dma_start3A_97 = arith.constant 0 : i32
    %dma_start3A_98 = tpu.memref_slice %arg8[%dma_start3A_95, %dma_start3A_96, %dma_start3A_97] : memref<1x2x80xi32, #tpu.memory_space<vmem>> -> memref<1x1x80xi32, #tpu.memory_space<vmem>>
    %dma_start3A_99 = tpu.memref_squeeze %dma_start3A_98 : memref<1x1x80xi32, #tpu.memory_space<vmem>> -> memref<80xi32, #tpu.memory_space<vmem>>
    %dma_start3A_100 = arith.constant 0 : i32
    %dma_start3A_101 = arith.constant 0 : i32
    %dma_start3A_102 = tpu.memref_slice %arg6[%dma_start3A_100, %dma_start3A_101] : memref<10112x128xf32, #tpu.memory_space<vmem_shared>> -> memref<10112x128xf32, #tpu.memory_space<vmem_shared>>
    tpu.enqueue_indirect_dma source(%arg12 : memref<80x128xf32, #tpu.memory_space<vmem>>) target(%dma_start3A_102 : memref<10112x128xf32, #tpu.memory_space<vmem_shared>>) offsets(%dma_start3A_99 : memref<80xi32, #tpu.memory_space<vmem>>) semaphore(%arg16 : memref<!tpu.dma_semaphore, #tpu.memory_space<semaphore_mem>>) {add = true}
    %dma_start3A_103 = arith.constant 3 : i32
    %dma_start3A_104 = arith.constant 0 : i32
    %dma_start3A_105 = arith.constant 0 : i32
    %dma_start3A_106 = tpu.memref_slice %arg3[%arg0, %arg1, %dma_start3A_103, %dma_start3A_104, %dma_start3A_105] : memref<2x16x125x2x80xi32, #tpu.memory_space<hbm>> -> memref<1x1x1x2x80xi32, #tpu.memory_space<hbm>>
    %dma_start3A_107 = tpu.memref_squeeze %dma_start3A_106 : memref<1x1x1x2x80xi32, #tpu.memory_space<hbm>> -> memref<1x2x80xi32, #tpu.memory_space<hbm>>
    %dma_start3A_108 = arith.constant 3 : i32
    %dma_start3A_109 = arith.constant 0 : i32
    %dma_start3A_110 = arith.constant 0 : i32
    %dma_start3A_111 = tpu.memref_slice %arg3[%arg0, %arg1, %dma_start3A_108, %dma_start3A_109, %dma_start3A_110] : memref<2x16x125x2x80xi32, #tpu.memory_space<hbm>> -> memref<1x1x1x2x80xi32, #tpu.memory_space<hbm>>
    %dma_start3A_112 = tpu.memref_squeeze %dma_start3A_111 : memref<1x1x1x2x80xi32, #tpu.memory_space<hbm>> -> memref<1x2x80xi32, #tpu.memory_space<hbm>>
    tpu.enqueue_dma source(%dma_start3A_112 : memref<1x2x80xi32, #tpu.memory_space<hbm>>) target(%arg10 : memref<1x2x80xi32, #tpu.memory_space<vmem>>) target_semaphore(%arg20 : memref<!tpu.dma_semaphore, #tpu.memory_space<semaphore_mem>>)
    %scan3A = arith.constant 0 : i32
    %scan3A_113 = arith.constant 0 : i32
    %scan3A_114 = arith.constant 30 : i32
    %scan3A_115 = arith.addi %scan3A_113, %scan3A_114 : i32
    %scan3A_116 = arith.constant 1 : i32
    scf.for %scan3A_251 = %scan3A_113 to %scan3A_115 step %scan3A_116  : i32 {
      %mul3A_252 = arith.constant 4 : i32
      %mul3A_253 = arith.muli %mul3A_252, %scan3A_251 : i32
      %add3A_254 = arith.constant 2 : i32
      %add3A_255 = arith.addi %mul3A_253, %add3A_254 : i32
      %dma_wait3A_256 = arith.constant 0 : i32
      %dma_wait3A_257 = arith.constant 0 : i32
      %dma_wait3A_258 = arith.constant 0 : i32
      %dma_wait3A_259 = tpu.memref_slice %arg9[%dma_wait3A_256, %dma_wait3A_257, %dma_wait3A_258] : memref<1x2x80xi32, #tpu.memory_space<vmem>> -> memref<1x1x80xi32, #tpu.memory_space<vmem>>
      %dma_wait3A_260 = tpu.memref_squeeze %dma_wait3A_259 : memref<1x1x80xi32, #tpu.memory_space<vmem>> -> memref<80xi32, #tpu.memory_space<vmem>>
      %dma_wait3A_261 = arith.constant 0 : i32
      %dma_wait3A_262 = arith.constant 0 : i32
      %dma_wait3A_263 = tpu.memref_slice %arg2[%dma_wait3A_261, %dma_wait3A_262] : memref<20000x128xf32, #tpu.memory_space<hbm>> -> memref<20000x128xf32, #tpu.memory_space<hbm>>
      tpu.wait_indirect_dma semaphore(%arg13 : memref<!tpu.dma_semaphore, #tpu.memory_space<semaphore_mem>>) src(%dma_wait3A_263 : memref<20000x128xf32, #tpu.memory_space<hbm>>) dst(%arg11 : memref<80x128xf32, #tpu.memory_space<vmem>>)
      %add3A_264 = arith.constant 1 : i32
      %add3A_265 = arith.addi %add3A_255, %add3A_264 : i32
      %dma_wait3A_266 = arith.constant 0 : i32
      %dma_wait3A_267 = arith.constant 0 : i32
      %dma_wait3A_268 = tpu.memref_slice %arg3[%arg0, %arg1, %add3A_265, %dma_wait3A_266, %dma_wait3A_267] : memref<2x16x125x2x80xi32, #tpu.memory_space<hbm>> -> memref<1x1x1x2x80xi32, #tpu.memory_space<hbm>>
      %dma_wait3A_269 = tpu.memref_squeeze %dma_wait3A_268 : memref<1x1x1x2x80xi32, #tpu.memory_space<hbm>> -> memref<1x2x80xi32, #tpu.memory_space<hbm>>
      %dma_wait3A_270 = arith.constant 0 : i32
      %dma_wait3A_271 = arith.constant 0 : i32
      %dma_wait3A_272 = tpu.memref_slice %arg3[%arg0, %arg1, %add3A_265, %dma_wait3A_270, %dma_wait3A_271] : memref<2x16x125x2x80xi32, #tpu.memory_space<hbm>> -> memref<1x1x1x2x80xi32, #tpu.memory_space<hbm>>
      %dma_wait3A_273 = tpu.memref_squeeze %dma_wait3A_272 : memref<1x1x1x2x80xi32, #tpu.memory_space<hbm>> -> memref<1x2x80xi32, #tpu.memory_space<hbm>>
      tpu.wait_dma2 semaphore(%arg20 : memref<!tpu.dma_semaphore, #tpu.memory_space<semaphore_mem>>) src(%dma_wait3A_273 : memref<1x2x80xi32, #tpu.memory_space<hbm>>) dst(%arg10 : memref<1x2x80xi32, #tpu.memory_space<vmem>>)
      %dma_wait3A_274 = arith.constant 0 : i32
      %dma_wait3A_275 = arith.constant 1 : i32
      %dma_wait3A_276 = arith.constant 0 : i32
      %dma_wait3A_277 = tpu.memref_slice %arg8[%dma_wait3A_274, %dma_wait3A_275, %dma_wait3A_276] : memref<1x2x80xi32, #tpu.memory_space<vmem>> -> memref<1x1x80xi32, #tpu.memory_space<vmem>>
      %dma_wait3A_278 = tpu.memref_squeeze %dma_wait3A_277 : memref<1x1x80xi32, #tpu.memory_space<vmem>> -> memref<80xi32, #tpu.memory_space<vmem>>
      %dma_wait3A_279 = arith.constant 0 : i32
      %dma_wait3A_280 = arith.constant 0 : i32
      %dma_wait3A_281 = tpu.memref_slice %arg6[%dma_wait3A_279, %dma_wait3A_280] : memref<10112x128xf32, #tpu.memory_space<vmem_shared>> -> memref<10112x128xf32, #tpu.memory_space<vmem_shared>>
      tpu.wait_indirect_dma semaphore(%arg16 : memref<!tpu.dma_semaphore, #tpu.memory_space<semaphore_mem>>) src(%arg12 : memref<80x128xf32, #tpu.memory_space<vmem>>) dst(%dma_wait3A_281 : memref<10112x128xf32, #tpu.memory_space<vmem_shared>>)
      %dma_start3A_282 = arith.constant 0 : i32
      %dma_start3A_283 = arith.constant 0 : i32
      %dma_start3A_284 = arith.constant 0 : i32
      %dma_start3A_285 = tpu.memref_slice %arg10[%dma_start3A_282, %dma_start3A_283, %dma_start3A_284] : memref<1x2x80xi32, #tpu.memory_space<vmem>> -> memref<1x1x80xi32, #tpu.memory_space<vmem>>
      %dma_start3A_286 = tpu.memref_squeeze %dma_start3A_285 : memref<1x1x80xi32, #tpu.memory_space<vmem>> -> memref<80xi32, #tpu.memory_space<vmem>>
      %dma_start3A_287 = arith.constant 0 : i32
      %dma_start3A_288 = arith.constant 0 : i32
      %dma_start3A_289 = tpu.memref_slice %arg2[%dma_start3A_287, %dma_start3A_288] : memref<20000x128xf32, #tpu.memory_space<hbm>> -> memref<20000x128xf32, #tpu.memory_space<hbm>>
      tpu.enqueue_indirect_dma source(%dma_start3A_289 : memref<20000x128xf32, #tpu.memory_space<hbm>>) target(%arg12 : memref<80x128xf32, #tpu.memory_space<vmem>>) offsets(%dma_start3A_286 : memref<80xi32, #tpu.memory_space<vmem>>) semaphore(%arg14 : memref<!tpu.dma_semaphore, #tpu.memory_space<semaphore_mem>>)
      %dma_start3A_290 = arith.constant 0 : i32
      %dma_start3A_291 = arith.constant 1 : i32
      %dma_start3A_292 = arith.constant 0 : i32
      %dma_start3A_293 = tpu.memref_slice %arg9[%dma_start3A_290, %dma_start3A_291, %dma_start3A_292] : memref<1x2x80xi32, #tpu.memory_space<vmem>> -> memref<1x1x80xi32, #tpu.memory_space<vmem>>
      %dma_start3A_294 = tpu.memref_squeeze %dma_start3A_293 : memref<1x1x80xi32, #tpu.memory_space<vmem>> -> memref<80xi32, #tpu.memory_space<vmem>>
      %dma_start3A_295 = arith.constant 0 : i32
      %dma_start3A_296 = arith.constant 0 : i32
      %dma_start3A_297 = tpu.memref_slice %arg6[%dma_start3A_295, %dma_start3A_296] : memref<10112x128xf32, #tpu.memory_space<vmem_shared>> -> memref<10112x128xf32, #tpu.memory_space<vmem_shared>>
      tpu.enqueue_indirect_dma source(%arg11 : memref<80x128xf32, #tpu.memory_space<vmem>>) target(%dma_start3A_297 : memref<10112x128xf32, #tpu.memory_space<vmem_shared>>) offsets(%dma_start3A_294 : memref<80xi32, #tpu.memory_space<vmem>>) semaphore(%arg15 : memref<!tpu.dma_semaphore, #tpu.memory_space<semaphore_mem>>) {add = true}
      %add3A_298 = arith.constant 2 : i32
      %add3A_299 = arith.addi %add3A_255, %add3A_298 : i32
      %dma_start3A_300 = arith.constant 0 : i32
      %dma_start3A_301 = arith.constant 0 : i32
      %dma_start3A_302 = tpu.memref_slice %arg3[%arg0, %arg1, %add3A_299, %dma_start3A_300, %dma_start3A_301] : memref<2x16x125x2x80xi32, #tpu.memory_space<hbm>> -> memref<1x1x1x2x80xi32, #tpu.memory_space<hbm>>
      %dma_start3A_303 = tpu.memref_squeeze %dma_start3A_302 : memref<1x1x1x2x80xi32, #tpu.memory_space<hbm>> -> memref<1x2x80xi32, #tpu.memory_space<hbm>>
      %dma_start3A_304 = arith.constant 0 : i32
      %dma_start3A_305 = arith.constant 0 : i32
      %dma_start3A_306 = tpu.memref_slice %arg3[%arg0, %arg1, %add3A_299, %dma_start3A_304, %dma_start3A_305] : memref<2x16x125x2x80xi32, #tpu.memory_space<hbm>> -> memref<1x1x1x2x80xi32, #tpu.memory_space<hbm>>
      %dma_start3A_307 = tpu.memref_squeeze %dma_start3A_306 : memref<1x1x1x2x80xi32, #tpu.memory_space<hbm>> -> memref<1x2x80xi32, #tpu.memory_space<hbm>>
      tpu.enqueue_dma source(%dma_start3A_307 : memref<1x2x80xi32, #tpu.memory_space<hbm>>) target(%arg7 : memref<1x2x80xi32, #tpu.memory_space<vmem>>) target_semaphore(%arg17 : memref<!tpu.dma_semaphore, #tpu.memory_space<semaphore_mem>>)
      %add3A_308 = arith.constant 1 : i32
      %add3A_309 = arith.addi %add3A_255, %add3A_308 : i32
      %dma_wait3A_310 = arith.constant 0 : i32
      %dma_wait3A_311 = arith.constant 0 : i32
      %dma_wait3A_312 = arith.constant 0 : i32
      %dma_wait3A_313 = tpu.memref_slice %arg10[%dma_wait3A_310, %dma_wait3A_311, %dma_wait3A_312] : memref<1x2x80xi32, #tpu.memory_space<vmem>> -> memref<1x1x80xi32, #tpu.memory_space<vmem>>
      %dma_wait3A_314 = tpu.memref_squeeze %dma_wait3A_313 : memref<1x1x80xi32, #tpu.memory_space<vmem>> -> memref<80xi32, #tpu.memory_space<vmem>>
      %dma_wait3A_315 = arith.constant 0 : i32
      %dma_wait3A_316 = arith.constant 0 : i32
      %dma_wait3A_317 = tpu.memref_slice %arg2[%dma_wait3A_315, %dma_wait3A_316] : memref<20000x128xf32, #tpu.memory_space<hbm>> -> memref<20000x128xf32, #tpu.memory_space<hbm>>
      tpu.wait_indirect_dma semaphore(%arg14 : memref<!tpu.dma_semaphore, #tpu.memory_space<semaphore_mem>>) src(%dma_wait3A_317 : memref<20000x128xf32, #tpu.memory_space<hbm>>) dst(%arg12 : memref<80x128xf32, #tpu.memory_space<vmem>>)
      %add3A_318 = arith.constant 1 : i32
      %add3A_319 = arith.addi %add3A_309, %add3A_318 : i32
      %dma_wait3A_320 = arith.constant 0 : i32
      %dma_wait3A_321 = arith.constant 0 : i32
      %dma_wait3A_322 = tpu.memref_slice %arg3[%arg0, %arg1, %add3A_319, %dma_wait3A_320, %dma_wait3A_321] : memref<2x16x125x2x80xi32, #tpu.memory_space<hbm>> -> memref<1x1x1x2x80xi32, #tpu.memory_space<hbm>>
      %dma_wait3A_323 = tpu.memref_squeeze %dma_wait3A_322 : memref<1x1x1x2x80xi32, #tpu.memory_space<hbm>> -> memref<1x2x80xi32, #tpu.memory_space<hbm>>
      %dma_wait3A_324 = arith.constant 0 : i32
      %dma_wait3A_325 = arith.constant 0 : i32
      %dma_wait3A_326 = tpu.memref_slice %arg3[%arg0, %arg1, %add3A_319, %dma_wait3A_324, %dma_wait3A_325] : memref<2x16x125x2x80xi32, #tpu.memory_space<hbm>> -> memref<1x1x1x2x80xi32, #tpu.memory_space<hbm>>
      %dma_wait3A_327 = tpu.memref_squeeze %dma_wait3A_326 : memref<1x1x1x2x80xi32, #tpu.memory_space<hbm>> -> memref<1x2x80xi32, #tpu.memory_space<hbm>>
      tpu.wait_dma2 semaphore(%arg17 : memref<!tpu.dma_semaphore, #tpu.memory_space<semaphore_mem>>) src(%dma_wait3A_327 : memref<1x2x80xi32, #tpu.memory_space<hbm>>) dst(%arg7 : memref<1x2x80xi32, #tpu.memory_space<vmem>>)
      %dma_wait3A_328 = arith.constant 0 : i32
      %dma_wait3A_329 = arith.constant 1 : i32
      %dma_wait3A_330 = arith.constant 0 : i32
      %dma_wait3A_331 = tpu.memref_slice %arg9[%dma_wait3A_328, %dma_wait3A_329, %dma_wait3A_330] : memref<1x2x80xi32, #tpu.memory_space<vmem>> -> memref<1x1x80xi32, #tpu.memory_space<vmem>>
      %dma_wait3A_332 = tpu.memref_squeeze %dma_wait3A_331 : memref<1x1x80xi32, #tpu.memory_space<vmem>> -> memref<80xi32, #tpu.memory_space<vmem>>
      %dma_wait3A_333 = arith.constant 0 : i32
      %dma_wait3A_334 = arith.constant 0 : i32
      %dma_wait3A_335 = tpu.memref_slice %arg6[%dma_wait3A_333, %dma_wait3A_334] : memref<10112x128xf32, #tpu.memory_space<vmem_shared>> -> memref<10112x128xf32, #tpu.memory_space<vmem_shared>>
      tpu.wait_indirect_dma semaphore(%arg15 : memref<!tpu.dma_semaphore, #tpu.memory_space<semaphore_mem>>) src(%arg11 : memref<80x128xf32, #tpu.memory_space<vmem>>) dst(%dma_wait3A_335 : memref<10112x128xf32, #tpu.memory_space<vmem_shared>>)
      %dma_start3A_336 = arith.constant 0 : i32
      %dma_start3A_337 = arith.constant 0 : i32
      %dma_start3A_338 = arith.constant 0 : i32
      %dma_start3A_339 = tpu.memref_slice %arg7[%dma_start3A_336, %dma_start3A_337, %dma_start3A_338] : memref<1x2x80xi32, #tpu.memory_space<vmem>> -> memref<1x1x80xi32, #tpu.memory_space<vmem>>
      %dma_start3A_340 = tpu.memref_squeeze %dma_start3A_339 : memref<1x1x80xi32, #tpu.memory_space<vmem>> -> memref<80xi32, #tpu.memory_space<vmem>>
      %dma_start3A_341 = arith.constant 0 : i32
      %dma_start3A_342 = arith.constant 0 : i32
      %dma_start3A_343 = tpu.memref_slice %arg2[%dma_start3A_341, %dma_start3A_342] : memref<20000x128xf32, #tpu.memory_space<hbm>> -> memref<20000x128xf32, #tpu.memory_space<hbm>>
      tpu.enqueue_indirect_dma source(%dma_start3A_343 : memref<20000x128xf32, #tpu.memory_space<hbm>>) target(%arg11 : memref<80x128xf32, #tpu.memory_space<vmem>>) offsets(%dma_start3A_340 : memref<80xi32, #tpu.memory_space<vmem>>) semaphore(%arg13 : memref<!tpu.dma_semaphore, #tpu.memory_space<semaphore_mem>>)
      %dma_start3A_344 = arith.constant 0 : i32
      %dma_start3A_345 = arith.constant 1 : i32
      %dma_start3A_346 = arith.constant 0 : i32
      %dma_start3A_347 = tpu.memref_slice %arg10[%dma_start3A_344, %dma_start3A_345, %dma_start3A_346] : memref<1x2x80xi32, #tpu.memory_space<vmem>> -> memref<1x1x80xi32, #tpu.memory_space<vmem>>
      %dma_start3A_348 = tpu.memref_squeeze %dma_start3A_347 : memref<1x1x80xi32, #tpu.memory_space<vmem>> -> memref<80xi32, #tpu.memory_space<vmem>>
      %dma_start3A_349 = arith.constant 0 : i32
      %dma_start3A_350 = arith.constant 0 : i32
      %dma_start3A_351 = tpu.memref_slice %arg6[%dma_start3A_349, %dma_start3A_350] : memref<10112x128xf32, #tpu.memory_space<vmem_shared>> -> memref<10112x128xf32, #tpu.memory_space<vmem_shared>>
      tpu.enqueue_indirect_dma source(%arg12 : memref<80x128xf32, #tpu.memory_space<vmem>>) target(%dma_start3A_351 : memref<10112x128xf32, #tpu.memory_space<vmem_shared>>) offsets(%dma_start3A_348 : memref<80xi32, #tpu.memory_space<vmem>>) semaphore(%arg16 : memref<!tpu.dma_semaphore, #tpu.memory_space<semaphore_mem>>) {add = true}
      %add3A_352 = arith.constant 2 : i32
      %add3A_353 = arith.addi %add3A_309, %add3A_352 : i32
      %dma_start3A_354 = arith.constant 0 : i32
      %dma_start3A_355 = arith.constant 0 : i32
      %dma_start3A_356 = tpu.memref_slice %arg3[%arg0, %arg1, %add3A_353, %dma_start3A_354, %dma_start3A_355] : memref<2x16x125x2x80xi32, #tpu.memory_space<hbm>> -> memref<1x1x1x2x80xi32, #tpu.memory_space<hbm>>
      %dma_start3A_357 = tpu.memref_squeeze %dma_start3A_356 : memref<1x1x1x2x80xi32, #tpu.memory_space<hbm>> -> memref<1x2x80xi32, #tpu.memory_space<hbm>>
      %dma_start3A_358 = arith.constant 0 : i32
      %dma_start3A_359 = arith.constant 0 : i32
      %dma_start3A_360 = tpu.memref_slice %arg3[%arg0, %arg1, %add3A_353, %dma_start3A_358, %dma_start3A_359] : memref<2x16x125x2x80xi32, #tpu.memory_space<hbm>> -> memref<1x1x1x2x80xi32, #tpu.memory_space<hbm>>
      %dma_start3A_361 = tpu.memref_squeeze %dma_start3A_360 : memref<1x1x1x2x80xi32, #tpu.memory_space<hbm>> -> memref<1x2x80xi32, #tpu.memory_space<hbm>>
      tpu.enqueue_dma source(%dma_start3A_361 : memref<1x2x80xi32, #tpu.memory_space<hbm>>) target(%arg8 : memref<1x2x80xi32, #tpu.memory_space<vmem>>) target_semaphore(%arg18 : memref<!tpu.dma_semaphore, #tpu.memory_space<semaphore_mem>>)
      %add3A_362 = arith.constant 2 : i32
      %add3A_363 = arith.addi %add3A_255, %add3A_362 : i32
      %dma_wait3A_364 = arith.constant 0 : i32
      %dma_wait3A_365 = arith.constant 0 : i32
      %dma_wait3A_366 = arith.constant 0 : i32
      %dma_wait3A_367 = tpu.memref_slice %arg7[%dma_wait3A_364, %dma_wait3A_365, %dma_wait3A_366] : memref<1x2x80xi32, #tpu.memory_space<vmem>> -> memref<1x1x80xi32, #tpu.memory_space<vmem>>
      %dma_wait3A_368 = tpu.memref_squeeze %dma_wait3A_367 : memref<1x1x80xi32, #tpu.memory_space<vmem>> -> memref<80xi32, #tpu.memory_space<vmem>>
      %dma_wait3A_369 = arith.constant 0 : i32
      %dma_wait3A_370 = arith.constant 0 : i32
      %dma_wait3A_371 = tpu.memref_slice %arg2[%dma_wait3A_369, %dma_wait3A_370] : memref<20000x128xf32, #tpu.memory_space<hbm>> -> memref<20000x128xf32, #tpu.memory_space<hbm>>
      tpu.wait_indirect_dma semaphore(%arg13 : memref<!tpu.dma_semaphore, #tpu.memory_space<semaphore_mem>>) src(%dma_wait3A_371 : memref<20000x128xf32, #tpu.memory_space<hbm>>) dst(%arg11 : memref<80x128xf32, #tpu.memory_space<vmem>>)
      %add3A_372 = arith.constant 1 : i32
      %add3A_373 = arith.addi %add3A_363, %add3A_372 : i32
      %dma_wait3A_374 = arith.constant 0 : i32
      %dma_wait3A_375 = arith.constant 0 : i32
      %dma_wait3A_376 = tpu.memref_slice %arg3[%arg0, %arg1, %add3A_373, %dma_wait3A_374, %dma_wait3A_375] : memref<2x16x125x2x80xi32, #tpu.memory_space<hbm>> -> memref<1x1x1x2x80xi32, #tpu.memory_space<hbm>>
      %dma_wait3A_377 = tpu.memref_squeeze %dma_wait3A_376 : memref<1x1x1x2x80xi32, #tpu.memory_space<hbm>> -> memref<1x2x80xi32, #tpu.memory_space<hbm>>
      %dma_wait3A_378 = arith.constant 0 : i32
      %dma_wait3A_379 = arith.constant 0 : i32
      %dma_wait3A_380 = tpu.memref_slice %arg3[%arg0, %arg1, %add3A_373, %dma_wait3A_378, %dma_wait3A_379] : memref<2x16x125x2x80xi32, #tpu.memory_space<hbm>> -> memref<1x1x1x2x80xi32, #tpu.memory_space<hbm>>
      %dma_wait3A_381 = tpu.memref_squeeze %dma_wait3A_380 : memref<1x1x1x2x80xi32, #tpu.memory_space<hbm>> -> memref<1x2x80xi32, #tpu.memory_space<hbm>>
      tpu.wait_dma2 semaphore(%arg18 : memref<!tpu.dma_semaphore, #tpu.memory_space<semaphore_mem>>) src(%dma_wait3A_381 : memref<1x2x80xi32, #tpu.memory_space<hbm>>) dst(%arg8 : memref<1x2x80xi32, #tpu.memory_space<vmem>>)
      %dma_wait3A_382 = arith.constant 0 : i32
      %dma_wait3A_383 = arith.constant 1 : i32
      %dma_wait3A_384 = arith.constant 0 : i32
      %dma_wait3A_385 = tpu.memref_slice %arg10[%dma_wait3A_382, %dma_wait3A_383, %dma_wait3A_384] : memref<1x2x80xi32, #tpu.memory_space<vmem>> -> memref<1x1x80xi32, #tpu.memory_space<vmem>>
      %dma_wait3A_386 = tpu.memref_squeeze %dma_wait3A_385 : memref<1x1x80xi32, #tpu.memory_space<vmem>> -> memref<80xi32, #tpu.memory_space<vmem>>
      %dma_wait3A_387 = arith.constant 0 : i32
      %dma_wait3A_388 = arith.constant 0 : i32
      %dma_wait3A_389 = tpu.memref_slice %arg6[%dma_wait3A_387, %dma_wait3A_388] : memref<10112x128xf32, #tpu.memory_space<vmem_shared>> -> memref<10112x128xf32, #tpu.memory_space<vmem_shared>>
      tpu.wait_indirect_dma semaphore(%arg16 : memref<!tpu.dma_semaphore, #tpu.memory_space<semaphore_mem>>) src(%arg12 : memref<80x128xf32, #tpu.memory_space<vmem>>) dst(%dma_wait3A_389 : memref<10112x128xf32, #tpu.memory_space<vmem_shared>>)
      %dma_start3A_390 = arith.constant 0 : i32
      %dma_start3A_391 = arith.constant 0 : i32
      %dma_start3A_392 = arith.constant 0 : i32
      %dma_start3A_393 = tpu.memref_slice %arg8[%dma_start3A_390, %dma_start3A_391, %dma_start3A_392] : memref<1x2x80xi32, #tpu.memory_space<vmem>> -> memref<1x1x80xi32, #tpu.memory_space<vmem>>
      %dma_start3A_394 = tpu.memref_squeeze %dma_start3A_393 : memref<1x1x80xi32, #tpu.memory_space<vmem>> -> memref<80xi32, #tpu.memory_space<vmem>>
      %dma_start3A_395 = arith.constant 0 : i32
      %dma_start3A_396 = arith.constant 0 : i32
      %dma_start3A_397 = tpu.memref_slice %arg2[%dma_start3A_395, %dma_start3A_396] : memref<20000x128xf32, #tpu.memory_space<hbm>> -> memref<20000x128xf32, #tpu.memory_space<hbm>>
      tpu.enqueue_indirect_dma source(%dma_start3A_397 : memref<20000x128xf32, #tpu.memory_space<hbm>>) target(%arg12 : memref<80x128xf32, #tpu.memory_space<vmem>>) offsets(%dma_start3A_394 : memref<80xi32, #tpu.memory_space<vmem>>) semaphore(%arg14 : memref<!tpu.dma_semaphore, #tpu.memory_space<semaphore_mem>>)
      %dma_start3A_398 = arith.constant 0 : i32
      %dma_start3A_399 = arith.constant 1 : i32
      %dma_start3A_400 = arith.constant 0 : i32
      %dma_start3A_401 = tpu.memref_slice %arg7[%dma_start3A_398, %dma_start3A_399, %dma_start3A_400] : memref<1x2x80xi32, #tpu.memory_space<vmem>> -> memref<1x1x80xi32, #tpu.memory_space<vmem>>
      %dma_start3A_402 = tpu.memref_squeeze %dma_start3A_401 : memref<1x1x80xi32, #tpu.memory_space<vmem>> -> memref<80xi32, #tpu.memory_space<vmem>>
      %dma_start3A_403 = arith.constant 0 : i32
      %dma_start3A_404 = arith.constant 0 : i32
      %dma_start3A_405 = tpu.memref_slice %arg6[%dma_start3A_403, %dma_start3A_404] : memref<10112x128xf32, #tpu.memory_space<vmem_shared>> -> memref<10112x128xf32, #tpu.memory_space<vmem_shared>>
      tpu.enqueue_indirect_dma source(%arg11 : memref<80x128xf32, #tpu.memory_space<vmem>>) target(%dma_start3A_405 : memref<10112x128xf32, #tpu.memory_space<vmem_shared>>) offsets(%dma_start3A_402 : memref<80xi32, #tpu.memory_space<vmem>>) semaphore(%arg15 : memref<!tpu.dma_semaphore, #tpu.memory_space<semaphore_mem>>) {add = true}
      %add3A_406 = arith.constant 2 : i32
      %add3A_407 = arith.addi %add3A_363, %add3A_406 : i32
      %dma_start3A_408 = arith.constant 0 : i32
      %dma_start3A_409 = arith.constant 0 : i32
      %dma_start3A_410 = tpu.memref_slice %arg3[%arg0, %arg1, %add3A_407, %dma_start3A_408, %dma_start3A_409] : memref<2x16x125x2x80xi32, #tpu.memory_space<hbm>> -> memref<1x1x1x2x80xi32, #tpu.memory_space<hbm>>
      %dma_start3A_411 = tpu.memref_squeeze %dma_start3A_410 : memref<1x1x1x2x80xi32, #tpu.memory_space<hbm>> -> memref<1x2x80xi32, #tpu.memory_space<hbm>>
      %dma_start3A_412 = arith.constant 0 : i32
      %dma_start3A_413 = arith.constant 0 : i32
      %dma_start3A_414 = tpu.memref_slice %arg3[%arg0, %arg1, %add3A_407, %dma_start3A_412, %dma_start3A_413] : memref<2x16x125x2x80xi32, #tpu.memory_space<hbm>> -> memref<1x1x1x2x80xi32, #tpu.memory_space<hbm>>
      %dma_start3A_415 = tpu.memref_squeeze %dma_start3A_414 : memref<1x1x1x2x80xi32, #tpu.memory_space<hbm>> -> memref<1x2x80xi32, #tpu.memory_space<hbm>>
      tpu.enqueue_dma source(%dma_start3A_415 : memref<1x2x80xi32, #tpu.memory_space<hbm>>) target(%arg9 : memref<1x2x80xi32, #tpu.memory_space<vmem>>) target_semaphore(%arg19 : memref<!tpu.dma_semaphore, #tpu.memory_space<semaphore_mem>>)
      %add3A_416 = arith.constant 3 : i32
      %add3A_417 = arith.addi %add3A_255, %add3A_416 : i32
      %dma_wait3A_418 = arith.constant 0 : i32
      %dma_wait3A_419 = arith.constant 0 : i32
      %dma_wait3A_420 = arith.constant 0 : i32
      %dma_wait3A_421 = tpu.memref_slice %arg8[%dma_wait3A_418, %dma_wait3A_419, %dma_wait3A_420] : memref<1x2x80xi32, #tpu.memory_space<vmem>> -> memref<1x1x80xi32, #tpu.memory_space<vmem>>
      %dma_wait3A_422 = tpu.memref_squeeze %dma_wait3A_421 : memref<1x1x80xi32, #tpu.memory_space<vmem>> -> memref<80xi32, #tpu.memory_space<vmem>>
      %dma_wait3A_423 = arith.constant 0 : i32
      %dma_wait3A_424 = arith.constant 0 : i32
      %dma_wait3A_425 = tpu.memref_slice %arg2[%dma_wait3A_423, %dma_wait3A_424] : memref<20000x128xf32, #tpu.memory_space<hbm>> -> memref<20000x128xf32, #tpu.memory_space<hbm>>
      tpu.wait_indirect_dma semaphore(%arg14 : memref<!tpu.dma_semaphore, #tpu.memory_space<semaphore_mem>>) src(%dma_wait3A_425 : memref<20000x128xf32, #tpu.memory_space<hbm>>) dst(%arg12 : memref<80x128xf32, #tpu.memory_space<vmem>>)
      %add3A_426 = arith.constant 1 : i32
      %add3A_427 = arith.addi %add3A_417, %add3A_426 : i32
      %dma_wait3A_428 = arith.constant 0 : i32
      %dma_wait3A_429 = arith.constant 0 : i32
      %dma_wait3A_430 = tpu.memref_slice %arg3[%arg0, %arg1, %add3A_427, %dma_wait3A_428, %dma_wait3A_429] : memref<2x16x125x2x80xi32, #tpu.memory_space<hbm>> -> memref<1x1x1x2x80xi32, #tpu.memory_space<hbm>>
      %dma_wait3A_431 = tpu.memref_squeeze %dma_wait3A_430 : memref<1x1x1x2x80xi32, #tpu.memory_space<hbm>> -> memref<1x2x80xi32, #tpu.memory_space<hbm>>
      %dma_wait3A_432 = arith.constant 0 : i32
      %dma_wait3A_433 = arith.constant 0 : i32
      %dma_wait3A_434 = tpu.memref_slice %arg3[%arg0, %arg1, %add3A_427, %dma_wait3A_432, %dma_wait3A_433] : memref<2x16x125x2x80xi32, #tpu.memory_space<hbm>> -> memref<1x1x1x2x80xi32, #tpu.memory_space<hbm>>
      %dma_wait3A_435 = tpu.memref_squeeze %dma_wait3A_434 : memref<1x1x1x2x80xi32, #tpu.memory_space<hbm>> -> memref<1x2x80xi32, #tpu.memory_space<hbm>>
      tpu.wait_dma2 semaphore(%arg19 : memref<!tpu.dma_semaphore, #tpu.memory_space<semaphore_mem>>) src(%dma_wait3A_435 : memref<1x2x80xi32, #tpu.memory_space<hbm>>) dst(%arg9 : memref<1x2x80xi32, #tpu.memory_space<vmem>>)
      %dma_wait3A_436 = arith.constant 0 : i32
      %dma_wait3A_437 = arith.constant 1 : i32
      %dma_wait3A_438 = arith.constant 0 : i32
      %dma_wait3A_439 = tpu.memref_slice %arg7[%dma_wait3A_436, %dma_wait3A_437, %dma_wait3A_438] : memref<1x2x80xi32, #tpu.memory_space<vmem>> -> memref<1x1x80xi32, #tpu.memory_space<vmem>>
      %dma_wait3A_440 = tpu.memref_squeeze %dma_wait3A_439 : memref<1x1x80xi32, #tpu.memory_space<vmem>> -> memref<80xi32, #tpu.memory_space<vmem>>
      %dma_wait3A_441 = arith.constant 0 : i32
      %dma_wait3A_442 = arith.constant 0 : i32
      %dma_wait3A_443 = tpu.memref_slice %arg6[%dma_wait3A_441, %dma_wait3A_442] : memref<10112x128xf32, #tpu.memory_space<vmem_shared>> -> memref<10112x128xf32, #tpu.memory_space<vmem_shared>>
      tpu.wait_indirect_dma semaphore(%arg15 : memref<!tpu.dma_semaphore, #tpu.memory_space<semaphore_mem>>) src(%arg11 : memref<80x128xf32, #tpu.memory_space<vmem>>) dst(%dma_wait3A_443 : memref<10112x128xf32, #tpu.memory_space<vmem_shared>>)
      %dma_start3A_444 = arith.constant 0 : i32
      %dma_start3A_445 = arith.constant 0 : i32
      %dma_start3A_446 = arith.constant 0 : i32
      %dma_start3A_447 = tpu.memref_slice %arg9[%dma_start3A_444, %dma_start3A_445, %dma_start3A_446] : memref<1x2x80xi32, #tpu.memory_space<vmem>> -> memref<1x1x80xi32, #tpu.memory_space<vmem>>
      %dma_start3A_448 = tpu.memref_squeeze %dma_start3A_447 : memref<1x1x80xi32, #tpu.memory_space<vmem>> -> memref<80xi32, #tpu.memory_space<vmem>>
      %dma_start3A_449 = arith.constant 0 : i32
      %dma_start3A_450 = arith.constant 0 : i32
      %dma_start3A_451 = tpu.memref_slice %arg2[%dma_start3A_449, %dma_start3A_450] : memref<20000x128xf32, #tpu.memory_space<hbm>> -> memref<20000x128xf32, #tpu.memory_space<hbm>>
      tpu.enqueue_indirect_dma source(%dma_start3A_451 : memref<20000x128xf32, #tpu.memory_space<hbm>>) target(%arg11 : memref<80x128xf32, #tpu.memory_space<vmem>>) offsets(%dma_start3A_448 : memref<80xi32, #tpu.memory_space<vmem>>) semaphore(%arg13 : memref<!tpu.dma_semaphore, #tpu.memory_space<semaphore_mem>>)
      %dma_start3A_452 = arith.constant 0 : i32
      %dma_start3A_453 = arith.constant 1 : i32
      %dma_start3A_454 = arith.constant 0 : i32
      %dma_start3A_455 = tpu.memref_slice %arg8[%dma_start3A_452, %dma_start3A_453, %dma_start3A_454] : memref<1x2x80xi32, #tpu.memory_space<vmem>> -> memref<1x1x80xi32, #tpu.memory_space<vmem>>
      %dma_start3A_456 = tpu.memref_squeeze %dma_start3A_455 : memref<1x1x80xi32, #tpu.memory_space<vmem>> -> memref<80xi32, #tpu.memory_space<vmem>>
      %dma_start3A_457 = arith.constant 0 : i32
      %dma_start3A_458 = arith.constant 0 : i32
      %dma_start3A_459 = tpu.memref_slice %arg6[%dma_start3A_457, %dma_start3A_458] : memref<10112x128xf32, #tpu.memory_space<vmem_shared>> -> memref<10112x128xf32, #tpu.memory_space<vmem_shared>>
      tpu.enqueue_indirect_dma source(%arg12 : memref<80x128xf32, #tpu.memory_space<vmem>>) target(%dma_start3A_459 : memref<10112x128xf32, #tpu.memory_space<vmem_shared>>) offsets(%dma_start3A_456 : memref<80xi32, #tpu.memory_space<vmem>>) semaphore(%arg16 : memref<!tpu.dma_semaphore, #tpu.memory_space<semaphore_mem>>) {add = true}
      %add3A_460 = arith.constant 2 : i32
      %add3A_461 = arith.addi %add3A_417, %add3A_460 : i32
      %dma_start3A_462 = arith.constant 0 : i32
      %dma_start3A_463 = arith.constant 0 : i32
      %dma_start3A_464 = tpu.memref_slice %arg3[%arg0, %arg1, %add3A_461, %dma_start3A_462, %dma_start3A_463] : memref<2x16x125x2x80xi32, #tpu.memory_space<hbm>> -> memref<1x1x1x2x80xi32, #tpu.memory_space<hbm>>
      %dma_start3A_465 = tpu.memref_squeeze %dma_start3A_464 : memref<1x1x1x2x80xi32, #tpu.memory_space<hbm>> -> memref<1x2x80xi32, #tpu.memory_space<hbm>>
      %dma_start3A_466 = arith.constant 0 : i32
      %dma_start3A_467 = arith.constant 0 : i32
      %dma_start3A_468 = tpu.memref_slice %arg3[%arg0, %arg1, %add3A_461, %dma_start3A_466, %dma_start3A_467] : memref<2x16x125x2x80xi32, #tpu.memory_space<hbm>> -> memref<1x1x1x2x80xi32, #tpu.memory_space<hbm>>
      %dma_start3A_469 = tpu.memref_squeeze %dma_start3A_468 : memref<1x1x1x2x80xi32, #tpu.memory_space<hbm>> -> memref<1x2x80xi32, #tpu.memory_space<hbm>>
      tpu.enqueue_dma source(%dma_start3A_469 : memref<1x2x80xi32, #tpu.memory_space<hbm>>) target(%arg10 : memref<1x2x80xi32, #tpu.memory_space<vmem>>) target_semaphore(%arg20 : memref<!tpu.dma_semaphore, #tpu.memory_space<semaphore_mem>>)
    }
    %scan3A_117 = arith.constant 30 : i32
    %dma_wait3A_118 = arith.constant 0 : i32
    %dma_wait3A_119 = arith.constant 0 : i32
    %dma_wait3A_120 = arith.constant 0 : i32
    %dma_wait3A_121 = tpu.memref_slice %arg9[%dma_wait3A_118, %dma_wait3A_119, %dma_wait3A_120] : memref<1x2x80xi32, #tpu.memory_space<vmem>> -> memref<1x1x80xi32, #tpu.memory_space<vmem>>
    %dma_wait3A_122 = tpu.memref_squeeze %dma_wait3A_121 : memref<1x1x80xi32, #tpu.memory_space<vmem>> -> memref<80xi32, #tpu.memory_space<vmem>>
    %dma_wait3A_123 = arith.constant 0 : i32
    %dma_wait3A_124 = arith.constant 0 : i32
    %dma_wait3A_125 = tpu.memref_slice %arg2[%dma_wait3A_123, %dma_wait3A_124] : memref<20000x128xf32, #tpu.memory_space<hbm>> -> memref<20000x128xf32, #tpu.memory_space<hbm>>
    tpu.wait_indirect_dma semaphore(%arg13 : memref<!tpu.dma_semaphore, #tpu.memory_space<semaphore_mem>>) src(%dma_wait3A_125 : memref<20000x128xf32, #tpu.memory_space<hbm>>) dst(%arg11 : memref<80x128xf32, #tpu.memory_space<vmem>>)
    %dma_wait3A_126 = arith.constant 123 : i32
    %dma_wait3A_127 = arith.constant 0 : i32
    %dma_wait3A_128 = arith.constant 0 : i32
    %dma_wait3A_129 = tpu.memref_slice %arg3[%arg0, %arg1, %dma_wait3A_126, %dma_wait3A_127, %dma_wait3A_128] : memref<2x16x125x2x80xi32, #tpu.memory_space<hbm>> -> memref<1x1x1x2x80xi32, #tpu.memory_space<hbm>>
    %dma_wait3A_130 = tpu.memref_squeeze %dma_wait3A_129 : memref<1x1x1x2x80xi32, #tpu.memory_space<hbm>> -> memref<1x2x80xi32, #tpu.memory_space<hbm>>
    %dma_wait3A_131 = arith.constant 123 : i32
    %dma_wait3A_132 = arith.constant 0 : i32
    %dma_wait3A_133 = arith.constant 0 : i32
    %dma_wait3A_134 = tpu.memref_slice %arg3[%arg0, %arg1, %dma_wait3A_131, %dma_wait3A_132, %dma_wait3A_133] : memref<2x16x125x2x80xi32, #tpu.memory_space<hbm>> -> memref<1x1x1x2x80xi32, #tpu.memory_space<hbm>>
    %dma_wait3A_135 = tpu.memref_squeeze %dma_wait3A_134 : memref<1x1x1x2x80xi32, #tpu.memory_space<hbm>> -> memref<1x2x80xi32, #tpu.memory_space<hbm>>
    tpu.wait_dma2 semaphore(%arg20 : memref<!tpu.dma_semaphore, #tpu.memory_space<semaphore_mem>>) src(%dma_wait3A_135 : memref<1x2x80xi32, #tpu.memory_space<hbm>>) dst(%arg10 : memref<1x2x80xi32, #tpu.memory_space<vmem>>)
    %dma_wait3A_136 = arith.constant 0 : i32
    %dma_wait3A_137 = arith.constant 1 : i32
    %dma_wait3A_138 = arith.constant 0 : i32
    %dma_wait3A_139 = tpu.memref_slice %arg8[%dma_wait3A_136, %dma_wait3A_137, %dma_wait3A_138] : memref<1x2x80xi32, #tpu.memory_space<vmem>> -> memref<1x1x80xi32, #tpu.memory_space<vmem>>
    %dma_wait3A_140 = tpu.memref_squeeze %dma_wait3A_139 : memref<1x1x80xi32, #tpu.memory_space<vmem>> -> memref<80xi32, #tpu.memory_space<vmem>>
    %dma_wait3A_141 = arith.constant 0 : i32
    %dma_wait3A_142 = arith.constant 0 : i32
    %dma_wait3A_143 = tpu.memref_slice %arg6[%dma_wait3A_141, %dma_wait3A_142] : memref<10112x128xf32, #tpu.memory_space<vmem_shared>> -> memref<10112x128xf32, #tpu.memory_space<vmem_shared>>
    tpu.wait_indirect_dma semaphore(%arg16 : memref<!tpu.dma_semaphore, #tpu.memory_space<semaphore_mem>>) src(%arg12 : memref<80x128xf32, #tpu.memory_space<vmem>>) dst(%dma_wait3A_143 : memref<10112x128xf32, #tpu.memory_space<vmem_shared>>)
    %dma_start3A_144 = arith.constant 0 : i32
    %dma_start3A_145 = arith.constant 0 : i32
    %dma_start3A_146 = arith.constant 0 : i32
    %dma_start3A_147 = tpu.memref_slice %arg10[%dma_start3A_144, %dma_start3A_145, %dma_start3A_146] : memref<1x2x80xi32, #tpu.memory_space<vmem>> -> memref<1x1x80xi32, #tpu.memory_space<vmem>>
    %dma_start3A_148 = tpu.memref_squeeze %dma_start3A_147 : memref<1x1x80xi32, #tpu.memory_space<vmem>> -> memref<80xi32, #tpu.memory_space<vmem>>
    %dma_start3A_149 = arith.constant 0 : i32
    %dma_start3A_150 = arith.constant 0 : i32
    %dma_start3A_151 = tpu.memref_slice %arg2[%dma_start3A_149, %dma_start3A_150] : memref<20000x128xf32, #tpu.memory_space<hbm>> -> memref<20000x128xf32, #tpu.memory_space<hbm>>
    tpu.enqueue_indirect_dma source(%dma_start3A_151 : memref<20000x128xf32, #tpu.memory_space<hbm>>) target(%arg12 : memref<80x128xf32, #tpu.memory_space<vmem>>) offsets(%dma_start3A_148 : memref<80xi32, #tpu.memory_space<vmem>>) semaphore(%arg14 : memref<!tpu.dma_semaphore, #tpu.memory_space<semaphore_mem>>)
    %dma_start3A_152 = arith.constant 0 : i32
    %dma_start3A_153 = arith.constant 1 : i32
    %dma_start3A_154 = arith.constant 0 : i32
    %dma_start3A_155 = tpu.memref_slice %arg9[%dma_start3A_152, %dma_start3A_153, %dma_start3A_154] : memref<1x2x80xi32, #tpu.memory_space<vmem>> -> memref<1x1x80xi32, #tpu.memory_space<vmem>>
    %dma_start3A_156 = tpu.memref_squeeze %dma_start3A_155 : memref<1x1x80xi32, #tpu.memory_space<vmem>> -> memref<80xi32, #tpu.memory_space<vmem>>
    %dma_start3A_157 = arith.constant 0 : i32
    %dma_start3A_158 = arith.constant 0 : i32
    %dma_start3A_159 = tpu.memref_slice %arg6[%dma_start3A_157, %dma_start3A_158] : memref<10112x128xf32, #tpu.memory_space<vmem_shared>> -> memref<10112x128xf32, #tpu.memory_space<vmem_shared>>
    tpu.enqueue_indirect_dma source(%arg11 : memref<80x128xf32, #tpu.memory_space<vmem>>) target(%dma_start3A_159 : memref<10112x128xf32, #tpu.memory_space<vmem_shared>>) offsets(%dma_start3A_156 : memref<80xi32, #tpu.memory_space<vmem>>) semaphore(%arg15 : memref<!tpu.dma_semaphore, #tpu.memory_space<semaphore_mem>>) {add = true}
    %dma_start3A_160 = arith.constant 124 : i32
    %dma_start3A_161 = arith.constant 0 : i32
    %dma_start3A_162 = arith.constant 0 : i32
    %dma_start3A_163 = tpu.memref_slice %arg3[%arg0, %arg1, %dma_start3A_160, %dma_start3A_161, %dma_start3A_162] : memref<2x16x125x2x80xi32, #tpu.memory_space<hbm>> -> memref<1x1x1x2x80xi32, #tpu.memory_space<hbm>>
    %dma_start3A_164 = tpu.memref_squeeze %dma_start3A_163 : memref<1x1x1x2x80xi32, #tpu.memory_space<hbm>> -> memref<1x2x80xi32, #tpu.memory_space<hbm>>
    %dma_start3A_165 = arith.constant 124 : i32
    %dma_start3A_166 = arith.constant 0 : i32
    %dma_start3A_167 = arith.constant 0 : i32
    %dma_start3A_168 = tpu.memref_slice %arg3[%arg0, %arg1, %dma_start3A_165, %dma_start3A_166, %dma_start3A_167] : memref<2x16x125x2x80xi32, #tpu.memory_space<hbm>> -> memref<1x1x1x2x80xi32, #tpu.memory_space<hbm>>
    %dma_start3A_169 = tpu.memref_squeeze %dma_start3A_168 : memref<1x1x1x2x80xi32, #tpu.memory_space<hbm>> -> memref<1x2x80xi32, #tpu.memory_space<hbm>>
    tpu.enqueue_dma source(%dma_start3A_169 : memref<1x2x80xi32, #tpu.memory_space<hbm>>) target(%arg7 : memref<1x2x80xi32, #tpu.memory_space<vmem>>) target_semaphore(%arg17 : memref<!tpu.dma_semaphore, #tpu.memory_space<semaphore_mem>>)
    %dma_wait3A_170 = arith.constant 0 : i32
    %dma_wait3A_171 = arith.constant 0 : i32
    %dma_wait3A_172 = arith.constant 0 : i32
    %dma_wait3A_173 = tpu.memref_slice %arg10[%dma_wait3A_170, %dma_wait3A_171, %dma_wait3A_172] : memref<1x2x80xi32, #tpu.memory_space<vmem>> -> memref<1x1x80xi32, #tpu.memory_space<vmem>>
    %dma_wait3A_174 = tpu.memref_squeeze %dma_wait3A_173 : memref<1x1x80xi32, #tpu.memory_space<vmem>> -> memref<80xi32, #tpu.memory_space<vmem>>
    %dma_wait3A_175 = arith.constant 0 : i32
    %dma_wait3A_176 = arith.constant 0 : i32
    %dma_wait3A_177 = tpu.memref_slice %arg2[%dma_wait3A_175, %dma_wait3A_176] : memref<20000x128xf32, #tpu.memory_space<hbm>> -> memref<20000x128xf32, #tpu.memory_space<hbm>>
    tpu.wait_indirect_dma semaphore(%arg14 : memref<!tpu.dma_semaphore, #tpu.memory_space<semaphore_mem>>) src(%dma_wait3A_177 : memref<20000x128xf32, #tpu.memory_space<hbm>>) dst(%arg12 : memref<80x128xf32, #tpu.memory_space<vmem>>)
    %dma_wait3A_178 = arith.constant 124 : i32
    %dma_wait3A_179 = arith.constant 0 : i32
    %dma_wait3A_180 = arith.constant 0 : i32
    %dma_wait3A_181 = tpu.memref_slice %arg3[%arg0, %arg1, %dma_wait3A_178, %dma_wait3A_179, %dma_wait3A_180] : memref<2x16x125x2x80xi32, #tpu.memory_space<hbm>> -> memref<1x1x1x2x80xi32, #tpu.memory_space<hbm>>
    %dma_wait3A_182 = tpu.memref_squeeze %dma_wait3A_181 : memref<1x1x1x2x80xi32, #tpu.memory_space<hbm>> -> memref<1x2x80xi32, #tpu.memory_space<hbm>>
    %dma_wait3A_183 = arith.constant 124 : i32
    %dma_wait3A_184 = arith.constant 0 : i32
    %dma_wait3A_185 = arith.constant 0 : i32
    %dma_wait3A_186 = tpu.memref_slice %arg3[%arg0, %arg1, %dma_wait3A_183, %dma_wait3A_184, %dma_wait3A_185] : memref<2x16x125x2x80xi32, #tpu.memory_space<hbm>> -> memref<1x1x1x2x80xi32, #tpu.memory_space<hbm>>
    %dma_wait3A_187 = tpu.memref_squeeze %dma_wait3A_186 : memref<1x1x1x2x80xi32, #tpu.memory_space<hbm>> -> memref<1x2x80xi32, #tpu.memory_space<hbm>>
    tpu.wait_dma2 semaphore(%arg17 : memref<!tpu.dma_semaphore, #tpu.memory_space<semaphore_mem>>) src(%dma_wait3A_187 : memref<1x2x80xi32, #tpu.memory_space<hbm>>) dst(%arg7 : memref<1x2x80xi32, #tpu.memory_space<vmem>>)
    %dma_wait3A_188 = arith.constant 0 : i32
    %dma_wait3A_189 = arith.constant 1 : i32
    %dma_wait3A_190 = arith.constant 0 : i32
    %dma_wait3A_191 = tpu.memref_slice %arg9[%dma_wait3A_188, %dma_wait3A_189, %dma_wait3A_190] : memref<1x2x80xi32, #tpu.memory_space<vmem>> -> memref<1x1x80xi32, #tpu.memory_space<vmem>>
    %dma_wait3A_192 = tpu.memref_squeeze %dma_wait3A_191 : memref<1x1x80xi32, #tpu.memory_space<vmem>> -> memref<80xi32, #tpu.memory_space<vmem>>
    %dma_wait3A_193 = arith.constant 0 : i32
    %dma_wait3A_194 = arith.constant 0 : i32
    %dma_wait3A_195 = tpu.memref_slice %arg6[%dma_wait3A_193, %dma_wait3A_194] : memref<10112x128xf32, #tpu.memory_space<vmem_shared>> -> memref<10112x128xf32, #tpu.memory_space<vmem_shared>>
    tpu.wait_indirect_dma semaphore(%arg15 : memref<!tpu.dma_semaphore, #tpu.memory_space<semaphore_mem>>) src(%arg11 : memref<80x128xf32, #tpu.memory_space<vmem>>) dst(%dma_wait3A_195 : memref<10112x128xf32, #tpu.memory_space<vmem_shared>>)
    %dma_start3A_196 = arith.constant 0 : i32
    %dma_start3A_197 = arith.constant 0 : i32
    %dma_start3A_198 = arith.constant 0 : i32
    %dma_start3A_199 = tpu.memref_slice %arg7[%dma_start3A_196, %dma_start3A_197, %dma_start3A_198] : memref<1x2x80xi32, #tpu.memory_space<vmem>> -> memref<1x1x80xi32, #tpu.memory_space<vmem>>
    %dma_start3A_200 = tpu.memref_squeeze %dma_start3A_199 : memref<1x1x80xi32, #tpu.memory_space<vmem>> -> memref<80xi32, #tpu.memory_space<vmem>>
    %dma_start3A_201 = arith.constant 0 : i32
    %dma_start3A_202 = arith.constant 0 : i32
    %dma_start3A_203 = tpu.memref_slice %arg2[%dma_start3A_201, %dma_start3A_202] : memref<20000x128xf32, #tpu.memory_space<hbm>> -> memref<20000x128xf32, #tpu.memory_space<hbm>>
    tpu.enqueue_indirect_dma source(%dma_start3A_203 : memref<20000x128xf32, #tpu.memory_space<hbm>>) target(%arg11 : memref<80x128xf32, #tpu.memory_space<vmem>>) offsets(%dma_start3A_200 : memref<80xi32, #tpu.memory_space<vmem>>) semaphore(%arg13 : memref<!tpu.dma_semaphore, #tpu.memory_space<semaphore_mem>>)
    %dma_start3A_204 = arith.constant 0 : i32
    %dma_start3A_205 = arith.constant 1 : i32
    %dma_start3A_206 = arith.constant 0 : i32
    %dma_start3A_207 = tpu.memref_slice %arg10[%dma_start3A_204, %dma_start3A_205, %dma_start3A_206] : memref<1x2x80xi32, #tpu.memory_space<vmem>> -> memref<1x1x80xi32, #tpu.memory_space<vmem>>
    %dma_start3A_208 = tpu.memref_squeeze %dma_start3A_207 : memref<1x1x80xi32, #tpu.memory_space<vmem>> -> memref<80xi32, #tpu.memory_space<vmem>>
    %dma_start3A_209 = arith.constant 0 : i32
    %dma_start3A_210 = arith.constant 0 : i32
    %dma_start3A_211 = tpu.memref_slice %arg6[%dma_start3A_209, %dma_start3A_210] : memref<10112x128xf32, #tpu.memory_space<vmem_shared>> -> memref<10112x128xf32, #tpu.memory_space<vmem_shared>>
    tpu.enqueue_indirect_dma source(%arg12 : memref<80x128xf32, #tpu.memory_space<vmem>>) target(%dma_start3A_211 : memref<10112x128xf32, #tpu.memory_space<vmem_shared>>) offsets(%dma_start3A_208 : memref<80xi32, #tpu.memory_space<vmem>>) semaphore(%arg16 : memref<!tpu.dma_semaphore, #tpu.memory_space<semaphore_mem>>) {add = true}
    %dma_wait3A_212 = arith.constant 0 : i32
    %dma_wait3A_213 = arith.constant 0 : i32
    %dma_wait3A_214 = arith.constant 0 : i32
    %dma_wait3A_215 = tpu.memref_slice %arg7[%dma_wait3A_212, %dma_wait3A_213, %dma_wait3A_214] : memref<1x2x80xi32, #tpu.memory_space<vmem>> -> memref<1x1x80xi32, #tpu.memory_space<vmem>>
    %dma_wait3A_216 = tpu.memref_squeeze %dma_wait3A_215 : memref<1x1x80xi32, #tpu.memory_space<vmem>> -> memref<80xi32, #tpu.memory_space<vmem>>
    %dma_wait3A_217 = arith.constant 0 : i32
    %dma_wait3A_218 = arith.constant 0 : i32
    %dma_wait3A_219 = tpu.memref_slice %arg2[%dma_wait3A_217, %dma_wait3A_218] : memref<20000x128xf32, #tpu.memory_space<hbm>> -> memref<20000x128xf32, #tpu.memory_space<hbm>>
    tpu.wait_indirect_dma semaphore(%arg13 : memref<!tpu.dma_semaphore, #tpu.memory_space<semaphore_mem>>) src(%dma_wait3A_219 : memref<20000x128xf32, #tpu.memory_space<hbm>>) dst(%arg11 : memref<80x128xf32, #tpu.memory_space<vmem>>)
    %dma_wait3A_220 = arith.constant 0 : i32
    %dma_wait3A_221 = arith.constant 1 : i32
    %dma_wait3A_222 = arith.constant 0 : i32
    %dma_wait3A_223 = tpu.memref_slice %arg10[%dma_wait3A_220, %dma_wait3A_221, %dma_wait3A_222] : memref<1x2x80xi32, #tpu.memory_space<vmem>> -> memref<1x1x80xi32, #tpu.memory_space<vmem>>
    %dma_wait3A_224 = tpu.memref_squeeze %dma_wait3A_223 : memref<1x1x80xi32, #tpu.memory_space<vmem>> -> memref<80xi32, #tpu.memory_space<vmem>>
    %dma_wait3A_225 = arith.constant 0 : i32
    %dma_wait3A_226 = arith.constant 0 : i32
    %dma_wait3A_227 = tpu.memref_slice %arg6[%dma_wait3A_225, %dma_wait3A_226] : memref<10112x128xf32, #tpu.memory_space<vmem_shared>> -> memref<10112x128xf32, #tpu.memory_space<vmem_shared>>
    tpu.wait_indirect_dma semaphore(%arg16 : memref<!tpu.dma_semaphore, #tpu.memory_space<semaphore_mem>>) src(%arg12 : memref<80x128xf32, #tpu.memory_space<vmem>>) dst(%dma_wait3A_227 : memref<10112x128xf32, #tpu.memory_space<vmem_shared>>)
    %dma_start3A_228 = arith.constant 0 : i32
    %dma_start3A_229 = arith.constant 1 : i32
    %dma_start3A_230 = arith.constant 0 : i32
    %dma_start3A_231 = tpu.memref_slice %arg7[%dma_start3A_228, %dma_start3A_229, %dma_start3A_230] : memref<1x2x80xi32, #tpu.memory_space<vmem>> -> memref<1x1x80xi32, #tpu.memory_space<vmem>>
    %dma_start3A_232 = tpu.memref_squeeze %dma_start3A_231 : memref<1x1x80xi32, #tpu.memory_space<vmem>> -> memref<80xi32, #tpu.memory_space<vmem>>
    %dma_start3A_233 = arith.constant 0 : i32
    %dma_start3A_234 = arith.constant 0 : i32
    %dma_start3A_235 = tpu.memref_slice %arg6[%dma_start3A_233, %dma_start3A_234] : memref<10112x128xf32, #tpu.memory_space<vmem_shared>> -> memref<10112x128xf32, #tpu.memory_space<vmem_shared>>
    tpu.enqueue_indirect_dma source(%arg11 : memref<80x128xf32, #tpu.memory_space<vmem>>) target(%dma_start3A_235 : memref<10112x128xf32, #tpu.memory_space<vmem_shared>>) offsets(%dma_start3A_232 : memref<80xi32, #tpu.memory_space<vmem>>) semaphore(%arg15 : memref<!tpu.dma_semaphore, #tpu.memory_space<semaphore_mem>>) {add = true}
    %dma_wait3A_236 = arith.constant 0 : i32
    %dma_wait3A_237 = arith.constant 1 : i32
    %dma_wait3A_238 = arith.constant 0 : i32
    %dma_wait3A_239 = tpu.memref_slice %arg7[%dma_wait3A_236, %dma_wait3A_237, %dma_wait3A_238] : memref<1x2x80xi32, #tpu.memory_space<vmem>> -> memref<1x1x80xi32, #tpu.memory_space<vmem>>
    %dma_wait3A_240 = tpu.memref_squeeze %dma_wait3A_239 : memref<1x1x80xi32, #tpu.memory_space<vmem>> -> memref<80xi32, #tpu.memory_space<vmem>>
    %dma_wait3A_241 = arith.constant 0 : i32
    %dma_wait3A_242 = arith.constant 0 : i32
    %dma_wait3A_243 = tpu.memref_slice %arg6[%dma_wait3A_241, %dma_wait3A_242] : memref<10112x128xf32, #tpu.memory_space<vmem_shared>> -> memref<10112x128xf32, #tpu.memory_space<vmem_shared>>
    tpu.wait_indirect_dma semaphore(%arg15 : memref<!tpu.dma_semaphore, #tpu.memory_space<semaphore_mem>>) src(%arg11 : memref<80x128xf32, #tpu.memory_space<vmem>>) dst(%dma_wait3A_243 : memref<10112x128xf32, #tpu.memory_space<vmem_shared>>)
    %barrier3A_244 = arith.constant 0 : index
    tpu.barrier barrier_id(%barrier3A_244)
    %mul3A_245 = arith.constant 632 : i32
    %mul3A_246 = arith.muli %arg1, %mul3A_245 : i32
    %mul3A_247 = arith.constant 10112 : i32
    %mul3A_248 = arith.muli %arg0, %mul3A_247 : i32
    %mul3A_249 = arith.constant 632 : i32
    %mul3A_250 = arith.muli %arg1, %mul3A_249 : i32
    %add3A = arith.addi %mul3A_248, %mul3A_250 : i32
    "tpu.region"() ({
      %run_scoped3A = tpu.sem_alloc : memref<!tpu.dma_semaphore, #tpu.memory_space<semaphore_mem>>
      %dma_start3A_251 = arith.constant 0 : i32
      %dma_start3A_252 = tpu.memref_slice %arg5[%add3A, %dma_start3A_251] : memref<20224x128xf32, #tpu.memory_space<hbm>> -> memref<632x128xf32, #tpu.memory_space<hbm>>
      %dma_start3A_253 = arith.constant 0 : i32
      %dma_start3A_254 = tpu.memref_slice %arg6[%mul3A_246, %dma_start3A_253] : memref<10112x128xf32, #tpu.memory_space<vmem_shared>> -> memref<632x128xf32, #tpu.memory_space<vmem_shared>>
      tpu.enqueue_dma source(%dma_start3A_254 : memref<632x128xf32, #tpu.memory_space<vmem_shared>>) target(%dma_start3A_252 : memref<632x128xf32, #tpu.memory_space<hbm>>) target_semaphore(%run_scoped3A : memref<!tpu.dma_semaphore, #tpu.memory_space<semaphore_mem>>)
      %dma_wait3A_255 = arith.constant 0 : i32
      %dma_wait3A_256 = tpu.memref_slice %arg5[%add3A, %dma_wait3A_255] : memref<20224x128xf32, #tpu.memory_space<hbm>> -> memref<632x128xf32, #tpu.memory_space<hbm>>
      %dma_wait3A_257 = arith.constant 0 : i32
      %dma_wait3A_258 = tpu.memref_slice %arg6[%mul3A_246, %dma_wait3A_257] : memref<10112x128xf32, #tpu.memory_space<vmem_shared>> -> memref<632x128xf32, #tpu.memory_space<vmem_shared>>
      tpu.wait_dma2 semaphore(%run_scoped3A : memref<!tpu.dma_semaphore, #tpu.memory_space<semaphore_mem>>) src(%dma_wait3A_258 : memref<632x128xf32, #tpu.memory_space<vmem_shared>>) dst(%dma_wait3A_256 : memref<632x128xf32, #tpu.memory_space<hbm>>)
      tpu.yield
    }) : () -> ()
    return
  }
}

#map = affine_map<(d0, d1) -> (0)>
#map1 = affine_map<(d0, d1) -> (0, 0)>
module attributes {stable_mosaic.version = 14 : i64} {
  func.func @_deg_body(%arg0: i32, %arg1: i32, %arg2: memref<160000xi32, #tpu.memory_space<hbm>>, %arg3: memref<2x10240xf32, #tpu.memory_space<hbm>>, %arg4: memref<16x10240xf32, #tpu.memory_space<vmem_shared>>, %arg5: memref<10240xf32, #tpu.memory_space<vmem>>, %arg6: memref<5016xi32, #tpu.memory_space<vmem>>, %arg7: memref<16x640xf32, #tpu.memory_space<vmem>>, %arg8: memref<640xf32, #tpu.memory_space<vmem>>) attributes {dimension_semantics = [#tpu.dimension_semantics<core_parallel>, #tpu.dimension_semantics<subcore_parallel>], iteration_bounds = array<i64: 2, 16>, scalar_prefetch = 0 : i64, scratch_operands = 5 : i64, tpu.core_type = #tpu.core_type<sc_vector_subcore>, window_params = [{transform_indices = #map}, {transform_indices = #map1}]} {
    %mul3A = arith.constant 16 : i32
    %mul3A_0 = arith.muli %arg0, %mul3A : i32
    %add3A = arith.addi %mul3A_0, %arg1 : i32
    %scan3A = arith.constant 0 : i32
    %scan3A_1 = arith.constant 0 : i32
    %scan3A_2 = arith.constant 640 : i32
    %scan3A_3 = arith.addi %scan3A_1, %scan3A_2 : i32
    %scan3A_4 = arith.constant 1 : i32
    scf.for %scan3A_91 = %scan3A_1 to %scan3A_3 step %scan3A_4  : i32 {
      %broadcast_in_dim3A_92 = arith.constant 0.000000e+00 : f32
      %broadcast_in_dim3A_93 = vector.broadcast %broadcast_in_dim3A_92 : f32 to vector<16xf32>
      %mul3A_94 = arith.constant 16 : i32
      %mul3A_95 = arith.muli %scan3A_91, %mul3A_94 : i32
      %swap3A_96 = arith.index_cast %mul3A_95 : i32 to index
      %swap3A_97 = tpu.vector_load %arg5[%swap3A_96] {strides = array<i32>} : memref<10240xf32, #tpu.memory_space<vmem>>, vector<16xf32>,
      tpu.vector_store %arg5[%swap3A_96], %broadcast_in_dim3A_93 {strides = array<i32>} : memref<10240xf32, #tpu.memory_space<vmem>>, vector<16xf32>,
    }
    %scan3A_5 = arith.constant 640 : i32
    %mul3A_6 = arith.constant 5000 : i32
    %mul3A_7 = arith.muli %add3A, %mul3A_6 : i32
    "tpu.region"() ({
      %run_scoped3A_91 = tpu.sem_alloc : memref<!tpu.dma_semaphore, #tpu.memory_space<semaphore_mem>>
      %dma_start3A = arith.constant 0 : i32
      %dma_start3A_92 = tpu.memref_slice %arg6[%dma_start3A] : memref<5016xi32, #tpu.memory_space<vmem>> -> memref<5000xi32, #tpu.memory_space<vmem>>
      %dma_start3A_93 = tpu.memref_slice %arg2[%mul3A_7] : memref<160000xi32, #tpu.memory_space<hbm>> -> memref<5000xi32, #tpu.memory_space<hbm>>
      %dma_start3A_94 = arith.constant 0 : i32
      %dma_start3A_95 = tpu.memref_slice %arg6[%dma_start3A_94] : memref<5016xi32, #tpu.memory_space<vmem>> -> memref<5000xi32, #tpu.memory_space<vmem>>
      %dma_start3A_96 = tpu.memref_slice %arg2[%mul3A_7] : memref<160000xi32, #tpu.memory_space<hbm>> -> memref<5000xi32, #tpu.memory_space<hbm>>
      tpu.enqueue_dma source(%dma_start3A_96 : memref<5000xi32, #tpu.memory_space<hbm>>) target(%dma_start3A_95 : memref<5000xi32, #tpu.memory_space<vmem>>) target_semaphore(%run_scoped3A_91 : memref<!tpu.dma_semaphore, #tpu.memory_space<semaphore_mem>>)
      %dma_wait3A = arith.constant 0 : i32
      %dma_wait3A_97 = tpu.memref_slice %arg6[%dma_wait3A] : memref<5016xi32, #tpu.memory_space<vmem>> -> memref<5000xi32, #tpu.memory_space<vmem>>
      %dma_wait3A_98 = tpu.memref_slice %arg2[%mul3A_7] : memref<160000xi32, #tpu.memory_space<hbm>> -> memref<5000xi32, #tpu.memory_space<hbm>>
      %dma_wait3A_99 = arith.constant 0 : i32
      %dma_wait3A_100 = tpu.memref_slice %arg6[%dma_wait3A_99] : memref<5016xi32, #tpu.memory_space<vmem>> -> memref<5000xi32, #tpu.memory_space<vmem>>
      %dma_wait3A_101 = tpu.memref_slice %arg2[%mul3A_7] : memref<160000xi32, #tpu.memory_space<hbm>> -> memref<5000xi32, #tpu.memory_space<hbm>>
      tpu.wait_dma2 semaphore(%run_scoped3A_91 : memref<!tpu.dma_semaphore, #tpu.memory_space<semaphore_mem>>) src(%dma_wait3A_101 : memref<5000xi32, #tpu.memory_space<hbm>>) dst(%dma_wait3A_100 : memref<5000xi32, #tpu.memory_space<vmem>>)
      tpu.yield
    }) : () -> ()
    %iota3A = tpu.iota {dimensions = array<i32: 0>} : vector<16xi32>
    %get3A = arith.constant 4992 : index
    %get3A_8 = tpu.vector_load %arg6[%get3A] {strides = array<i32>} : memref<5016xi32, #tpu.memory_space<vmem>>, vector<16xi32>,
    %lt3A = arith.constant 8 : i32
    %lt3A_9 = vector.broadcast %lt3A : i32 to vector<16xi32>
    %lt3A_10 = arith.cmpi slt, %iota3A, %lt3A_9 : vector<16xi32>
    %jit3A = arith.constant 10000 : i32
    %broadcast_in_dim3A = vector.broadcast %jit3A : i32 to vector<16xi32>
    %select_n3A = arith.select %lt3A_10, %get3A_8, %broadcast_in_dim3A : vector<16xi1>, vector<16xi32>
    %swap3A = arith.constant 4992 : index
    %swap3A_11 = tpu.vector_load %arg6[%swap3A] {strides = array<i32>} : memref<5016xi32, #tpu.memory_space<vmem>>, vector<16xi32>,
    tpu.vector_store %arg6[%swap3A], %select_n3A {strides = array<i32>} : memref<5016xi32, #tpu.memory_space<vmem>>, vector<16xi32>,
    %broadcast_in_dim3A_12 = arith.constant 1.000000e+00 : f32
    %broadcast_in_dim3A_13 = vector.broadcast %broadcast_in_dim3A_12 : f32 to vector<16xf32>
    %scan3A_14 = arith.constant 0 : i32
    %scan3A_15 = arith.constant 0 : i32
    %scan3A_16 = arith.constant 313 : i32
    %scan3A_17 = arith.addi %scan3A_15, %scan3A_16 : i32
    %scan3A_18 = arith.constant 1 : i32
    scf.for %scan3A_91 = %scan3A_15 to %scan3A_17 step %scan3A_18  : i32 {
      %mul3A_92 = arith.constant 16 : i32
      %mul3A_93 = arith.muli %scan3A_91, %mul3A_92 : i32
      %get3A_94 = arith.index_cast %mul3A_93 : i32 to index
      %get3A_95 = tpu.vector_load %arg6[%get3A_94] {strides = array<i32>} : memref<5016xi32, #tpu.memory_space<vmem>>, vector<16xi32>,
      tpu.vector_store_idx %arg5[%get3A_95], %broadcast_in_dim3A_13 {add = true} : memref<10240xf32, #tpu.memory_space<vmem>>[vector<16xi32>], vector<16xf32>,
    }
    %scan3A_19 = arith.constant 313 : i32
    "tpu.region"() ({
      %run_scoped3A_91 = tpu.sem_alloc : memref<!tpu.dma_semaphore, #tpu.memory_space<semaphore_mem>>
      %dma_start3A = arith.constant 0 : i32
      %dma_start3A_92 = tpu.memref_slice %arg4[%arg1, %dma_start3A] : memref<16x10240xf32, #tpu.memory_space<vmem_shared>> -> memref<1x10240xf32, #tpu.memory_space<vmem_shared>>
      %dma_start3A_93 = tpu.memref_squeeze %dma_start3A_92 : memref<1x10240xf32, #tpu.memory_space<vmem_shared>> -> memref<10240xf32, #tpu.memory_space<vmem_shared>>
      %dma_start3A_94 = arith.constant 0 : i32
      %dma_start3A_95 = tpu.memref_slice %arg4[%arg1, %dma_start3A_94] : memref<16x10240xf32, #tpu.memory_space<vmem_shared>> -> memref<1x10240xf32, #tpu.memory_space<vmem_shared>>
      %dma_start3A_96 = tpu.memref_squeeze %dma_start3A_95 : memref<1x10240xf32, #tpu.memory_space<vmem_shared>> -> memref<10240xf32, #tpu.memory_space<vmem_shared>>
      tpu.enqueue_dma source(%arg5 : memref<10240xf32, #tpu.memory_space<vmem>>) target(%dma_start3A_96 : memref<10240xf32, #tpu.memory_space<vmem_shared>>) target_semaphore(%run_scoped3A_91 : memref<!tpu.dma_semaphore, #tpu.memory_space<semaphore_mem>>)
      %dma_wait3A = arith.constant 0 : i32
      %dma_wait3A_97 = tpu.memref_slice %arg4[%arg1, %dma_wait3A] : memref<16x10240xf32, #tpu.memory_space<vmem_shared>> -> memref<1x10240xf32, #tpu.memory_space<vmem_shared>>
      %dma_wait3A_98 = tpu.memref_squeeze %dma_wait3A_97 : memref<1x10240xf32, #tpu.memory_space<vmem_shared>> -> memref<10240xf32, #tpu.memory_space<vmem_shared>>
      %dma_wait3A_99 = arith.constant 0 : i32
      %dma_wait3A_100 = tpu.memref_slice %arg4[%arg1, %dma_wait3A_99] : memref<16x10240xf32, #tpu.memory_space<vmem_shared>> -> memref<1x10240xf32, #tpu.memory_space<vmem_shared>>
      %dma_wait3A_101 = tpu.memref_squeeze %dma_wait3A_100 : memref<1x10240xf32, #tpu.memory_space<vmem_shared>> -> memref<10240xf32, #tpu.memory_space<vmem_shared>>
      tpu.wait_dma2 semaphore(%run_scoped3A_91 : memref<!tpu.dma_semaphore, #tpu.memory_space<semaphore_mem>>) src(%arg5 : memref<10240xf32, #tpu.memory_space<vmem>>) dst(%dma_wait3A_101 : memref<10240xf32, #tpu.memory_space<vmem_shared>>)
      tpu.yield
    }) : () -> ()
    %barrier3A = arith.constant 0 : index
    tpu.barrier barrier_id(%barrier3A)
    %mul3A_20 = arith.constant 640 : i32
    %mul3A_21 = arith.muli %arg1, %mul3A_20 : i32
    %run_scoped3A = arith.constant 0 : i32
    %run_scoped3A_22 = arith.constant 0 : i32
    "tpu.region"() ({
      %run_scoped3A_91 = tpu.sem_alloc : memref<!tpu.dma_semaphore, #tpu.memory_space<semaphore_mem>>
      %dma_start3A = arith.constant 0 : i32
      %dma_start3A_92 = tpu.memref_slice %arg7[%run_scoped3A_22, %dma_start3A] : memref<16x640xf32, #tpu.memory_space<vmem>> -> memref<1x640xf32, #tpu.memory_space<vmem>>
      %dma_start3A_93 = tpu.memref_squeeze %dma_start3A_92 : memref<1x640xf32, #tpu.memory_space<vmem>> -> memref<640xf32, #tpu.memory_space<vmem>>
      %dma_start3A_94 = tpu.memref_slice %arg4[%run_scoped3A, %mul3A_21] : memref<16x10240xf32, #tpu.memory_space<vmem_shared>> -> memref<1x640xf32, #tpu.memory_space<vmem_shared>>
      %dma_start3A_95 = tpu.memref_squeeze %dma_start3A_94 : memref<1x640xf32, #tpu.memory_space<vmem_shared>> -> memref<640xf32, #tpu.memory_space<vmem_shared>>
      %dma_start3A_96 = arith.constant 0 : i32
      %dma_start3A_97 = tpu.memref_slice %arg7[%run_scoped3A_22, %dma_start3A_96] : memref<16x640xf32, #tpu.memory_space<vmem>> -> memref<1x640xf32, #tpu.memory_space<vmem>>
      %dma_start3A_98 = tpu.memref_squeeze %dma_start3A_97 : memref<1x640xf32, #tpu.memory_space<vmem>> -> memref<640xf32, #tpu.memory_space<vmem>>
      %dma_start3A_99 = tpu.memref_slice %arg4[%run_scoped3A, %mul3A_21] : memref<16x10240xf32, #tpu.memory_space<vmem_shared>> -> memref<1x640xf32, #tpu.memory_space<vmem_shared>>
      %dma_start3A_100 = tpu.memref_squeeze %dma_start3A_99 : memref<1x640xf32, #tpu.memory_space<vmem_shared>> -> memref<640xf32, #tpu.memory_space<vmem_shared>>
      tpu.enqueue_dma source(%dma_start3A_100 : memref<640xf32, #tpu.memory_space<vmem_shared>>) target(%dma_start3A_98 : memref<640xf32, #tpu.memory_space<vmem>>) target_semaphore(%run_scoped3A_91 : memref<!tpu.dma_semaphore, #tpu.memory_space<semaphore_mem>>)
      %dma_wait3A = arith.constant 0 : i32
      %dma_wait3A_101 = tpu.memref_slice %arg7[%run_scoped3A_22, %dma_wait3A] : memref<16x640xf32, #tpu.memory_space<vmem>> -> memref<1x640xf32, #tpu.memory_space<vmem>>
      %dma_wait3A_102 = tpu.memref_squeeze %dma_wait3A_101 : memref<1x640xf32, #tpu.memory_space<vmem>> -> memref<640xf32, #tpu.memory_space<vmem>>
      %dma_wait3A_103 = tpu.memref_slice %arg4[%run_scoped3A, %mul3A_21] : memref<16x10240xf32, #tpu.memory_space<vmem_shared>> -> memref<1x640xf32, #tpu.memory_space<vmem_shared>>
      %dma_wait3A_104 = tpu.memref_squeeze %dma_wait3A_103 : memref<1x640xf32, #tpu.memory_space<vmem_shared>> -> memref<640xf32, #tpu.memory_space<vmem_shared>>
      %dma_wait3A_105 = arith.constant 0 : i32
      %dma_wait3A_106 = tpu.memref_slice %arg7[%run_scoped3A_22, %dma_wait3A_105] : memref<16x640xf32, #tpu.memory_space<vmem>> -> memref<1x640xf32, #tpu.memory_space<vmem>>
      %dma_wait3A_107 = tpu.memref_squeeze %dma_wait3A_106 : memref<1x640xf32, #tpu.memory_space<vmem>> -> memref<640xf32, #tpu.memory_space<vmem>>
      %dma_wait3A_108 = tpu.memref_slice %arg4[%run_scoped3A, %mul3A_21] : memref<16x10240xf32, #tpu.memory_space<vmem_shared>> -> memref<1x640xf32, #tpu.memory_space<vmem_shared>>
      %dma_wait3A_109 = tpu.memref_squeeze %dma_wait3A_108 : memref<1x640xf32, #tpu.memory_space<vmem_shared>> -> memref<640xf32, #tpu.memory_space<vmem_shared>>
      tpu.wait_dma2 semaphore(%run_scoped3A_91 : memref<!tpu.dma_semaphore, #tpu.memory_space<semaphore_mem>>) src(%dma_wait3A_109 : memref<640xf32, #tpu.memory_space<vmem_shared>>) dst(%dma_wait3A_107 : memref<640xf32, #tpu.memory_space<vmem>>)
      tpu.yield
    }) : () -> ()
    %mul3A_23 = arith.constant 640 : i32
    %mul3A_24 = arith.muli %arg1, %mul3A_23 : i32
    %run_scoped3A_25 = arith.constant 1 : i32
    %run_scoped3A_26 = arith.constant 1 : i32
    "tpu.region"() ({
      %run_scoped3A_91 = tpu.sem_alloc : memref<!tpu.dma_semaphore, #tpu.memory_space<semaphore_mem>>
      %dma_start3A = arith.constant 0 : i32
      %dma_start3A_92 = tpu.memref_slice %arg7[%run_scoped3A_26, %dma_start3A] : memref<16x640xf32, #tpu.memory_space<vmem>> -> memref<1x640xf32, #tpu.memory_space<vmem>>
      %dma_start3A_93 = tpu.memref_squeeze %dma_start3A_92 : memref<1x640xf32, #tpu.memory_space<vmem>> -> memref<640xf32, #tpu.memory_space<vmem>>
      %dma_start3A_94 = tpu.memref_slice %arg4[%run_scoped3A_25, %mul3A_24] : memref<16x10240xf32, #tpu.memory_space<vmem_shared>> -> memref<1x640xf32, #tpu.memory_space<vmem_shared>>
      %dma_start3A_95 = tpu.memref_squeeze %dma_start3A_94 : memref<1x640xf32, #tpu.memory_space<vmem_shared>> -> memref<640xf32, #tpu.memory_space<vmem_shared>>
      %dma_start3A_96 = arith.constant 0 : i32
      %dma_start3A_97 = tpu.memref_slice %arg7[%run_scoped3A_26, %dma_start3A_96] : memref<16x640xf32, #tpu.memory_space<vmem>> -> memref<1x640xf32, #tpu.memory_space<vmem>>
      %dma_start3A_98 = tpu.memref_squeeze %dma_start3A_97 : memref<1x640xf32, #tpu.memory_space<vmem>> -> memref<640xf32, #tpu.memory_space<vmem>>
      %dma_start3A_99 = tpu.memref_slice %arg4[%run_scoped3A_25, %mul3A_24] : memref<16x10240xf32, #tpu.memory_space<vmem_shared>> -> memref<1x640xf32, #tpu.memory_space<vmem_shared>>
      %dma_start3A_100 = tpu.memref_squeeze %dma_start3A_99 : memref<1x640xf32, #tpu.memory_space<vmem_shared>> -> memref<640xf32, #tpu.memory_space<vmem_shared>>
      tpu.enqueue_dma source(%dma_start3A_100 : memref<640xf32, #tpu.memory_space<vmem_shared>>) target(%dma_start3A_98 : memref<640xf32, #tpu.memory_space<vmem>>) target_semaphore(%run_scoped3A_91 : memref<!tpu.dma_semaphore, #tpu.memory_space<semaphore_mem>>)
      %dma_wait3A = arith.constant 0 : i32
      %dma_wait3A_101 = tpu.memref_slice %arg7[%run_scoped3A_26, %dma_wait3A] : memref<16x640xf32, #tpu.memory_space<vmem>> -> memref<1x640xf32, #tpu.memory_space<vmem>>
      %dma_wait3A_102 = tpu.memref_squeeze %dma_wait3A_101 : memref<1x640xf32, #tpu.memory_space<vmem>> -> memref<640xf32, #tpu.memory_space<vmem>>
      %dma_wait3A_103 = tpu.memref_slice %arg4[%run_scoped3A_25, %mul3A_24] : memref<16x10240xf32, #tpu.memory_space<vmem_shared>> -> memref<1x640xf32, #tpu.memory_space<vmem_shared>>
      %dma_wait3A_104 = tpu.memref_squeeze %dma_wait3A_103 : memref<1x640xf32, #tpu.memory_space<vmem_shared>> -> memref<640xf32, #tpu.memory_space<vmem_shared>>
      %dma_wait3A_105 = arith.constant 0 : i32
      %dma_wait3A_106 = tpu.memref_slice %arg7[%run_scoped3A_26, %dma_wait3A_105] : memref<16x640xf32, #tpu.memory_space<vmem>> -> memref<1x640xf32, #tpu.memory_space<vmem>>
      %dma_wait3A_107 = tpu.memref_squeeze %dma_wait3A_106 : memref<1x640xf32, #tpu.memory_space<vmem>> -> memref<640xf32, #tpu.memory_space<vmem>>
      %dma_wait3A_108 = tpu.memref_slice %arg4[%run_scoped3A_25, %mul3A_24] : memref<16x10240xf32, #tpu.memory_space<vmem_shared>> -> memref<1x640xf32, #tpu.memory_space<vmem_shared>>
      %dma_wait3A_109 = tpu.memref_squeeze %dma_wait3A_108 : memref<1x640xf32, #tpu.memory_space<vmem_shared>> -> memref<640xf32, #tpu.memory_space<vmem_shared>>
      tpu.wait_dma2 semaphore(%run_scoped3A_91 : memref<!tpu.dma_semaphore, #tpu.memory_space<semaphore_mem>>) src(%dma_wait3A_109 : memref<640xf32, #tpu.memory_space<vmem_shared>>) dst(%dma_wait3A_107 : memref<640xf32, #tpu.memory_space<vmem>>)
      tpu.yield
    }) : () -> ()
    %mul3A_27 = arith.constant 640 : i32
    %mul3A_28 = arith.muli %arg1, %mul3A_27 : i32
    %run_scoped3A_29 = arith.constant 2 : i32
    %run_scoped3A_30 = arith.constant 2 : i32
    "tpu.region"() ({
      %run_scoped3A_91 = tpu.sem_alloc : memref<!tpu.dma_semaphore, #tpu.memory_space<semaphore_mem>>
      %dma_start3A = arith.constant 0 : i32
      %dma_start3A_92 = tpu.memref_slice %arg7[%run_scoped3A_30, %dma_start3A] : memref<16x640xf32, #tpu.memory_space<vmem>> -> memref<1x640xf32, #tpu.memory_space<vmem>>
      %dma_start3A_93 = tpu.memref_squeeze %dma_start3A_92 : memref<1x640xf32, #tpu.memory_space<vmem>> -> memref<640xf32, #tpu.memory_space<vmem>>
      %dma_start3A_94 = tpu.memref_slice %arg4[%run_scoped3A_29, %mul3A_28] : memref<16x10240xf32, #tpu.memory_space<vmem_shared>> -> memref<1x640xf32, #tpu.memory_space<vmem_shared>>
      %dma_start3A_95 = tpu.memref_squeeze %dma_start3A_94 : memref<1x640xf32, #tpu.memory_space<vmem_shared>> -> memref<640xf32, #tpu.memory_space<vmem_shared>>
      %dma_start3A_96 = arith.constant 0 : i32
      %dma_start3A_97 = tpu.memref_slice %arg7[%run_scoped3A_30, %dma_start3A_96] : memref<16x640xf32, #tpu.memory_space<vmem>> -> memref<1x640xf32, #tpu.memory_space<vmem>>
      %dma_start3A_98 = tpu.memref_squeeze %dma_start3A_97 : memref<1x640xf32, #tpu.memory_space<vmem>> -> memref<640xf32, #tpu.memory_space<vmem>>
      %dma_start3A_99 = tpu.memref_slice %arg4[%run_scoped3A_29, %mul3A_28] : memref<16x10240xf32, #tpu.memory_space<vmem_shared>> -> memref<1x640xf32, #tpu.memory_space<vmem_shared>>
      %dma_start3A_100 = tpu.memref_squeeze %dma_start3A_99 : memref<1x640xf32, #tpu.memory_space<vmem_shared>> -> memref<640xf32, #tpu.memory_space<vmem_shared>>
      tpu.enqueue_dma source(%dma_start3A_100 : memref<640xf32, #tpu.memory_space<vmem_shared>>) target(%dma_start3A_98 : memref<640xf32, #tpu.memory_space<vmem>>) target_semaphore(%run_scoped3A_91 : memref<!tpu.dma_semaphore, #tpu.memory_space<semaphore_mem>>)
      %dma_wait3A = arith.constant 0 : i32
      %dma_wait3A_101 = tpu.memref_slice %arg7[%run_scoped3A_30, %dma_wait3A] : memref<16x640xf32, #tpu.memory_space<vmem>> -> memref<1x640xf32, #tpu.memory_space<vmem>>
      %dma_wait3A_102 = tpu.memref_squeeze %dma_wait3A_101 : memref<1x640xf32, #tpu.memory_space<vmem>> -> memref<640xf32, #tpu.memory_space<vmem>>
      %dma_wait3A_103 = tpu.memref_slice %arg4[%run_scoped3A_29, %mul3A_28] : memref<16x10240xf32, #tpu.memory_space<vmem_shared>> -> memref<1x640xf32, #tpu.memory_space<vmem_shared>>
      %dma_wait3A_104 = tpu.memref_squeeze %dma_wait3A_103 : memref<1x640xf32, #tpu.memory_space<vmem_shared>> -> memref<640xf32, #tpu.memory_space<vmem_shared>>
      %dma_wait3A_105 = arith.constant 0 : i32
      %dma_wait3A_106 = tpu.memref_slice %arg7[%run_scoped3A_30, %dma_wait3A_105] : memref<16x640xf32, #tpu.memory_space<vmem>> -> memref<1x640xf32, #tpu.memory_space<vmem>>
      %dma_wait3A_107 = tpu.memref_squeeze %dma_wait3A_106 : memref<1x640xf32, #tpu.memory_space<vmem>> -> memref<640xf32, #tpu.memory_space<vmem>>
      %dma_wait3A_108 = tpu.memref_slice %arg4[%run_scoped3A_29, %mul3A_28] : memref<16x10240xf32, #tpu.memory_space<vmem_shared>> -> memref<1x640xf32, #tpu.memory_space<vmem_shared>>
      %dma_wait3A_109 = tpu.memref_squeeze %dma_wait3A_108 : memref<1x640xf32, #tpu.memory_space<vmem_shared>> -> memref<640xf32, #tpu.memory_space<vmem_shared>>
      tpu.wait_dma2 semaphore(%run_scoped3A_91 : memref<!tpu.dma_semaphore, #tpu.memory_space<semaphore_mem>>) src(%dma_wait3A_109 : memref<640xf32, #tpu.memory_space<vmem_shared>>) dst(%dma_wait3A_107 : memref<640xf32, #tpu.memory_space<vmem>>)
      tpu.yield
    }) : () -> ()
    %mul3A_31 = arith.constant 640 : i32
    %mul3A_32 = arith.muli %arg1, %mul3A_31 : i32
    %run_scoped3A_33 = arith.constant 3 : i32
    %run_scoped3A_34 = arith.constant 3 : i32
    "tpu.region"() ({
      %run_scoped3A_91 = tpu.sem_alloc : memref<!tpu.dma_semaphore, #tpu.memory_space<semaphore_mem>>
      %dma_start3A = arith.constant 0 : i32
      %dma_start3A_92 = tpu.memref_slice %arg7[%run_scoped3A_34, %dma_start3A] : memref<16x640xf32, #tpu.memory_space<vmem>> -> memref<1x640xf32, #tpu.memory_space<vmem>>
      %dma_start3A_93 = tpu.memref_squeeze %dma_start3A_92 : memref<1x640xf32, #tpu.memory_space<vmem>> -> memref<640xf32, #tpu.memory_space<vmem>>
      %dma_start3A_94 = tpu.memref_slice %arg4[%run_scoped3A_33, %mul3A_32] : memref<16x10240xf32, #tpu.memory_space<vmem_shared>> -> memref<1x640xf32, #tpu.memory_space<vmem_shared>>
      %dma_start3A_95 = tpu.memref_squeeze %dma_start3A_94 : memref<1x640xf32, #tpu.memory_space<vmem_shared>> -> memref<640xf32, #tpu.memory_space<vmem_shared>>
      %dma_start3A_96 = arith.constant 0 : i32
      %dma_start3A_97 = tpu.memref_slice %arg7[%run_scoped3A_34, %dma_start3A_96] : memref<16x640xf32, #tpu.memory_space<vmem>> -> memref<1x640xf32, #tpu.memory_space<vmem>>
      %dma_start3A_98 = tpu.memref_squeeze %dma_start3A_97 : memref<1x640xf32, #tpu.memory_space<vmem>> -> memref<640xf32, #tpu.memory_space<vmem>>
      %dma_start3A_99 = tpu.memref_slice %arg4[%run_scoped3A_33, %mul3A_32] : memref<16x10240xf32, #tpu.memory_space<vmem_shared>> -> memref<1x640xf32, #tpu.memory_space<vmem_shared>>
      %dma_start3A_100 = tpu.memref_squeeze %dma_start3A_99 : memref<1x640xf32, #tpu.memory_space<vmem_shared>> -> memref<640xf32, #tpu.memory_space<vmem_shared>>
      tpu.enqueue_dma source(%dma_start3A_100 : memref<640xf32, #tpu.memory_space<vmem_shared>>) target(%dma_start3A_98 : memref<640xf32, #tpu.memory_space<vmem>>) target_semaphore(%run_scoped3A_91 : memref<!tpu.dma_semaphore, #tpu.memory_space<semaphore_mem>>)
      %dma_wait3A = arith.constant 0 : i32
      %dma_wait3A_101 = tpu.memref_slice %arg7[%run_scoped3A_34, %dma_wait3A] : memref<16x640xf32, #tpu.memory_space<vmem>> -> memref<1x640xf32, #tpu.memory_space<vmem>>
      %dma_wait3A_102 = tpu.memref_squeeze %dma_wait3A_101 : memref<1x640xf32, #tpu.memory_space<vmem>> -> memref<640xf32, #tpu.memory_space<vmem>>
      %dma_wait3A_103 = tpu.memref_slice %arg4[%run_scoped3A_33, %mul3A_32] : memref<16x10240xf32, #tpu.memory_space<vmem_shared>> -> memref<1x640xf32, #tpu.memory_space<vmem_shared>>
      %dma_wait3A_104 = tpu.memref_squeeze %dma_wait3A_103 : memref<1x640xf32, #tpu.memory_space<vmem_shared>> -> memref<640xf32, #tpu.memory_space<vmem_shared>>
      %dma_wait3A_105 = arith.constant 0 : i32
      %dma_wait3A_106 = tpu.memref_slice %arg7[%run_scoped3A_34, %dma_wait3A_105] : memref<16x640xf32, #tpu.memory_space<vmem>> -> memref<1x640xf32, #tpu.memory_space<vmem>>
      %dma_wait3A_107 = tpu.memref_squeeze %dma_wait3A_106 : memref<1x640xf32, #tpu.memory_space<vmem>> -> memref<640xf32, #tpu.memory_space<vmem>>
      %dma_wait3A_108 = tpu.memref_slice %arg4[%run_scoped3A_33, %mul3A_32] : memref<16x10240xf32, #tpu.memory_space<vmem_shared>> -> memref<1x640xf32, #tpu.memory_space<vmem_shared>>
      %dma_wait3A_109 = tpu.memref_squeeze %dma_wait3A_108 : memref<1x640xf32, #tpu.memory_space<vmem_shared>> -> memref<640xf32, #tpu.memory_space<vmem_shared>>
      tpu.wait_dma2 semaphore(%run_scoped3A_91 : memref<!tpu.dma_semaphore, #tpu.memory_space<semaphore_mem>>) src(%dma_wait3A_109 : memref<640xf32, #tpu.memory_space<vmem_shared>>) dst(%dma_wait3A_107 : memref<640xf32, #tpu.memory_space<vmem>>)
      tpu.yield
    }) : () -> ()
    %mul3A_35 = arith.constant 640 : i32
    %mul3A_36 = arith.muli %arg1, %mul3A_35 : i32
    %run_scoped3A_37 = arith.constant 4 : i32
    %run_scoped3A_38 = arith.constant 4 : i32
    "tpu.region"() ({
      %run_scoped3A_91 = tpu.sem_alloc : memref<!tpu.dma_semaphore, #tpu.memory_space<semaphore_mem>>
      %dma_start3A = arith.constant 0 : i32
      %dma_start3A_92 = tpu.memref_slice %arg7[%run_scoped3A_38, %dma_start3A] : memref<16x640xf32, #tpu.memory_space<vmem>> -> memref<1x640xf32, #tpu.memory_space<vmem>>
      %dma_start3A_93 = tpu.memref_squeeze %dma_start3A_92 : memref<1x640xf32, #tpu.memory_space<vmem>> -> memref<640xf32, #tpu.memory_space<vmem>>
      %dma_start3A_94 = tpu.memref_slice %arg4[%run_scoped3A_37, %mul3A_36] : memref<16x10240xf32, #tpu.memory_space<vmem_shared>> -> memref<1x640xf32, #tpu.memory_space<vmem_shared>>
      %dma_start3A_95 = tpu.memref_squeeze %dma_start3A_94 : memref<1x640xf32, #tpu.memory_space<vmem_shared>> -> memref<640xf32, #tpu.memory_space<vmem_shared>>
      %dma_start3A_96 = arith.constant 0 : i32
      %dma_start3A_97 = tpu.memref_slice %arg7[%run_scoped3A_38, %dma_start3A_96] : memref<16x640xf32, #tpu.memory_space<vmem>> -> memref<1x640xf32, #tpu.memory_space<vmem>>
      %dma_start3A_98 = tpu.memref_squeeze %dma_start3A_97 : memref<1x640xf32, #tpu.memory_space<vmem>> -> memref<640xf32, #tpu.memory_space<vmem>>
      %dma_start3A_99 = tpu.memref_slice %arg4[%run_scoped3A_37, %mul3A_36] : memref<16x10240xf32, #tpu.memory_space<vmem_shared>> -> memref<1x640xf32, #tpu.memory_space<vmem_shared>>
      %dma_start3A_100 = tpu.memref_squeeze %dma_start3A_99 : memref<1x640xf32, #tpu.memory_space<vmem_shared>> -> memref<640xf32, #tpu.memory_space<vmem_shared>>
      tpu.enqueue_dma source(%dma_start3A_100 : memref<640xf32, #tpu.memory_space<vmem_shared>>) target(%dma_start3A_98 : memref<640xf32, #tpu.memory_space<vmem>>) target_semaphore(%run_scoped3A_91 : memref<!tpu.dma_semaphore, #tpu.memory_space<semaphore_mem>>)
      %dma_wait3A = arith.constant 0 : i32
      %dma_wait3A_101 = tpu.memref_slice %arg7[%run_scoped3A_38, %dma_wait3A] : memref<16x640xf32, #tpu.memory_space<vmem>> -> memref<1x640xf32, #tpu.memory_space<vmem>>
      %dma_wait3A_102 = tpu.memref_squeeze %dma_wait3A_101 : memref<1x640xf32, #tpu.memory_space<vmem>> -> memref<640xf32, #tpu.memory_space<vmem>>
      %dma_wait3A_103 = tpu.memref_slice %arg4[%run_scoped3A_37, %mul3A_36] : memref<16x10240xf32, #tpu.memory_space<vmem_shared>> -> memref<1x640xf32, #tpu.memory_space<vmem_shared>>
      %dma_wait3A_104 = tpu.memref_squeeze %dma_wait3A_103 : memref<1x640xf32, #tpu.memory_space<vmem_shared>> -> memref<640xf32, #tpu.memory_space<vmem_shared>>
      %dma_wait3A_105 = arith.constant 0 : i32
      %dma_wait3A_106 = tpu.memref_slice %arg7[%run_scoped3A_38, %dma_wait3A_105] : memref<16x640xf32, #tpu.memory_space<vmem>> -> memref<1x640xf32, #tpu.memory_space<vmem>>
      %dma_wait3A_107 = tpu.memref_squeeze %dma_wait3A_106 : memref<1x640xf32, #tpu.memory_space<vmem>> -> memref<640xf32, #tpu.memory_space<vmem>>
      %dma_wait3A_108 = tpu.memref_slice %arg4[%run_scoped3A_37, %mul3A_36] : memref<16x10240xf32, #tpu.memory_space<vmem_shared>> -> memref<1x640xf32, #tpu.memory_space<vmem_shared>>
      %dma_wait3A_109 = tpu.memref_squeeze %dma_wait3A_108 : memref<1x640xf32, #tpu.memory_space<vmem_shared>> -> memref<640xf32, #tpu.memory_space<vmem_shared>>
      tpu.wait_dma2 semaphore(%run_scoped3A_91 : memref<!tpu.dma_semaphore, #tpu.memory_space<semaphore_mem>>) src(%dma_wait3A_109 : memref<640xf32, #tpu.memory_space<vmem_shared>>) dst(%dma_wait3A_107 : memref<640xf32, #tpu.memory_space<vmem>>)
      tpu.yield
    }) : () -> ()
    %mul3A_39 = arith.constant 640 : i32
    %mul3A_40 = arith.muli %arg1, %mul3A_39 : i32
    %run_scoped3A_41 = arith.constant 5 : i32
    %run_scoped3A_42 = arith.constant 5 : i32
    "tpu.region"() ({
      %run_scoped3A_91 = tpu.sem_alloc : memref<!tpu.dma_semaphore, #tpu.memory_space<semaphore_mem>>
      %dma_start3A = arith.constant 0 : i32
      %dma_start3A_92 = tpu.memref_slice %arg7[%run_scoped3A_42, %dma_start3A] : memref<16x640xf32, #tpu.memory_space<vmem>> -> memref<1x640xf32, #tpu.memory_space<vmem>>
      %dma_start3A_93 = tpu.memref_squeeze %dma_start3A_92 : memref<1x640xf32, #tpu.memory_space<vmem>> -> memref<640xf32, #tpu.memory_space<vmem>>
      %dma_start3A_94 = tpu.memref_slice %arg4[%run_scoped3A_41, %mul3A_40] : memref<16x10240xf32, #tpu.memory_space<vmem_shared>> -> memref<1x640xf32, #tpu.memory_space<vmem_shared>>
      %dma_start3A_95 = tpu.memref_squeeze %dma_start3A_94 : memref<1x640xf32, #tpu.memory_space<vmem_shared>> -> memref<640xf32, #tpu.memory_space<vmem_shared>>
      %dma_start3A_96 = arith.constant 0 : i32
      %dma_start3A_97 = tpu.memref_slice %arg7[%run_scoped3A_42, %dma_start3A_96] : memref<16x640xf32, #tpu.memory_space<vmem>> -> memref<1x640xf32, #tpu.memory_space<vmem>>
      %dma_start3A_98 = tpu.memref_squeeze %dma_start3A_97 : memref<1x640xf32, #tpu.memory_space<vmem>> -> memref<640xf32, #tpu.memory_space<vmem>>
      %dma_start3A_99 = tpu.memref_slice %arg4[%run_scoped3A_41, %mul3A_40] : memref<16x10240xf32, #tpu.memory_space<vmem_shared>> -> memref<1x640xf32, #tpu.memory_space<vmem_shared>>
      %dma_start3A_100 = tpu.memref_squeeze %dma_start3A_99 : memref<1x640xf32, #tpu.memory_space<vmem_shared>> -> memref<640xf32, #tpu.memory_space<vmem_shared>>
      tpu.enqueue_dma source(%dma_start3A_100 : memref<640xf32, #tpu.memory_space<vmem_shared>>) target(%dma_start3A_98 : memref<640xf32, #tpu.memory_space<vmem>>) target_semaphore(%run_scoped3A_91 : memref<!tpu.dma_semaphore, #tpu.memory_space<semaphore_mem>>)
      %dma_wait3A = arith.constant 0 : i32
      %dma_wait3A_101 = tpu.memref_slice %arg7[%run_scoped3A_42, %dma_wait3A] : memref<16x640xf32, #tpu.memory_space<vmem>> -> memref<1x640xf32, #tpu.memory_space<vmem>>
      %dma_wait3A_102 = tpu.memref_squeeze %dma_wait3A_101 : memref<1x640xf32, #tpu.memory_space<vmem>> -> memref<640xf32, #tpu.memory_space<vmem>>
      %dma_wait3A_103 = tpu.memref_slice %arg4[%run_scoped3A_41, %mul3A_40] : memref<16x10240xf32, #tpu.memory_space<vmem_shared>> -> memref<1x640xf32, #tpu.memory_space<vmem_shared>>
      %dma_wait3A_104 = tpu.memref_squeeze %dma_wait3A_103 : memref<1x640xf32, #tpu.memory_space<vmem_shared>> -> memref<640xf32, #tpu.memory_space<vmem_shared>>
      %dma_wait3A_105 = arith.constant 0 : i32
      %dma_wait3A_106 = tpu.memref_slice %arg7[%run_scoped3A_42, %dma_wait3A_105] : memref<16x640xf32, #tpu.memory_space<vmem>> -> memref<1x640xf32, #tpu.memory_space<vmem>>
      %dma_wait3A_107 = tpu.memref_squeeze %dma_wait3A_106 : memref<1x640xf32, #tpu.memory_space<vmem>> -> memref<640xf32, #tpu.memory_space<vmem>>
      %dma_wait3A_108 = tpu.memref_slice %arg4[%run_scoped3A_41, %mul3A_40] : memref<16x10240xf32, #tpu.memory_space<vmem_shared>> -> memref<1x640xf32, #tpu.memory_space<vmem_shared>>
      %dma_wait3A_109 = tpu.memref_squeeze %dma_wait3A_108 : memref<1x640xf32, #tpu.memory_space<vmem_shared>> -> memref<640xf32, #tpu.memory_space<vmem_shared>>
      tpu.wait_dma2 semaphore(%run_scoped3A_91 : memref<!tpu.dma_semaphore, #tpu.memory_space<semaphore_mem>>) src(%dma_wait3A_109 : memref<640xf32, #tpu.memory_space<vmem_shared>>) dst(%dma_wait3A_107 : memref<640xf32, #tpu.memory_space<vmem>>)
      tpu.yield
    }) : () -> ()
    %mul3A_43 = arith.constant 640 : i32
    %mul3A_44 = arith.muli %arg1, %mul3A_43 : i32
    %run_scoped3A_45 = arith.constant 6 : i32
    %run_scoped3A_46 = arith.constant 6 : i32
    "tpu.region"() ({
      %run_scoped3A_91 = tpu.sem_alloc : memref<!tpu.dma_semaphore, #tpu.memory_space<semaphore_mem>>
      %dma_start3A = arith.constant 0 : i32
      %dma_start3A_92 = tpu.memref_slice %arg7[%run_scoped3A_46, %dma_start3A] : memref<16x640xf32, #tpu.memory_space<vmem>> -> memref<1x640xf32, #tpu.memory_space<vmem>>
      %dma_start3A_93 = tpu.memref_squeeze %dma_start3A_92 : memref<1x640xf32, #tpu.memory_space<vmem>> -> memref<640xf32, #tpu.memory_space<vmem>>
      %dma_start3A_94 = tpu.memref_slice %arg4[%run_scoped3A_45, %mul3A_44] : memref<16x10240xf32, #tpu.memory_space<vmem_shared>> -> memref<1x640xf32, #tpu.memory_space<vmem_shared>>
      %dma_start3A_95 = tpu.memref_squeeze %dma_start3A_94 : memref<1x640xf32, #tpu.memory_space<vmem_shared>> -> memref<640xf32, #tpu.memory_space<vmem_shared>>
      %dma_start3A_96 = arith.constant 0 : i32
      %dma_start3A_97 = tpu.memref_slice %arg7[%run_scoped3A_46, %dma_start3A_96] : memref<16x640xf32, #tpu.memory_space<vmem>> -> memref<1x640xf32, #tpu.memory_space<vmem>>
      %dma_start3A_98 = tpu.memref_squeeze %dma_start3A_97 : memref<1x640xf32, #tpu.memory_space<vmem>> -> memref<640xf32, #tpu.memory_space<vmem>>
      %dma_start3A_99 = tpu.memref_slice %arg4[%run_scoped3A_45, %mul3A_44] : memref<16x10240xf32, #tpu.memory_space<vmem_shared>> -> memref<1x640xf32, #tpu.memory_space<vmem_shared>>
      %dma_start3A_100 = tpu.memref_squeeze %dma_start3A_99 : memref<1x640xf32, #tpu.memory_space<vmem_shared>> -> memref<640xf32, #tpu.memory_space<vmem_shared>>
      tpu.enqueue_dma source(%dma_start3A_100 : memref<640xf32, #tpu.memory_space<vmem_shared>>) target(%dma_start3A_98 : memref<640xf32, #tpu.memory_space<vmem>>) target_semaphore(%run_scoped3A_91 : memref<!tpu.dma_semaphore, #tpu.memory_space<semaphore_mem>>)
      %dma_wait3A = arith.constant 0 : i32
      %dma_wait3A_101 = tpu.memref_slice %arg7[%run_scoped3A_46, %dma_wait3A] : memref<16x640xf32, #tpu.memory_space<vmem>> -> memref<1x640xf32, #tpu.memory_space<vmem>>
      %dma_wait3A_102 = tpu.memref_squeeze %dma_wait3A_101 : memref<1x640xf32, #tpu.memory_space<vmem>> -> memref<640xf32, #tpu.memory_space<vmem>>
      %dma_wait3A_103 = tpu.memref_slice %arg4[%run_scoped3A_45, %mul3A_44] : memref<16x10240xf32, #tpu.memory_space<vmem_shared>> -> memref<1x640xf32, #tpu.memory_space<vmem_shared>>
      %dma_wait3A_104 = tpu.memref_squeeze %dma_wait3A_103 : memref<1x640xf32, #tpu.memory_space<vmem_shared>> -> memref<640xf32, #tpu.memory_space<vmem_shared>>
      %dma_wait3A_105 = arith.constant 0 : i32
      %dma_wait3A_106 = tpu.memref_slice %arg7[%run_scoped3A_46, %dma_wait3A_105] : memref<16x640xf32, #tpu.memory_space<vmem>> -> memref<1x640xf32, #tpu.memory_space<vmem>>
      %dma_wait3A_107 = tpu.memref_squeeze %dma_wait3A_106 : memref<1x640xf32, #tpu.memory_space<vmem>> -> memref<640xf32, #tpu.memory_space<vmem>>
      %dma_wait3A_108 = tpu.memref_slice %arg4[%run_scoped3A_45, %mul3A_44] : memref<16x10240xf32, #tpu.memory_space<vmem_shared>> -> memref<1x640xf32, #tpu.memory_space<vmem_shared>>
      %dma_wait3A_109 = tpu.memref_squeeze %dma_wait3A_108 : memref<1x640xf32, #tpu.memory_space<vmem_shared>> -> memref<640xf32, #tpu.memory_space<vmem_shared>>
      tpu.wait_dma2 semaphore(%run_scoped3A_91 : memref<!tpu.dma_semaphore, #tpu.memory_space<semaphore_mem>>) src(%dma_wait3A_109 : memref<640xf32, #tpu.memory_space<vmem_shared>>) dst(%dma_wait3A_107 : memref<640xf32, #tpu.memory_space<vmem>>)
      tpu.yield
    }) : () -> ()
    %mul3A_47 = arith.constant 640 : i32
    %mul3A_48 = arith.muli %arg1, %mul3A_47 : i32
    %run_scoped3A_49 = arith.constant 7 : i32
    %run_scoped3A_50 = arith.constant 7 : i32
    "tpu.region"() ({
      %run_scoped3A_91 = tpu.sem_alloc : memref<!tpu.dma_semaphore, #tpu.memory_space<semaphore_mem>>
      %dma_start3A = arith.constant 0 : i32
      %dma_start3A_92 = tpu.memref_slice %arg7[%run_scoped3A_50, %dma_start3A] : memref<16x640xf32, #tpu.memory_space<vmem>> -> memref<1x640xf32, #tpu.memory_space<vmem>>
      %dma_start3A_93 = tpu.memref_squeeze %dma_start3A_92 : memref<1x640xf32, #tpu.memory_space<vmem>> -> memref<640xf32, #tpu.memory_space<vmem>>
      %dma_start3A_94 = tpu.memref_slice %arg4[%run_scoped3A_49, %mul3A_48] : memref<16x10240xf32, #tpu.memory_space<vmem_shared>> -> memref<1x640xf32, #tpu.memory_space<vmem_shared>>
      %dma_start3A_95 = tpu.memref_squeeze %dma_start3A_94 : memref<1x640xf32, #tpu.memory_space<vmem_shared>> -> memref<640xf32, #tpu.memory_space<vmem_shared>>
      %dma_start3A_96 = arith.constant 0 : i32
      %dma_start3A_97 = tpu.memref_slice %arg7[%run_scoped3A_50, %dma_start3A_96] : memref<16x640xf32, #tpu.memory_space<vmem>> -> memref<1x640xf32, #tpu.memory_space<vmem>>
      %dma_start3A_98 = tpu.memref_squeeze %dma_start3A_97 : memref<1x640xf32, #tpu.memory_space<vmem>> -> memref<640xf32, #tpu.memory_space<vmem>>
      %dma_start3A_99 = tpu.memref_slice %arg4[%run_scoped3A_49, %mul3A_48] : memref<16x10240xf32, #tpu.memory_space<vmem_shared>> -> memref<1x640xf32, #tpu.memory_space<vmem_shared>>
      %dma_start3A_100 = tpu.memref_squeeze %dma_start3A_99 : memref<1x640xf32, #tpu.memory_space<vmem_shared>> -> memref<640xf32, #tpu.memory_space<vmem_shared>>
      tpu.enqueue_dma source(%dma_start3A_100 : memref<640xf32, #tpu.memory_space<vmem_shared>>) target(%dma_start3A_98 : memref<640xf32, #tpu.memory_space<vmem>>) target_semaphore(%run_scoped3A_91 : memref<!tpu.dma_semaphore, #tpu.memory_space<semaphore_mem>>)
      %dma_wait3A = arith.constant 0 : i32
      %dma_wait3A_101 = tpu.memref_slice %arg7[%run_scoped3A_50, %dma_wait3A] : memref<16x640xf32, #tpu.memory_space<vmem>> -> memref<1x640xf32, #tpu.memory_space<vmem>>
      %dma_wait3A_102 = tpu.memref_squeeze %dma_wait3A_101 : memref<1x640xf32, #tpu.memory_space<vmem>> -> memref<640xf32, #tpu.memory_space<vmem>>
      %dma_wait3A_103 = tpu.memref_slice %arg4[%run_scoped3A_49, %mul3A_48] : memref<16x10240xf32, #tpu.memory_space<vmem_shared>> -> memref<1x640xf32, #tpu.memory_space<vmem_shared>>
      %dma_wait3A_104 = tpu.memref_squeeze %dma_wait3A_103 : memref<1x640xf32, #tpu.memory_space<vmem_shared>> -> memref<640xf32, #tpu.memory_space<vmem_shared>>
      %dma_wait3A_105 = arith.constant 0 : i32
      %dma_wait3A_106 = tpu.memref_slice %arg7[%run_scoped3A_50, %dma_wait3A_105] : memref<16x640xf32, #tpu.memory_space<vmem>> -> memref<1x640xf32, #tpu.memory_space<vmem>>
      %dma_wait3A_107 = tpu.memref_squeeze %dma_wait3A_106 : memref<1x640xf32, #tpu.memory_space<vmem>> -> memref<640xf32, #tpu.memory_space<vmem>>
      %dma_wait3A_108 = tpu.memref_slice %arg4[%run_scoped3A_49, %mul3A_48] : memref<16x10240xf32, #tpu.memory_space<vmem_shared>> -> memref<1x640xf32, #tpu.memory_space<vmem_shared>>
      %dma_wait3A_109 = tpu.memref_squeeze %dma_wait3A_108 : memref<1x640xf32, #tpu.memory_space<vmem_shared>> -> memref<640xf32, #tpu.memory_space<vmem_shared>>
      tpu.wait_dma2 semaphore(%run_scoped3A_91 : memref<!tpu.dma_semaphore, #tpu.memory_space<semaphore_mem>>) src(%dma_wait3A_109 : memref<640xf32, #tpu.memory_space<vmem_shared>>) dst(%dma_wait3A_107 : memref<640xf32, #tpu.memory_space<vmem>>)
      tpu.yield
    }) : () -> ()
    %mul3A_51 = arith.constant 640 : i32
    %mul3A_52 = arith.muli %arg1, %mul3A_51 : i32
    %run_scoped3A_53 = arith.constant 8 : i32
    %run_scoped3A_54 = arith.constant 8 : i32
    "tpu.region"() ({
      %run_scoped3A_91 = tpu.sem_alloc : memref<!tpu.dma_semaphore, #tpu.memory_space<semaphore_mem>>
      %dma_start3A = arith.constant 0 : i32
      %dma_start3A_92 = tpu.memref_slice %arg7[%run_scoped3A_54, %dma_start3A] : memref<16x640xf32, #tpu.memory_space<vmem>> -> memref<1x640xf32, #tpu.memory_space<vmem>>
      %dma_start3A_93 = tpu.memref_squeeze %dma_start3A_92 : memref<1x640xf32, #tpu.memory_space<vmem>> -> memref<640xf32, #tpu.memory_space<vmem>>
      %dma_start3A_94 = tpu.memref_slice %arg4[%run_scoped3A_53, %mul3A_52] : memref<16x10240xf32, #tpu.memory_space<vmem_shared>> -> memref<1x640xf32, #tpu.memory_space<vmem_shared>>
      %dma_start3A_95 = tpu.memref_squeeze %dma_start3A_94 : memref<1x640xf32, #tpu.memory_space<vmem_shared>> -> memref<640xf32, #tpu.memory_space<vmem_shared>>
      %dma_start3A_96 = arith.constant 0 : i32
      %dma_start3A_97 = tpu.memref_slice %arg7[%run_scoped3A_54, %dma_start3A_96] : memref<16x640xf32, #tpu.memory_space<vmem>> -> memref<1x640xf32, #tpu.memory_space<vmem>>
      %dma_start3A_98 = tpu.memref_squeeze %dma_start3A_97 : memref<1x640xf32, #tpu.memory_space<vmem>> -> memref<640xf32, #tpu.memory_space<vmem>>
      %dma_start3A_99 = tpu.memref_slice %arg4[%run_scoped3A_53, %mul3A_52] : memref<16x10240xf32, #tpu.memory_space<vmem_shared>> -> memref<1x640xf32, #tpu.memory_space<vmem_shared>>
      %dma_start3A_100 = tpu.memref_squeeze %dma_start3A_99 : memref<1x640xf32, #tpu.memory_space<vmem_shared>> -> memref<640xf32, #tpu.memory_space<vmem_shared>>
      tpu.enqueue_dma source(%dma_start3A_100 : memref<640xf32, #tpu.memory_space<vmem_shared>>) target(%dma_start3A_98 : memref<640xf32, #tpu.memory_space<vmem>>) target_semaphore(%run_scoped3A_91 : memref<!tpu.dma_semaphore, #tpu.memory_space<semaphore_mem>>)
      %dma_wait3A = arith.constant 0 : i32
      %dma_wait3A_101 = tpu.memref_slice %arg7[%run_scoped3A_54, %dma_wait3A] : memref<16x640xf32, #tpu.memory_space<vmem>> -> memref<1x640xf32, #tpu.memory_space<vmem>>
      %dma_wait3A_102 = tpu.memref_squeeze %dma_wait3A_101 : memref<1x640xf32, #tpu.memory_space<vmem>> -> memref<640xf32, #tpu.memory_space<vmem>>
      %dma_wait3A_103 = tpu.memref_slice %arg4[%run_scoped3A_53, %mul3A_52] : memref<16x10240xf32, #tpu.memory_space<vmem_shared>> -> memref<1x640xf32, #tpu.memory_space<vmem_shared>>
      %dma_wait3A_104 = tpu.memref_squeeze %dma_wait3A_103 : memref<1x640xf32, #tpu.memory_space<vmem_shared>> -> memref<640xf32, #tpu.memory_space<vmem_shared>>
      %dma_wait3A_105 = arith.constant 0 : i32
      %dma_wait3A_106 = tpu.memref_slice %arg7[%run_scoped3A_54, %dma_wait3A_105] : memref<16x640xf32, #tpu.memory_space<vmem>> -> memref<1x640xf32, #tpu.memory_space<vmem>>
      %dma_wait3A_107 = tpu.memref_squeeze %dma_wait3A_106 : memref<1x640xf32, #tpu.memory_space<vmem>> -> memref<640xf32, #tpu.memory_space<vmem>>
      %dma_wait3A_108 = tpu.memref_slice %arg4[%run_scoped3A_53, %mul3A_52] : memref<16x10240xf32, #tpu.memory_space<vmem_shared>> -> memref<1x640xf32, #tpu.memory_space<vmem_shared>>
      %dma_wait3A_109 = tpu.memref_squeeze %dma_wait3A_108 : memref<1x640xf32, #tpu.memory_space<vmem_shared>> -> memref<640xf32, #tpu.memory_space<vmem_shared>>
      tpu.wait_dma2 semaphore(%run_scoped3A_91 : memref<!tpu.dma_semaphore, #tpu.memory_space<semaphore_mem>>) src(%dma_wait3A_109 : memref<640xf32, #tpu.memory_space<vmem_shared>>) dst(%dma_wait3A_107 : memref<640xf32, #tpu.memory_space<vmem>>)
      tpu.yield
    }) : () -> ()
    %mul3A_55 = arith.constant 640 : i32
    %mul3A_56 = arith.muli %arg1, %mul3A_55 : i32
    %run_scoped3A_57 = arith.constant 9 : i32
    %run_scoped3A_58 = arith.constant 9 : i32
    "tpu.region"() ({
      %run_scoped3A_91 = tpu.sem_alloc : memref<!tpu.dma_semaphore, #tpu.memory_space<semaphore_mem>>
      %dma_start3A = arith.constant 0 : i32
      %dma_start3A_92 = tpu.memref_slice %arg7[%run_scoped3A_58, %dma_start3A] : memref<16x640xf32, #tpu.memory_space<vmem>> -> memref<1x640xf32, #tpu.memory_space<vmem>>
      %dma_start3A_93 = tpu.memref_squeeze %dma_start3A_92 : memref<1x640xf32, #tpu.memory_space<vmem>> -> memref<640xf32, #tpu.memory_space<vmem>>
      %dma_start3A_94 = tpu.memref_slice %arg4[%run_scoped3A_57, %mul3A_56] : memref<16x10240xf32, #tpu.memory_space<vmem_shared>> -> memref<1x640xf32, #tpu.memory_space<vmem_shared>>
      %dma_start3A_95 = tpu.memref_squeeze %dma_start3A_94 : memref<1x640xf32, #tpu.memory_space<vmem_shared>> -> memref<640xf32, #tpu.memory_space<vmem_shared>>
      %dma_start3A_96 = arith.constant 0 : i32
      %dma_start3A_97 = tpu.memref_slice %arg7[%run_scoped3A_58, %dma_start3A_96] : memref<16x640xf32, #tpu.memory_space<vmem>> -> memref<1x640xf32, #tpu.memory_space<vmem>>
      %dma_start3A_98 = tpu.memref_squeeze %dma_start3A_97 : memref<1x640xf32, #tpu.memory_space<vmem>> -> memref<640xf32, #tpu.memory_space<vmem>>
      %dma_start3A_99 = tpu.memref_slice %arg4[%run_scoped3A_57, %mul3A_56] : memref<16x10240xf32, #tpu.memory_space<vmem_shared>> -> memref<1x640xf32, #tpu.memory_space<vmem_shared>>
      %dma_start3A_100 = tpu.memref_squeeze %dma_start3A_99 : memref<1x640xf32, #tpu.memory_space<vmem_shared>> -> memref<640xf32, #tpu.memory_space<vmem_shared>>
      tpu.enqueue_dma source(%dma_start3A_100 : memref<640xf32, #tpu.memory_space<vmem_shared>>) target(%dma_start3A_98 : memref<640xf32, #tpu.memory_space<vmem>>) target_semaphore(%run_scoped3A_91 : memref<!tpu.dma_semaphore, #tpu.memory_space<semaphore_mem>>)
      %dma_wait3A = arith.constant 0 : i32
      %dma_wait3A_101 = tpu.memref_slice %arg7[%run_scoped3A_58, %dma_wait3A] : memref<16x640xf32, #tpu.memory_space<vmem>> -> memref<1x640xf32, #tpu.memory_space<vmem>>
      %dma_wait3A_102 = tpu.memref_squeeze %dma_wait3A_101 : memref<1x640xf32, #tpu.memory_space<vmem>> -> memref<640xf32, #tpu.memory_space<vmem>>
      %dma_wait3A_103 = tpu.memref_slice %arg4[%run_scoped3A_57, %mul3A_56] : memref<16x10240xf32, #tpu.memory_space<vmem_shared>> -> memref<1x640xf32, #tpu.memory_space<vmem_shared>>
      %dma_wait3A_104 = tpu.memref_squeeze %dma_wait3A_103 : memref<1x640xf32, #tpu.memory_space<vmem_shared>> -> memref<640xf32, #tpu.memory_space<vmem_shared>>
      %dma_wait3A_105 = arith.constant 0 : i32
      %dma_wait3A_106 = tpu.memref_slice %arg7[%run_scoped3A_58, %dma_wait3A_105] : memref<16x640xf32, #tpu.memory_space<vmem>> -> memref<1x640xf32, #tpu.memory_space<vmem>>
      %dma_wait3A_107 = tpu.memref_squeeze %dma_wait3A_106 : memref<1x640xf32, #tpu.memory_space<vmem>> -> memref<640xf32, #tpu.memory_space<vmem>>
      %dma_wait3A_108 = tpu.memref_slice %arg4[%run_scoped3A_57, %mul3A_56] : memref<16x10240xf32, #tpu.memory_space<vmem_shared>> -> memref<1x640xf32, #tpu.memory_space<vmem_shared>>
      %dma_wait3A_109 = tpu.memref_squeeze %dma_wait3A_108 : memref<1x640xf32, #tpu.memory_space<vmem_shared>> -> memref<640xf32, #tpu.memory_space<vmem_shared>>
      tpu.wait_dma2 semaphore(%run_scoped3A_91 : memref<!tpu.dma_semaphore, #tpu.memory_space<semaphore_mem>>) src(%dma_wait3A_109 : memref<640xf32, #tpu.memory_space<vmem_shared>>) dst(%dma_wait3A_107 : memref<640xf32, #tpu.memory_space<vmem>>)
      tpu.yield
    }) : () -> ()
    %mul3A_59 = arith.constant 640 : i32
    %mul3A_60 = arith.muli %arg1, %mul3A_59 : i32
    %run_scoped3A_61 = arith.constant 10 : i32
    %run_scoped3A_62 = arith.constant 10 : i32
    "tpu.region"() ({
      %run_scoped3A_91 = tpu.sem_alloc : memref<!tpu.dma_semaphore, #tpu.memory_space<semaphore_mem>>
      %dma_start3A = arith.constant 0 : i32
      %dma_start3A_92 = tpu.memref_slice %arg7[%run_scoped3A_62, %dma_start3A] : memref<16x640xf32, #tpu.memory_space<vmem>> -> memref<1x640xf32, #tpu.memory_space<vmem>>
      %dma_start3A_93 = tpu.memref_squeeze %dma_start3A_92 : memref<1x640xf32, #tpu.memory_space<vmem>> -> memref<640xf32, #tpu.memory_space<vmem>>
      %dma_start3A_94 = tpu.memref_slice %arg4[%run_scoped3A_61, %mul3A_60] : memref<16x10240xf32, #tpu.memory_space<vmem_shared>> -> memref<1x640xf32, #tpu.memory_space<vmem_shared>>
      %dma_start3A_95 = tpu.memref_squeeze %dma_start3A_94 : memref<1x640xf32, #tpu.memory_space<vmem_shared>> -> memref<640xf32, #tpu.memory_space<vmem_shared>>
      %dma_start3A_96 = arith.constant 0 : i32
      %dma_start3A_97 = tpu.memref_slice %arg7[%run_scoped3A_62, %dma_start3A_96] : memref<16x640xf32, #tpu.memory_space<vmem>> -> memref<1x640xf32, #tpu.memory_space<vmem>>
      %dma_start3A_98 = tpu.memref_squeeze %dma_start3A_97 : memref<1x640xf32, #tpu.memory_space<vmem>> -> memref<640xf32, #tpu.memory_space<vmem>>
      %dma_start3A_99 = tpu.memref_slice %arg4[%run_scoped3A_61, %mul3A_60] : memref<16x10240xf32, #tpu.memory_space<vmem_shared>> -> memref<1x640xf32, #tpu.memory_space<vmem_shared>>
      %dma_start3A_100 = tpu.memref_squeeze %dma_start3A_99 : memref<1x640xf32, #tpu.memory_space<vmem_shared>> -> memref<640xf32, #tpu.memory_space<vmem_shared>>
      tpu.enqueue_dma source(%dma_start3A_100 : memref<640xf32, #tpu.memory_space<vmem_shared>>) target(%dma_start3A_98 : memref<640xf32, #tpu.memory_space<vmem>>) target_semaphore(%run_scoped3A_91 : memref<!tpu.dma_semaphore, #tpu.memory_space<semaphore_mem>>)
      %dma_wait3A = arith.constant 0 : i32
      %dma_wait3A_101 = tpu.memref_slice %arg7[%run_scoped3A_62, %dma_wait3A] : memref<16x640xf32, #tpu.memory_space<vmem>> -> memref<1x640xf32, #tpu.memory_space<vmem>>
      %dma_wait3A_102 = tpu.memref_squeeze %dma_wait3A_101 : memref<1x640xf32, #tpu.memory_space<vmem>> -> memref<640xf32, #tpu.memory_space<vmem>>
      %dma_wait3A_103 = tpu.memref_slice %arg4[%run_scoped3A_61, %mul3A_60] : memref<16x10240xf32, #tpu.memory_space<vmem_shared>> -> memref<1x640xf32, #tpu.memory_space<vmem_shared>>
      %dma_wait3A_104 = tpu.memref_squeeze %dma_wait3A_103 : memref<1x640xf32, #tpu.memory_space<vmem_shared>> -> memref<640xf32, #tpu.memory_space<vmem_shared>>
      %dma_wait3A_105 = arith.constant 0 : i32
      %dma_wait3A_106 = tpu.memref_slice %arg7[%run_scoped3A_62, %dma_wait3A_105] : memref<16x640xf32, #tpu.memory_space<vmem>> -> memref<1x640xf32, #tpu.memory_space<vmem>>
      %dma_wait3A_107 = tpu.memref_squeeze %dma_wait3A_106 : memref<1x640xf32, #tpu.memory_space<vmem>> -> memref<640xf32, #tpu.memory_space<vmem>>
      %dma_wait3A_108 = tpu.memref_slice %arg4[%run_scoped3A_61, %mul3A_60] : memref<16x10240xf32, #tpu.memory_space<vmem_shared>> -> memref<1x640xf32, #tpu.memory_space<vmem_shared>>
      %dma_wait3A_109 = tpu.memref_squeeze %dma_wait3A_108 : memref<1x640xf32, #tpu.memory_space<vmem_shared>> -> memref<640xf32, #tpu.memory_space<vmem_shared>>
      tpu.wait_dma2 semaphore(%run_scoped3A_91 : memref<!tpu.dma_semaphore, #tpu.memory_space<semaphore_mem>>) src(%dma_wait3A_109 : memref<640xf32, #tpu.memory_space<vmem_shared>>) dst(%dma_wait3A_107 : memref<640xf32, #tpu.memory_space<vmem>>)
      tpu.yield
    }) : () -> ()
    %mul3A_63 = arith.constant 640 : i32
    %mul3A_64 = arith.muli %arg1, %mul3A_63 : i32
    %run_scoped3A_65 = arith.constant 11 : i32
    %run_scoped3A_66 = arith.constant 11 : i32
    "tpu.region"() ({
      %run_scoped3A_91 = tpu.sem_alloc : memref<!tpu.dma_semaphore, #tpu.memory_space<semaphore_mem>>
      %dma_start3A = arith.constant 0 : i32
      %dma_start3A_92 = tpu.memref_slice %arg7[%run_scoped3A_66, %dma_start3A] : memref<16x640xf32, #tpu.memory_space<vmem>> -> memref<1x640xf32, #tpu.memory_space<vmem>>
      %dma_start3A_93 = tpu.memref_squeeze %dma_start3A_92 : memref<1x640xf32, #tpu.memory_space<vmem>> -> memref<640xf32, #tpu.memory_space<vmem>>
      %dma_start3A_94 = tpu.memref_slice %arg4[%run_scoped3A_65, %mul3A_64] : memref<16x10240xf32, #tpu.memory_space<vmem_shared>> -> memref<1x640xf32, #tpu.memory_space<vmem_shared>>
      %dma_start3A_95 = tpu.memref_squeeze %dma_start3A_94 : memref<1x640xf32, #tpu.memory_space<vmem_shared>> -> memref<640xf32, #tpu.memory_space<vmem_shared>>
      %dma_start3A_96 = arith.constant 0 : i32
      %dma_start3A_97 = tpu.memref_slice %arg7[%run_scoped3A_66, %dma_start3A_96] : memref<16x640xf32, #tpu.memory_space<vmem>> -> memref<1x640xf32, #tpu.memory_space<vmem>>
      %dma_start3A_98 = tpu.memref_squeeze %dma_start3A_97 : memref<1x640xf32, #tpu.memory_space<vmem>> -> memref<640xf32, #tpu.memory_space<vmem>>
      %dma_start3A_99 = tpu.memref_slice %arg4[%run_scoped3A_65, %mul3A_64] : memref<16x10240xf32, #tpu.memory_space<vmem_shared>> -> memref<1x640xf32, #tpu.memory_space<vmem_shared>>
      %dma_start3A_100 = tpu.memref_squeeze %dma_start3A_99 : memref<1x640xf32, #tpu.memory_space<vmem_shared>> -> memref<640xf32, #tpu.memory_space<vmem_shared>>
      tpu.enqueue_dma source(%dma_start3A_100 : memref<640xf32, #tpu.memory_space<vmem_shared>>) target(%dma_start3A_98 : memref<640xf32, #tpu.memory_space<vmem>>) target_semaphore(%run_scoped3A_91 : memref<!tpu.dma_semaphore, #tpu.memory_space<semaphore_mem>>)
      %dma_wait3A = arith.constant 0 : i32
      %dma_wait3A_101 = tpu.memref_slice %arg7[%run_scoped3A_66, %dma_wait3A] : memref<16x640xf32, #tpu.memory_space<vmem>> -> memref<1x640xf32, #tpu.memory_space<vmem>>
      %dma_wait3A_102 = tpu.memref_squeeze %dma_wait3A_101 : memref<1x640xf32, #tpu.memory_space<vmem>> -> memref<640xf32, #tpu.memory_space<vmem>>
      %dma_wait3A_103 = tpu.memref_slice %arg4[%run_scoped3A_65, %mul3A_64] : memref<16x10240xf32, #tpu.memory_space<vmem_shared>> -> memref<1x640xf32, #tpu.memory_space<vmem_shared>>
      %dma_wait3A_104 = tpu.memref_squeeze %dma_wait3A_103 : memref<1x640xf32, #tpu.memory_space<vmem_shared>> -> memref<640xf32, #tpu.memory_space<vmem_shared>>
      %dma_wait3A_105 = arith.constant 0 : i32
      %dma_wait3A_106 = tpu.memref_slice %arg7[%run_scoped3A_66, %dma_wait3A_105] : memref<16x640xf32, #tpu.memory_space<vmem>> -> memref<1x640xf32, #tpu.memory_space<vmem>>
      %dma_wait3A_107 = tpu.memref_squeeze %dma_wait3A_106 : memref<1x640xf32, #tpu.memory_space<vmem>> -> memref<640xf32, #tpu.memory_space<vmem>>
      %dma_wait3A_108 = tpu.memref_slice %arg4[%run_scoped3A_65, %mul3A_64] : memref<16x10240xf32, #tpu.memory_space<vmem_shared>> -> memref<1x640xf32, #tpu.memory_space<vmem_shared>>
      %dma_wait3A_109 = tpu.memref_squeeze %dma_wait3A_108 : memref<1x640xf32, #tpu.memory_space<vmem_shared>> -> memref<640xf32, #tpu.memory_space<vmem_shared>>
      tpu.wait_dma2 semaphore(%run_scoped3A_91 : memref<!tpu.dma_semaphore, #tpu.memory_space<semaphore_mem>>) src(%dma_wait3A_109 : memref<640xf32, #tpu.memory_space<vmem_shared>>) dst(%dma_wait3A_107 : memref<640xf32, #tpu.memory_space<vmem>>)
      tpu.yield
    }) : () -> ()
    %mul3A_67 = arith.constant 640 : i32
    %mul3A_68 = arith.muli %arg1, %mul3A_67 : i32
    %run_scoped3A_69 = arith.constant 12 : i32
    %run_scoped3A_70 = arith.constant 12 : i32
    "tpu.region"() ({
      %run_scoped3A_91 = tpu.sem_alloc : memref<!tpu.dma_semaphore, #tpu.memory_space<semaphore_mem>>
      %dma_start3A = arith.constant 0 : i32
      %dma_start3A_92 = tpu.memref_slice %arg7[%run_scoped3A_70, %dma_start3A] : memref<16x640xf32, #tpu.memory_space<vmem>> -> memref<1x640xf32, #tpu.memory_space<vmem>>
      %dma_start3A_93 = tpu.memref_squeeze %dma_start3A_92 : memref<1x640xf32, #tpu.memory_space<vmem>> -> memref<640xf32, #tpu.memory_space<vmem>>
      %dma_start3A_94 = tpu.memref_slice %arg4[%run_scoped3A_69, %mul3A_68] : memref<16x10240xf32, #tpu.memory_space<vmem_shared>> -> memref<1x640xf32, #tpu.memory_space<vmem_shared>>
      %dma_start3A_95 = tpu.memref_squeeze %dma_start3A_94 : memref<1x640xf32, #tpu.memory_space<vmem_shared>> -> memref<640xf32, #tpu.memory_space<vmem_shared>>
      %dma_start3A_96 = arith.constant 0 : i32
      %dma_start3A_97 = tpu.memref_slice %arg7[%run_scoped3A_70, %dma_start3A_96] : memref<16x640xf32, #tpu.memory_space<vmem>> -> memref<1x640xf32, #tpu.memory_space<vmem>>
      %dma_start3A_98 = tpu.memref_squeeze %dma_start3A_97 : memref<1x640xf32, #tpu.memory_space<vmem>> -> memref<640xf32, #tpu.memory_space<vmem>>
      %dma_start3A_99 = tpu.memref_slice %arg4[%run_scoped3A_69, %mul3A_68] : memref<16x10240xf32, #tpu.memory_space<vmem_shared>> -> memref<1x640xf32, #tpu.memory_space<vmem_shared>>
      %dma_start3A_100 = tpu.memref_squeeze %dma_start3A_99 : memref<1x640xf32, #tpu.memory_space<vmem_shared>> -> memref<640xf32, #tpu.memory_space<vmem_shared>>
      tpu.enqueue_dma source(%dma_start3A_100 : memref<640xf32, #tpu.memory_space<vmem_shared>>) target(%dma_start3A_98 : memref<640xf32, #tpu.memory_space<vmem>>) target_semaphore(%run_scoped3A_91 : memref<!tpu.dma_semaphore, #tpu.memory_space<semaphore_mem>>)
      %dma_wait3A = arith.constant 0 : i32
      %dma_wait3A_101 = tpu.memref_slice %arg7[%run_scoped3A_70, %dma_wait3A] : memref<16x640xf32, #tpu.memory_space<vmem>> -> memref<1x640xf32, #tpu.memory_space<vmem>>
      %dma_wait3A_102 = tpu.memref_squeeze %dma_wait3A_101 : memref<1x640xf32, #tpu.memory_space<vmem>> -> memref<640xf32, #tpu.memory_space<vmem>>
      %dma_wait3A_103 = tpu.memref_slice %arg4[%run_scoped3A_69, %mul3A_68] : memref<16x10240xf32, #tpu.memory_space<vmem_shared>> -> memref<1x640xf32, #tpu.memory_space<vmem_shared>>
      %dma_wait3A_104 = tpu.memref_squeeze %dma_wait3A_103 : memref<1x640xf32, #tpu.memory_space<vmem_shared>> -> memref<640xf32, #tpu.memory_space<vmem_shared>>
      %dma_wait3A_105 = arith.constant 0 : i32
      %dma_wait3A_106 = tpu.memref_slice %arg7[%run_scoped3A_70, %dma_wait3A_105] : memref<16x640xf32, #tpu.memory_space<vmem>> -> memref<1x640xf32, #tpu.memory_space<vmem>>
      %dma_wait3A_107 = tpu.memref_squeeze %dma_wait3A_106 : memref<1x640xf32, #tpu.memory_space<vmem>> -> memref<640xf32, #tpu.memory_space<vmem>>
      %dma_wait3A_108 = tpu.memref_slice %arg4[%run_scoped3A_69, %mul3A_68] : memref<16x10240xf32, #tpu.memory_space<vmem_shared>> -> memref<1x640xf32, #tpu.memory_space<vmem_shared>>
      %dma_wait3A_109 = tpu.memref_squeeze %dma_wait3A_108 : memref<1x640xf32, #tpu.memory_space<vmem_shared>> -> memref<640xf32, #tpu.memory_space<vmem_shared>>
      tpu.wait_dma2 semaphore(%run_scoped3A_91 : memref<!tpu.dma_semaphore, #tpu.memory_space<semaphore_mem>>) src(%dma_wait3A_109 : memref<640xf32, #tpu.memory_space<vmem_shared>>) dst(%dma_wait3A_107 : memref<640xf32, #tpu.memory_space<vmem>>)
      tpu.yield
    }) : () -> ()
    %mul3A_71 = arith.constant 640 : i32
    %mul3A_72 = arith.muli %arg1, %mul3A_71 : i32
    %run_scoped3A_73 = arith.constant 13 : i32
    %run_scoped3A_74 = arith.constant 13 : i32
    "tpu.region"() ({
      %run_scoped3A_91 = tpu.sem_alloc : memref<!tpu.dma_semaphore, #tpu.memory_space<semaphore_mem>>
      %dma_start3A = arith.constant 0 : i32
      %dma_start3A_92 = tpu.memref_slice %arg7[%run_scoped3A_74, %dma_start3A] : memref<16x640xf32, #tpu.memory_space<vmem>> -> memref<1x640xf32, #tpu.memory_space<vmem>>
      %dma_start3A_93 = tpu.memref_squeeze %dma_start3A_92 : memref<1x640xf32, #tpu.memory_space<vmem>> -> memref<640xf32, #tpu.memory_space<vmem>>
      %dma_start3A_94 = tpu.memref_slice %arg4[%run_scoped3A_73, %mul3A_72] : memref<16x10240xf32, #tpu.memory_space<vmem_shared>> -> memref<1x640xf32, #tpu.memory_space<vmem_shared>>
      %dma_start3A_95 = tpu.memref_squeeze %dma_start3A_94 : memref<1x640xf32, #tpu.memory_space<vmem_shared>> -> memref<640xf32, #tpu.memory_space<vmem_shared>>
      %dma_start3A_96 = arith.constant 0 : i32
      %dma_start3A_97 = tpu.memref_slice %arg7[%run_scoped3A_74, %dma_start3A_96] : memref<16x640xf32, #tpu.memory_space<vmem>> -> memref<1x640xf32, #tpu.memory_space<vmem>>
      %dma_start3A_98 = tpu.memref_squeeze %dma_start3A_97 : memref<1x640xf32, #tpu.memory_space<vmem>> -> memref<640xf32, #tpu.memory_space<vmem>>
      %dma_start3A_99 = tpu.memref_slice %arg4[%run_scoped3A_73, %mul3A_72] : memref<16x10240xf32, #tpu.memory_space<vmem_shared>> -> memref<1x640xf32, #tpu.memory_space<vmem_shared>>
      %dma_start3A_100 = tpu.memref_squeeze %dma_start3A_99 : memref<1x640xf32, #tpu.memory_space<vmem_shared>> -> memref<640xf32, #tpu.memory_space<vmem_shared>>
      tpu.enqueue_dma source(%dma_start3A_100 : memref<640xf32, #tpu.memory_space<vmem_shared>>) target(%dma_start3A_98 : memref<640xf32, #tpu.memory_space<vmem>>) target_semaphore(%run_scoped3A_91 : memref<!tpu.dma_semaphore, #tpu.memory_space<semaphore_mem>>)
      %dma_wait3A = arith.constant 0 : i32
      %dma_wait3A_101 = tpu.memref_slice %arg7[%run_scoped3A_74, %dma_wait3A] : memref<16x640xf32, #tpu.memory_space<vmem>> -> memref<1x640xf32, #tpu.memory_space<vmem>>
      %dma_wait3A_102 = tpu.memref_squeeze %dma_wait3A_101 : memref<1x640xf32, #tpu.memory_space<vmem>> -> memref<640xf32, #tpu.memory_space<vmem>>
      %dma_wait3A_103 = tpu.memref_slice %arg4[%run_scoped3A_73, %mul3A_72] : memref<16x10240xf32, #tpu.memory_space<vmem_shared>> -> memref<1x640xf32, #tpu.memory_space<vmem_shared>>
      %dma_wait3A_104 = tpu.memref_squeeze %dma_wait3A_103 : memref<1x640xf32, #tpu.memory_space<vmem_shared>> -> memref<640xf32, #tpu.memory_space<vmem_shared>>
      %dma_wait3A_105 = arith.constant 0 : i32
      %dma_wait3A_106 = tpu.memref_slice %arg7[%run_scoped3A_74, %dma_wait3A_105] : memref<16x640xf32, #tpu.memory_space<vmem>> -> memref<1x640xf32, #tpu.memory_space<vmem>>
      %dma_wait3A_107 = tpu.memref_squeeze %dma_wait3A_106 : memref<1x640xf32, #tpu.memory_space<vmem>> -> memref<640xf32, #tpu.memory_space<vmem>>
      %dma_wait3A_108 = tpu.memref_slice %arg4[%run_scoped3A_73, %mul3A_72] : memref<16x10240xf32, #tpu.memory_space<vmem_shared>> -> memref<1x640xf32, #tpu.memory_space<vmem_shared>>
      %dma_wait3A_109 = tpu.memref_squeeze %dma_wait3A_108 : memref<1x640xf32, #tpu.memory_space<vmem_shared>> -> memref<640xf32, #tpu.memory_space<vmem_shared>>
      tpu.wait_dma2 semaphore(%run_scoped3A_91 : memref<!tpu.dma_semaphore, #tpu.memory_space<semaphore_mem>>) src(%dma_wait3A_109 : memref<640xf32, #tpu.memory_space<vmem_shared>>) dst(%dma_wait3A_107 : memref<640xf32, #tpu.memory_space<vmem>>)
      tpu.yield
    }) : () -> ()
    %mul3A_75 = arith.constant 640 : i32
    %mul3A_76 = arith.muli %arg1, %mul3A_75 : i32
    %run_scoped3A_77 = arith.constant 14 : i32
    %run_scoped3A_78 = arith.constant 14 : i32
    "tpu.region"() ({
      %run_scoped3A_91 = tpu.sem_alloc : memref<!tpu.dma_semaphore, #tpu.memory_space<semaphore_mem>>
      %dma_start3A = arith.constant 0 : i32
      %dma_start3A_92 = tpu.memref_slice %arg7[%run_scoped3A_78, %dma_start3A] : memref<16x640xf32, #tpu.memory_space<vmem>> -> memref<1x640xf32, #tpu.memory_space<vmem>>
      %dma_start3A_93 = tpu.memref_squeeze %dma_start3A_92 : memref<1x640xf32, #tpu.memory_space<vmem>> -> memref<640xf32, #tpu.memory_space<vmem>>
      %dma_start3A_94 = tpu.memref_slice %arg4[%run_scoped3A_77, %mul3A_76] : memref<16x10240xf32, #tpu.memory_space<vmem_shared>> -> memref<1x640xf32, #tpu.memory_space<vmem_shared>>
      %dma_start3A_95 = tpu.memref_squeeze %dma_start3A_94 : memref<1x640xf32, #tpu.memory_space<vmem_shared>> -> memref<640xf32, #tpu.memory_space<vmem_shared>>
      %dma_start3A_96 = arith.constant 0 : i32
      %dma_start3A_97 = tpu.memref_slice %arg7[%run_scoped3A_78, %dma_start3A_96] : memref<16x640xf32, #tpu.memory_space<vmem>> -> memref<1x640xf32, #tpu.memory_space<vmem>>
      %dma_start3A_98 = tpu.memref_squeeze %dma_start3A_97 : memref<1x640xf32, #tpu.memory_space<vmem>> -> memref<640xf32, #tpu.memory_space<vmem>>
      %dma_start3A_99 = tpu.memref_slice %arg4[%run_scoped3A_77, %mul3A_76] : memref<16x10240xf32, #tpu.memory_space<vmem_shared>> -> memref<1x640xf32, #tpu.memory_space<vmem_shared>>
      %dma_start3A_100 = tpu.memref_squeeze %dma_start3A_99 : memref<1x640xf32, #tpu.memory_space<vmem_shared>> -> memref<640xf32, #tpu.memory_space<vmem_shared>>
      tpu.enqueue_dma source(%dma_start3A_100 : memref<640xf32, #tpu.memory_space<vmem_shared>>) target(%dma_start3A_98 : memref<640xf32, #tpu.memory_space<vmem>>) target_semaphore(%run_scoped3A_91 : memref<!tpu.dma_semaphore, #tpu.memory_space<semaphore_mem>>)
      %dma_wait3A = arith.constant 0 : i32
      %dma_wait3A_101 = tpu.memref_slice %arg7[%run_scoped3A_78, %dma_wait3A] : memref<16x640xf32, #tpu.memory_space<vmem>> -> memref<1x640xf32, #tpu.memory_space<vmem>>
      %dma_wait3A_102 = tpu.memref_squeeze %dma_wait3A_101 : memref<1x640xf32, #tpu.memory_space<vmem>> -> memref<640xf32, #tpu.memory_space<vmem>>
      %dma_wait3A_103 = tpu.memref_slice %arg4[%run_scoped3A_77, %mul3A_76] : memref<16x10240xf32, #tpu.memory_space<vmem_shared>> -> memref<1x640xf32, #tpu.memory_space<vmem_shared>>
      %dma_wait3A_104 = tpu.memref_squeeze %dma_wait3A_103 : memref<1x640xf32, #tpu.memory_space<vmem_shared>> -> memref<640xf32, #tpu.memory_space<vmem_shared>>
      %dma_wait3A_105 = arith.constant 0 : i32
      %dma_wait3A_106 = tpu.memref_slice %arg7[%run_scoped3A_78, %dma_wait3A_105] : memref<16x640xf32, #tpu.memory_space<vmem>> -> memref<1x640xf32, #tpu.memory_space<vmem>>
      %dma_wait3A_107 = tpu.memref_squeeze %dma_wait3A_106 : memref<1x640xf32, #tpu.memory_space<vmem>> -> memref<640xf32, #tpu.memory_space<vmem>>
      %dma_wait3A_108 = tpu.memref_slice %arg4[%run_scoped3A_77, %mul3A_76] : memref<16x10240xf32, #tpu.memory_space<vmem_shared>> -> memref<1x640xf32, #tpu.memory_space<vmem_shared>>
      %dma_wait3A_109 = tpu.memref_squeeze %dma_wait3A_108 : memref<1x640xf32, #tpu.memory_space<vmem_shared>> -> memref<640xf32, #tpu.memory_space<vmem_shared>>
      tpu.wait_dma2 semaphore(%run_scoped3A_91 : memref<!tpu.dma_semaphore, #tpu.memory_space<semaphore_mem>>) src(%dma_wait3A_109 : memref<640xf32, #tpu.memory_space<vmem_shared>>) dst(%dma_wait3A_107 : memref<640xf32, #tpu.memory_space<vmem>>)
      tpu.yield
    }) : () -> ()
    %mul3A_79 = arith.constant 640 : i32
    %mul3A_80 = arith.muli %arg1, %mul3A_79 : i32
    %run_scoped3A_81 = arith.constant 15 : i32
    %run_scoped3A_82 = arith.constant 15 : i32
    "tpu.region"() ({
      %run_scoped3A_91 = tpu.sem_alloc : memref<!tpu.dma_semaphore, #tpu.memory_space<semaphore_mem>>
      %dma_start3A = arith.constant 0 : i32
      %dma_start3A_92 = tpu.memref_slice %arg7[%run_scoped3A_82, %dma_start3A] : memref<16x640xf32, #tpu.memory_space<vmem>> -> memref<1x640xf32, #tpu.memory_space<vmem>>
      %dma_start3A_93 = tpu.memref_squeeze %dma_start3A_92 : memref<1x640xf32, #tpu.memory_space<vmem>> -> memref<640xf32, #tpu.memory_space<vmem>>
      %dma_start3A_94 = tpu.memref_slice %arg4[%run_scoped3A_81, %mul3A_80] : memref<16x10240xf32, #tpu.memory_space<vmem_shared>> -> memref<1x640xf32, #tpu.memory_space<vmem_shared>>
      %dma_start3A_95 = tpu.memref_squeeze %dma_start3A_94 : memref<1x640xf32, #tpu.memory_space<vmem_shared>> -> memref<640xf32, #tpu.memory_space<vmem_shared>>
      %dma_start3A_96 = arith.constant 0 : i32
      %dma_start3A_97 = tpu.memref_slice %arg7[%run_scoped3A_82, %dma_start3A_96] : memref<16x640xf32, #tpu.memory_space<vmem>> -> memref<1x640xf32, #tpu.memory_space<vmem>>
      %dma_start3A_98 = tpu.memref_squeeze %dma_start3A_97 : memref<1x640xf32, #tpu.memory_space<vmem>> -> memref<640xf32, #tpu.memory_space<vmem>>
      %dma_start3A_99 = tpu.memref_slice %arg4[%run_scoped3A_81, %mul3A_80] : memref<16x10240xf32, #tpu.memory_space<vmem_shared>> -> memref<1x640xf32, #tpu.memory_space<vmem_shared>>
      %dma_start3A_100 = tpu.memref_squeeze %dma_start3A_99 : memref<1x640xf32, #tpu.memory_space<vmem_shared>> -> memref<640xf32, #tpu.memory_space<vmem_shared>>
      tpu.enqueue_dma source(%dma_start3A_100 : memref<640xf32, #tpu.memory_space<vmem_shared>>) target(%dma_start3A_98 : memref<640xf32, #tpu.memory_space<vmem>>) target_semaphore(%run_scoped3A_91 : memref<!tpu.dma_semaphore, #tpu.memory_space<semaphore_mem>>)
      %dma_wait3A = arith.constant 0 : i32
      %dma_wait3A_101 = tpu.memref_slice %arg7[%run_scoped3A_82, %dma_wait3A] : memref<16x640xf32, #tpu.memory_space<vmem>> -> memref<1x640xf32, #tpu.memory_space<vmem>>
      %dma_wait3A_102 = tpu.memref_squeeze %dma_wait3A_101 : memref<1x640xf32, #tpu.memory_space<vmem>> -> memref<640xf32, #tpu.memory_space<vmem>>
      %dma_wait3A_103 = tpu.memref_slice %arg4[%run_scoped3A_81, %mul3A_80] : memref<16x10240xf32, #tpu.memory_space<vmem_shared>> -> memref<1x640xf32, #tpu.memory_space<vmem_shared>>
      %dma_wait3A_104 = tpu.memref_squeeze %dma_wait3A_103 : memref<1x640xf32, #tpu.memory_space<vmem_shared>> -> memref<640xf32, #tpu.memory_space<vmem_shared>>
      %dma_wait3A_105 = arith.constant 0 : i32
      %dma_wait3A_106 = tpu.memref_slice %arg7[%run_scoped3A_82, %dma_wait3A_105] : memref<16x640xf32, #tpu.memory_space<vmem>> -> memref<1x640xf32, #tpu.memory_space<vmem>>
      %dma_wait3A_107 = tpu.memref_squeeze %dma_wait3A_106 : memref<1x640xf32, #tpu.memory_space<vmem>> -> memref<640xf32, #tpu.memory_space<vmem>>
      %dma_wait3A_108 = tpu.memref_slice %arg4[%run_scoped3A_81, %mul3A_80] : memref<16x10240xf32, #tpu.memory_space<vmem_shared>> -> memref<1x640xf32, #tpu.memory_space<vmem_shared>>
      %dma_wait3A_109 = tpu.memref_squeeze %dma_wait3A_108 : memref<1x640xf32, #tpu.memory_space<vmem_shared>> -> memref<640xf32, #tpu.memory_space<vmem_shared>>
      tpu.wait_dma2 semaphore(%run_scoped3A_91 : memref<!tpu.dma_semaphore, #tpu.memory_space<semaphore_mem>>) src(%dma_wait3A_109 : memref<640xf32, #tpu.memory_space<vmem_shared>>) dst(%dma_wait3A_107 : memref<640xf32, #tpu.memory_space<vmem>>)
      tpu.yield
    }) : () -> ()
    %scan3A_83 = arith.constant 0 : i32
    %scan3A_84 = arith.constant 0 : i32
    %scan3A_85 = arith.constant 40 : i32
    %scan3A_86 = arith.addi %scan3A_84, %scan3A_85 : i32
    %scan3A_87 = arith.constant 1 : i32
    scf.for %scan3A_91 = %scan3A_84 to %scan3A_86 step %scan3A_87  : i32 {
      %mul3A_92 = arith.constant 16 : i32
      %mul3A_93 = arith.muli %scan3A_91, %mul3A_92 : i32
      %get3A_94 = arith.constant 0 : i32
      %get3A_95 = arith.index_cast %get3A_94 : i32 to index
      %get3A_96 = arith.index_cast %mul3A_93 : i32 to index
      %get3A_97 = tpu.vector_load %arg7[%get3A_95, %get3A_96] {strides = array<i32>} : memref<16x640xf32, #tpu.memory_space<vmem>>, vector<16xf32>,
      %mul3A_98 = arith.constant 16 : i32
      %mul3A_99 = arith.muli %scan3A_91, %mul3A_98 : i32
      %get3A_100 = arith.constant 1 : i32
      %get3A_101 = arith.index_cast %get3A_100 : i32 to index
      %get3A_102 = arith.index_cast %mul3A_99 : i32 to index
      %get3A_103 = tpu.vector_load %arg7[%get3A_101, %get3A_102] {strides = array<i32>} : memref<16x640xf32, #tpu.memory_space<vmem>>, vector<16xf32>,
      %add3A_104 = arith.addf %get3A_97, %get3A_103 : vector<16xf32>
      %mul3A_105 = arith.constant 16 : i32
      %mul3A_106 = arith.muli %scan3A_91, %mul3A_105 : i32
      %get3A_107 = arith.constant 2 : i32
      %get3A_108 = arith.index_cast %get3A_107 : i32 to index
      %get3A_109 = arith.index_cast %mul3A_106 : i32 to index
      %get3A_110 = tpu.vector_load %arg7[%get3A_108, %get3A_109] {strides = array<i32>} : memref<16x640xf32, #tpu.memory_space<vmem>>, vector<16xf32>,
      %add3A_111 = arith.addf %add3A_104, %get3A_110 : vector<16xf32>
      %mul3A_112 = arith.constant 16 : i32
      %mul3A_113 = arith.muli %scan3A_91, %mul3A_112 : i32
      %get3A_114 = arith.constant 3 : i32
      %get3A_115 = arith.index_cast %get3A_114 : i32 to index
      %get3A_116 = arith.index_cast %mul3A_113 : i32 to index
      %get3A_117 = tpu.vector_load %arg7[%get3A_115, %get3A_116] {strides = array<i32>} : memref<16x640xf32, #tpu.memory_space<vmem>>, vector<16xf32>,
      %add3A_118 = arith.addf %add3A_111, %get3A_117 : vector<16xf32>
      %mul3A_119 = arith.constant 16 : i32
      %mul3A_120 = arith.muli %scan3A_91, %mul3A_119 : i32
      %get3A_121 = arith.constant 4 : i32
      %get3A_122 = arith.index_cast %get3A_121 : i32 to index
      %get3A_123 = arith.index_cast %mul3A_120 : i32 to index
      %get3A_124 = tpu.vector_load %arg7[%get3A_122, %get3A_123] {strides = array<i32>} : memref<16x640xf32, #tpu.memory_space<vmem>>, vector<16xf32>,
      %add3A_125 = arith.addf %add3A_118, %get3A_124 : vector<16xf32>
      %mul3A_126 = arith.constant 16 : i32
      %mul3A_127 = arith.muli %scan3A_91, %mul3A_126 : i32
      %get3A_128 = arith.constant 5 : i32
      %get3A_129 = arith.index_cast %get3A_128 : i32 to index
      %get3A_130 = arith.index_cast %mul3A_127 : i32 to index
      %get3A_131 = tpu.vector_load %arg7[%get3A_129, %get3A_130] {strides = array<i32>} : memref<16x640xf32, #tpu.memory_space<vmem>>, vector<16xf32>,
      %add3A_132 = arith.addf %add3A_125, %get3A_131 : vector<16xf32>
      %mul3A_133 = arith.constant 16 : i32
      %mul3A_134 = arith.muli %scan3A_91, %mul3A_133 : i32
      %get3A_135 = arith.constant 6 : i32
      %get3A_136 = arith.index_cast %get3A_135 : i32 to index
      %get3A_137 = arith.index_cast %mul3A_134 : i32 to index
      %get3A_138 = tpu.vector_load %arg7[%get3A_136, %get3A_137] {strides = array<i32>} : memref<16x640xf32, #tpu.memory_space<vmem>>, vector<16xf32>,
      %add3A_139 = arith.addf %add3A_132, %get3A_138 : vector<16xf32>
      %mul3A_140 = arith.constant 16 : i32
      %mul3A_141 = arith.muli %scan3A_91, %mul3A_140 : i32
      %get3A_142 = arith.constant 7 : i32
      %get3A_143 = arith.index_cast %get3A_142 : i32 to index
      %get3A_144 = arith.index_cast %mul3A_141 : i32 to index
      %get3A_145 = tpu.vector_load %arg7[%get3A_143, %get3A_144] {strides = array<i32>} : memref<16x640xf32, #tpu.memory_space<vmem>>, vector<16xf32>,
      %add3A_146 = arith.addf %add3A_139, %get3A_145 : vector<16xf32>
      %mul3A_147 = arith.constant 16 : i32
      %mul3A_148 = arith.muli %scan3A_91, %mul3A_147 : i32
      %get3A_149 = arith.constant 8 : i32
      %get3A_150 = arith.index_cast %get3A_149 : i32 to index
      %get3A_151 = arith.index_cast %mul3A_148 : i32 to index
      %get3A_152 = tpu.vector_load %arg7[%get3A_150, %get3A_151] {strides = array<i32>} : memref<16x640xf32, #tpu.memory_space<vmem>>, vector<16xf32>,
      %add3A_153 = arith.addf %add3A_146, %get3A_152 : vector<16xf32>
      %mul3A_154 = arith.constant 16 : i32
      %mul3A_155 = arith.muli %scan3A_91, %mul3A_154 : i32
      %get3A_156 = arith.constant 9 : i32
      %get3A_157 = arith.index_cast %get3A_156 : i32 to index
      %get3A_158 = arith.index_cast %mul3A_155 : i32 to index
      %get3A_159 = tpu.vector_load %arg7[%get3A_157, %get3A_158] {strides = array<i32>} : memref<16x640xf32, #tpu.memory_space<vmem>>, vector<16xf32>,
      %add3A_160 = arith.addf %add3A_153, %get3A_159 : vector<16xf32>
      %mul3A_161 = arith.constant 16 : i32
      %mul3A_162 = arith.muli %scan3A_91, %mul3A_161 : i32
      %get3A_163 = arith.constant 10 : i32
      %get3A_164 = arith.index_cast %get3A_163 : i32 to index
      %get3A_165 = arith.index_cast %mul3A_162 : i32 to index
      %get3A_166 = tpu.vector_load %arg7[%get3A_164, %get3A_165] {strides = array<i32>} : memref<16x640xf32, #tpu.memory_space<vmem>>, vector<16xf32>,
      %add3A_167 = arith.addf %add3A_160, %get3A_166 : vector<16xf32>
      %mul3A_168 = arith.constant 16 : i32
      %mul3A_169 = arith.muli %scan3A_91, %mul3A_168 : i32
      %get3A_170 = arith.constant 11 : i32
      %get3A_171 = arith.index_cast %get3A_170 : i32 to index
      %get3A_172 = arith.index_cast %mul3A_169 : i32 to index
      %get3A_173 = tpu.vector_load %arg7[%get3A_171, %get3A_172] {strides = array<i32>} : memref<16x640xf32, #tpu.memory_space<vmem>>, vector<16xf32>,
      %add3A_174 = arith.addf %add3A_167, %get3A_173 : vector<16xf32>
      %mul3A_175 = arith.constant 16 : i32
      %mul3A_176 = arith.muli %scan3A_91, %mul3A_175 : i32
      %get3A_177 = arith.constant 12 : i32
      %get3A_178 = arith.index_cast %get3A_177 : i32 to index
      %get3A_179 = arith.index_cast %mul3A_176 : i32 to index
      %get3A_180 = tpu.vector_load %arg7[%get3A_178, %get3A_179] {strides = array<i32>} : memref<16x640xf32, #tpu.memory_space<vmem>>, vector<16xf32>,
      %add3A_181 = arith.addf %add3A_174, %get3A_180 : vector<16xf32>
      %mul3A_182 = arith.constant 16 : i32
      %mul3A_183 = arith.muli %scan3A_91, %mul3A_182 : i32
      %get3A_184 = arith.constant 13 : i32
      %get3A_185 = arith.index_cast %get3A_184 : i32 to index
      %get3A_186 = arith.index_cast %mul3A_183 : i32 to index
      %get3A_187 = tpu.vector_load %arg7[%get3A_185, %get3A_186] {strides = array<i32>} : memref<16x640xf32, #tpu.memory_space<vmem>>, vector<16xf32>,
      %add3A_188 = arith.addf %add3A_181, %get3A_187 : vector<16xf32>
      %mul3A_189 = arith.constant 16 : i32
      %mul3A_190 = arith.muli %scan3A_91, %mul3A_189 : i32
      %get3A_191 = arith.constant 14 : i32
      %get3A_192 = arith.index_cast %get3A_191 : i32 to index
      %get3A_193 = arith.index_cast %mul3A_190 : i32 to index
      %get3A_194 = tpu.vector_load %arg7[%get3A_192, %get3A_193] {strides = array<i32>} : memref<16x640xf32, #tpu.memory_space<vmem>>, vector<16xf32>,
      %add3A_195 = arith.addf %add3A_188, %get3A_194 : vector<16xf32>
      %mul3A_196 = arith.constant 16 : i32
      %mul3A_197 = arith.muli %scan3A_91, %mul3A_196 : i32
      %get3A_198 = arith.constant 15 : i32
      %get3A_199 = arith.index_cast %get3A_198 : i32 to index
      %get3A_200 = arith.index_cast %mul3A_197 : i32 to index
      %get3A_201 = tpu.vector_load %arg7[%get3A_199, %get3A_200] {strides = array<i32>} : memref<16x640xf32, #tpu.memory_space<vmem>>, vector<16xf32>,
      %add3A_202 = arith.addf %add3A_195, %get3A_201 : vector<16xf32>
      %mul3A_203 = arith.constant 16 : i32
      %mul3A_204 = arith.muli %scan3A_91, %mul3A_203 : i32
      %swap3A_205 = arith.index_cast %mul3A_204 : i32 to index
      %swap3A_206 = tpu.vector_load %arg8[%swap3A_205] {strides = array<i32>} : memref<640xf32, #tpu.memory_space<vmem>>, vector<16xf32>,
      tpu.vector_store %arg8[%swap3A_205], %add3A_202 {strides = array<i32>} : memref<640xf32, #tpu.memory_space<vmem>>, vector<16xf32>,
    }
    %scan3A_88 = arith.constant 40 : i32
    %mul3A_89 = arith.constant 640 : i32
    %mul3A_90 = arith.muli %arg1, %mul3A_89 : i32
    "tpu.region"() ({
      %run_scoped3A_91 = tpu.sem_alloc : memref<!tpu.dma_semaphore, #tpu.memory_space<semaphore_mem>>
      %dma_start3A = tpu.memref_slice %arg3[%arg0, %mul3A_90] : memref<2x10240xf32, #tpu.memory_space<hbm>> -> memref<1x640xf32, #tpu.memory_space<hbm>>
      %dma_start3A_92 = tpu.memref_squeeze %dma_start3A : memref<1x640xf32, #tpu.memory_space<hbm>> -> memref<640xf32, #tpu.memory_space<hbm>>
      %dma_start3A_93 = tpu.memref_slice %arg3[%arg0, %mul3A_90] : memref<2x10240xf32, #tpu.memory_space<hbm>> -> memref<1x640xf32, #tpu.memory_space<hbm>>
      %dma_start3A_94 = tpu.memref_squeeze %dma_start3A_93 : memref<1x640xf32, #tpu.memory_space<hbm>> -> memref<640xf32, #tpu.memory_space<hbm>>
      tpu.enqueue_dma source(%arg8 : memref<640xf32, #tpu.memory_space<vmem>>) target(%dma_start3A_94 : memref<640xf32, #tpu.memory_space<hbm>>) target_semaphore(%run_scoped3A_91 : memref<!tpu.dma_semaphore, #tpu.memory_space<semaphore_mem>>)
      %dma_wait3A = tpu.memref_slice %arg3[%arg0, %mul3A_90] : memref<2x10240xf32, #tpu.memory_space<hbm>> -> memref<1x640xf32, #tpu.memory_space<hbm>>
      %dma_wait3A_95 = tpu.memref_squeeze %dma_wait3A : memref<1x640xf32, #tpu.memory_space<hbm>> -> memref<640xf32, #tpu.memory_space<hbm>>
      %dma_wait3A_96 = tpu.memref_slice %arg3[%arg0, %mul3A_90] : memref<2x10240xf32, #tpu.memory_space<hbm>> -> memref<1x640xf32, #tpu.memory_space<hbm>>
      %dma_wait3A_97 = tpu.memref_squeeze %dma_wait3A_96 : memref<1x640xf32, #tpu.memory_space<hbm>> -> memref<640xf32, #tpu.memory_space<hbm>>
      tpu.wait_dma2 semaphore(%run_scoped3A_91 : memref<!tpu.dma_semaphore, #tpu.memory_space<semaphore_mem>>) src(%arg8 : memref<640xf32, #tpu.memory_space<vmem>>) dst(%dma_wait3A_97 : memref<640xf32, #tpu.memory_space<hbm>>)
      tpu.yield
    }) : () -> ()
    return
  }
}

#map = affine_map<(d0, d1) -> (0, 0)>
#map1 = affine_map<(d0, d1) -> (0, 0, 0, 0, 0)>
module attributes {stable_mosaic.version = 14 : i64} {
  func.func @_round_body(%arg0: i32, %arg1: i32, %arg2: memref<20000x128xf32, #tpu.memory_space<hbm>>, %arg3: memref<2x16x125x2x80xi32, #tpu.memory_space<hbm>>, %arg4: memref<632x128xf32, #tpu.memory_space<hbm>>, %arg5: memref<20224x128xf32, #tpu.memory_space<hbm>>, %arg6: memref<10112x128xf32, #tpu.memory_space<vmem_shared>>, %arg7: memref<1x2x80xi32, #tpu.memory_space<vmem>>, %arg8: memref<1x2x80xi32, #tpu.memory_space<vmem>>, %arg9: memref<1x2x80xi32, #tpu.memory_space<vmem>>, %arg10: memref<1x2x80xi32, #tpu.memory_space<vmem>>, %arg11: memref<80x128xf32, #tpu.memory_space<vmem>>, %arg12: memref<80x128xf32, #tpu.memory_space<vmem>>, %arg13: memref<!tpu.dma_semaphore, #tpu.memory_space<semaphore_mem>>, %arg14: memref<!tpu.dma_semaphore, #tpu.memory_space<semaphore_mem>>, %arg15: memref<!tpu.dma_semaphore, #tpu.memory_space<semaphore_mem>>, %arg16: memref<!tpu.dma_semaphore, #tpu.memory_space<semaphore_mem>>, %arg17: memref<!tpu.dma_semaphore, #tpu.memory_space<semaphore_mem>>, %arg18: memref<!tpu.dma_semaphore, #tpu.memory_space<semaphore_mem>>, %arg19: memref<!tpu.dma_semaphore, #tpu.memory_space<semaphore_mem>>, %arg20: memref<!tpu.dma_semaphore, #tpu.memory_space<semaphore_mem>>) attributes {dimension_semantics = [#tpu.dimension_semantics<core_parallel>, #tpu.dimension_semantics<subcore_parallel>], iteration_bounds = array<i64: 2, 16>, scalar_prefetch = 0 : i64, scratch_operands = 15 : i64, tpu.core_type = #tpu.core_type<sc_vector_subcore>, window_params = [{transform_indices = #map}, {transform_indices = #map1}, {transform_indices = #map}, {transform_indices = #map}]} {
    %mul3A = arith.constant 632 : i32
    %mul3A_0 = arith.muli %arg1, %mul3A : i32
    "tpu.region"() ({
      %run_scoped3A = tpu.sem_alloc : memref<!tpu.dma_semaphore, #tpu.memory_space<semaphore_mem>>
      %dma_start3A_251 = arith.constant 0 : i32
      %dma_start3A_252 = tpu.memref_slice %arg6[%mul3A_0, %dma_start3A_251] : memref<10112x128xf32, #tpu.memory_space<vmem_shared>> -> memref<632x128xf32, #tpu.memory_space<vmem_shared>>
      tpu.enqueue_dma source(%arg4 : memref<632x128xf32, #tpu.memory_space<hbm>>) target(%dma_start3A_252 : memref<632x128xf32, #tpu.memory_space<vmem_shared>>) target_semaphore(%run_scoped3A : memref<!tpu.dma_semaphore, #tpu.memory_space<semaphore_mem>>)
      %dma_wait3A_253 = arith.constant 0 : i32
      %dma_wait3A_254 = tpu.memref_slice %arg6[%mul3A_0, %dma_wait3A_253] : memref<10112x128xf32, #tpu.memory_space<vmem_shared>> -> memref<632x128xf32, #tpu.memory_space<vmem_shared>>
      tpu.wait_dma2 semaphore(%run_scoped3A : memref<!tpu.dma_semaphore, #tpu.memory_space<semaphore_mem>>) src(%arg4 : memref<632x128xf32, #tpu.memory_space<hbm>>) dst(%dma_wait3A_254 : memref<632x128xf32, #tpu.memory_space<vmem_shared>>)
      tpu.yield
    }) : () -> ()
    %barrier3A = arith.constant 0 : index
    tpu.barrier barrier_id(%barrier3A)
    "tpu.region"() ({
      %run_scoped3A = tpu.sem_alloc : memref<!tpu.dma_semaphore, #tpu.memory_space<semaphore_mem>>
      %dma_start3A_251 = arith.constant 0 : i32
      %dma_start3A_252 = arith.constant 0 : i32
      %dma_start3A_253 = arith.constant 0 : i32
      %dma_start3A_254 = tpu.memref_slice %arg3[%arg0, %arg1, %dma_start3A_251, %dma_start3A_252, %dma_start3A_253] : memref<2x16x125x2x80xi32, #tpu.memory_space<hbm>> -> memref<1x1x1x2x80xi32, #tpu.memory_space<hbm>>
      %dma_start3A_255 = tpu.memref_squeeze %dma_start3A_254 : memref<1x1x1x2x80xi32, #tpu.memory_space<hbm>> -> memref<1x2x80xi32, #tpu.memory_space<hbm>>
      %dma_start3A_256 = arith.constant 0 : i32
      %dma_start3A_257 = arith.constant 0 : i32
      %dma_start3A_258 = arith.constant 0 : i32
      %dma_start3A_259 = tpu.memref_slice %arg3[%arg0, %arg1, %dma_start3A_256, %dma_start3A_257, %dma_start3A_258] : memref<2x16x125x2x80xi32, #tpu.memory_space<hbm>> -> memref<1x1x1x2x80xi32, #tpu.memory_space<hbm>>
      %dma_start3A_260 = tpu.memref_squeeze %dma_start3A_259 : memref<1x1x1x2x80xi32, #tpu.memory_space<hbm>> -> memref<1x2x80xi32, #tpu.memory_space<hbm>>
      tpu.enqueue_dma source(%dma_start3A_260 : memref<1x2x80xi32, #tpu.memory_space<hbm>>) target(%arg7 : memref<1x2x80xi32, #tpu.memory_space<vmem>>) target_semaphore(%run_scoped3A : memref<!tpu.dma_semaphore, #tpu.memory_space<semaphore_mem>>)
      %dma_wait3A_261 = arith.constant 0 : i32
      %dma_wait3A_262 = arith.constant 0 : i32
      %dma_wait3A_263 = arith.constant 0 : i32
      %dma_wait3A_264 = tpu.memref_slice %arg3[%arg0, %arg1, %dma_wait3A_261, %dma_wait3A_262, %dma_wait3A_263] : memref<2x16x125x2x80xi32, #tpu.memory_space<hbm>> -> memref<1x1x1x2x80xi32, #tpu.memory_space<hbm>>
      %dma_wait3A_265 = tpu.memref_squeeze %dma_wait3A_264 : memref<1x1x1x2x80xi32, #tpu.memory_space<hbm>> -> memref<1x2x80xi32, #tpu.memory_space<hbm>>
      %dma_wait3A_266 = arith.constant 0 : i32
      %dma_wait3A_267 = arith.constant 0 : i32
      %dma_wait3A_268 = arith.constant 0 : i32
      %dma_wait3A_269 = tpu.memref_slice %arg3[%arg0, %arg1, %dma_wait3A_266, %dma_wait3A_267, %dma_wait3A_268] : memref<2x16x125x2x80xi32, #tpu.memory_space<hbm>> -> memref<1x1x1x2x80xi32, #tpu.memory_space<hbm>>
      %dma_wait3A_270 = tpu.memref_squeeze %dma_wait3A_269 : memref<1x1x1x2x80xi32, #tpu.memory_space<hbm>> -> memref<1x2x80xi32, #tpu.memory_space<hbm>>
      tpu.wait_dma2 semaphore(%run_scoped3A : memref<!tpu.dma_semaphore, #tpu.memory_space<semaphore_mem>>) src(%dma_wait3A_270 : memref<1x2x80xi32, #tpu.memory_space<hbm>>) dst(%arg7 : memref<1x2x80xi32, #tpu.memory_space<vmem>>)
      tpu.yield
    }) : () -> ()
    %dma_start3A = arith.constant 0 : i32
    %dma_start3A_1 = arith.constant 0 : i32
    %dma_start3A_2 = arith.constant 0 : i32
    %dma_start3A_3 = tpu.memref_slice %arg7[%dma_start3A, %dma_start3A_1, %dma_start3A_2] : memref<1x2x80xi32, #tpu.memory_space<vmem>> -> memref<1x1x80xi32, #tpu.memory_space<vmem>>
    %dma_start3A_4 = tpu.memref_squeeze %dma_start3A_3 : memref<1x1x80xi32, #tpu.memory_space<vmem>> -> memref<80xi32, #tpu.memory_space<vmem>>
    %dma_start3A_5 = arith.constant 0 : i32
    %dma_start3A_6 = arith.constant 0 : i32
    %dma_start3A_7 = tpu.memref_slice %arg2[%dma_start3A_5, %dma_start3A_6] : memref<20000x128xf32, #tpu.memory_space<hbm>> -> memref<20000x128xf32, #tpu.memory_space<hbm>>
    tpu.enqueue_indirect_dma source(%dma_start3A_7 : memref<20000x128xf32, #tpu.memory_space<hbm>>) target(%arg11 : memref<80x128xf32, #tpu.memory_space<vmem>>) offsets(%dma_start3A_4 : memref<80xi32, #tpu.memory_space<vmem>>) semaphore(%arg13 : memref<!tpu.dma_semaphore, #tpu.memory_space<semaphore_mem>>)
    %dma_start3A_8 = arith.constant 1 : i32
    %dma_start3A_9 = arith.constant 0 : i32
    %dma_start3A_10 = arith.constant 0 : i32
    %dma_start3A_11 = tpu.memref_slice %arg3[%arg0, %arg1, %dma_start3A_8, %dma_start3A_9, %dma_start3A_10] : memref<2x16x125x2x80xi32, #tpu.memory_space<hbm>> -> memref<1x1x1x2x80xi32, #tpu.memory_space<hbm>>
    %dma_start3A_12 = tpu.memref_squeeze %dma_start3A_11 : memref<1x1x1x2x80xi32, #tpu.memory_space<hbm>> -> memref<1x2x80xi32, #tpu.memory_space<hbm>>
    %dma_start3A_13 = arith.constant 1 : i32
    %dma_start3A_14 = arith.constant 0 : i32
    %dma_start3A_15 = arith.constant 0 : i32
    %dma_start3A_16 = tpu.memref_slice %arg3[%arg0, %arg1, %dma_start3A_13, %dma_start3A_14, %dma_start3A_15] : memref<2x16x125x2x80xi32, #tpu.memory_space<hbm>> -> memref<1x1x1x2x80xi32, #tpu.memory_space<hbm>>
    %dma_start3A_17 = tpu.memref_squeeze %dma_start3A_16 : memref<1x1x1x2x80xi32, #tpu.memory_space<hbm>> -> memref<1x2x80xi32, #tpu.memory_space<hbm>>
    tpu.enqueue_dma source(%dma_start3A_17 : memref<1x2x80xi32, #tpu.memory_space<hbm>>) target(%arg8 : memref<1x2x80xi32, #tpu.memory_space<vmem>>) target_semaphore(%arg18 : memref<!tpu.dma_semaphore, #tpu.memory_space<semaphore_mem>>)
    %dma_wait3A = arith.constant 0 : i32
    %dma_wait3A_18 = arith.constant 0 : i32
    %dma_wait3A_19 = arith.constant 0 : i32
    %dma_wait3A_20 = tpu.memref_slice %arg7[%dma_wait3A, %dma_wait3A_18, %dma_wait3A_19] : memref<1x2x80xi32, #tpu.memory_space<vmem>> -> memref<1x1x80xi32, #tpu.memory_space<vmem>>
    %dma_wait3A_21 = tpu.memref_squeeze %dma_wait3A_20 : memref<1x1x80xi32, #tpu.memory_space<vmem>> -> memref<80xi32, #tpu.memory_space<vmem>>
    %dma_wait3A_22 = arith.constant 0 : i32
    %dma_wait3A_23 = arith.constant 0 : i32
    %dma_wait3A_24 = tpu.memref_slice %arg2[%dma_wait3A_22, %dma_wait3A_23] : memref<20000x128xf32, #tpu.memory_space<hbm>> -> memref<20000x128xf32, #tpu.memory_space<hbm>>
    tpu.wait_indirect_dma semaphore(%arg13 : memref<!tpu.dma_semaphore, #tpu.memory_space<semaphore_mem>>) src(%dma_wait3A_24 : memref<20000x128xf32, #tpu.memory_space<hbm>>) dst(%arg11 : memref<80x128xf32, #tpu.memory_space<vmem>>)
    %dma_wait3A_25 = arith.constant 1 : i32
    %dma_wait3A_26 = arith.constant 0 : i32
    %dma_wait3A_27 = arith.constant 0 : i32
    %dma_wait3A_28 = tpu.memref_slice %arg3[%arg0, %arg1, %dma_wait3A_25, %dma_wait3A_26, %dma_wait3A_27] : memref<2x16x125x2x80xi32, #tpu.memory_space<hbm>> -> memref<1x1x1x2x80xi32, #tpu.memory_space<hbm>>
    %dma_wait3A_29 = tpu.memref_squeeze %dma_wait3A_28 : memref<1x1x1x2x80xi32, #tpu.memory_space<hbm>> -> memref<1x2x80xi32, #tpu.memory_space<hbm>>
    %dma_wait3A_30 = arith.constant 1 : i32
    %dma_wait3A_31 = arith.constant 0 : i32
    %dma_wait3A_32 = arith.constant 0 : i32
    %dma_wait3A_33 = tpu.memref_slice %arg3[%arg0, %arg1, %dma_wait3A_30, %dma_wait3A_31, %dma_wait3A_32] : memref<2x16x125x2x80xi32, #tpu.memory_space<hbm>> -> memref<1x1x1x2x80xi32, #tpu.memory_space<hbm>>
    %dma_wait3A_34 = tpu.memref_squeeze %dma_wait3A_33 : memref<1x1x1x2x80xi32, #tpu.memory_space<hbm>> -> memref<1x2x80xi32, #tpu.memory_space<hbm>>
    tpu.wait_dma2 semaphore(%arg18 : memref<!tpu.dma_semaphore, #tpu.memory_space<semaphore_mem>>) src(%dma_wait3A_34 : memref<1x2x80xi32, #tpu.memory_space<hbm>>) dst(%arg8 : memref<1x2x80xi32, #tpu.memory_space<vmem>>)
    %dma_start3A_35 = arith.constant 0 : i32
    %dma_start3A_36 = arith.constant 0 : i32
    %dma_start3A_37 = arith.constant 0 : i32
    %dma_start3A_38 = tpu.memref_slice %arg8[%dma_start3A_35, %dma_start3A_36, %dma_start3A_37] : memref<1x2x80xi32, #tpu.memory_space<vmem>> -> memref<1x1x80xi32, #tpu.memory_space<vmem>>
    %dma_start3A_39 = tpu.memref_squeeze %dma_start3A_38 : memref<1x1x80xi32, #tpu.memory_space<vmem>> -> memref<80xi32, #tpu.memory_space<vmem>>
    %dma_start3A_40 = arith.constant 0 : i32
    %dma_start3A_41 = arith.constant 0 : i32
    %dma_start3A_42 = tpu.memref_slice %arg2[%dma_start3A_40, %dma_start3A_41] : memref<20000x128xf32, #tpu.memory_space<hbm>> -> memref<20000x128xf32, #tpu.memory_space<hbm>>
    tpu.enqueue_indirect_dma source(%dma_start3A_42 : memref<20000x128xf32, #tpu.memory_space<hbm>>) target(%arg12 : memref<80x128xf32, #tpu.memory_space<vmem>>) offsets(%dma_start3A_39 : memref<80xi32, #tpu.memory_space<vmem>>) semaphore(%arg14 : memref<!tpu.dma_semaphore, #tpu.memory_space<semaphore_mem>>)
    %dma_start3A_43 = arith.constant 0 : i32
    %dma_start3A_44 = arith.constant 1 : i32
    %dma_start3A_45 = arith.constant 0 : i32
    %dma_start3A_46 = tpu.memref_slice %arg7[%dma_start3A_43, %dma_start3A_44, %dma_start3A_45] : memref<1x2x80xi32, #tpu.memory_space<vmem>> -> memref<1x1x80xi32, #tpu.memory_space<vmem>>
    %dma_start3A_47 = tpu.memref_squeeze %dma_start3A_46 : memref<1x1x80xi32, #tpu.memory_space<vmem>> -> memref<80xi32, #tpu.memory_space<vmem>>
    %dma_start3A_48 = arith.constant 0 : i32
    %dma_start3A_49 = arith.constant 0 : i32
    %dma_start3A_50 = tpu.memref_slice %arg6[%dma_start3A_48, %dma_start3A_49] : memref<10112x128xf32, #tpu.memory_space<vmem_shared>> -> memref<10112x128xf32, #tpu.memory_space<vmem_shared>>
    tpu.enqueue_indirect_dma source(%arg11 : memref<80x128xf32, #tpu.memory_space<vmem>>) target(%dma_start3A_50 : memref<10112x128xf32, #tpu.memory_space<vmem_shared>>) offsets(%dma_start3A_47 : memref<80xi32, #tpu.memory_space<vmem>>) semaphore(%arg15 : memref<!tpu.dma_semaphore, #tpu.memory_space<semaphore_mem>>) {add = true}
    %dma_start3A_51 = arith.constant 2 : i32
    %dma_start3A_52 = arith.constant 0 : i32
    %dma_start3A_53 = arith.constant 0 : i32
    %dma_start3A_54 = tpu.memref_slice %arg3[%arg0, %arg1, %dma_start3A_51, %dma_start3A_52, %dma_start3A_53] : memref<2x16x125x2x80xi32, #tpu.memory_space<hbm>> -> memref<1x1x1x2x80xi32, #tpu.memory_space<hbm>>
    %dma_start3A_55 = tpu.memref_squeeze %dma_start3A_54 : memref<1x1x1x2x80xi32, #tpu.memory_space<hbm>> -> memref<1x2x80xi32, #tpu.memory_space<hbm>>
    %dma_start3A_56 = arith.constant 2 : i32
    %dma_start3A_57 = arith.constant 0 : i32
    %dma_start3A_58 = arith.constant 0 : i32
    %dma_start3A_59 = tpu.memref_slice %arg3[%arg0, %arg1, %dma_start3A_56, %dma_start3A_57, %dma_start3A_58] : memref<2x16x125x2x80xi32, #tpu.memory_space<hbm>> -> memref<1x1x1x2x80xi32, #tpu.memory_space<hbm>>
    %dma_start3A_60 = tpu.memref_squeeze %dma_start3A_59 : memref<1x1x1x2x80xi32, #tpu.memory_space<hbm>> -> memref<1x2x80xi32, #tpu.memory_space<hbm>>
    tpu.enqueue_dma source(%dma_start3A_60 : memref<1x2x80xi32, #tpu.memory_space<hbm>>) target(%arg9 : memref<1x2x80xi32, #tpu.memory_space<vmem>>) target_semaphore(%arg19 : memref<!tpu.dma_semaphore, #tpu.memory_space<semaphore_mem>>)
    %dma_wait3A_61 = arith.constant 0 : i32
    %dma_wait3A_62 = arith.constant 0 : i32
    %dma_wait3A_63 = arith.constant 0 : i32
    %dma_wait3A_64 = tpu.memref_slice %arg8[%dma_wait3A_61, %dma_wait3A_62, %dma_wait3A_63] : memref<1x2x80xi32, #tpu.memory_space<vmem>> -> memref<1x1x80xi32, #tpu.memory_space<vmem>>
    %dma_wait3A_65 = tpu.memref_squeeze %dma_wait3A_64 : memref<1x1x80xi32, #tpu.memory_space<vmem>> -> memref<80xi32, #tpu.memory_space<vmem>>
    %dma_wait3A_66 = arith.constant 0 : i32
    %dma_wait3A_67 = arith.constant 0 : i32
    %dma_wait3A_68 = tpu.memref_slice %arg2[%dma_wait3A_66, %dma_wait3A_67] : memref<20000x128xf32, #tpu.memory_space<hbm>> -> memref<20000x128xf32, #tpu.memory_space<hbm>>
    tpu.wait_indirect_dma semaphore(%arg14 : memref<!tpu.dma_semaphore, #tpu.memory_space<semaphore_mem>>) src(%dma_wait3A_68 : memref<20000x128xf32, #tpu.memory_space<hbm>>) dst(%arg12 : memref<80x128xf32, #tpu.memory_space<vmem>>)
    %dma_wait3A_69 = arith.constant 2 : i32
    %dma_wait3A_70 = arith.constant 0 : i32
    %dma_wait3A_71 = arith.constant 0 : i32
    %dma_wait3A_72 = tpu.memref_slice %arg3[%arg0, %arg1, %dma_wait3A_69, %dma_wait3A_70, %dma_wait3A_71] : memref<2x16x125x2x80xi32, #tpu.memory_space<hbm>> -> memref<1x1x1x2x80xi32, #tpu.memory_space<hbm>>
    %dma_wait3A_73 = tpu.memref_squeeze %dma_wait3A_72 : memref<1x1x1x2x80xi32, #tpu.memory_space<hbm>> -> memref<1x2x80xi32, #tpu.memory_space<hbm>>
    %dma_wait3A_74 = arith.constant 2 : i32
    %dma_wait3A_75 = arith.constant 0 : i32
    %dma_wait3A_76 = arith.constant 0 : i32
    %dma_wait3A_77 = tpu.memref_slice %arg3[%arg0, %arg1, %dma_wait3A_74, %dma_wait3A_75, %dma_wait3A_76] : memref<2x16x125x2x80xi32, #tpu.memory_space<hbm>> -> memref<1x1x1x2x80xi32, #tpu.memory_space<hbm>>
    %dma_wait3A_78 = tpu.memref_squeeze %dma_wait3A_77 : memref<1x1x1x2x80xi32, #tpu.memory_space<hbm>> -> memref<1x2x80xi32, #tpu.memory_space<hbm>>
    tpu.wait_dma2 semaphore(%arg19 : memref<!tpu.dma_semaphore, #tpu.memory_space<semaphore_mem>>) src(%dma_wait3A_78 : memref<1x2x80xi32, #tpu.memory_space<hbm>>) dst(%arg9 : memref<1x2x80xi32, #tpu.memory_space<vmem>>)
    %dma_wait3A_79 = arith.constant 0 : i32
    %dma_wait3A_80 = arith.constant 1 : i32
    %dma_wait3A_81 = arith.constant 0 : i32
    %dma_wait3A_82 = tpu.memref_slice %arg7[%dma_wait3A_79, %dma_wait3A_80, %dma_wait3A_81] : memref<1x2x80xi32, #tpu.memory_space<vmem>> -> memref<1x1x80xi32, #tpu.memory_space<vmem>>
    %dma_wait3A_83 = tpu.memref_squeeze %dma_wait3A_82 : memref<1x1x80xi32, #tpu.memory_space<vmem>> -> memref<80xi32, #tpu.memory_space<vmem>>
    %dma_wait3A_84 = arith.constant 0 : i32
    %dma_wait3A_85 = arith.constant 0 : i32
    %dma_wait3A_86 = tpu.memref_slice %arg6[%dma_wait3A_84, %dma_wait3A_85] : memref<10112x128xf32, #tpu.memory_space<vmem_shared>> -> memref<10112x128xf32, #tpu.memory_space<vmem_shared>>
    tpu.wait_indirect_dma semaphore(%arg15 : memref<!tpu.dma_semaphore, #tpu.memory_space<semaphore_mem>>) src(%arg11 : memref<80x128xf32, #tpu.memory_space<vmem>>) dst(%dma_wait3A_86 : memref<10112x128xf32, #tpu.memory_space<vmem_shared>>)
    %dma_start3A_87 = arith.constant 0 : i32
    %dma_start3A_88 = arith.constant 0 : i32
    %dma_start3A_89 = arith.constant 0 : i32
    %dma_start3A_90 = tpu.memref_slice %arg9[%dma_start3A_87, %dma_start3A_88, %dma_start3A_89] : memref<1x2x80xi32, #tpu.memory_space<vmem>> -> memref<1x1x80xi32, #tpu.memory_space<vmem>>
    %dma_start3A_91 = tpu.memref_squeeze %dma_start3A_90 : memref<1x1x80xi32, #tpu.memory_space<vmem>> -> memref<80xi32, #tpu.memory_space<vmem>>
    %dma_start3A_92 = arith.constant 0 : i32
    %dma_start3A_93 = arith.constant 0 : i32
    %dma_start3A_94 = tpu.memref_slice %arg2[%dma_start3A_92, %dma_start3A_93] : memref<20000x128xf32, #tpu.memory_space<hbm>> -> memref<20000x128xf32, #tpu.memory_space<hbm>>
    tpu.enqueue_indirect_dma source(%dma_start3A_94 : memref<20000x128xf32, #tpu.memory_space<hbm>>) target(%arg11 : memref<80x128xf32, #tpu.memory_space<vmem>>) offsets(%dma_start3A_91 : memref<80xi32, #tpu.memory_space<vmem>>) semaphore(%arg13 : memref<!tpu.dma_semaphore, #tpu.memory_space<semaphore_mem>>)
    %dma_start3A_95 = arith.constant 0 : i32
    %dma_start3A_96 = arith.constant 1 : i32
    %dma_start3A_97 = arith.constant 0 : i32
    %dma_start3A_98 = tpu.memref_slice %arg8[%dma_start3A_95, %dma_start3A_96, %dma_start3A_97] : memref<1x2x80xi32, #tpu.memory_space<vmem>> -> memref<1x1x80xi32, #tpu.memory_space<vmem>>
    %dma_start3A_99 = tpu.memref_squeeze %dma_start3A_98 : memref<1x1x80xi32, #tpu.memory_space<vmem>> -> memref<80xi32, #tpu.memory_space<vmem>>
    %dma_start3A_100 = arith.constant 0 : i32
    %dma_start3A_101 = arith.constant 0 : i32
    %dma_start3A_102 = tpu.memref_slice %arg6[%dma_start3A_100, %dma_start3A_101] : memref<10112x128xf32, #tpu.memory_space<vmem_shared>> -> memref<10112x128xf32, #tpu.memory_space<vmem_shared>>
    tpu.enqueue_indirect_dma source(%arg12 : memref<80x128xf32, #tpu.memory_space<vmem>>) target(%dma_start3A_102 : memref<10112x128xf32, #tpu.memory_space<vmem_shared>>) offsets(%dma_start3A_99 : memref<80xi32, #tpu.memory_space<vmem>>) semaphore(%arg16 : memref<!tpu.dma_semaphore, #tpu.memory_space<semaphore_mem>>) {add = true}
    %dma_start3A_103 = arith.constant 3 : i32
    %dma_start3A_104 = arith.constant 0 : i32
    %dma_start3A_105 = arith.constant 0 : i32
    %dma_start3A_106 = tpu.memref_slice %arg3[%arg0, %arg1, %dma_start3A_103, %dma_start3A_104, %dma_start3A_105] : memref<2x16x125x2x80xi32, #tpu.memory_space<hbm>> -> memref<1x1x1x2x80xi32, #tpu.memory_space<hbm>>
    %dma_start3A_107 = tpu.memref_squeeze %dma_start3A_106 : memref<1x1x1x2x80xi32, #tpu.memory_space<hbm>> -> memref<1x2x80xi32, #tpu.memory_space<hbm>>
    %dma_start3A_108 = arith.constant 3 : i32
    %dma_start3A_109 = arith.constant 0 : i32
    %dma_start3A_110 = arith.constant 0 : i32
    %dma_start3A_111 = tpu.memref_slice %arg3[%arg0, %arg1, %dma_start3A_108, %dma_start3A_109, %dma_start3A_110] : memref<2x16x125x2x80xi32, #tpu.memory_space<hbm>> -> memref<1x1x1x2x80xi32, #tpu.memory_space<hbm>>
    %dma_start3A_112 = tpu.memref_squeeze %dma_start3A_111 : memref<1x1x1x2x80xi32, #tpu.memory_space<hbm>> -> memref<1x2x80xi32, #tpu.memory_space<hbm>>
    tpu.enqueue_dma source(%dma_start3A_112 : memref<1x2x80xi32, #tpu.memory_space<hbm>>) target(%arg10 : memref<1x2x80xi32, #tpu.memory_space<vmem>>) target_semaphore(%arg20 : memref<!tpu.dma_semaphore, #tpu.memory_space<semaphore_mem>>)
    %scan3A = arith.constant 0 : i32
    %scan3A_113 = arith.constant 0 : i32
    %scan3A_114 = arith.constant 30 : i32
    %scan3A_115 = arith.addi %scan3A_113, %scan3A_114 : i32
    %scan3A_116 = arith.constant 1 : i32
    scf.for %scan3A_251 = %scan3A_113 to %scan3A_115 step %scan3A_116  : i32 {
      %mul3A_252 = arith.constant 4 : i32
      %mul3A_253 = arith.muli %mul3A_252, %scan3A_251 : i32
      %add3A_254 = arith.constant 2 : i32
      %add3A_255 = arith.addi %mul3A_253, %add3A_254 : i32
      %dma_wait3A_256 = arith.constant 0 : i32
      %dma_wait3A_257 = arith.constant 0 : i32
      %dma_wait3A_258 = arith.constant 0 : i32
      %dma_wait3A_259 = tpu.memref_slice %arg9[%dma_wait3A_256, %dma_wait3A_257, %dma_wait3A_258] : memref<1x2x80xi32, #tpu.memory_space<vmem>> -> memref<1x1x80xi32, #tpu.memory_space<vmem>>
      %dma_wait3A_260 = tpu.memref_squeeze %dma_wait3A_259 : memref<1x1x80xi32, #tpu.memory_space<vmem>> -> memref<80xi32, #tpu.memory_space<vmem>>
      %dma_wait3A_261 = arith.constant 0 : i32
      %dma_wait3A_262 = arith.constant 0 : i32
      %dma_wait3A_263 = tpu.memref_slice %arg2[%dma_wait3A_261, %dma_wait3A_262] : memref<20000x128xf32, #tpu.memory_space<hbm>> -> memref<20000x128xf32, #tpu.memory_space<hbm>>
      tpu.wait_indirect_dma semaphore(%arg13 : memref<!tpu.dma_semaphore, #tpu.memory_space<semaphore_mem>>) src(%dma_wait3A_263 : memref<20000x128xf32, #tpu.memory_space<hbm>>) dst(%arg11 : memref<80x128xf32, #tpu.memory_space<vmem>>)
      %add3A_264 = arith.constant 1 : i32
      %add3A_265 = arith.addi %add3A_255, %add3A_264 : i32
      %dma_wait3A_266 = arith.constant 0 : i32
      %dma_wait3A_267 = arith.constant 0 : i32
      %dma_wait3A_268 = tpu.memref_slice %arg3[%arg0, %arg1, %add3A_265, %dma_wait3A_266, %dma_wait3A_267] : memref<2x16x125x2x80xi32, #tpu.memory_space<hbm>> -> memref<1x1x1x2x80xi32, #tpu.memory_space<hbm>>
      %dma_wait3A_269 = tpu.memref_squeeze %dma_wait3A_268 : memref<1x1x1x2x80xi32, #tpu.memory_space<hbm>> -> memref<1x2x80xi32, #tpu.memory_space<hbm>>
      %dma_wait3A_270 = arith.constant 0 : i32
      %dma_wait3A_271 = arith.constant 0 : i32
      %dma_wait3A_272 = tpu.memref_slice %arg3[%arg0, %arg1, %add3A_265, %dma_wait3A_270, %dma_wait3A_271] : memref<2x16x125x2x80xi32, #tpu.memory_space<hbm>> -> memref<1x1x1x2x80xi32, #tpu.memory_space<hbm>>
      %dma_wait3A_273 = tpu.memref_squeeze %dma_wait3A_272 : memref<1x1x1x2x80xi32, #tpu.memory_space<hbm>> -> memref<1x2x80xi32, #tpu.memory_space<hbm>>
      tpu.wait_dma2 semaphore(%arg20 : memref<!tpu.dma_semaphore, #tpu.memory_space<semaphore_mem>>) src(%dma_wait3A_273 : memref<1x2x80xi32, #tpu.memory_space<hbm>>) dst(%arg10 : memref<1x2x80xi32, #tpu.memory_space<vmem>>)
      %dma_wait3A_274 = arith.constant 0 : i32
      %dma_wait3A_275 = arith.constant 1 : i32
      %dma_wait3A_276 = arith.constant 0 : i32
      %dma_wait3A_277 = tpu.memref_slice %arg8[%dma_wait3A_274, %dma_wait3A_275, %dma_wait3A_276] : memref<1x2x80xi32, #tpu.memory_space<vmem>> -> memref<1x1x80xi32, #tpu.memory_space<vmem>>
      %dma_wait3A_278 = tpu.memref_squeeze %dma_wait3A_277 : memref<1x1x80xi32, #tpu.memory_space<vmem>> -> memref<80xi32, #tpu.memory_space<vmem>>
      %dma_wait3A_279 = arith.constant 0 : i32
      %dma_wait3A_280 = arith.constant 0 : i32
      %dma_wait3A_281 = tpu.memref_slice %arg6[%dma_wait3A_279, %dma_wait3A_280] : memref<10112x128xf32, #tpu.memory_space<vmem_shared>> -> memref<10112x128xf32, #tpu.memory_space<vmem_shared>>
      tpu.wait_indirect_dma semaphore(%arg16 : memref<!tpu.dma_semaphore, #tpu.memory_space<semaphore_mem>>) src(%arg12 : memref<80x128xf32, #tpu.memory_space<vmem>>) dst(%dma_wait3A_281 : memref<10112x128xf32, #tpu.memory_space<vmem_shared>>)
      %dma_start3A_282 = arith.constant 0 : i32
      %dma_start3A_283 = arith.constant 0 : i32
      %dma_start3A_284 = arith.constant 0 : i32
      %dma_start3A_285 = tpu.memref_slice %arg10[%dma_start3A_282, %dma_start3A_283, %dma_start3A_284] : memref<1x2x80xi32, #tpu.memory_space<vmem>> -> memref<1x1x80xi32, #tpu.memory_space<vmem>>
      %dma_start3A_286 = tpu.memref_squeeze %dma_start3A_285 : memref<1x1x80xi32, #tpu.memory_space<vmem>> -> memref<80xi32, #tpu.memory_space<vmem>>
      %dma_start3A_287 = arith.constant 0 : i32
      %dma_start3A_288 = arith.constant 0 : i32
      %dma_start3A_289 = tpu.memref_slice %arg2[%dma_start3A_287, %dma_start3A_288] : memref<20000x128xf32, #tpu.memory_space<hbm>> -> memref<20000x128xf32, #tpu.memory_space<hbm>>
      tpu.enqueue_indirect_dma source(%dma_start3A_289 : memref<20000x128xf32, #tpu.memory_space<hbm>>) target(%arg12 : memref<80x128xf32, #tpu.memory_space<vmem>>) offsets(%dma_start3A_286 : memref<80xi32, #tpu.memory_space<vmem>>) semaphore(%arg14 : memref<!tpu.dma_semaphore, #tpu.memory_space<semaphore_mem>>)
      %dma_start3A_290 = arith.constant 0 : i32
      %dma_start3A_291 = arith.constant 1 : i32
      %dma_start3A_292 = arith.constant 0 : i32
      %dma_start3A_293 = tpu.memref_slice %arg9[%dma_start3A_290, %dma_start3A_291, %dma_start3A_292] : memref<1x2x80xi32, #tpu.memory_space<vmem>> -> memref<1x1x80xi32, #tpu.memory_space<vmem>>
      %dma_start3A_294 = tpu.memref_squeeze %dma_start3A_293 : memref<1x1x80xi32, #tpu.memory_space<vmem>> -> memref<80xi32, #tpu.memory_space<vmem>>
      %dma_start3A_295 = arith.constant 0 : i32
      %dma_start3A_296 = arith.constant 0 : i32
      %dma_start3A_297 = tpu.memref_slice %arg6[%dma_start3A_295, %dma_start3A_296] : memref<10112x128xf32, #tpu.memory_space<vmem_shared>> -> memref<10112x128xf32, #tpu.memory_space<vmem_shared>>
      tpu.enqueue_indirect_dma source(%arg11 : memref<80x128xf32, #tpu.memory_space<vmem>>) target(%dma_start3A_297 : memref<10112x128xf32, #tpu.memory_space<vmem_shared>>) offsets(%dma_start3A_294 : memref<80xi32, #tpu.memory_space<vmem>>) semaphore(%arg15 : memref<!tpu.dma_semaphore, #tpu.memory_space<semaphore_mem>>) {add = true}
      %add3A_298 = arith.constant 2 : i32
      %add3A_299 = arith.addi %add3A_255, %add3A_298 : i32
      %dma_start3A_300 = arith.constant 0 : i32
      %dma_start3A_301 = arith.constant 0 : i32
      %dma_start3A_302 = tpu.memref_slice %arg3[%arg0, %arg1, %add3A_299, %dma_start3A_300, %dma_start3A_301] : memref<2x16x125x2x80xi32, #tpu.memory_space<hbm>> -> memref<1x1x1x2x80xi32, #tpu.memory_space<hbm>>
      %dma_start3A_303 = tpu.memref_squeeze %dma_start3A_302 : memref<1x1x1x2x80xi32, #tpu.memory_space<hbm>> -> memref<1x2x80xi32, #tpu.memory_space<hbm>>
      %dma_start3A_304 = arith.constant 0 : i32
      %dma_start3A_305 = arith.constant 0 : i32
      %dma_start3A_306 = tpu.memref_slice %arg3[%arg0, %arg1, %add3A_299, %dma_start3A_304, %dma_start3A_305] : memref<2x16x125x2x80xi32, #tpu.memory_space<hbm>> -> memref<1x1x1x2x80xi32, #tpu.memory_space<hbm>>
      %dma_start3A_307 = tpu.memref_squeeze %dma_start3A_306 : memref<1x1x1x2x80xi32, #tpu.memory_space<hbm>> -> memref<1x2x80xi32, #tpu.memory_space<hbm>>
      tpu.enqueue_dma source(%dma_start3A_307 : memref<1x2x80xi32, #tpu.memory_space<hbm>>) target(%arg7 : memref<1x2x80xi32, #tpu.memory_space<vmem>>) target_semaphore(%arg17 : memref<!tpu.dma_semaphore, #tpu.memory_space<semaphore_mem>>)
      %add3A_308 = arith.constant 1 : i32
      %add3A_309 = arith.addi %add3A_255, %add3A_308 : i32
      %dma_wait3A_310 = arith.constant 0 : i32
      %dma_wait3A_311 = arith.constant 0 : i32
      %dma_wait3A_312 = arith.constant 0 : i32
      %dma_wait3A_313 = tpu.memref_slice %arg10[%dma_wait3A_310, %dma_wait3A_311, %dma_wait3A_312] : memref<1x2x80xi32, #tpu.memory_space<vmem>> -> memref<1x1x80xi32, #tpu.memory_space<vmem>>
      %dma_wait3A_314 = tpu.memref_squeeze %dma_wait3A_313 : memref<1x1x80xi32, #tpu.memory_space<vmem>> -> memref<80xi32, #tpu.memory_space<vmem>>
      %dma_wait3A_315 = arith.constant 0 : i32
      %dma_wait3A_316 = arith.constant 0 : i32
      %dma_wait3A_317 = tpu.memref_slice %arg2[%dma_wait3A_315, %dma_wait3A_316] : memref<20000x128xf32, #tpu.memory_space<hbm>> -> memref<20000x128xf32, #tpu.memory_space<hbm>>
      tpu.wait_indirect_dma semaphore(%arg14 : memref<!tpu.dma_semaphore, #tpu.memory_space<semaphore_mem>>) src(%dma_wait3A_317 : memref<20000x128xf32, #tpu.memory_space<hbm>>) dst(%arg12 : memref<80x128xf32, #tpu.memory_space<vmem>>)
      %add3A_318 = arith.constant 1 : i32
      %add3A_319 = arith.addi %add3A_309, %add3A_318 : i32
      %dma_wait3A_320 = arith.constant 0 : i32
      %dma_wait3A_321 = arith.constant 0 : i32
      %dma_wait3A_322 = tpu.memref_slice %arg3[%arg0, %arg1, %add3A_319, %dma_wait3A_320, %dma_wait3A_321] : memref<2x16x125x2x80xi32, #tpu.memory_space<hbm>> -> memref<1x1x1x2x80xi32, #tpu.memory_space<hbm>>
      %dma_wait3A_323 = tpu.memref_squeeze %dma_wait3A_322 : memref<1x1x1x2x80xi32, #tpu.memory_space<hbm>> -> memref<1x2x80xi32, #tpu.memory_space<hbm>>
      %dma_wait3A_324 = arith.constant 0 : i32
      %dma_wait3A_325 = arith.constant 0 : i32
      %dma_wait3A_326 = tpu.memref_slice %arg3[%arg0, %arg1, %add3A_319, %dma_wait3A_324, %dma_wait3A_325] : memref<2x16x125x2x80xi32, #tpu.memory_space<hbm>> -> memref<1x1x1x2x80xi32, #tpu.memory_space<hbm>>
      %dma_wait3A_327 = tpu.memref_squeeze %dma_wait3A_326 : memref<1x1x1x2x80xi32, #tpu.memory_space<hbm>> -> memref<1x2x80xi32, #tpu.memory_space<hbm>>
      tpu.wait_dma2 semaphore(%arg17 : memref<!tpu.dma_semaphore, #tpu.memory_space<semaphore_mem>>) src(%dma_wait3A_327 : memref<1x2x80xi32, #tpu.memory_space<hbm>>) dst(%arg7 : memref<1x2x80xi32, #tpu.memory_space<vmem>>)
      %dma_wait3A_328 = arith.constant 0 : i32
      %dma_wait3A_329 = arith.constant 1 : i32
      %dma_wait3A_330 = arith.constant 0 : i32
      %dma_wait3A_331 = tpu.memref_slice %arg9[%dma_wait3A_328, %dma_wait3A_329, %dma_wait3A_330] : memref<1x2x80xi32, #tpu.memory_space<vmem>> -> memref<1x1x80xi32, #tpu.memory_space<vmem>>
      %dma_wait3A_332 = tpu.memref_squeeze %dma_wait3A_331 : memref<1x1x80xi32, #tpu.memory_space<vmem>> -> memref<80xi32, #tpu.memory_space<vmem>>
      %dma_wait3A_333 = arith.constant 0 : i32
      %dma_wait3A_334 = arith.constant 0 : i32
      %dma_wait3A_335 = tpu.memref_slice %arg6[%dma_wait3A_333, %dma_wait3A_334] : memref<10112x128xf32, #tpu.memory_space<vmem_shared>> -> memref<10112x128xf32, #tpu.memory_space<vmem_shared>>
      tpu.wait_indirect_dma semaphore(%arg15 : memref<!tpu.dma_semaphore, #tpu.memory_space<semaphore_mem>>) src(%arg11 : memref<80x128xf32, #tpu.memory_space<vmem>>) dst(%dma_wait3A_335 : memref<10112x128xf32, #tpu.memory_space<vmem_shared>>)
      %dma_start3A_336 = arith.constant 0 : i32
      %dma_start3A_337 = arith.constant 0 : i32
      %dma_start3A_338 = arith.constant 0 : i32
      %dma_start3A_339 = tpu.memref_slice %arg7[%dma_start3A_336, %dma_start3A_337, %dma_start3A_338] : memref<1x2x80xi32, #tpu.memory_space<vmem>> -> memref<1x1x80xi32, #tpu.memory_space<vmem>>
      %dma_start3A_340 = tpu.memref_squeeze %dma_start3A_339 : memref<1x1x80xi32, #tpu.memory_space<vmem>> -> memref<80xi32, #tpu.memory_space<vmem>>
      %dma_start3A_341 = arith.constant 0 : i32
      %dma_start3A_342 = arith.constant 0 : i32
      %dma_start3A_343 = tpu.memref_slice %arg2[%dma_start3A_341, %dma_start3A_342] : memref<20000x128xf32, #tpu.memory_space<hbm>> -> memref<20000x128xf32, #tpu.memory_space<hbm>>
      tpu.enqueue_indirect_dma source(%dma_start3A_343 : memref<20000x128xf32, #tpu.memory_space<hbm>>) target(%arg11 : memref<80x128xf32, #tpu.memory_space<vmem>>) offsets(%dma_start3A_340 : memref<80xi32, #tpu.memory_space<vmem>>) semaphore(%arg13 : memref<!tpu.dma_semaphore, #tpu.memory_space<semaphore_mem>>)
      %dma_start3A_344 = arith.constant 0 : i32
      %dma_start3A_345 = arith.constant 1 : i32
      %dma_start3A_346 = arith.constant 0 : i32
      %dma_start3A_347 = tpu.memref_slice %arg10[%dma_start3A_344, %dma_start3A_345, %dma_start3A_346] : memref<1x2x80xi32, #tpu.memory_space<vmem>> -> memref<1x1x80xi32, #tpu.memory_space<vmem>>
      %dma_start3A_348 = tpu.memref_squeeze %dma_start3A_347 : memref<1x1x80xi32, #tpu.memory_space<vmem>> -> memref<80xi32, #tpu.memory_space<vmem>>
      %dma_start3A_349 = arith.constant 0 : i32
      %dma_start3A_350 = arith.constant 0 : i32
      %dma_start3A_351 = tpu.memref_slice %arg6[%dma_start3A_349, %dma_start3A_350] : memref<10112x128xf32, #tpu.memory_space<vmem_shared>> -> memref<10112x128xf32, #tpu.memory_space<vmem_shared>>
      tpu.enqueue_indirect_dma source(%arg12 : memref<80x128xf32, #tpu.memory_space<vmem>>) target(%dma_start3A_351 : memref<10112x128xf32, #tpu.memory_space<vmem_shared>>) offsets(%dma_start3A_348 : memref<80xi32, #tpu.memory_space<vmem>>) semaphore(%arg16 : memref<!tpu.dma_semaphore, #tpu.memory_space<semaphore_mem>>) {add = true}
      %add3A_352 = arith.constant 2 : i32
      %add3A_353 = arith.addi %add3A_309, %add3A_352 : i32
      %dma_start3A_354 = arith.constant 0 : i32
      %dma_start3A_355 = arith.constant 0 : i32
      %dma_start3A_356 = tpu.memref_slice %arg3[%arg0, %arg1, %add3A_353, %dma_start3A_354, %dma_start3A_355] : memref<2x16x125x2x80xi32, #tpu.memory_space<hbm>> -> memref<1x1x1x2x80xi32, #tpu.memory_space<hbm>>
      %dma_start3A_357 = tpu.memref_squeeze %dma_start3A_356 : memref<1x1x1x2x80xi32, #tpu.memory_space<hbm>> -> memref<1x2x80xi32, #tpu.memory_space<hbm>>
      %dma_start3A_358 = arith.constant 0 : i32
      %dma_start3A_359 = arith.constant 0 : i32
      %dma_start3A_360 = tpu.memref_slice %arg3[%arg0, %arg1, %add3A_353, %dma_start3A_358, %dma_start3A_359] : memref<2x16x125x2x80xi32, #tpu.memory_space<hbm>> -> memref<1x1x1x2x80xi32, #tpu.memory_space<hbm>>
      %dma_start3A_361 = tpu.memref_squeeze %dma_start3A_360 : memref<1x1x1x2x80xi32, #tpu.memory_space<hbm>> -> memref<1x2x80xi32, #tpu.memory_space<hbm>>
      tpu.enqueue_dma source(%dma_start3A_361 : memref<1x2x80xi32, #tpu.memory_space<hbm>>) target(%arg8 : memref<1x2x80xi32, #tpu.memory_space<vmem>>) target_semaphore(%arg18 : memref<!tpu.dma_semaphore, #tpu.memory_space<semaphore_mem>>)
      %add3A_362 = arith.constant 2 : i32
      %add3A_363 = arith.addi %add3A_255, %add3A_362 : i32
      %dma_wait3A_364 = arith.constant 0 : i32
      %dma_wait3A_365 = arith.constant 0 : i32
      %dma_wait3A_366 = arith.constant 0 : i32
      %dma_wait3A_367 = tpu.memref_slice %arg7[%dma_wait3A_364, %dma_wait3A_365, %dma_wait3A_366] : memref<1x2x80xi32, #tpu.memory_space<vmem>> -> memref<1x1x80xi32, #tpu.memory_space<vmem>>
      %dma_wait3A_368 = tpu.memref_squeeze %dma_wait3A_367 : memref<1x1x80xi32, #tpu.memory_space<vmem>> -> memref<80xi32, #tpu.memory_space<vmem>>
      %dma_wait3A_369 = arith.constant 0 : i32
      %dma_wait3A_370 = arith.constant 0 : i32
      %dma_wait3A_371 = tpu.memref_slice %arg2[%dma_wait3A_369, %dma_wait3A_370] : memref<20000x128xf32, #tpu.memory_space<hbm>> -> memref<20000x128xf32, #tpu.memory_space<hbm>>
      tpu.wait_indirect_dma semaphore(%arg13 : memref<!tpu.dma_semaphore, #tpu.memory_space<semaphore_mem>>) src(%dma_wait3A_371 : memref<20000x128xf32, #tpu.memory_space<hbm>>) dst(%arg11 : memref<80x128xf32, #tpu.memory_space<vmem>>)
      %add3A_372 = arith.constant 1 : i32
      %add3A_373 = arith.addi %add3A_363, %add3A_372 : i32
      %dma_wait3A_374 = arith.constant 0 : i32
      %dma_wait3A_375 = arith.constant 0 : i32
      %dma_wait3A_376 = tpu.memref_slice %arg3[%arg0, %arg1, %add3A_373, %dma_wait3A_374, %dma_wait3A_375] : memref<2x16x125x2x80xi32, #tpu.memory_space<hbm>> -> memref<1x1x1x2x80xi32, #tpu.memory_space<hbm>>
      %dma_wait3A_377 = tpu.memref_squeeze %dma_wait3A_376 : memref<1x1x1x2x80xi32, #tpu.memory_space<hbm>> -> memref<1x2x80xi32, #tpu.memory_space<hbm>>
      %dma_wait3A_378 = arith.constant 0 : i32
      %dma_wait3A_379 = arith.constant 0 : i32
      %dma_wait3A_380 = tpu.memref_slice %arg3[%arg0, %arg1, %add3A_373, %dma_wait3A_378, %dma_wait3A_379] : memref<2x16x125x2x80xi32, #tpu.memory_space<hbm>> -> memref<1x1x1x2x80xi32, #tpu.memory_space<hbm>>
      %dma_wait3A_381 = tpu.memref_squeeze %dma_wait3A_380 : memref<1x1x1x2x80xi32, #tpu.memory_space<hbm>> -> memref<1x2x80xi32, #tpu.memory_space<hbm>>
      tpu.wait_dma2 semaphore(%arg18 : memref<!tpu.dma_semaphore, #tpu.memory_space<semaphore_mem>>) src(%dma_wait3A_381 : memref<1x2x80xi32, #tpu.memory_space<hbm>>) dst(%arg8 : memref<1x2x80xi32, #tpu.memory_space<vmem>>)
      %dma_wait3A_382 = arith.constant 0 : i32
      %dma_wait3A_383 = arith.constant 1 : i32
      %dma_wait3A_384 = arith.constant 0 : i32
      %dma_wait3A_385 = tpu.memref_slice %arg10[%dma_wait3A_382, %dma_wait3A_383, %dma_wait3A_384] : memref<1x2x80xi32, #tpu.memory_space<vmem>> -> memref<1x1x80xi32, #tpu.memory_space<vmem>>
      %dma_wait3A_386 = tpu.memref_squeeze %dma_wait3A_385 : memref<1x1x80xi32, #tpu.memory_space<vmem>> -> memref<80xi32, #tpu.memory_space<vmem>>
      %dma_wait3A_387 = arith.constant 0 : i32
      %dma_wait3A_388 = arith.constant 0 : i32
      %dma_wait3A_389 = tpu.memref_slice %arg6[%dma_wait3A_387, %dma_wait3A_388] : memref<10112x128xf32, #tpu.memory_space<vmem_shared>> -> memref<10112x128xf32, #tpu.memory_space<vmem_shared>>
      tpu.wait_indirect_dma semaphore(%arg16 : memref<!tpu.dma_semaphore, #tpu.memory_space<semaphore_mem>>) src(%arg12 : memref<80x128xf32, #tpu.memory_space<vmem>>) dst(%dma_wait3A_389 : memref<10112x128xf32, #tpu.memory_space<vmem_shared>>)
      %dma_start3A_390 = arith.constant 0 : i32
      %dma_start3A_391 = arith.constant 0 : i32
      %dma_start3A_392 = arith.constant 0 : i32
      %dma_start3A_393 = tpu.memref_slice %arg8[%dma_start3A_390, %dma_start3A_391, %dma_start3A_392] : memref<1x2x80xi32, #tpu.memory_space<vmem>> -> memref<1x1x80xi32, #tpu.memory_space<vmem>>
      %dma_start3A_394 = tpu.memref_squeeze %dma_start3A_393 : memref<1x1x80xi32, #tpu.memory_space<vmem>> -> memref<80xi32, #tpu.memory_space<vmem>>
      %dma_start3A_395 = arith.constant 0 : i32
      %dma_start3A_396 = arith.constant 0 : i32
      %dma_start3A_397 = tpu.memref_slice %arg2[%dma_start3A_395, %dma_start3A_396] : memref<20000x128xf32, #tpu.memory_space<hbm>> -> memref<20000x128xf32, #tpu.memory_space<hbm>>
      tpu.enqueue_indirect_dma source(%dma_start3A_397 : memref<20000x128xf32, #tpu.memory_space<hbm>>) target(%arg12 : memref<80x128xf32, #tpu.memory_space<vmem>>) offsets(%dma_start3A_394 : memref<80xi32, #tpu.memory_space<vmem>>) semaphore(%arg14 : memref<!tpu.dma_semaphore, #tpu.memory_space<semaphore_mem>>)
      %dma_start3A_398 = arith.constant 0 : i32
      %dma_start3A_399 = arith.constant 1 : i32
      %dma_start3A_400 = arith.constant 0 : i32
      %dma_start3A_401 = tpu.memref_slice %arg7[%dma_start3A_398, %dma_start3A_399, %dma_start3A_400] : memref<1x2x80xi32, #tpu.memory_space<vmem>> -> memref<1x1x80xi32, #tpu.memory_space<vmem>>
      %dma_start3A_402 = tpu.memref_squeeze %dma_start3A_401 : memref<1x1x80xi32, #tpu.memory_space<vmem>> -> memref<80xi32, #tpu.memory_space<vmem>>
      %dma_start3A_403 = arith.constant 0 : i32
      %dma_start3A_404 = arith.constant 0 : i32
      %dma_start3A_405 = tpu.memref_slice %arg6[%dma_start3A_403, %dma_start3A_404] : memref<10112x128xf32, #tpu.memory_space<vmem_shared>> -> memref<10112x128xf32, #tpu.memory_space<vmem_shared>>
      tpu.enqueue_indirect_dma source(%arg11 : memref<80x128xf32, #tpu.memory_space<vmem>>) target(%dma_start3A_405 : memref<10112x128xf32, #tpu.memory_space<vmem_shared>>) offsets(%dma_start3A_402 : memref<80xi32, #tpu.memory_space<vmem>>) semaphore(%arg15 : memref<!tpu.dma_semaphore, #tpu.memory_space<semaphore_mem>>) {add = true}
      %add3A_406 = arith.constant 2 : i32
      %add3A_407 = arith.addi %add3A_363, %add3A_406 : i32
      %dma_start3A_408 = arith.constant 0 : i32
      %dma_start3A_409 = arith.constant 0 : i32
      %dma_start3A_410 = tpu.memref_slice %arg3[%arg0, %arg1, %add3A_407, %dma_start3A_408, %dma_start3A_409] : memref<2x16x125x2x80xi32, #tpu.memory_space<hbm>> -> memref<1x1x1x2x80xi32, #tpu.memory_space<hbm>>
      %dma_start3A_411 = tpu.memref_squeeze %dma_start3A_410 : memref<1x1x1x2x80xi32, #tpu.memory_space<hbm>> -> memref<1x2x80xi32, #tpu.memory_space<hbm>>
      %dma_start3A_412 = arith.constant 0 : i32
      %dma_start3A_413 = arith.constant 0 : i32
      %dma_start3A_414 = tpu.memref_slice %arg3[%arg0, %arg1, %add3A_407, %dma_start3A_412, %dma_start3A_413] : memref<2x16x125x2x80xi32, #tpu.memory_space<hbm>> -> memref<1x1x1x2x80xi32, #tpu.memory_space<hbm>>
      %dma_start3A_415 = tpu.memref_squeeze %dma_start3A_414 : memref<1x1x1x2x80xi32, #tpu.memory_space<hbm>> -> memref<1x2x80xi32, #tpu.memory_space<hbm>>
      tpu.enqueue_dma source(%dma_start3A_415 : memref<1x2x80xi32, #tpu.memory_space<hbm>>) target(%arg9 : memref<1x2x80xi32, #tpu.memory_space<vmem>>) target_semaphore(%arg19 : memref<!tpu.dma_semaphore, #tpu.memory_space<semaphore_mem>>)
      %add3A_416 = arith.constant 3 : i32
      %add3A_417 = arith.addi %add3A_255, %add3A_416 : i32
      %dma_wait3A_418 = arith.constant 0 : i32
      %dma_wait3A_419 = arith.constant 0 : i32
      %dma_wait3A_420 = arith.constant 0 : i32
      %dma_wait3A_421 = tpu.memref_slice %arg8[%dma_wait3A_418, %dma_wait3A_419, %dma_wait3A_420] : memref<1x2x80xi32, #tpu.memory_space<vmem>> -> memref<1x1x80xi32, #tpu.memory_space<vmem>>
      %dma_wait3A_422 = tpu.memref_squeeze %dma_wait3A_421 : memref<1x1x80xi32, #tpu.memory_space<vmem>> -> memref<80xi32, #tpu.memory_space<vmem>>
      %dma_wait3A_423 = arith.constant 0 : i32
      %dma_wait3A_424 = arith.constant 0 : i32
      %dma_wait3A_425 = tpu.memref_slice %arg2[%dma_wait3A_423, %dma_wait3A_424] : memref<20000x128xf32, #tpu.memory_space<hbm>> -> memref<20000x128xf32, #tpu.memory_space<hbm>>
      tpu.wait_indirect_dma semaphore(%arg14 : memref<!tpu.dma_semaphore, #tpu.memory_space<semaphore_mem>>) src(%dma_wait3A_425 : memref<20000x128xf32, #tpu.memory_space<hbm>>) dst(%arg12 : memref<80x128xf32, #tpu.memory_space<vmem>>)
      %add3A_426 = arith.constant 1 : i32
      %add3A_427 = arith.addi %add3A_417, %add3A_426 : i32
      %dma_wait3A_428 = arith.constant 0 : i32
      %dma_wait3A_429 = arith.constant 0 : i32
      %dma_wait3A_430 = tpu.memref_slice %arg3[%arg0, %arg1, %add3A_427, %dma_wait3A_428, %dma_wait3A_429] : memref<2x16x125x2x80xi32, #tpu.memory_space<hbm>> -> memref<1x1x1x2x80xi32, #tpu.memory_space<hbm>>
      %dma_wait3A_431 = tpu.memref_squeeze %dma_wait3A_430 : memref<1x1x1x2x80xi32, #tpu.memory_space<hbm>> -> memref<1x2x80xi32, #tpu.memory_space<hbm>>
      %dma_wait3A_432 = arith.constant 0 : i32
      %dma_wait3A_433 = arith.constant 0 : i32
      %dma_wait3A_434 = tpu.memref_slice %arg3[%arg0, %arg1, %add3A_427, %dma_wait3A_432, %dma_wait3A_433] : memref<2x16x125x2x80xi32, #tpu.memory_space<hbm>> -> memref<1x1x1x2x80xi32, #tpu.memory_space<hbm>>
      %dma_wait3A_435 = tpu.memref_squeeze %dma_wait3A_434 : memref<1x1x1x2x80xi32, #tpu.memory_space<hbm>> -> memref<1x2x80xi32, #tpu.memory_space<hbm>>
      tpu.wait_dma2 semaphore(%arg19 : memref<!tpu.dma_semaphore, #tpu.memory_space<semaphore_mem>>) src(%dma_wait3A_435 : memref<1x2x80xi32, #tpu.memory_space<hbm>>) dst(%arg9 : memref<1x2x80xi32, #tpu.memory_space<vmem>>)
      %dma_wait3A_436 = arith.constant 0 : i32
      %dma_wait3A_437 = arith.constant 1 : i32
      %dma_wait3A_438 = arith.constant 0 : i32
      %dma_wait3A_439 = tpu.memref_slice %arg7[%dma_wait3A_436, %dma_wait3A_437, %dma_wait3A_438] : memref<1x2x80xi32, #tpu.memory_space<vmem>> -> memref<1x1x80xi32, #tpu.memory_space<vmem>>
      %dma_wait3A_440 = tpu.memref_squeeze %dma_wait3A_439 : memref<1x1x80xi32, #tpu.memory_space<vmem>> -> memref<80xi32, #tpu.memory_space<vmem>>
      %dma_wait3A_441 = arith.constant 0 : i32
      %dma_wait3A_442 = arith.constant 0 : i32
      %dma_wait3A_443 = tpu.memref_slice %arg6[%dma_wait3A_441, %dma_wait3A_442] : memref<10112x128xf32, #tpu.memory_space<vmem_shared>> -> memref<10112x128xf32, #tpu.memory_space<vmem_shared>>
      tpu.wait_indirect_dma semaphore(%arg15 : memref<!tpu.dma_semaphore, #tpu.memory_space<semaphore_mem>>) src(%arg11 : memref<80x128xf32, #tpu.memory_space<vmem>>) dst(%dma_wait3A_443 : memref<10112x128xf32, #tpu.memory_space<vmem_shared>>)
      %dma_start3A_444 = arith.constant 0 : i32
      %dma_start3A_445 = arith.constant 0 : i32
      %dma_start3A_446 = arith.constant 0 : i32
      %dma_start3A_447 = tpu.memref_slice %arg9[%dma_start3A_444, %dma_start3A_445, %dma_start3A_446] : memref<1x2x80xi32, #tpu.memory_space<vmem>> -> memref<1x1x80xi32, #tpu.memory_space<vmem>>
      %dma_start3A_448 = tpu.memref_squeeze %dma_start3A_447 : memref<1x1x80xi32, #tpu.memory_space<vmem>> -> memref<80xi32, #tpu.memory_space<vmem>>
      %dma_start3A_449 = arith.constant 0 : i32
      %dma_start3A_450 = arith.constant 0 : i32
      %dma_start3A_451 = tpu.memref_slice %arg2[%dma_start3A_449, %dma_start3A_450] : memref<20000x128xf32, #tpu.memory_space<hbm>> -> memref<20000x128xf32, #tpu.memory_space<hbm>>
      tpu.enqueue_indirect_dma source(%dma_start3A_451 : memref<20000x128xf32, #tpu.memory_space<hbm>>) target(%arg11 : memref<80x128xf32, #tpu.memory_space<vmem>>) offsets(%dma_start3A_448 : memref<80xi32, #tpu.memory_space<vmem>>) semaphore(%arg13 : memref<!tpu.dma_semaphore, #tpu.memory_space<semaphore_mem>>)
      %dma_start3A_452 = arith.constant 0 : i32
      %dma_start3A_453 = arith.constant 1 : i32
      %dma_start3A_454 = arith.constant 0 : i32
      %dma_start3A_455 = tpu.memref_slice %arg8[%dma_start3A_452, %dma_start3A_453, %dma_start3A_454] : memref<1x2x80xi32, #tpu.memory_space<vmem>> -> memref<1x1x80xi32, #tpu.memory_space<vmem>>
      %dma_start3A_456 = tpu.memref_squeeze %dma_start3A_455 : memref<1x1x80xi32, #tpu.memory_space<vmem>> -> memref<80xi32, #tpu.memory_space<vmem>>
      %dma_start3A_457 = arith.constant 0 : i32
      %dma_start3A_458 = arith.constant 0 : i32
      %dma_start3A_459 = tpu.memref_slice %arg6[%dma_start3A_457, %dma_start3A_458] : memref<10112x128xf32, #tpu.memory_space<vmem_shared>> -> memref<10112x128xf32, #tpu.memory_space<vmem_shared>>
      tpu.enqueue_indirect_dma source(%arg12 : memref<80x128xf32, #tpu.memory_space<vmem>>) target(%dma_start3A_459 : memref<10112x128xf32, #tpu.memory_space<vmem_shared>>) offsets(%dma_start3A_456 : memref<80xi32, #tpu.memory_space<vmem>>) semaphore(%arg16 : memref<!tpu.dma_semaphore, #tpu.memory_space<semaphore_mem>>) {add = true}
      %add3A_460 = arith.constant 2 : i32
      %add3A_461 = arith.addi %add3A_417, %add3A_460 : i32
      %dma_start3A_462 = arith.constant 0 : i32
      %dma_start3A_463 = arith.constant 0 : i32
      %dma_start3A_464 = tpu.memref_slice %arg3[%arg0, %arg1, %add3A_461, %dma_start3A_462, %dma_start3A_463] : memref<2x16x125x2x80xi32, #tpu.memory_space<hbm>> -> memref<1x1x1x2x80xi32, #tpu.memory_space<hbm>>
      %dma_start3A_465 = tpu.memref_squeeze %dma_start3A_464 : memref<1x1x1x2x80xi32, #tpu.memory_space<hbm>> -> memref<1x2x80xi32, #tpu.memory_space<hbm>>
      %dma_start3A_466 = arith.constant 0 : i32
      %dma_start3A_467 = arith.constant 0 : i32
      %dma_start3A_468 = tpu.memref_slice %arg3[%arg0, %arg1, %add3A_461, %dma_start3A_466, %dma_start3A_467] : memref<2x16x125x2x80xi32, #tpu.memory_space<hbm>> -> memref<1x1x1x2x80xi32, #tpu.memory_space<hbm>>
      %dma_start3A_469 = tpu.memref_squeeze %dma_start3A_468 : memref<1x1x1x2x80xi32, #tpu.memory_space<hbm>> -> memref<1x2x80xi32, #tpu.memory_space<hbm>>
      tpu.enqueue_dma source(%dma_start3A_469 : memref<1x2x80xi32, #tpu.memory_space<hbm>>) target(%arg10 : memref<1x2x80xi32, #tpu.memory_space<vmem>>) target_semaphore(%arg20 : memref<!tpu.dma_semaphore, #tpu.memory_space<semaphore_mem>>)
    }
    %scan3A_117 = arith.constant 30 : i32
    %dma_wait3A_118 = arith.constant 0 : i32
    %dma_wait3A_119 = arith.constant 0 : i32
    %dma_wait3A_120 = arith.constant 0 : i32
    %dma_wait3A_121 = tpu.memref_slice %arg9[%dma_wait3A_118, %dma_wait3A_119, %dma_wait3A_120] : memref<1x2x80xi32, #tpu.memory_space<vmem>> -> memref<1x1x80xi32, #tpu.memory_space<vmem>>
    %dma_wait3A_122 = tpu.memref_squeeze %dma_wait3A_121 : memref<1x1x80xi32, #tpu.memory_space<vmem>> -> memref<80xi32, #tpu.memory_space<vmem>>
    %dma_wait3A_123 = arith.constant 0 : i32
    %dma_wait3A_124 = arith.constant 0 : i32
    %dma_wait3A_125 = tpu.memref_slice %arg2[%dma_wait3A_123, %dma_wait3A_124] : memref<20000x128xf32, #tpu.memory_space<hbm>> -> memref<20000x128xf32, #tpu.memory_space<hbm>>
    tpu.wait_indirect_dma semaphore(%arg13 : memref<!tpu.dma_semaphore, #tpu.memory_space<semaphore_mem>>) src(%dma_wait3A_125 : memref<20000x128xf32, #tpu.memory_space<hbm>>) dst(%arg11 : memref<80x128xf32, #tpu.memory_space<vmem>>)
    %dma_wait3A_126 = arith.constant 123 : i32
    %dma_wait3A_127 = arith.constant 0 : i32
    %dma_wait3A_128 = arith.constant 0 : i32
    %dma_wait3A_129 = tpu.memref_slice %arg3[%arg0, %arg1, %dma_wait3A_126, %dma_wait3A_127, %dma_wait3A_128] : memref<2x16x125x2x80xi32, #tpu.memory_space<hbm>> -> memref<1x1x1x2x80xi32, #tpu.memory_space<hbm>>
    %dma_wait3A_130 = tpu.memref_squeeze %dma_wait3A_129 : memref<1x1x1x2x80xi32, #tpu.memory_space<hbm>> -> memref<1x2x80xi32, #tpu.memory_space<hbm>>
    %dma_wait3A_131 = arith.constant 123 : i32
    %dma_wait3A_132 = arith.constant 0 : i32
    %dma_wait3A_133 = arith.constant 0 : i32
    %dma_wait3A_134 = tpu.memref_slice %arg3[%arg0, %arg1, %dma_wait3A_131, %dma_wait3A_132, %dma_wait3A_133] : memref<2x16x125x2x80xi32, #tpu.memory_space<hbm>> -> memref<1x1x1x2x80xi32, #tpu.memory_space<hbm>>
    %dma_wait3A_135 = tpu.memref_squeeze %dma_wait3A_134 : memref<1x1x1x2x80xi32, #tpu.memory_space<hbm>> -> memref<1x2x80xi32, #tpu.memory_space<hbm>>
    tpu.wait_dma2 semaphore(%arg20 : memref<!tpu.dma_semaphore, #tpu.memory_space<semaphore_mem>>) src(%dma_wait3A_135 : memref<1x2x80xi32, #tpu.memory_space<hbm>>) dst(%arg10 : memref<1x2x80xi32, #tpu.memory_space<vmem>>)
    %dma_wait3A_136 = arith.constant 0 : i32
    %dma_wait3A_137 = arith.constant 1 : i32
    %dma_wait3A_138 = arith.constant 0 : i32
    %dma_wait3A_139 = tpu.memref_slice %arg8[%dma_wait3A_136, %dma_wait3A_137, %dma_wait3A_138] : memref<1x2x80xi32, #tpu.memory_space<vmem>> -> memref<1x1x80xi32, #tpu.memory_space<vmem>>
    %dma_wait3A_140 = tpu.memref_squeeze %dma_wait3A_139 : memref<1x1x80xi32, #tpu.memory_space<vmem>> -> memref<80xi32, #tpu.memory_space<vmem>>
    %dma_wait3A_141 = arith.constant 0 : i32
    %dma_wait3A_142 = arith.constant 0 : i32
    %dma_wait3A_143 = tpu.memref_slice %arg6[%dma_wait3A_141, %dma_wait3A_142] : memref<10112x128xf32, #tpu.memory_space<vmem_shared>> -> memref<10112x128xf32, #tpu.memory_space<vmem_shared>>
    tpu.wait_indirect_dma semaphore(%arg16 : memref<!tpu.dma_semaphore, #tpu.memory_space<semaphore_mem>>) src(%arg12 : memref<80x128xf32, #tpu.memory_space<vmem>>) dst(%dma_wait3A_143 : memref<10112x128xf32, #tpu.memory_space<vmem_shared>>)
    %dma_start3A_144 = arith.constant 0 : i32
    %dma_start3A_145 = arith.constant 0 : i32
    %dma_start3A_146 = arith.constant 0 : i32
    %dma_start3A_147 = tpu.memref_slice %arg10[%dma_start3A_144, %dma_start3A_145, %dma_start3A_146] : memref<1x2x80xi32, #tpu.memory_space<vmem>> -> memref<1x1x80xi32, #tpu.memory_space<vmem>>
    %dma_start3A_148 = tpu.memref_squeeze %dma_start3A_147 : memref<1x1x80xi32, #tpu.memory_space<vmem>> -> memref<80xi32, #tpu.memory_space<vmem>>
    %dma_start3A_149 = arith.constant 0 : i32
    %dma_start3A_150 = arith.constant 0 : i32
    %dma_start3A_151 = tpu.memref_slice %arg2[%dma_start3A_149, %dma_start3A_150] : memref<20000x128xf32, #tpu.memory_space<hbm>> -> memref<20000x128xf32, #tpu.memory_space<hbm>>
    tpu.enqueue_indirect_dma source(%dma_start3A_151 : memref<20000x128xf32, #tpu.memory_space<hbm>>) target(%arg12 : memref<80x128xf32, #tpu.memory_space<vmem>>) offsets(%dma_start3A_148 : memref<80xi32, #tpu.memory_space<vmem>>) semaphore(%arg14 : memref<!tpu.dma_semaphore, #tpu.memory_space<semaphore_mem>>)
    %dma_start3A_152 = arith.constant 0 : i32
    %dma_start3A_153 = arith.constant 1 : i32
    %dma_start3A_154 = arith.constant 0 : i32
    %dma_start3A_155 = tpu.memref_slice %arg9[%dma_start3A_152, %dma_start3A_153, %dma_start3A_154] : memref<1x2x80xi32, #tpu.memory_space<vmem>> -> memref<1x1x80xi32, #tpu.memory_space<vmem>>
    %dma_start3A_156 = tpu.memref_squeeze %dma_start3A_155 : memref<1x1x80xi32, #tpu.memory_space<vmem>> -> memref<80xi32, #tpu.memory_space<vmem>>
    %dma_start3A_157 = arith.constant 0 : i32
    %dma_start3A_158 = arith.constant 0 : i32
    %dma_start3A_159 = tpu.memref_slice %arg6[%dma_start3A_157, %dma_start3A_158] : memref<10112x128xf32, #tpu.memory_space<vmem_shared>> -> memref<10112x128xf32, #tpu.memory_space<vmem_shared>>
    tpu.enqueue_indirect_dma source(%arg11 : memref<80x128xf32, #tpu.memory_space<vmem>>) target(%dma_start3A_159 : memref<10112x128xf32, #tpu.memory_space<vmem_shared>>) offsets(%dma_start3A_156 : memref<80xi32, #tpu.memory_space<vmem>>) semaphore(%arg15 : memref<!tpu.dma_semaphore, #tpu.memory_space<semaphore_mem>>) {add = true}
    %dma_start3A_160 = arith.constant 124 : i32
    %dma_start3A_161 = arith.constant 0 : i32
    %dma_start3A_162 = arith.constant 0 : i32
    %dma_start3A_163 = tpu.memref_slice %arg3[%arg0, %arg1, %dma_start3A_160, %dma_start3A_161, %dma_start3A_162] : memref<2x16x125x2x80xi32, #tpu.memory_space<hbm>> -> memref<1x1x1x2x80xi32, #tpu.memory_space<hbm>>
    %dma_start3A_164 = tpu.memref_squeeze %dma_start3A_163 : memref<1x1x1x2x80xi32, #tpu.memory_space<hbm>> -> memref<1x2x80xi32, #tpu.memory_space<hbm>>
    %dma_start3A_165 = arith.constant 124 : i32
    %dma_start3A_166 = arith.constant 0 : i32
    %dma_start3A_167 = arith.constant 0 : i32
    %dma_start3A_168 = tpu.memref_slice %arg3[%arg0, %arg1, %dma_start3A_165, %dma_start3A_166, %dma_start3A_167] : memref<2x16x125x2x80xi32, #tpu.memory_space<hbm>> -> memref<1x1x1x2x80xi32, #tpu.memory_space<hbm>>
    %dma_start3A_169 = tpu.memref_squeeze %dma_start3A_168 : memref<1x1x1x2x80xi32, #tpu.memory_space<hbm>> -> memref<1x2x80xi32, #tpu.memory_space<hbm>>
    tpu.enqueue_dma source(%dma_start3A_169 : memref<1x2x80xi32, #tpu.memory_space<hbm>>) target(%arg7 : memref<1x2x80xi32, #tpu.memory_space<vmem>>) target_semaphore(%arg17 : memref<!tpu.dma_semaphore, #tpu.memory_space<semaphore_mem>>)
    %dma_wait3A_170 = arith.constant 0 : i32
    %dma_wait3A_171 = arith.constant 0 : i32
    %dma_wait3A_172 = arith.constant 0 : i32
    %dma_wait3A_173 = tpu.memref_slice %arg10[%dma_wait3A_170, %dma_wait3A_171, %dma_wait3A_172] : memref<1x2x80xi32, #tpu.memory_space<vmem>> -> memref<1x1x80xi32, #tpu.memory_space<vmem>>
    %dma_wait3A_174 = tpu.memref_squeeze %dma_wait3A_173 : memref<1x1x80xi32, #tpu.memory_space<vmem>> -> memref<80xi32, #tpu.memory_space<vmem>>
    %dma_wait3A_175 = arith.constant 0 : i32
    %dma_wait3A_176 = arith.constant 0 : i32
    %dma_wait3A_177 = tpu.memref_slice %arg2[%dma_wait3A_175, %dma_wait3A_176] : memref<20000x128xf32, #tpu.memory_space<hbm>> -> memref<20000x128xf32, #tpu.memory_space<hbm>>
    tpu.wait_indirect_dma semaphore(%arg14 : memref<!tpu.dma_semaphore, #tpu.memory_space<semaphore_mem>>) src(%dma_wait3A_177 : memref<20000x128xf32, #tpu.memory_space<hbm>>) dst(%arg12 : memref<80x128xf32, #tpu.memory_space<vmem>>)
    %dma_wait3A_178 = arith.constant 124 : i32
    %dma_wait3A_179 = arith.constant 0 : i32
    %dma_wait3A_180 = arith.constant 0 : i32
    %dma_wait3A_181 = tpu.memref_slice %arg3[%arg0, %arg1, %dma_wait3A_178, %dma_wait3A_179, %dma_wait3A_180] : memref<2x16x125x2x80xi32, #tpu.memory_space<hbm>> -> memref<1x1x1x2x80xi32, #tpu.memory_space<hbm>>
    %dma_wait3A_182 = tpu.memref_squeeze %dma_wait3A_181 : memref<1x1x1x2x80xi32, #tpu.memory_space<hbm>> -> memref<1x2x80xi32, #tpu.memory_space<hbm>>
    %dma_wait3A_183 = arith.constant 124 : i32
    %dma_wait3A_184 = arith.constant 0 : i32
    %dma_wait3A_185 = arith.constant 0 : i32
    %dma_wait3A_186 = tpu.memref_slice %arg3[%arg0, %arg1, %dma_wait3A_183, %dma_wait3A_184, %dma_wait3A_185] : memref<2x16x125x2x80xi32, #tpu.memory_space<hbm>> -> memref<1x1x1x2x80xi32, #tpu.memory_space<hbm>>
    %dma_wait3A_187 = tpu.memref_squeeze %dma_wait3A_186 : memref<1x1x1x2x80xi32, #tpu.memory_space<hbm>> -> memref<1x2x80xi32, #tpu.memory_space<hbm>>
    tpu.wait_dma2 semaphore(%arg17 : memref<!tpu.dma_semaphore, #tpu.memory_space<semaphore_mem>>) src(%dma_wait3A_187 : memref<1x2x80xi32, #tpu.memory_space<hbm>>) dst(%arg7 : memref<1x2x80xi32, #tpu.memory_space<vmem>>)
    %dma_wait3A_188 = arith.constant 0 : i32
    %dma_wait3A_189 = arith.constant 1 : i32
    %dma_wait3A_190 = arith.constant 0 : i32
    %dma_wait3A_191 = tpu.memref_slice %arg9[%dma_wait3A_188, %dma_wait3A_189, %dma_wait3A_190] : memref<1x2x80xi32, #tpu.memory_space<vmem>> -> memref<1x1x80xi32, #tpu.memory_space<vmem>>
    %dma_wait3A_192 = tpu.memref_squeeze %dma_wait3A_191 : memref<1x1x80xi32, #tpu.memory_space<vmem>> -> memref<80xi32, #tpu.memory_space<vmem>>
    %dma_wait3A_193 = arith.constant 0 : i32
    %dma_wait3A_194 = arith.constant 0 : i32
    %dma_wait3A_195 = tpu.memref_slice %arg6[%dma_wait3A_193, %dma_wait3A_194] : memref<10112x128xf32, #tpu.memory_space<vmem_shared>> -> memref<10112x128xf32, #tpu.memory_space<vmem_shared>>
    tpu.wait_indirect_dma semaphore(%arg15 : memref<!tpu.dma_semaphore, #tpu.memory_space<semaphore_mem>>) src(%arg11 : memref<80x128xf32, #tpu.memory_space<vmem>>) dst(%dma_wait3A_195 : memref<10112x128xf32, #tpu.memory_space<vmem_shared>>)
    %dma_start3A_196 = arith.constant 0 : i32
    %dma_start3A_197 = arith.constant 0 : i32
    %dma_start3A_198 = arith.constant 0 : i32
    %dma_start3A_199 = tpu.memref_slice %arg7[%dma_start3A_196, %dma_start3A_197, %dma_start3A_198] : memref<1x2x80xi32, #tpu.memory_space<vmem>> -> memref<1x1x80xi32, #tpu.memory_space<vmem>>
    %dma_start3A_200 = tpu.memref_squeeze %dma_start3A_199 : memref<1x1x80xi32, #tpu.memory_space<vmem>> -> memref<80xi32, #tpu.memory_space<vmem>>
    %dma_start3A_201 = arith.constant 0 : i32
    %dma_start3A_202 = arith.constant 0 : i32
    %dma_start3A_203 = tpu.memref_slice %arg2[%dma_start3A_201, %dma_start3A_202] : memref<20000x128xf32, #tpu.memory_space<hbm>> -> memref<20000x128xf32, #tpu.memory_space<hbm>>
    tpu.enqueue_indirect_dma source(%dma_start3A_203 : memref<20000x128xf32, #tpu.memory_space<hbm>>) target(%arg11 : memref<80x128xf32, #tpu.memory_space<vmem>>) offsets(%dma_start3A_200 : memref<80xi32, #tpu.memory_space<vmem>>) semaphore(%arg13 : memref<!tpu.dma_semaphore, #tpu.memory_space<semaphore_mem>>)
    %dma_start3A_204 = arith.constant 0 : i32
    %dma_start3A_205 = arith.constant 1 : i32
    %dma_start3A_206 = arith.constant 0 : i32
    %dma_start3A_207 = tpu.memref_slice %arg10[%dma_start3A_204, %dma_start3A_205, %dma_start3A_206] : memref<1x2x80xi32, #tpu.memory_space<vmem>> -> memref<1x1x80xi32, #tpu.memory_space<vmem>>
    %dma_start3A_208 = tpu.memref_squeeze %dma_start3A_207 : memref<1x1x80xi32, #tpu.memory_space<vmem>> -> memref<80xi32, #tpu.memory_space<vmem>>
    %dma_start3A_209 = arith.constant 0 : i32
    %dma_start3A_210 = arith.constant 0 : i32
    %dma_start3A_211 = tpu.memref_slice %arg6[%dma_start3A_209, %dma_start3A_210] : memref<10112x128xf32, #tpu.memory_space<vmem_shared>> -> memref<10112x128xf32, #tpu.memory_space<vmem_shared>>
    tpu.enqueue_indirect_dma source(%arg12 : memref<80x128xf32, #tpu.memory_space<vmem>>) target(%dma_start3A_211 : memref<10112x128xf32, #tpu.memory_space<vmem_shared>>) offsets(%dma_start3A_208 : memref<80xi32, #tpu.memory_space<vmem>>) semaphore(%arg16 : memref<!tpu.dma_semaphore, #tpu.memory_space<semaphore_mem>>) {add = true}
    %dma_wait3A_212 = arith.constant 0 : i32
    %dma_wait3A_213 = arith.constant 0 : i32
    %dma_wait3A_214 = arith.constant 0 : i32
    %dma_wait3A_215 = tpu.memref_slice %arg7[%dma_wait3A_212, %dma_wait3A_213, %dma_wait3A_214] : memref<1x2x80xi32, #tpu.memory_space<vmem>> -> memref<1x1x80xi32, #tpu.memory_space<vmem>>
    %dma_wait3A_216 = tpu.memref_squeeze %dma_wait3A_215 : memref<1x1x80xi32, #tpu.memory_space<vmem>> -> memref<80xi32, #tpu.memory_space<vmem>>
    %dma_wait3A_217 = arith.constant 0 : i32
    %dma_wait3A_218 = arith.constant 0 : i32
    %dma_wait3A_219 = tpu.memref_slice %arg2[%dma_wait3A_217, %dma_wait3A_218] : memref<20000x128xf32, #tpu.memory_space<hbm>> -> memref<20000x128xf32, #tpu.memory_space<hbm>>
    tpu.wait_indirect_dma semaphore(%arg13 : memref<!tpu.dma_semaphore, #tpu.memory_space<semaphore_mem>>) src(%dma_wait3A_219 : memref<20000x128xf32, #tpu.memory_space<hbm>>) dst(%arg11 : memref<80x128xf32, #tpu.memory_space<vmem>>)
    %dma_wait3A_220 = arith.constant 0 : i32
    %dma_wait3A_221 = arith.constant 1 : i32
    %dma_wait3A_222 = arith.constant 0 : i32
    %dma_wait3A_223 = tpu.memref_slice %arg10[%dma_wait3A_220, %dma_wait3A_221, %dma_wait3A_222] : memref<1x2x80xi32, #tpu.memory_space<vmem>> -> memref<1x1x80xi32, #tpu.memory_space<vmem>>
    %dma_wait3A_224 = tpu.memref_squeeze %dma_wait3A_223 : memref<1x1x80xi32, #tpu.memory_space<vmem>> -> memref<80xi32, #tpu.memory_space<vmem>>
    %dma_wait3A_225 = arith.constant 0 : i32
    %dma_wait3A_226 = arith.constant 0 : i32
    %dma_wait3A_227 = tpu.memref_slice %arg6[%dma_wait3A_225, %dma_wait3A_226] : memref<10112x128xf32, #tpu.memory_space<vmem_shared>> -> memref<10112x128xf32, #tpu.memory_space<vmem_shared>>
    tpu.wait_indirect_dma semaphore(%arg16 : memref<!tpu.dma_semaphore, #tpu.memory_space<semaphore_mem>>) src(%arg12 : memref<80x128xf32, #tpu.memory_space<vmem>>) dst(%dma_wait3A_227 : memref<10112x128xf32, #tpu.memory_space<vmem_shared>>)
    %dma_start3A_228 = arith.constant 0 : i32
    %dma_start3A_229 = arith.constant 1 : i32
    %dma_start3A_230 = arith.constant 0 : i32
    %dma_start3A_231 = tpu.memref_slice %arg7[%dma_start3A_228, %dma_start3A_229, %dma_start3A_230] : memref<1x2x80xi32, #tpu.memory_space<vmem>> -> memref<1x1x80xi32, #tpu.memory_space<vmem>>
    %dma_start3A_232 = tpu.memref_squeeze %dma_start3A_231 : memref<1x1x80xi32, #tpu.memory_space<vmem>> -> memref<80xi32, #tpu.memory_space<vmem>>
    %dma_start3A_233 = arith.constant 0 : i32
    %dma_start3A_234 = arith.constant 0 : i32
    %dma_start3A_235 = tpu.memref_slice %arg6[%dma_start3A_233, %dma_start3A_234] : memref<10112x128xf32, #tpu.memory_space<vmem_shared>> -> memref<10112x128xf32, #tpu.memory_space<vmem_shared>>
    tpu.enqueue_indirect_dma source(%arg11 : memref<80x128xf32, #tpu.memory_space<vmem>>) target(%dma_start3A_235 : memref<10112x128xf32, #tpu.memory_space<vmem_shared>>) offsets(%dma_start3A_232 : memref<80xi32, #tpu.memory_space<vmem>>) semaphore(%arg15 : memref<!tpu.dma_semaphore, #tpu.memory_space<semaphore_mem>>) {add = true}
    %dma_wait3A_236 = arith.constant 0 : i32
    %dma_wait3A_237 = arith.constant 1 : i32
    %dma_wait3A_238 = arith.constant 0 : i32
    %dma_wait3A_239 = tpu.memref_slice %arg7[%dma_wait3A_236, %dma_wait3A_237, %dma_wait3A_238] : memref<1x2x80xi32, #tpu.memory_space<vmem>> -> memref<1x1x80xi32, #tpu.memory_space<vmem>>
    %dma_wait3A_240 = tpu.memref_squeeze %dma_wait3A_239 : memref<1x1x80xi32, #tpu.memory_space<vmem>> -> memref<80xi32, #tpu.memory_space<vmem>>
    %dma_wait3A_241 = arith.constant 0 : i32
    %dma_wait3A_242 = arith.constant 0 : i32
    %dma_wait3A_243 = tpu.memref_slice %arg6[%dma_wait3A_241, %dma_wait3A_242] : memref<10112x128xf32, #tpu.memory_space<vmem_shared>> -> memref<10112x128xf32, #tpu.memory_space<vmem_shared>>
    tpu.wait_indirect_dma semaphore(%arg15 : memref<!tpu.dma_semaphore, #tpu.memory_space<semaphore_mem>>) src(%arg11 : memref<80x128xf32, #tpu.memory_space<vmem>>) dst(%dma_wait3A_243 : memref<10112x128xf32, #tpu.memory_space<vmem_shared>>)
    %barrier3A_244 = arith.constant 0 : index
    tpu.barrier barrier_id(%barrier3A_244)
    %mul3A_245 = arith.constant 632 : i32
    %mul3A_246 = arith.muli %arg1, %mul3A_245 : i32
    %mul3A_247 = arith.constant 10112 : i32
    %mul3A_248 = arith.muli %arg0, %mul3A_247 : i32
    %mul3A_249 = arith.constant 632 : i32
    %mul3A_250 = arith.muli %arg1, %mul3A_249 : i32
    %add3A = arith.addi %mul3A_248, %mul3A_250 : i32
    "tpu.region"() ({
      %run_scoped3A = tpu.sem_alloc : memref<!tpu.dma_semaphore, #tpu.memory_space<semaphore_mem>>
      %dma_start3A_251 = arith.constant 0 : i32
      %dma_start3A_252 = tpu.memref_slice %arg5[%add3A, %dma_start3A_251] : memref<20224x128xf32, #tpu.memory_space<hbm>> -> memref<632x128xf32, #tpu.memory_space<hbm>>
      %dma_start3A_253 = arith.constant 0 : i32
      %dma_start3A_254 = tpu.memref_slice %arg6[%mul3A_246, %dma_start3A_253] : memref<10112x128xf32, #tpu.memory_space<vmem_shared>> -> memref<632x128xf32, #tpu.memory_space<vmem_shared>>
      tpu.enqueue_dma source(%dma_start3A_254 : memref<632x128xf32, #tpu.memory_space<vmem_shared>>) target(%dma_start3A_252 : memref<632x128xf32, #tpu.memory_space<hbm>>) target_semaphore(%run_scoped3A : memref<!tpu.dma_semaphore, #tpu.memory_space<semaphore_mem>>)
      %dma_wait3A_255 = arith.constant 0 : i32
      %dma_wait3A_256 = tpu.memref_slice %arg5[%add3A, %dma_wait3A_255] : memref<20224x128xf32, #tpu.memory_space<hbm>> -> memref<632x128xf32, #tpu.memory_space<hbm>>
      %dma_wait3A_257 = arith.constant 0 : i32
      %dma_wait3A_258 = tpu.memref_slice %arg6[%mul3A_246, %dma_wait3A_257] : memref<10112x128xf32, #tpu.memory_space<vmem_shared>> -> memref<632x128xf32, #tpu.memory_space<vmem_shared>>
      tpu.wait_dma2 semaphore(%run_scoped3A : memref<!tpu.dma_semaphore, #tpu.memory_space<semaphore_mem>>) src(%dma_wait3A_258 : memref<632x128xf32, #tpu.memory_space<vmem_shared>>) dst(%dma_wait3A_256 : memref<632x128xf32, #tpu.memory_space<hbm>>)
      tpu.yield
    }) : () -> ()
    return
  }
}

module attributes {stable_mosaic.version = 14 : i64} {
  func.func @_tc_b_body(%arg0: i32, %arg1: memref<400x256xf32, #tpu.memory_space<vmem>>, %arg2: memref<256x256xf32, #tpu.memory_space<vmem>>, %arg3: memref<400x2xf32, #tpu.memory_space<vmem>>, %arg4: memref<2x400x128xf32, #tpu.memory_space<vmem>>, %arg5: memref<2x400x128xf32, #tpu.memory_space<vmem>>, %arg6: memref<400x1xf32, #tpu.memory_space<vmem>>, %arg7: memref<400x1xf32, #tpu.memory_space<vmem>>) attributes {dimension_semantics = [#tpu.dimension_semantics<arbitrary>], iteration_bounds = array<i64: 25>, scalar_prefetch = 0 : i64, scratch_operands = 0 : i64, tpu.core_type = #tpu.core_type<tc>, window_params = [{transform_indices = @transform_0, window_bounds = array<i64: 400, 256>}, {pipeline_mode = #tpu.pipeline_mode<synchronous>, transform_indices = @transform_1, window_bounds = array<i64: 256, 256>}, {transform_indices = @transform_2, window_bounds = array<i64: 400, 2>}, {transform_indices = @transform_3, window_bounds = array<i64: 2, 400, 128>}, {transform_indices = @transform_4, window_bounds = array<i64: 2, 400, 128>}, {transform_indices = @transform_5, window_bounds = array<i64: 400, 1>}, {transform_indices = @transform_6, window_bounds = array<i64: 400, 1>}]} {
    %get3A = arith.constant 0 : index
    %get3A_0 = arith.constant 0 : index
    %get3A_1 = vector.load %arg1[%get3A, %get3A_0] : memref<400x256xf32, #tpu.memory_space<vmem>>, vector<400x256xf32>
    %get3A_2 = arith.constant 0 : index
    %get3A_3 = arith.constant 0 : index
    %get3A_4 = vector.load %arg2[%get3A_2, %get3A_3] : memref<256x256xf32, #tpu.memory_space<vmem>>, vector<256x256xf32>
    %dot_general3A = arith.constant dense<0.000000e+00> : vector<400x256xf32>
    %dot_general3A_5 = tpu.matmul %get3A_1, %get3A_4, %dot_general3A {dimension_numbers = #tpu.dot_dimension_numbers<[1], [0], [0], [1], [0, 0, 1, 1], [], []>, transpose_lhs_hint = false} : vector<400x256xf32>, vector<256x256xf32>, vector<400x256xf32> -> vector<400x256xf32>
    %get3A_6 = arith.constant 0 : index
    %get3A_7 = arith.constant 0 : index
    %get3A_8 = vector.load %arg3[%get3A_6, %get3A_7] : memref<400x2xf32, #tpu.memory_space<vmem>>, vector<400x2xf32>
    %slice3A = vector.extract_strided_slice %get3A_8 {offsets = [0, 0], sizes = [400, 1], strides = [1, 1]} : vector<400x2xf32> to vector<400x1xf32>
    %slice3A_9 = vector.extract_strided_slice %get3A_8 {offsets = [0, 1], sizes = [400, 1], strides = [1, 1]} : vector<400x2xf32> to vector<400x1xf32>
    %add3A = arith.addf %slice3A, %slice3A_9 : vector<400x1xf32>
    %max3A = arith.constant 1.000000e+00 : f32
    %max3A_10 = vector.broadcast %max3A : f32 to vector<400x1xf32>
    %max3A_11 = arith.maximumf %add3A, %max3A_10 : vector<400x1xf32>
    %rsqrt3A = math.rsqrt %max3A_11 : vector<400x1xf32>
    %div3A = arith.constant 1.000000e+00 : f32
    %div3A_12 = vector.broadcast %div3A : f32 to vector<400x1xf32>
    %div3A_13 = arith.divf %div3A_12, %max3A_11 : vector<400x1xf32>
    %mul3A = vector.broadcast %rsqrt3A : vector<400x1xf32> to vector<400x256xf32>
    %mul3A_14 = arith.mulf %dot_general3A_5, %mul3A : vector<400x256xf32>
    %mul3A_15 = vector.broadcast %div3A_13 : vector<400x1xf32> to vector<400x256xf32>
    %mul3A_16 = arith.mulf %dot_general3A_5, %mul3A_15 : vector<400x256xf32>
    %slice3A_17 = vector.extract_strided_slice %mul3A_14 {offsets = [0, 0], sizes = [400, 128], strides = [1, 1]} : vector<400x256xf32> to vector<400x128xf32>
    %swap3A = arith.constant 0 : index
    %swap3A_18 = arith.constant 0 : index
    %swap3A_19 = arith.constant 0 : index
    %swap3A_20 = vector.load %arg4[%swap3A, %swap3A_18, %swap3A_19] : memref<2x400x128xf32, #tpu.memory_space<vmem>>, vector<1x400x128xf32>
    %swap3A_21 = vector.shape_cast %swap3A_20 : vector<1x400x128xf32> to vector<400x128xf32>
    %swap3A_22 = vector.shape_cast %slice3A_17 : vector<400x128xf32> to vector<1x400x128xf32>
    tpu.vector_store %arg4[%swap3A, %swap3A_18, %swap3A_19], %swap3A_22 {strides = array<i32>} : memref<2x400x128xf32, #tpu.memory_space<vmem>>, vector<1x400x128xf32>,
    %slice3A_23 = vector.extract_strided_slice %mul3A_14 {offsets = [0, 128], sizes = [400, 128], strides = [1, 1]} : vector<400x256xf32> to vector<400x128xf32>
    %swap3A_24 = arith.constant 1 : index
    %swap3A_25 = arith.constant 0 : index
    %swap3A_26 = arith.constant 0 : index
    %swap3A_27 = vector.load %arg4[%swap3A_24, %swap3A_25, %swap3A_26] : memref<2x400x128xf32, #tpu.memory_space<vmem>>, vector<1x400x128xf32>
    %swap3A_28 = vector.shape_cast %swap3A_27 : vector<1x400x128xf32> to vector<400x128xf32>
    %swap3A_29 = vector.shape_cast %slice3A_23 : vector<400x128xf32> to vector<1x400x128xf32>
    tpu.vector_store %arg4[%swap3A_24, %swap3A_25, %swap3A_26], %swap3A_29 {strides = array<i32>} : memref<2x400x128xf32, #tpu.memory_space<vmem>>, vector<1x400x128xf32>,
    %slice3A_30 = vector.extract_strided_slice %mul3A_16 {offsets = [0, 0], sizes = [400, 128], strides = [1, 1]} : vector<400x256xf32> to vector<400x128xf32>
    %swap3A_31 = arith.constant 0 : index
    %swap3A_32 = arith.constant 0 : index
    %swap3A_33 = arith.constant 0 : index
    %swap3A_34 = vector.load %arg5[%swap3A_31, %swap3A_32, %swap3A_33] : memref<2x400x128xf32, #tpu.memory_space<vmem>>, vector<1x400x128xf32>
    %swap3A_35 = vector.shape_cast %swap3A_34 : vector<1x400x128xf32> to vector<400x128xf32>
    %swap3A_36 = vector.shape_cast %slice3A_30 : vector<400x128xf32> to vector<1x400x128xf32>
    tpu.vector_store %arg5[%swap3A_31, %swap3A_32, %swap3A_33], %swap3A_36 {strides = array<i32>} : memref<2x400x128xf32, #tpu.memory_space<vmem>>, vector<1x400x128xf32>,
    %slice3A_37 = vector.extract_strided_slice %mul3A_16 {offsets = [0, 128], sizes = [400, 128], strides = [1, 1]} : vector<400x256xf32> to vector<400x128xf32>
    %swap3A_38 = arith.constant 1 : index
    %swap3A_39 = arith.constant 0 : index
    %swap3A_40 = arith.constant 0 : index
    %swap3A_41 = vector.load %arg5[%swap3A_38, %swap3A_39, %swap3A_40] : memref<2x400x128xf32, #tpu.memory_space<vmem>>, vector<1x400x128xf32>
    %swap3A_42 = vector.shape_cast %swap3A_41 : vector<1x400x128xf32> to vector<400x128xf32>
    %swap3A_43 = vector.shape_cast %slice3A_37 : vector<400x128xf32> to vector<1x400x128xf32>
    tpu.vector_store %arg5[%swap3A_38, %swap3A_39, %swap3A_40], %swap3A_43 {strides = array<i32>} : memref<2x400x128xf32, #tpu.memory_space<vmem>>, vector<1x400x128xf32>,
    %swap3A_44 = arith.constant 0 : index
    %swap3A_45 = arith.constant 0 : index
    %swap3A_46 = vector.load %arg6[%swap3A_44, %swap3A_45] : memref<400x1xf32, #tpu.memory_space<vmem>>, vector<400x1xf32>
    tpu.vector_store %arg6[%swap3A_44, %swap3A_45], %rsqrt3A {strides = array<i32>} : memref<400x1xf32, #tpu.memory_space<vmem>>, vector<400x1xf32>,
    %swap3A_47 = arith.constant 0 : index
    %swap3A_48 = arith.constant 0 : index
    %swap3A_49 = vector.load %arg7[%swap3A_47, %swap3A_48] : memref<400x1xf32, #tpu.memory_space<vmem>>, vector<400x1xf32>
    tpu.vector_store %arg7[%swap3A_47, %swap3A_48], %div3A_13 {strides = array<i32>} : memref<400x1xf32, #tpu.memory_space<vmem>>, vector<400x1xf32>,
    return
  }
  func.func @transform_0(%arg0: i32) -> (i32, i32) {
    %c0_i32 = arith.constant 0 : i32
    %c0_i32_0 = arith.constant 0 : i32
    return %arg0, %c0_i32 : i32, i32
  }
  func.func @transform_1(%arg0: i32) -> (i32, i32) {
    %c0_i32 = arith.constant 0 : i32
    %c0_i32_0 = arith.constant 0 : i32
    %c0_i32_1 = arith.constant 0 : i32
    return %c0_i32, %c0_i32_0 : i32, i32
  }
  func.func @transform_2(%arg0: i32) -> (i32, i32) {
    %c0_i32 = arith.constant 0 : i32
    %c0_i32_0 = arith.constant 0 : i32
    return %arg0, %c0_i32 : i32, i32
  }
  func.func @transform_3(%arg0: i32) -> (i32, i32, i32) {
    %c0_i32 = arith.constant 0 : i32
    %c0_i32_0 = arith.constant 0 : i32
    %c0_i32_1 = arith.constant 0 : i32
    return %c0_i32, %arg0, %c0_i32_0 : i32, i32, i32
  }
  func.func @transform_4(%arg0: i32) -> (i32, i32, i32) {
    %c0_i32 = arith.constant 0 : i32
    %c0_i32_0 = arith.constant 0 : i32
    %c0_i32_1 = arith.constant 0 : i32
    return %c0_i32, %arg0, %c0_i32_0 : i32, i32, i32
  }
  func.func @transform_5(%arg0: i32) -> (i32, i32) {
    %c0_i32 = arith.constant 0 : i32
    %c0_i32_0 = arith.constant 0 : i32
    return %arg0, %c0_i32 : i32, i32
  }
  func.func @transform_6(%arg0: i32) -> (i32, i32) {
    %c0_i32 = arith.constant 0 : i32
    %c0_i32_0 = arith.constant 0 : i32
    return %arg0, %c0_i32 : i32, i32
  }
}

module attributes {stable_mosaic.version = 14 : i64} {
  func.func @_tc_d_body(%arg0: i32, %arg1: memref<2x400x128xf32, #tpu.memory_space<vmem>>, %arg2: memref<2x400x128xf32, #tpu.memory_space<vmem>>, %arg3: memref<400x1xf32, #tpu.memory_space<vmem>>, %arg4: memref<2x400x128xf32, #tpu.memory_space<vmem>>) attributes {dimension_semantics = [#tpu.dimension_semantics<arbitrary>], iteration_bounds = array<i64: 25>, scalar_prefetch = 0 : i64, scratch_operands = 0 : i64, tpu.core_type = #tpu.core_type<tc>, window_params = [{transform_indices = @transform_0, window_bounds = array<i64: 2, 400, 128>}, {transform_indices = @transform_1, window_bounds = array<i64: 2, 400, 128>}, {transform_indices = @transform_2, window_bounds = array<i64: 400, 1>}, {transform_indices = @transform_3, window_bounds = array<i64: 2, 400, 128>}]} {
    %get3A = arith.constant 0 : index
    %get3A_0 = arith.constant 0 : index
    %get3A_1 = vector.load %arg3[%get3A, %get3A_0] : memref<400x1xf32, #tpu.memory_space<vmem>>, vector<400x1xf32>
    %broadcast_in_dim3A = vector.shape_cast %get3A_1 : vector<400x1xf32> to vector<1x400x1xf32>
    %get3A_2 = arith.constant 0 : index
    %get3A_3 = arith.constant 0 : index
    %get3A_4 = arith.constant 0 : index
    %get3A_5 = vector.load %arg1[%get3A_2, %get3A_3, %get3A_4] : memref<2x400x128xf32, #tpu.memory_space<vmem>>, vector<2x400x128xf32>
    %get3A_6 = arith.constant 0 : index
    %get3A_7 = arith.constant 0 : index
    %get3A_8 = arith.constant 0 : index
    %get3A_9 = vector.load %arg2[%get3A_6, %get3A_7, %get3A_8] : memref<2x400x128xf32, #tpu.memory_space<vmem>>, vector<2x400x128xf32>
    %add3A = arith.addf %get3A_5, %get3A_9 : vector<2x400x128xf32>
    %mul3A = vector.broadcast %broadcast_in_dim3A : vector<1x400x1xf32> to vector<2x400x128xf32>
    %mul3A_10 = arith.mulf %add3A, %mul3A : vector<2x400x128xf32>
    %swap3A = arith.constant 0 : index
    %swap3A_11 = arith.constant 0 : index
    %swap3A_12 = arith.constant 0 : index
    %swap3A_13 = vector.load %arg4[%swap3A, %swap3A_11, %swap3A_12] : memref<2x400x128xf32, #tpu.memory_space<vmem>>, vector<2x400x128xf32>
    tpu.vector_store %arg4[%swap3A, %swap3A_11, %swap3A_12], %mul3A_10 {strides = array<i32>} : memref<2x400x128xf32, #tpu.memory_space<vmem>>, vector<2x400x128xf32>,
    return
  }
  func.func @transform_0(%arg0: i32) -> (i32, i32, i32) {
    %c0_i32 = arith.constant 0 : i32
    %c0_i32_0 = arith.constant 0 : i32
    %c0_i32_1 = arith.constant 0 : i32
    return %c0_i32, %arg0, %c0_i32_0 : i32, i32, i32
  }
  func.func @transform_1(%arg0: i32) -> (i32, i32, i32) {
    %c0_i32 = arith.constant 0 : i32
    %c0_i32_0 = arith.constant 0 : i32
    %c0_i32_1 = arith.constant 0 : i32
    return %c0_i32, %arg0, %c0_i32_0 : i32, i32, i32
  }
  func.func @transform_2(%arg0: i32) -> (i32, i32) {
    %c0_i32 = arith.constant 0 : i32
    %c0_i32_0 = arith.constant 0 : i32
    return %arg0, %c0_i32 : i32, i32
  }
  func.func @transform_3(%arg0: i32) -> (i32, i32, i32) {
    %c0_i32 = arith.constant 0 : i32
    %c0_i32_0 = arith.constant 0 : i32
    %c0_i32_1 = arith.constant 0 : i32
    return %c0_i32, %arg0, %c0_i32_0 : i32, i32, i32
  }
}

module attributes {stable_mosaic.version = 14 : i64} {
  func.func @_tc_f_body(%arg0: i32, %arg1: memref<2x400x128xf32, #tpu.memory_space<vmem>>, %arg2: memref<2x400x128xf32, #tpu.memory_space<vmem>>, %arg3: memref<400x1xf32, #tpu.memory_space<vmem>>, %arg4: memref<400x256xf32, #tpu.memory_space<vmem>>) attributes {dimension_semantics = [#tpu.dimension_semantics<arbitrary>], iteration_bounds = array<i64: 25>, scalar_prefetch = 0 : i64, scratch_operands = 0 : i64, tpu.core_type = #tpu.core_type<tc>, window_params = [{transform_indices = @transform_0, window_bounds = array<i64: 2, 400, 128>}, {transform_indices = @transform_1, window_bounds = array<i64: 2, 400, 128>}, {transform_indices = @transform_2, window_bounds = array<i64: 400, 1>}, {transform_indices = @transform_3, window_bounds = array<i64: 400, 256>}]} {
    %get3A = arith.constant 0 : index
    %get3A_0 = arith.constant 0 : index
    %get3A_1 = vector.load %arg3[%get3A, %get3A_0] : memref<400x1xf32, #tpu.memory_space<vmem>>, vector<400x1xf32>
    %get3A_2 = arith.constant 0 : index
    %get3A_3 = arith.constant 0 : index
    %get3A_4 = arith.constant 0 : index
    %get3A_5 = vector.load %arg1[%get3A_2, %get3A_3, %get3A_4] : memref<2x400x128xf32, #tpu.memory_space<vmem>>, vector<2x400x128xf32>
    %get3A_6 = arith.constant 0 : index
    %get3A_7 = arith.constant 0 : index
    %get3A_8 = arith.constant 0 : index
    %get3A_9 = vector.load %arg2[%get3A_6, %get3A_7, %get3A_8] : memref<2x400x128xf32, #tpu.memory_space<vmem>>, vector<2x400x128xf32>
    %slice3A = vector.extract_strided_slice %get3A_5 {offsets = [0, 0, 0], sizes = [1, 400, 128], strides = [1, 1, 1]} : vector<2x400x128xf32> to vector<1x400x128xf32>
    %squeeze3A = vector.shape_cast %slice3A : vector<1x400x128xf32> to vector<400x128xf32>
    %mul3A = vector.broadcast %get3A_1 : vector<400x1xf32> to vector<400x128xf32>
    %mul3A_10 = arith.mulf %squeeze3A, %mul3A : vector<400x128xf32>
    %slice3A_11 = vector.extract_strided_slice %get3A_9 {offsets = [0, 0, 0], sizes = [1, 400, 128], strides = [1, 1, 1]} : vector<2x400x128xf32> to vector<1x400x128xf32>
    %squeeze3A_12 = vector.shape_cast %slice3A_11 : vector<1x400x128xf32> to vector<400x128xf32>
    %add3A = arith.addf %mul3A_10, %squeeze3A_12 : vector<400x128xf32>
    %swap3A = arith.constant 0 : index
    %swap3A_13 = arith.constant 0 : index
    %swap3A_14 = vector.load %arg4[%swap3A, %swap3A_13] : memref<400x256xf32, #tpu.memory_space<vmem>>, vector<400x128xf32>
    tpu.vector_store %arg4[%swap3A, %swap3A_13], %add3A {strides = array<i32>} : memref<400x256xf32, #tpu.memory_space<vmem>>, vector<400x128xf32>,
    %slice3A_15 = vector.extract_strided_slice %get3A_5 {offsets = [1, 0, 0], sizes = [1, 400, 128], strides = [1, 1, 1]} : vector<2x400x128xf32> to vector<1x400x128xf32>
    %squeeze3A_16 = vector.shape_cast %slice3A_15 : vector<1x400x128xf32> to vector<400x128xf32>
    %mul3A_17 = vector.broadcast %get3A_1 : vector<400x1xf32> to vector<400x128xf32>
    %mul3A_18 = arith.mulf %squeeze3A_16, %mul3A_17 : vector<400x128xf32>
    %slice3A_19 = vector.extract_strided_slice %get3A_9 {offsets = [1, 0, 0], sizes = [1, 400, 128], strides = [1, 1, 1]} : vector<2x400x128xf32> to vector<1x400x128xf32>
    %squeeze3A_20 = vector.shape_cast %slice3A_19 : vector<1x400x128xf32> to vector<400x128xf32>
    %add3A_21 = arith.addf %mul3A_18, %squeeze3A_20 : vector<400x128xf32>
    %swap3A_22 = arith.constant 0 : index
    %swap3A_23 = arith.constant 128 : index
    %swap3A_24 = vector.load %arg4[%swap3A_22, %swap3A_23] : memref<400x256xf32, #tpu.memory_space<vmem>>, vector<400x128xf32>
    tpu.vector_store %arg4[%swap3A_22, %swap3A_23], %add3A_21 {strides = array<i32>} : memref<400x256xf32, #tpu.memory_space<vmem>>, vector<400x128xf32>,
    return
  }
  func.func @transform_0(%arg0: i32) -> (i32, i32, i32) {
    %c0_i32 = arith.constant 0 : i32
    %c0_i32_0 = arith.constant 0 : i32
    %c0_i32_1 = arith.constant 0 : i32
    return %c0_i32, %arg0, %c0_i32_0 : i32, i32, i32
  }
  func.func @transform_1(%arg0: i32) -> (i32, i32, i32) {
    %c0_i32 = arith.constant 0 : i32
    %c0_i32_0 = arith.constant 0 : i32
    %c0_i32_1 = arith.constant 0 : i32
    return %c0_i32, %arg0, %c0_i32_0 : i32, i32, i32
  }
  func.func @transform_2(%arg0: i32) -> (i32, i32) {
    %c0_i32 = arith.constant 0 : i32
    %c0_i32_0 = arith.constant 0 : i32
    return %arg0, %c0_i32 : i32, i32
  }
  func.func @transform_3(%arg0: i32) -> (i32, i32) {
    %c0_i32 = arith.constant 0 : i32
    %c0_i32_0 = arith.constant 0 : i32
    return %arg0, %c0_i32 : i32, i32
  }
}

</mosaic_0001>

<sc_bundles>
// kernel: kernel.11.cloned.1.call-start
scs
__scs_entry_jumppad:
0x0: {  	(pc) =	sbr.rel $0x88, $3  }
0x1: {  	(tag) =	ssettag $0x0;
	lr =	simm.s32 $0x1  }
0x2: {  	[smem:$0x3F9E] =	sst lr;
	_ =	strace $0xD0000000  }
0x3: {  	_ = 	snop  }
0x4: {  	_ = 	snop  }
0x5: {  	_ = 	snop  }
0x6: {  	_ = 	snop  }
0x7: {  	_ = 	snop  }
__scs_overlays_trampoline_lowered:
0x8: {  	[smem:$0x3FAD] =	sst s0  }
0x9: {  	[smem:$0x3FAE] =	sst s1  }
0xa: {  	[smem:$0x3FAF] =	sst s2  }
0xb: {  	[smem:$0x3FB0] =	sst s3  }
0xc: {  	[smem:$0x3FB1] =	sst s4  }
0xd: {  	[smem:$0x3FB2] =	sst s5  }
0xe: {  	[smem:$0x3FB3] =	sst s6  }
0xf: {  	[smem:$0x3FB4] =	sst s7  }
0x10: {  	[smem:$0x3FB5] =	sst s8  }
0x11: {  	[smem:$0x3FB6] =	sst s9;
	s0 =	simm.s32 @!p0 $0x0  }
0x12: {  	s1 =	sld [smem:$0x3F9C];
	s0 =	simm.s32 @p0 $0x1  }
0x13: {  	[smem:$0x3FB7] =	sst s0;
	s0 =	simm.s32 @!p1 $0x0  }
0x14: {  	s2 =	sld [smem:$0x3F9B];
	s0 =	simm.s32 @p1 $0x1  }
0x15: {  	[smem:$0x3FB8] =	sst s0;
	s0 =	simm.s32 @!p2 $0x0  }
0x16: {  	s3 =	sld [smem:$0x3FDB];
	s0 =	simm.s32 @p2 $0x1  }
0x17: {  	s4 =	simm.s32 $0x1BF5;
	[smem:$0x3FBA] =	sst s0  }
0x18: {  	s0 =	sld [smem:$0x3F9D];
	_ =	swait.ge [sflag:s4], $0x0  }
0x19: {  	s7 =	sld [smem:$0x3F9E]  }
0x1a: {  	s8 =	sadd.s32 $0xFFFFE003, lr  }
0x1b: {  	s9 =	sadd.s32 $0xFFFFFEF7, lr;
	s5 =	simm.s32 $0xFFFFFFFF;
	p2 =	slt.u32 s8, $0xFFFFF086  }
0x1c: {  	p1 =	slt.u32 s9, $0xF7A;
	s5 =	simm.s32 @!p2 $0x0  }
0x1d: {  	s5 =	simm.s32 @p1 $0x1;
	p0 =	seq.s32 s7, s2  }
0x1e: {  	s7 =	smul.u32 @!p0 $0xF7A, s2;
	p2 =	seq.s32 @!p0 s5, $0x0  }
0x1f: {  	s9 =	smul.u32 $0xF7A, s1;
	s8 =	simm.s32 @!p0 $0x1BF5;
	p2 =	por !p2, p0  }
0x20: {  	[sflag:s8] =	ssyncset.s32 @!p0 $0xFFFFF086;
	s6 =	sadd.s32 @!p0 s3, s7;
	s7 =	simm.s32 @!p0 $0x108  }
0x21: {  	s3 =	sadd.s32 s3, s9;
	s6 =	sadd.s32 @!p0 $0x88, s6;
	s7 =	simm.s32 @p2 $0x1082  }
0x22: {  	[simem:s7], [sflag:s8] =	dma.local @!p0 [hbm:s6], $0xF7A  }
0x23: {  	s9 =	sor.u32 $0xD0000000, s2;
	s6 =	simm.s32 $0x108;
	_ =	swait.ge @!p0 [sflag:s8], $0x0  }
0x24: {  	s3 =	sadd.s32 $0x88, s3;
	s6 =	simm.s32 @!p1 $0x1082;
	[sflag:s4] =	ssyncset.s32 $0xFFFFF086  }
0x25: {  	[simem:s6], [sflag:s4] =	dma.local [hbm:s3], $0xF7A  }
0x26: {  	[smem:$0x3F9E] =	sst s1;
	(tag) =	ssettag s2;
	_ =	strace s9  }
0x27: {  	s1 =	sld [smem:$0x3FAE]  }
0x28: {  	s2 =	sld [smem:$0x3FAF]  }
0x29: {  	s4 =	sld [smem:$0x3FB1]  }
0x2a: {  	p0 =	seq.s32 s5, $0x0;
	s5 =	sld [smem:$0x3FB2]  }
0x2b: {  	s6 =	sld [smem:$0x3FB3]  }
0x2c: {  	s7 =	sld [smem:$0x3FB4]  }
0x2d: {  	s3 =	simm.s32 $0x108;
	s8 =	sld [smem:$0x3FB5]  }
0x2e: {  	s3 =	simm.s32 @!p0 $0x1082;
	s9 =	sld [smem:$0x3FB6]  }
0x2f: {  	lr =	sadd.s32 s0, s3;
	s0 =	sld [smem:$0x3FAD]  }
0x30: {  	s3 =	sld [smem:$0x3FB0]  }
0x31: {  	[smem:$0x3FB9] =	sst s10  }
0x32: {  	s10 =	sld [smem:$0x3FB7];
	_ =	sdelay $0x3  }
0x33: {  	p0 =	seq.s32 s10, $0x1;
	s10 =	sld [smem:$0x3FB9];
	_ =	sdelay $0x3  }
0x34: {  	[smem:$0x3FB9] =	sst s10  }
0x35: {  	s10 =	sld [smem:$0x3FB8];
	_ =	sdelay $0x3  }
0x36: {  	p1 =	seq.s32 s10, $0x1;
	s10 =	sld [smem:$0x3FB9];
	_ =	sdelay $0x3  }
0x37: {  	[smem:$0x3FB9] =	sst s10  }
0x38: {  	s10 =	sld [smem:$0x3FBA]  }
0x39: {  	_ = 	snop;
	(pc) =	sbr.ind lr, $3  }
0x3a: {  	_ = 	snop  }
0x3b: {  	_ = 	snop  }
0x3c: {  	p2 =	seq.s32 s10, $0x1;
	s10 =	sld [smem:$0x3FB9]  }
0x3d: {  	_ =	shalt  }
0x3e: {  	_ =	shalt  }
0x3f: {  	_ =	shalt  }
0x40: {  	_ =	shalt  }
0x41: {  	_ =	shalt  }
0x42: {  	_ =	shalt  }
0x43: {  	_ =	shalt  }
0x44: {  	_ =	shalt  }
0x45: {  	_ =	shalt  }
0x46: {  	_ =	shalt  }
0x47: {  	_ =	shalt  }
0x48: {  	_ =	shalt  }
0x49: {  	_ =	shalt  }
0x4a: {  	_ =	shalt  }
0x4b: {  	_ =	shalt  }
0x4c: {  	_ =	shalt  }
0x4d: {  	_ =	shalt  }
0x4e: {  	_ =	shalt  }
0x4f: {  	_ =	shalt  }
0x50: {  	_ =	shalt  }
0x51: {  	_ =	shalt  }
0x52: {  	_ =	shalt  }
0x53: {  	_ =	shalt  }
0x54: {  	_ =	shalt  }
0x55: {  	_ =	shalt  }
0x56: {  	_ =	shalt  }
0x57: {  	_ =	shalt  }
0x58: {  	_ =	shalt  }
0x59: {  	_ =	shalt  }
0x5a: {  	_ =	shalt  }
0x5b: {  	_ =	shalt  }
0x5c: {  	_ =	shalt  }
0x5d: {  	_ =	shalt  }
0x5e: {  	_ =	shalt  }
0x5f: {  	_ =	shalt  }
0x60: {  	_ =	shalt  }
0x61: {  	_ =	shalt  }
0x62: {  	_ =	shalt  }
0x63: {  	_ =	shalt  }
0x64: {  	_ =	shalt  }
0x65: {  	_ =	shalt  }
0x66: {  	_ =	shalt  }
0x67: {  	_ =	shalt  }
0x68: {  	_ =	shalt  }
0x69: {  	_ =	shalt  }
0x6a: {  	_ =	shalt  }
0x6b: {  	_ =	shalt  }
0x6c: {  	_ =	shalt  }
0x6d: {  	_ =	shalt  }
0x6e: {  	_ =	shalt  }
0x6f: {  	_ =	shalt  }
0x70: {  	_ =	shalt  }
0x71: {  	_ =	shalt  }
0x72: {  	_ =	shalt  }
0x73: {  	_ =	shalt  }
0x74: {  	_ =	shalt  }
0x75: {  	_ =	shalt  }
0x76: {  	_ =	shalt  }
0x77: {  	_ =	shalt  }
0x78: {  	_ =	shalt  }
0x79: {  	_ =	shalt  }
0x7a: {  	_ =	shalt  }
0x7b: {  	_ =	shalt  }
0x7c: {  	_ =	shalt  }
0x7d: {  	_ =	shalt  }
0x7e: {  	_ =	shalt  }
0x7f: {  	_ =	shalt  }
0x80: {  	_ =	shalt  }
0x81: {  	_ =	shalt  }
0x82: {  	_ =	shalt  }
0x83: {  	_ =	shalt  }
0x84: {  	_ =	shalt  }
0x85: {  	_ =	shalt  }
0x86: {  	_ =	shalt  }
0x87: {  	_ =	shalt  }
.Lfunc_end0:
.L_simem_size_0:
called_computation.1_lowered:
.L_overlay_start_0:
0x88: {  	s2 =	sld [smem:$0x3FD9]  }
0x89: {  	s3 =	sld [smem:$0x3FFE];
	_ =	sdelay $0x1  }
0x8a: {  	s1 =	srdreg.scid  }
0x8b: {  	s0 =	sand.u32 $0x1, s1  }
0x8c: {  	s17 =	sshll.u32 s0, $0xA;
	s2 =	sadd.s32 s3, s2  }
0x8d: {  	s2 =	sadd.s32 s2, s17  }
0x8e: {  	[smem:$0x3FC5] =	sst s2  }
0x8f: {  	_ = 	snop  }
0x90: {  	s2 =	sld [smem:$0x3FD0];
	(tm) =	ssettm $0x1  }
0x91: {  	s18 =	sld [smem:$0x3FFB];
	_ =	sdelay $0x3  }
0x92: {  	_ =	strace s18  }
0x93: {  	s3 =	sld [smem:$0x3FFC];
	_ =	sdelay $0x3  }
0x94: {  	_ =	strace s3  }
0x95: {  	s3 =	sld [smem:$0x3FFD];
	_ =	sdelay $0x3  }
0x96: {  	_ =	strace s3  }
0x97: {  	_ =	strace $0x8FFFFFFF  }
0x98: {  	s19 =	sld [smem:$0x3FDB];
	_ =	sdelay $0x1  }
0x99: {  	s4 =	simm.s32 $_scs_section_size  }
0x9a: {  	s5 =	simm.s32 $_size__tile_overlayer_lowered;
	s6 =	simm.s32 $_tile_overlayer_lowered  }
0x9b: {  	s22 =	simm.s32 $0x1BFF;
	s21 =	sshll.u32 s6, $0x1;
	s3 =	sadd.s32 s4, s19  }
0x9c: {  	s7 =	simm.s32 $0x0;
	s20 =	sshll.u32 s5, $0x1;
	s5 =	sadd.s32 s21, s3  }
0x9d: {  	[timem:s7], [sflag:s22] =	dma.local [hbm:s5], s20  }
0x9e: {  	_ =	swait.ge [sflag:s22], s20  }
0x9f: {  	s4 =	ssub.s32 $0x0, s20;
	[sflag:s22] =	ssyncset.done $0x0  }
0xa0: {  	[sflag:s22] =	ssyncadd.s32 s4;
	_ =	sdelay $0x1  }
0xa1: {  	s23 =	simm.s32 $0x1B8B  }
0xa2: {  	_ =	swait.ge [sflag:s23], $0x1  }
0xa3: {  	[sflag:s23] =	ssyncset.done $0x0  }
0xa4: {  	s25 =	simm.s32 $0x1B8E;
	s24 =	sld [smem:$0x3FFE];
	[sflag:s23] =	ssyncadd.s32 $0xFFFFFFFF  }
0xa5: {  	s26 =	simm.s32 $execute0_lowered;
	[smem:$0x3FD2] =	sst s25  }
0xa6: {  	s5 =	sshll.u32 s26, $0x1;
	_ =	strace $0x80000049;
	[dreg:$0x1] =	wrdreg $0xFFFFFFFF  }
0xa7: {  	s28 =	simm.s32 $_size_execute0_lowered;
	s3 =	sadd.s32 s3, s5;
	[dreg:$0x0] =	wrdreg $0x0  }
0xa8: {  	s5 =	sshll.u32 s28, $0x1;
	[dreg:$0x2] =	wrdreg s3  }
0xa9: {  	[dreg:$0x3] =	wrdreg s5  }
0xaa: {  	[dreg:$0x4] =	wrdreg $0xC0  }
0xab: {  	_ =	task [dreg:s7], $0x5FFFF  }
0xac: {  	[dreg:$0x1] =	wrdreg $0xFFFFFFFF  }
0xad: {  	[dreg:$0x0] =	wrdreg $0x60  }
0xae: {  	[dreg:$0x2] =	wrdreg s2  }
0xaf: {  	[dreg:$0x3] =	wrdreg s24  }
0xb0: {  	[dreg:$0x4] =	wrdreg $0x0  }
0xb1: {  	[dreg:$0x5] =	wrdreg $0x9  }
0xb2: {  	_ =	task.clear_ibuf [dreg:s7], $0x6FFFF;
	_ =	strace $0x90000049  }
0xb3: {  	s29 =	simm.s32 $0x9;
	_ =	strace $0x8000004B  }
0xb4: {  	_ =	swait.ge [sflag:s29], $0x1  }
0xb5: {  	[sflag:s29] =	ssyncadd.s32 $0xFFFFFFFF  }
0xb6: {  	_ =	strace $0x9000004B  }
0xb7: {  	_ =	sfence  }
0xb8: {  	s30 =	sld [smem:$0x0];
	_ =	sdelay $0x2  }
0xb9: {  	s31 =	sshll.u32 s1, $0xD;
	s1 =	sshrl.u32 s1, $0x2  }
0xba: {  	s3 =	sand.u32 $0x4000, s31;
	s1 =	sadd.s32 s1, s30  }
0xbb: {  	s0 =	sor.u32 s3, s0;
	s1 =	sshll.u32 s1, $0x11  }
0xbc: {  	s0 =	sor.u32 s1, s0  }
0xbd: {  	s0 =	sadd.s32 $0x8F2B, s0  }
0xbe: {  	[sflag:s0] =	ssyncadd.remote.s32 $0x1  }
0xbf: {  	_ =	sfence.sel $0xFFFF  }
0xc0: {  	[dreg:$0x0] =	wrdreg $0xFFFFFFFF;
	(pc) =	sbr.abs _section_cstart, $3  }
0xc1: {  	[dreg:$0x1] =	wrdreg $0xFFFFFFFF  }
0xc2: {  	_ =	task.clear_ibuf [dreg:s7], $0x2FFFF;
	_ =	strace $0x9FFFFFFF  }
0xc3: {  	(tm) =	ssettm $0x7FFFFFFF  }
tec
execute0_lowered:
.L_overlay_start_1:
0x0: {  	(tag) =	ssettag $0x1  }
0x1: {  	s1 =	rddreg [dreg:$0x0]  }
0x2: {  	s0 =	rddreg [dreg:$0x1]  }
0x3: {  	s3 =	rddreg [dreg:$0x2]  }
0x4: {  	s2 =	srdreg.scid;
	s10 =	stileid.u32;
	s4 =	simm.s32 $0x0  }
0x5: {  	s28 =	simm.s32 $0x2;
	s29 =	simm.s32 $0x7;
	s30 =	simm.s32 $0x3  }
0x6: {  	s31 =	simm.s32 $0x13D80;
	s2 =	sand.u32 $0x1, s2;
	s6 =	smul.u32 $0x2780, s10  }
0x7: {  	[smem:$0x7FF] =	sst s4;
	s5 =	sadd.s32 $0x2200, s0;
	s26 =	smul.u32 $0x7D00, s10  }
0x8: {  	s9 =	sadd.s32 $0x6F800, s0;
	s11 =	smul.u32 $0x4F000, s10;
	s15 =	sshll.u32 s10, $0x6  }
0x9: {  	s10 =	simm.s32 $0x5;
	s7 =	smul.u32 $0x27800, s2;
	_ =	strace $0x8000004A  }
0xa: {  	s8 =	smul.u32 $0x7D000, s2;
	[dreg:$0x7] =	wrdreg s9;
	s2 =	ssub.s32 $0x2, s2  }
0xb: {  	s12 =	sshrl.u32 s2, $0x1;
	s13 =	sshrl.u32 s11, $0x2;
	s11 =	simm.s32 $0x13F80  }
0xc: {  	s6 =	sadd.s32 s6, s7;
	s9 =	sadd.s32 s26, s8;
	s2 =	ssub.s32 s2, s12  }
0xd: {  	s8 =	sor.u32 $0x1C09, s15;
	s12 =	simm.s32 $0x0;
	s0 =	sadd.s32 s6, s0  }
0xe: {  	s14 =	sshrl.u32 s9, $0x3;
	s6 =	sadd.s32 s13, s3;
	s19 =	sadd.s32 $0x700, s9  }
0xf: {  	s21 =	sadd.s32 $0x600, s9;
	s22 =	sadd.s32 $0x500, s9;
	s2 =	smax.u32 s2, $0x1  }
0x10: {  	s26 =	sadd.s32 $0x400, s9;
	s9 =	simm.s32 $0x13E80;
	[dreg:$0xe] =	wrdreg s2  }
0x11: {  	s7 =	sadd.s32 s5, s14;
	s0 =	sadd.s32 $0x72000, s0;
	[dreg:$0xf] =	wrdreg s26  }
0x12: {  	s20 =	sshrl.u32 s19, $0x3;
	s24 =	sshrl.u32 s22, $0x3;
	[dreg:$0x8] =	wrdreg s7  }
0x13: {  	s19 =	simm.s32 $0x50;
	s16 =	sadd.s32 $0x20, s7;
	[dreg:$0xd] =	wrdreg s0  }
0x14: {  	s22 =	simm.s32 $0x1;
	s17 =	sadd.s32 $0x40, s7;
	[dreg:$0x9] =	wrdreg s16  }
0x15: {  	s26 =	simm.s32 $0x13E00;
	s18 =	sadd.s32 $0x60, s7;
	[dreg:$0xa] =	wrdreg s17  }
0x16: {  	s2 =	simm.s32 $0x8;
	s7 =	sadd.s32 $0xF80, s7;
	[dreg:$0xb] =	wrdreg s18  }
0x17: {  	s0 =	sadd.s32 s20, s5;
	s25 =	sadd.s32 s24, s5;
	[dreg:$0xc] =	wrdreg s7  }
0x18: {  	s20 =	simm.s32 $0x14000;
	s24 =	simm.s32 $0x16800;
	[dreg:$0x4] =	wrdreg s0  }
0x19: {  	s7 =	sshrl.u32 s21, $0x3;
	[dreg:$0x6] =	wrdreg s25;
	s16 =	sshrl.u32 s6, $0x3  }
0x1a: {  	s17 =	simm.s32 $0x9;
	s18 =	simm.s32 $0x13C00;
	s21 =	simm.s32 $0x13D00  }
0x1b: {  	s25 =	simm.s32 $0x13C80;
	s0 =	simm.s32 $0x13F00;
	s23 =	sadd.s32 s7, s5  }
0x1c: {  	s6 =	simm.s32 $0x4;
	[dreg:$0x5] =	wrdreg s23;
	s23 =	simm.s32 $0x6  }
.LBB2_1:
0x1d: {  	s7 =	rddreg [dreg:$0x7]  }
0x1e: {  	[spmem:s16], [sflag:s8] =	dma.local [hbm:s7], $0x2780  }
0x1f: {  	_ =	swait.ge [sflag:s17], $0x2780  }
0x20: {  	[sflag:s17] =	ssyncset.done $0x0  }
0x21: {  	[sflag:s17] =	ssyncadd.s32 $0xFFFFD880  }
0x22: {  	[bflag:$0x0] =	sbarrier.arrive $0xFFFF  }
0x23: {  	s15 =	smov.u32 s8;
	s8 =	rddreg [dreg:$0x8]  }
0x24: {  	[tilespmem:s18], [sflag:$0x9] =	stream.linear.gather [hbm4b:s8+s4], $0x100, $0x38;
	[tilespmem:$0x19000] =	vst v63  }
0x25: {  	_ =	swait.ge [sflag:s17], $0x100  }
0x26: {  	[sflag:s17] =	ssyncset.done $0x0  }
0x27: {  	[sflag:s17] =	ssyncadd.s32 $0xFFFFFF00  }
0x28: {  	[tilespmem:s20], [sflag:$0x1] =	stream.indirect.gather [hbm4b:s1+s19], $0x80, s18, s19, $0xb8;
	[tilespmem:$0x19000] =	vst v63  }
0x29: {  	s13 =	rddreg [dreg:$0x9]  }
0x2a: {  	[tilespmem:s21], [sflag:$0x6] =	stream.linear.gather [hbm4b:s13+s4], $0x100, $0x38;
	[tilespmem:$0x19000] =	vst v63  }
0x2b: {  	_ =	swait.ge [sflag:s22], $0x2800  }
0x2c: {  	[sflag:s22] =	ssyncset.done $0x0  }
0x2d: {  	[sflag:s22] =	ssyncadd.s32 $0xFFFFD800  }
0x2e: {  	_ =	swait.ge [sflag:s23], $0x100  }
0x2f: {  	[sflag:s23] =	ssyncset.done $0x0  }
0x30: {  	[sflag:s23] =	ssyncadd.s32 $0xFFFFFF00  }
0x31: {  	[tilespmem:s24], [sflag:$0x2] =	stream.indirect.gather [hbm4b:s1+s19], $0x80, s21, s19, $0xb8;
	[tilespmem:$0x19000] =	vst v63  }
0x32: {  	_ = 	snop  }
0x33: {  	[spmem:s3] =	stream.indirect.scatter.add.f32 [tilespmem:s20], [sflag:$0x3], $0x80, s25, s19, $0xb8;
	[tilespmem:$0x19000] =	vst v63  }
0x34: {  	s14 =	rddreg [dreg:$0xa]  }
0x35: {  	[tilespmem:s26], [sflag:$0x7] =	stream.linear.gather [hbm4b:s14+s4], $0x100, $0x38;
	[tilespmem:$0x19000] =	vst v63  }
0x36: {  	_ =	swait.ge [sflag:s28], $0x2800  }
0x37: {  	[sflag:s28] =	ssyncset.done $0x0  }
0x38: {  	[sflag:s28] =	ssyncadd.s32 $0xFFFFD800  }
0x39: {  	_ =	swait.ge [sflag:s29], $0x100  }
0x3a: {  	[sflag:s29] =	ssyncset.done $0x0  }
0x3b: {  	[sflag:s29] =	ssyncadd.s32 $0xFFFFFF00  }
0x3c: {  	_ =	swait.ge [sflag:s30], $0x2800  }
0x3d: {  	[sflag:s30] =	ssyncset.done $0x0  }
0x3e: {  	[sflag:s30] =	ssyncadd.s32 $0xFFFFD800  }
0x3f: {  	[tilespmem:s20], [sflag:$0x1] =	stream.indirect.gather [hbm4b:s1+s19], $0x80, s26, s19, $0xb8;
	[tilespmem:$0x19000] =	vst v63  }
0x40: {  	_ = 	snop  }
0x41: {  	[spmem:s3] =	stream.indirect.scatter.add.f32 [tilespmem:s24], [sflag:$0x4], $0x80, s31, s19, $0xb8;
	[tilespmem:$0x19000] =	vst v63  }
0x42: {  	s8 =	rddreg [dreg:$0xb]  }
0x43: {  	[tilespmem:s0], [sflag:$0x8] =	stream.linear.gather [hbm4b:s8+s4], $0x100, $0x38;
	[tilespmem:$0x19000] =	vst v63  }
0x44: {  	_ =	swait.ge [sflag:s22], $0x2800  }
0x45: {  	[sflag:s22] =	ssyncset.done $0x0  }
0x46: {  	[sflag:s22] =	ssyncadd.s32 $0xFFFFD800  }
0x47: {  	_ =	swait.ge [sflag:s2], $0x100  }
0x48: {  	[sflag:s2] =	ssyncset.done $0x0  }
0x49: {  	[sflag:s2] =	ssyncadd.s32 $0xFFFFFF00  }
0x4a: {  	_ =	swait.ge [sflag:s6], $0x2800  }
0x4b: {  	[sflag:s6] =	ssyncset.done $0x0  }
0x4c: {  	s8 =	rddreg [dreg:$0xf];
	[sflag:s6] =	ssyncadd.s32 $0xFFFFD800  }
0x4d: {  	[tilespmem:s24], [sflag:$0x2] =	stream.indirect.gather [hbm4b:s1+s19], $0x80, s0, s19, $0xb8;
	[tilespmem:$0x19000] =	vst v63  }
0x4e: {  	s13 =	sshrl.u32 s8, $0x3  }
0x4f: {  	[spmem:s3] =	stream.indirect.scatter.add.f32 [tilespmem:s20], [sflag:$0x3], $0x80, s9, s19, $0xb8;
	[tilespmem:$0x19000] =	vst v63  }
0x50: {  	s7 =	sadd.s32 s5, s13  }
0x51: {  	[tilespmem:s18], [sflag:$0x5] =	stream.linear.gather [hbm4b:s7+s4], $0x100, $0x38;
	[tilespmem:$0x19000] =	vst v63  }
0x52: {  	_ =	swait.ge [sflag:s28], $0x2800  }
0x53: {  	[sflag:s28] =	ssyncset.done $0x0  }
0x54: {  	[sflag:s28] =	ssyncadd.s32 $0xFFFFD800  }
0x55: {  	_ =	swait.ge [sflag:s10], $0x100  }
0x56: {  	[sflag:s10] =	ssyncset.done $0x0  }
0x57: {  	[sflag:s10] =	ssyncadd.s32 $0xFFFFFF00  }
0x58: {  	_ =	swait.ge [sflag:s30], $0x2800  }
0x59: {  	[sflag:s30] =	ssyncset.done $0x0  }
0x5a: {  	[sflag:s30] =	ssyncadd.s32 $0xFFFFD800  }
0x5b: {  	[tilespmem:s20], [sflag:$0x1] =	stream.indirect.gather [hbm4b:s1+s19], $0x80, s18, s19, $0xb8;
	[tilespmem:$0x19000] =	vst v63  }
0x5c: {  	s14 =	rddreg [dreg:$0x6]  }
0x5d: {  	[spmem:s3] =	stream.indirect.scatter.add.f32 [tilespmem:s24], [sflag:$0x4], $0x80, s11, s19, $0xb8;
	[tilespmem:$0x19000] =	vst v63  }
0x5e: {  	s7 =	sadd.s32 $0x0, s14  }
0x5f: {  	[tilespmem:s21], [sflag:$0x6] =	stream.linear.gather [hbm4b:s7+s4], $0x100, $0x38;
	[tilespmem:$0x19000] =	vst v63  }
0x60: {  	_ =	swait.ge [sflag:s22], $0x2800  }
0x61: {  	[sflag:s22] =	ssyncset.done $0x0  }
0x62: {  	[sflag:s22] =	ssyncadd.s32 $0xFFFFD800  }
0x63: {  	_ =	swait.ge [sflag:s23], $0x100  }
0x64: {  	[sflag:s23] =	ssyncset.done $0x0  }
0x65: {  	[sflag:s23] =	ssyncadd.s32 $0xFFFFFF00  }
0x66: {  	_ =	swait.ge [sflag:s6], $0x2800  }
0x67: {  	[sflag:s6] =	ssyncset.done $0x0  }
0x68: {  	[sflag:s6] =	ssyncadd.s32 $0xFFFFD800  }
0x69: {  	[tilespmem:s24], [sflag:$0x2] =	stream.indirect.gather [hbm4b:s1+s19], $0x80, s21, s19, $0xb8;
	[tilespmem:$0x19000] =	vst v63  }
0x6a: {  	s13 =	rddreg [dreg:$0x5]  }
0x6b: {  	[spmem:s3] =	stream.indirect.scatter.add.f32 [tilespmem:s20], [sflag:$0x3], $0x80, s25, s19, $0xb8;
	[tilespmem:$0x19000] =	vst v63  }
0x6c: {  	s7 =	sadd.s32 $0x0, s13  }
0x6d: {  	[tilespmem:s26], [sflag:$0x7] =	stream.linear.gather [hbm4b:s7+s4], $0x100, $0x38;
	[tilespmem:$0x19000] =	vst v63  }
0x6e: {  	_ =	swait.ge [sflag:s28], $0x2800  }
0x6f: {  	[sflag:s28] =	ssyncset.done $0x0  }
0x70: {  	[sflag:s28] =	ssyncadd.s32 $0xFFFFD800  }
0x71: {  	_ =	swait.ge [sflag:s29], $0x100  }
0x72: {  	[sflag:s29] =	ssyncset.done $0x0  }
0x73: {  	[sflag:s29] =	ssyncadd.s32 $0xFFFFFF00  }
0x74: {  	_ =	swait.ge [sflag:s30], $0x2800  }
0x75: {  	[sflag:s30] =	ssyncset.done $0x0  }
0x76: {  	s14 =	rddreg [dreg:$0x4];
	[sflag:s30] =	ssyncadd.s32 $0xFFFFD800  }
0x77: {  	[tilespmem:s20], [sflag:$0x1] =	stream.indirect.gather [hbm4b:s1+s19], $0x80, s26, s19, $0xb8;
	[tilespmem:$0x19000] =	vst v63  }
0x78: {  	s13 =	simm.s32 $0x80;
	s7 =	sadd.s32 $0x0, s14;
	s14 =	sadd.s32 $0x400, s8  }
0x79: {  	[spmem:s3] =	stream.indirect.scatter.add.f32 [tilespmem:s24], [sflag:$0x4], $0x80, s31, s19, $0xb8;
	[tilespmem:$0x19000] =	vst v63  }
.LBB2_2:
0x7a: {  	[tilespmem:s0], [sflag:$0x8] =	stream.linear.gather [hbm4b:s7+s4], $0x100, $0x38;
	[tilespmem:$0x19000] =	vst v63  }
0x7b: {  	_ =	swait.ge [sflag:s22], $0x2800  }
0x7c: {  	[sflag:s22] =	ssyncset.done $0x0  }
0x7d: {  	[sflag:s22] =	ssyncadd.s32 $0xFFFFD800  }
0x7e: {  	_ =	swait.ge [sflag:s2], $0x100  }
0x7f: {  	[sflag:s2] =	ssyncset.done $0x0  }
0x80: {  	[sflag:s2] =	ssyncadd.s32 $0xFFFFFF00  }
0x81: {  	_ =	swait.ge [sflag:s6], $0x2800  }
0x82: {  	[sflag:s6] =	ssyncset.done $0x0  }
0x83: {  	[sflag:s6] =	ssyncadd.s32 $0xFFFFD800  }
0x84: {  	[tilespmem:s24], [sflag:$0x2] =	stream.indirect.gather [hbm4b:s1+s19], $0x80, s0, s19, $0xb8;
	[tilespmem:$0x19000] =	vst v63  }
0x85: {  	s8 =	sshrl.u32 s14, $0x3  }
0x86: {  	[spmem:s3] =	stream.indirect.scatter.add.f32 [tilespmem:s20], [sflag:$0x3], $0x80, s9, s19, $0xb8;
	[tilespmem:$0x19000] =	vst v63  }
0x87: {  	s8 =	sadd.s32 s5, s8  }
0x88: {  	[tilespmem:s18], [sflag:$0x5] =	stream.linear.gather [hbm4b:s8+s4], $0x100, $0x38;
	[tilespmem:$0x19000] =	vst v63  }
0x89: {  	_ =	swait.ge [sflag:s28], $0x2800  }
0x8a: {  	[sflag:s28] =	ssyncset.done $0x0  }
0x8b: {  	[sflag:s28] =	ssyncadd.s32 $0xFFFFD800  }
0x8c: {  	_ =	swait.ge [sflag:s10], $0x100  }
0x8d: {  	[sflag:s10] =	ssyncset.done $0x0  }
0x8e: {  	[sflag:s10] =	ssyncadd.s32 $0xFFFFFF00  }
0x8f: {  	_ =	swait.ge [sflag:s30], $0x2800  }
0x90: {  	[sflag:s30] =	ssyncset.done $0x0  }
0x91: {  	[sflag:s30] =	ssyncadd.s32 $0xFFFFD800  }
0x92: {  	[tilespmem:s20], [sflag:$0x1] =	stream.indirect.gather [hbm4b:s1+s19], $0x80, s18, s19, $0xb8;
	[tilespmem:$0x19000] =	vst v63  }
0x93: {  	s7 =	smov.u32 s13;
	s8 =	rddreg [dreg:$0x6]  }
0x94: {  	[spmem:s3] =	stream.indirect.scatter.add.f32 [tilespmem:s24], [sflag:$0x4], $0x80, s11, s19, $0xb8;
	[tilespmem:$0x19000] =	vst v63  }
0x95: {  	s8 =	sadd.s32 s7, s8  }
0x96: {  	[tilespmem:s21], [sflag:$0x6] =	stream.linear.gather [hbm4b:s8+s4], $0x100, $0x38;
	[tilespmem:$0x19000] =	vst v63  }
0x97: {  	_ =	swait.ge [sflag:s22], $0x2800  }
0x98: {  	[sflag:s22] =	ssyncset.done $0x0  }
0x99: {  	[sflag:s22] =	ssyncadd.s32 $0xFFFFD800  }
0x9a: {  	_ =	swait.ge [sflag:s23], $0x100  }
0x9b: {  	[sflag:s23] =	ssyncset.done $0x0  }
0x9c: {  	[sflag:s23] =	ssyncadd.s32 $0xFFFFFF00  }
0x9d: {  	_ =	swait.ge [sflag:s6], $0x2800  }
0x9e: {  	[sflag:s6] =	ssyncset.done $0x0  }
0x9f: {  	[sflag:s6] =	ssyncadd.s32 $0xFFFFD800  }
0xa0: {  	[tilespmem:s24], [sflag:$0x2] =	stream.indirect.gather [hbm4b:s1+s19], $0x80, s21, s19, $0xb8;
	[tilespmem:$0x19000] =	vst v63  }
0xa1: {  	s8 =	rddreg [dreg:$0x5]  }
0xa2: {  	[spmem:s3] =	stream.indirect.scatter.add.f32 [tilespmem:s20], [sflag:$0x3], $0x80, s25, s19, $0xb8;
	[tilespmem:$0x19000] =	vst v63  }
0xa3: {  	s8 =	sadd.s32 s7, s8  }
0xa4: {  	[tilespmem:s26], [sflag:$0x7] =	stream.linear.gather [hbm4b:s8+s4], $0x100, $0x38;
	[tilespmem:$0x19000] =	vst v63  }
0xa5: {  	_ =	swait.ge [sflag:s28], $0x2800  }
0xa6: {  	[sflag:s28] =	ssyncset.done $0x0  }
0xa7: {  	[sflag:s28] =	ssyncadd.s32 $0xFFFFD800  }
0xa8: {  	_ =	swait.ge [sflag:s29], $0x100  }
0xa9: {  	[sflag:s29] =	ssyncset.done $0x0  }
0xaa: {  	[sflag:s29] =	ssyncadd.s32 $0xFFFFFF00  }
0xab: {  	p0 =	sne.s32 s13, $0xE80;
	_ =	swait.ge [sflag:s30], $0x2800  }
.Ltmp0:
0xac: {  	[sflag:s30] =	ssyncset.done $0x0;
	(pc) =	sbr.rel @p0 .LBB2_2-.Ltmp0, $4  }
0xad: {  	s8 =	rddreg [dreg:$0x4];
	[sflag:s30] =	ssyncadd.s32 $0xFFFFD800  }
0xae: {  	[tilespmem:s20], [sflag:$0x1] =	stream.indirect.gather [hbm4b:s1+s19], $0x80, s26, s19, $0xb8;
	[tilespmem:$0x19000] =	vst v63  }
0xaf: {  	s13 =	sadd.s32 $0x80, s13;
	s14 =	sadd.s32 $0x400, s14;
	s7 =	sadd.s32 s7, s8  }
0xb0: {  	[spmem:s3] =	stream.indirect.scatter.add.f32 [tilespmem:s24], [sflag:$0x4], $0x80, s31, s19, $0xb8;
	[tilespmem:$0x19000] =	vst v63  }
0xb1: {  	[tilespmem:s0], [sflag:$0x8] =	stream.linear.gather [hbm4b:s7+s4], $0x100, $0x38;
	[tilespmem:$0x19000] =	vst v63  }
0xb2: {  	_ =	swait.ge [sflag:s22], $0x2800  }
0xb3: {  	[sflag:s22] =	ssyncset.done $0x0  }
0xb4: {  	[sflag:s22] =	ssyncadd.s32 $0xFFFFD800  }
0xb5: {  	_ =	swait.ge [sflag:s2], $0x100  }
0xb6: {  	[sflag:s2] =	ssyncset.done $0x0  }
0xb7: {  	[sflag:s2] =	ssyncadd.s32 $0xFFFFFF00  }
0xb8: {  	_ =	swait.ge [sflag:s6], $0x2800  }
0xb9: {  	[sflag:s6] =	ssyncset.done $0x0  }
0xba: {  	[sflag:s6] =	ssyncadd.s32 $0xFFFFD800  }
0xbb: {  	[tilespmem:s24], [sflag:$0x2] =	stream.indirect.gather [hbm4b:s1+s19], $0x80, s0, s19, $0xb8;
	[tilespmem:$0x19000] =	vst v63  }
0xbc: {  	_ = 	snop  }
0xbd: {  	[spmem:s3] =	stream.indirect.scatter.add.f32 [tilespmem:s20], [sflag:$0x3], $0x80, s9, s19, $0xb8;
	[tilespmem:$0x19000] =	vst v63  }
0xbe: {  	s13 =	rddreg [dreg:$0xc]  }
0xbf: {  	[tilespmem:s18], [sflag:$0x5] =	stream.linear.gather [hbm4b:s13+s4], $0x100, $0x38;
	[tilespmem:$0x19000] =	vst v63  }
0xc0: {  	_ =	swait.ge [sflag:s28], $0x2800  }
0xc1: {  	[sflag:s28] =	ssyncset.done $0x0  }
0xc2: {  	[sflag:s28] =	ssyncadd.s32 $0xFFFFD800  }
0xc3: {  	_ =	swait.ge [sflag:s10], $0x100  }
0xc4: {  	[sflag:s10] =	ssyncset.done $0x0  }
0xc5: {  	[sflag:s10] =	ssyncadd.s32 $0xFFFFFF00  }
0xc6: {  	_ =	swait.ge [sflag:s30], $0x2800  }
0xc7: {  	[sflag:s30] =	ssyncset.done $0x0  }
0xc8: {  	[sflag:s30] =	ssyncadd.s32 $0xFFFFD800  }
0xc9: {  	[tilespmem:s20], [sflag:$0x1] =	stream.indirect.gather [hbm4b:s1+s19], $0x80, s18, s19, $0xb8;
	[tilespmem:$0x19000] =	vst v63  }
0xca: {  	_ = 	snop  }
0xcb: {  	[spmem:s3] =	stream.indirect.scatter.add.f32 [tilespmem:s24], [sflag:$0x4], $0x80, s11, s19, $0xb8;
	[tilespmem:$0x19000] =	vst v63  }
0xcc: {  	_ =	swait.ge [sflag:s22], $0x2800  }
0xcd: {  	[sflag:s22] =	ssyncset.done $0x0  }
0xce: {  	[sflag:s22] =	ssyncadd.s32 $0xFFFFD800  }
0xcf: {  	_ =	swait.ge [sflag:s6], $0x2800  }
0xd0: {  	[sflag:s6] =	ssyncset.done $0x0  }
0xd1: {  	[sflag:s6] =	ssyncadd.s32 $0xFFFFD800  }
0xd2: {  	[spmem:s3] =	stream.indirect.scatter.add.f32 [tilespmem:s20], [sflag:$0x3], $0x80, s25, s19, $0xb8;
	[tilespmem:$0x19000] =	vst v63  }
0xd3: {  	_ =	swait.ge [sflag:s30], $0x2800  }
0xd4: {  	[sflag:s30] =	ssyncset.done $0x0  }
0xd5: {  	[sflag:s30] =	ssyncadd.s32 $0xFFFFD800  }
0xd6: {  	[bflag:$0x0] =	sbarrier.arrive $0xFFFF  }
0xd7: {  	s14 =	rddreg [dreg:$0xd]  }
0xd8: {  	[hbm:s14], [sflag:s15] =	dma.local [spmem:s16], $0x2780  }
0xd9: {  	_ =	swait.ge [sflag:s17], $0x2780  }
0xda: {  	s8 =	smov.u32 s15;
	s12 =	sadd.s32 $0x1, s12;
	s15 =	rddreg [dreg:$0xe]  }
0xdb: {  	p0 =	sne.s32 s12, s15  }
.Ltmp1:
0xdc: {  	_ = 	snop;
	(pc) =	sbr.rel @p0 .LBB2_1-.Ltmp1, $3  }
0xdd: {  	_ =	sdelay $0x1  }
0xde: {  	[sflag:s17] =	ssyncset.done $0x0  }
0xdf: {  	[sflag:s17] =	ssyncadd.s32 $0xFFFFD880  }
0xe0: {  	_ =	sfence.sel $0x180000  }
0xe1: {  	[bflag:$0x0] =	sbarrier.arrive $0xFFFF  }
0xe2: {  	_ =	strace $0x9000004A  }
0xe3: {  	s0 =	stileid.u32;
	[bflag:$0x2] =	sbarrier.arrive $0xFFFF  }
0xe4: {  	p0 =	sne.s32 s0, $0x0;
	s0 =	rddreg [dreg:$0x3]  }
0xe5: {  	s0 =	sadd.s32 @!p0 $0x100000, s0  }
0xe6: {  	[sflag:s0] =	ssyncadd.tile.s32 @!p0 $0x1;
	_ =	shalt  }
.Lfunc_end2:
_tile_overlayer_lowered:
.L_overlay_start_2:
0xe7: {  	(tag) =	ssettag $0x2  }
0xe8: {  	s0 =	rddreg [dreg:$0x0];
	s2 =	stileid.u32  }
0xe9: {  	s1 =	rddreg [dreg:$0x1];
	p0 =	sne.s32 s2, $0x0  }
0xea: {  	s3 =	rddreg [dreg:$0x2];
	[bflag:$0x3] =	sbarrier.arrive $0xFFFF;
	s2 =	simm.s32 @!p0 $0x1C09  }
0xeb: {  	[timem:s3], [sflag:s2] =	dma.local @!p0 [hbm:s0], s1  }
0xec: {  	s0 =	simm.s32 @!p0 $0x9  }
0xed: {  	_ =	swait.ge @!p0 [sflag:s0], s1  }
0xee: {  	s1 =	ssub.s32 @!p0 $0x0, s1;
	[sflag:s0] =	ssyncset.done @!p0 $0x0  }
0xef: {  	[sflag:s0] =	ssyncadd.s32 @!p0 s1  }
0xf0: {  	[bflag:$0x3] =	sbarrier.arrive $0xFFFF  }
0xf1: {  	_ =	shalt  }

// kernel: kernel.14.cloned.1.call-start
scs
__scs_entry_jumppad:
0x0: {  	(pc) =	sbr.rel $0x88, $3  }
0x1: {  	(tag) =	ssettag $0x0;
	lr =	simm.s32 $0x1  }
0x2: {  	[smem:$0x3F9E] =	sst lr;
	_ =	strace $0xD0000000  }
0x3: {  	_ = 	snop  }
0x4: {  	_ = 	snop  }
0x5: {  	_ = 	snop  }
0x6: {  	_ = 	snop  }
0x7: {  	_ = 	snop  }
__scs_overlays_trampoline_lowered:
0x8: {  	[smem:$0x3FAD] =	sst s0  }
0x9: {  	[smem:$0x3FAE] =	sst s1  }
0xa: {  	[smem:$0x3FAF] =	sst s2  }
0xb: {  	[smem:$0x3FB0] =	sst s3  }
0xc: {  	[smem:$0x3FB1] =	sst s4  }
0xd: {  	[smem:$0x3FB2] =	sst s5  }
0xe: {  	[smem:$0x3FB3] =	sst s6  }
0xf: {  	[smem:$0x3FB4] =	sst s7  }
0x10: {  	[smem:$0x3FB5] =	sst s8  }
0x11: {  	[smem:$0x3FB6] =	sst s9;
	s0 =	simm.s32 @!p0 $0x0  }
0x12: {  	s1 =	sld [smem:$0x3F9C];
	s0 =	simm.s32 @p0 $0x1  }
0x13: {  	[smem:$0x3FB7] =	sst s0;
	s0 =	simm.s32 @!p1 $0x0  }
0x14: {  	s2 =	sld [smem:$0x3F9B];
	s0 =	simm.s32 @p1 $0x1  }
0x15: {  	[smem:$0x3FB8] =	sst s0;
	s0 =	simm.s32 @!p2 $0x0  }
0x16: {  	s3 =	sld [smem:$0x3FDB];
	s0 =	simm.s32 @p2 $0x1  }
0x17: {  	s4 =	simm.s32 $0x1BF5;
	[smem:$0x3FBA] =	sst s0  }
0x18: {  	s0 =	sld [smem:$0x3F9D];
	_ =	swait.ge [sflag:s4], $0x0  }
0x19: {  	s7 =	sld [smem:$0x3F9E]  }
0x1a: {  	s8 =	sadd.s32 $0xFFFFE003, lr  }
0x1b: {  	s9 =	sadd.s32 $0xFFFFFEF7, lr;
	s5 =	simm.s32 $0xFFFFFFFF;
	p2 =	slt.u32 s8, $0xFFFFF086  }
0x1c: {  	p1 =	slt.u32 s9, $0xF7A;
	s5 =	simm.s32 @!p2 $0x0  }
0x1d: {  	s5 =	simm.s32 @p1 $0x1;
	p0 =	seq.s32 s7, s2  }
0x1e: {  	s7 =	smul.u32 @!p0 $0xF7A, s2;
	p2 =	seq.s32 @!p0 s5, $0x0  }
0x1f: {  	s9 =	smul.u32 $0xF7A, s1;
	s8 =	simm.s32 @!p0 $0x1BF5;
	p2 =	por !p2, p0  }
0x20: {  	[sflag:s8] =	ssyncset.s32 @!p0 $0xFFFFF086;
	s6 =	sadd.s32 @!p0 s3, s7;
	s7 =	simm.s32 @!p0 $0x108  }
0x21: {  	s3 =	sadd.s32 s3, s9;
	s6 =	sadd.s32 @!p0 $0x88, s6;
	s7 =	simm.s32 @p2 $0x1082  }
0x22: {  	[simem:s7], [sflag:s8] =	dma.local @!p0 [hbm:s6], $0xF7A  }
0x23: {  	s9 =	sor.u32 $0xD0000000, s2;
	s6 =	simm.s32 $0x108;
	_ =	swait.ge @!p0 [sflag:s8], $0x0  }
0x24: {  	s3 =	sadd.s32 $0x88, s3;
	s6 =	simm.s32 @!p1 $0x1082;
	[sflag:s4] =	ssyncset.s32 $0xFFFFF086  }
0x25: {  	[simem:s6], [sflag:s4] =	dma.local [hbm:s3], $0xF7A  }
0x26: {  	[smem:$0x3F9E] =	sst s1;
	(tag) =	ssettag s2;
	_ =	strace s9  }
0x27: {  	s1 =	sld [smem:$0x3FAE]  }
0x28: {  	s2 =	sld [smem:$0x3FAF]  }
0x29: {  	s4 =	sld [smem:$0x3FB1]  }
0x2a: {  	p0 =	seq.s32 s5, $0x0;
	s5 =	sld [smem:$0x3FB2]  }
0x2b: {  	s6 =	sld [smem:$0x3FB3]  }
0x2c: {  	s7 =	sld [smem:$0x3FB4]  }
0x2d: {  	s3 =	simm.s32 $0x108;
	s8 =	sld [smem:$0x3FB5]  }
0x2e: {  	s3 =	simm.s32 @!p0 $0x1082;
	s9 =	sld [smem:$0x3FB6]  }
0x2f: {  	lr =	sadd.s32 s0, s3;
	s0 =	sld [smem:$0x3FAD]  }
0x30: {  	s3 =	sld [smem:$0x3FB0]  }
0x31: {  	[smem:$0x3FB9] =	sst s10  }
0x32: {  	s10 =	sld [smem:$0x3FB7];
	_ =	sdelay $0x3  }
0x33: {  	p0 =	seq.s32 s10, $0x1;
	s10 =	sld [smem:$0x3FB9];
	_ =	sdelay $0x3  }
0x34: {  	[smem:$0x3FB9] =	sst s10  }
0x35: {  	s10 =	sld [smem:$0x3FB8];
	_ =	sdelay $0x3  }
0x36: {  	p1 =	seq.s32 s10, $0x1;
	s10 =	sld [smem:$0x3FB9];
	_ =	sdelay $0x3  }
0x37: {  	[smem:$0x3FB9] =	sst s10  }
0x38: {  	s10 =	sld [smem:$0x3FBA]  }
0x39: {  	_ = 	snop;
	(pc) =	sbr.ind lr, $3  }
0x3a: {  	_ = 	snop  }
0x3b: {  	_ = 	snop  }
0x3c: {  	p2 =	seq.s32 s10, $0x1;
	s10 =	sld [smem:$0x3FB9]  }
0x3d: {  	_ =	shalt  }
0x3e: {  	_ =	shalt  }
0x3f: {  	_ =	shalt  }
0x40: {  	_ =	shalt  }
0x41: {  	_ =	shalt  }
0x42: {  	_ =	shalt  }
0x43: {  	_ =	shalt  }
0x44: {  	_ =	shalt  }
0x45: {  	_ =	shalt  }
0x46: {  	_ =	shalt  }
0x47: {  	_ =	shalt  }
0x48: {  	_ =	shalt  }
0x49: {  	_ =	shalt  }
0x4a: {  	_ =	shalt  }
0x4b: {  	_ =	shalt  }
0x4c: {  	_ =	shalt  }
0x4d: {  	_ =	shalt  }
0x4e: {  	_ =	shalt  }
0x4f: {  	_ =	shalt  }
0x50: {  	_ =	shalt  }
0x51: {  	_ =	shalt  }
0x52: {  	_ =	shalt  }
0x53: {  	_ =	shalt  }
0x54: {  	_ =	shalt  }
0x55: {  	_ =	shalt  }
0x56: {  	_ =	shalt  }
0x57: {  	_ =	shalt  }
0x58: {  	_ =	shalt  }
0x59: {  	_ =	shalt  }
0x5a: {  	_ =	shalt  }
0x5b: {  	_ =	shalt  }
0x5c: {  	_ =	shalt  }
0x5d: {  	_ =	shalt  }
0x5e: {  	_ =	shalt  }
0x5f: {  	_ =	shalt  }
0x60: {  	_ =	shalt  }
0x61: {  	_ =	shalt  }
0x62: {  	_ =	shalt  }
0x63: {  	_ =	shalt  }
0x64: {  	_ =	shalt  }
0x65: {  	_ =	shalt  }
0x66: {  	_ =	shalt  }
0x67: {  	_ =	shalt  }
0x68: {  	_ =	shalt  }
0x69: {  	_ =	shalt  }
0x6a: {  	_ =	shalt  }
0x6b: {  	_ =	shalt  }
0x6c: {  	_ =	shalt  }
0x6d: {  	_ =	shalt  }
0x6e: {  	_ =	shalt  }
0x6f: {  	_ =	shalt  }
0x70: {  	_ =	shalt  }
0x71: {  	_ =	shalt  }
0x72: {  	_ =	shalt  }
0x73: {  	_ =	shalt  }
0x74: {  	_ =	shalt  }
0x75: {  	_ =	shalt  }
0x76: {  	_ =	shalt  }
0x77: {  	_ =	shalt  }
0x78: {  	_ =	shalt  }
0x79: {  	_ =	shalt  }
0x7a: {  	_ =	shalt  }
0x7b: {  	_ =	shalt  }
0x7c: {  	_ =	shalt  }
0x7d: {  	_ =	shalt  }
0x7e: {  	_ =	shalt  }
0x7f: {  	_ =	shalt  }
0x80: {  	_ =	shalt  }
0x81: {  	_ =	shalt  }
0x82: {  	_ =	shalt  }
0x83: {  	_ =	shalt  }
0x84: {  	_ =	shalt  }
0x85: {  	_ =	shalt  }
0x86: {  	_ =	shalt  }
0x87: {  	_ =	shalt  }
.Lfunc_end0:
.L_simem_size_0:
called_computation.2_lowered:
.L_overlay_start_0:
0x88: {  	s2 =	sld [smem:$0x3FD9]  }
0x89: {  	s3 =	sld [smem:$0x3FFE];
	_ =	sdelay $0x1  }
0x8a: {  	s1 =	srdreg.scid  }
0x8b: {  	s0 =	sand.u32 $0x1, s1  }
0x8c: {  	s17 =	sshll.u32 s0, $0xA;
	s2 =	sadd.s32 s3, s2  }
0x8d: {  	s2 =	sadd.s32 s2, s17  }
0x8e: {  	[smem:$0x3FC5] =	sst s2  }
0x8f: {  	_ = 	snop  }
0x90: {  	s2 =	sld [smem:$0x3FD0];
	(tm) =	ssettm $0x1  }
0x91: {  	s18 =	sld [smem:$0x3FFB];
	_ =	sdelay $0x3  }
0x92: {  	_ =	strace s18  }
0x93: {  	s3 =	sld [smem:$0x3FFC];
	_ =	sdelay $0x3  }
0x94: {  	_ =	strace s3  }
0x95: {  	s3 =	sld [smem:$0x3FFD];
	_ =	sdelay $0x3  }
0x96: {  	_ =	strace s3  }
0x97: {  	_ =	strace $0x8FFFFFFF  }
0x98: {  	s19 =	sld [smem:$0x3FDB];
	_ =	sdelay $0x1  }
0x99: {  	s4 =	simm.s32 $_scs_section_size  }
0x9a: {  	s5 =	simm.s32 $_size__tile_overlayer_lowered;
	s6 =	simm.s32 $_tile_overlayer_lowered  }
0x9b: {  	s22 =	simm.s32 $0x1BFF;
	s21 =	sshll.u32 s6, $0x1;
	s3 =	sadd.s32 s4, s19  }
0x9c: {  	s7 =	simm.s32 $0x0;
	s20 =	sshll.u32 s5, $0x1;
	s5 =	sadd.s32 s21, s3  }
0x9d: {  	[timem:s7], [sflag:s22] =	dma.local [hbm:s5], s20  }
0x9e: {  	_ =	swait.ge [sflag:s22], s20  }
0x9f: {  	s4 =	ssub.s32 $0x0, s20;
	[sflag:s22] =	ssyncset.done $0x0  }
0xa0: {  	[sflag:s22] =	ssyncadd.s32 s4;
	_ =	sdelay $0x1  }
0xa1: {  	s23 =	simm.s32 $0x1B8B  }
0xa2: {  	_ =	swait.ge [sflag:s23], $0x1  }
0xa3: {  	[sflag:s23] =	ssyncset.done $0x0  }
0xa4: {  	s25 =	simm.s32 $0x1B8E;
	s24 =	sld [smem:$0x3FFE];
	[sflag:s23] =	ssyncadd.s32 $0xFFFFFFFF  }
0xa5: {  	s26 =	simm.s32 $execute0_lowered;
	[smem:$0x3FD2] =	sst s25  }
0xa6: {  	s5 =	sshll.u32 s26, $0x1;
	_ =	strace $0x8000004C;
	[dreg:$0x1] =	wrdreg $0xFFFFFFFF  }
0xa7: {  	s28 =	simm.s32 $_size_execute0_lowered;
	s3 =	sadd.s32 s3, s5;
	[dreg:$0x0] =	wrdreg $0x0  }
0xa8: {  	s5 =	sshll.u32 s28, $0x1;
	[dreg:$0x2] =	wrdreg s3  }
0xa9: {  	[dreg:$0x3] =	wrdreg s5  }
0xaa: {  	[dreg:$0x4] =	wrdreg $0xC0  }
0xab: {  	_ =	task [dreg:s7], $0x5FFFF  }
0xac: {  	[dreg:$0x1] =	wrdreg $0xFFFFFFFF  }
0xad: {  	[dreg:$0x0] =	wrdreg $0x60  }
0xae: {  	[dreg:$0x2] =	wrdreg s2  }
0xaf: {  	[dreg:$0x3] =	wrdreg s24  }
0xb0: {  	[dreg:$0x4] =	wrdreg $0x0  }
0xb1: {  	[dreg:$0x5] =	wrdreg $0x9  }
0xb2: {  	_ =	task.clear_ibuf [dreg:s7], $0x6FFFF;
	_ =	strace $0x9000004C  }
0xb3: {  	s29 =	simm.s32 $0x9;
	_ =	strace $0x8000004E  }
0xb4: {  	_ =	swait.ge [sflag:s29], $0x1  }
0xb5: {  	[sflag:s29] =	ssyncadd.s32 $0xFFFFFFFF  }
0xb6: {  	_ =	strace $0x9000004E  }
0xb7: {  	_ =	sfence  }
0xb8: {  	s30 =	sld [smem:$0x0];
	_ =	sdelay $0x2  }
0xb9: {  	s31 =	sshll.u32 s1, $0xD;
	s1 =	sshrl.u32 s1, $0x2  }
0xba: {  	s3 =	sand.u32 $0x4000, s31;
	s1 =	sadd.s32 s1, s30  }
0xbb: {  	s0 =	sor.u32 s3, s0;
	s1 =	sshll.u32 s1, $0x11  }
0xbc: {  	s0 =	sor.u32 s1, s0  }
0xbd: {  	s0 =	sadd.s32 $0x8F2B, s0  }
0xbe: {  	[sflag:s0] =	ssyncadd.remote.s32 $0x1  }
0xbf: {  	_ =	sfence.sel $0xFFFF  }
0xc0: {  	[dreg:$0x0] =	wrdreg $0xFFFFFFFF;
	(pc) =	sbr.abs _section_cstart, $3  }
0xc1: {  	[dreg:$0x1] =	wrdreg $0xFFFFFFFF  }
0xc2: {  	_ =	task.clear_ibuf [dreg:s7], $0x2FFFF;
	_ =	strace $0x9FFFFFFF  }
0xc3: {  	(tm) =	ssettm $0x7FFFFFFF  }
tec
execute0_lowered:
.L_overlay_start_1:
0x0: {  	(tag) =	ssettag $0x1  }
0x1: {  	s1 =	rddreg [dreg:$0x0]  }
0x2: {  	s0 =	rddreg [dreg:$0x1]  }
0x3: {  	s3 =	rddreg [dreg:$0x2]  }
0x4: {  	s2 =	srdreg.scid;
	s10 =	stileid.u32;
	s4 =	simm.s32 $0x0  }
0x5: {  	s28 =	simm.s32 $0x2;
	s29 =	simm.s32 $0x7;
	s30 =	simm.s32 $0x3  }
0x6: {  	s31 =	simm.s32 $0x13D80;
	s2 =	sand.u32 $0x1, s2;
	s6 =	smul.u32 $0x2780, s10  }
0x7: {  	[smem:$0x7FF] =	sst s4;
	s5 =	sadd.s32 $0x2200, s0;
	s26 =	smul.u32 $0x7D00, s10  }
0x8: {  	s9 =	sadd.s32 $0x6F800, s0;
	s11 =	smul.u32 $0x4F000, s10;
	s15 =	sshll.u32 s10, $0x6  }
0x9: {  	s10 =	simm.s32 $0x5;
	s7 =	smul.u32 $0x27800, s2;
	_ =	strace $0x8000004D  }
0xa: {  	s8 =	smul.u32 $0x7D000, s2;
	[dreg:$0x7] =	wrdreg s9;
	s2 =	ssub.s32 $0x2, s2  }
0xb: {  	s12 =	sshrl.u32 s2, $0x1;
	s13 =	sshrl.u32 s11, $0x2;
	s11 =	simm.s32 $0x13F80  }
0xc: {  	s6 =	sadd.s32 s6, s7;
	s9 =	sadd.s32 s26, s8;
	s2 =	ssub.s32 s2, s12  }
0xd: {  	s8 =	sor.u32 $0x1C09, s15;
	s12 =	simm.s32 $0x0;
	s0 =	sadd.s32 s6, s0  }
0xe: {  	s14 =	sshrl.u32 s9, $0x3;
	s6 =	sadd.s32 s13, s3;
	s19 =	sadd.s32 $0x700, s9  }
0xf: {  	s21 =	sadd.s32 $0x600, s9;
	s22 =	sadd.s32 $0x500, s9;
	s2 =	smax.u32 s2, $0x1  }
0x10: {  	s26 =	sadd.s32 $0x400, s9;
	s9 =	simm.s32 $0x13E80;
	[dreg:$0xe] =	wrdreg s2  }
0x11: {  	s7 =	sadd.s32 s5, s14;
	s0 =	sadd.s32 $0x72000, s0;
	[dreg:$0xf] =	wrdreg s26  }
0x12: {  	s20 =	sshrl.u32 s19, $0x3;
	s24 =	sshrl.u32 s22, $0x3;
	[dreg:$0x8] =	wrdreg s7  }
0x13: {  	s19 =	simm.s32 $0x50;
	s16 =	sadd.s32 $0x20, s7;
	[dreg:$0xd] =	wrdreg s0  }
0x14: {  	s22 =	simm.s32 $0x1;
	s17 =	sadd.s32 $0x40, s7;
	[dreg:$0x9] =	wrdreg s16  }
0x15: {  	s26 =	simm.s32 $0x13E00;
	s18 =	sadd.s32 $0x60, s7;
	[dreg:$0xa] =	wrdreg s17  }
0x16: {  	s2 =	simm.s32 $0x8;
	s7 =	sadd.s32 $0xF80, s7;
	[dreg:$0xb] =	wrdreg s18  }
0x17: {  	s0 =	sadd.s32 s20, s5;
	s25 =	sadd.s32 s24, s5;
	[dreg:$0xc] =	wrdreg s7  }
0x18: {  	s20 =	simm.s32 $0x14000;
	s24 =	simm.s32 $0x16800;
	[dreg:$0x4] =	wrdreg s0  }
0x19: {  	s7 =	sshrl.u32 s21, $0x3;
	[dreg:$0x6] =	wrdreg s25;
	s16 =	sshrl.u32 s6, $0x3  }
0x1a: {  	s17 =	simm.s32 $0x9;
	s18 =	simm.s32 $0x13C00;
	s21 =	simm.s32 $0x13D00  }
0x1b: {  	s25 =	simm.s32 $0x13C80;
	s0 =	simm.s32 $0x13F00;
	s23 =	sadd.s32 s7, s5  }
0x1c: {  	s6 =	simm.s32 $0x4;
	[dreg:$0x5] =	wrdreg s23;
	s23 =	simm.s32 $0x6  }
.LBB2_1:
0x1d: {  	s7 =	rddreg [dreg:$0x7]  }
0x1e: {  	[spmem:s16], [sflag:s8] =	dma.local [hbm:s7], $0x2780  }
0x1f: {  	_ =	swait.ge [sflag:s17], $0x2780  }
0x20: {  	[sflag:s17] =	ssyncset.done $0x0  }
0x21: {  	[sflag:s17] =	ssyncadd.s32 $0xFFFFD880  }
0x22: {  	[bflag:$0x0] =	sbarrier.arrive $0xFFFF  }
0x23: {  	s15 =	smov.u32 s8;
	s8 =	rddreg [dreg:$0x8]  }
0x24: {  	[tilespmem:s18], [sflag:$0x9] =	stream.linear.gather [hbm4b:s8+s4], $0x100, $0x38;
	[tilespmem:$0x19000] =	vst v63  }
0x25: {  	_ =	swait.ge [sflag:s17], $0x100  }
0x26: {  	[sflag:s17] =	ssyncset.done $0x0  }
0x27: {  	[sflag:s17] =	ssyncadd.s32 $0xFFFFFF00  }
0x28: {  	[tilespmem:s20], [sflag:$0x1] =	stream.indirect.gather [hbm4b:s1+s19], $0x80, s18, s19, $0xb8;
	[tilespmem:$0x19000] =	vst v63  }
0x29: {  	s13 =	rddreg [dreg:$0x9]  }
0x2a: {  	[tilespmem:s21], [sflag:$0x6] =	stream.linear.gather [hbm4b:s13+s4], $0x100, $0x38;
	[tilespmem:$0x19000] =	vst v63  }
0x2b: {  	_ =	swait.ge [sflag:s22], $0x2800  }
0x2c: {  	[sflag:s22] =	ssyncset.done $0x0  }
0x2d: {  	[sflag:s22] =	ssyncadd.s32 $0xFFFFD800  }
0x2e: {  	_ =	swait.ge [sflag:s23], $0x100  }
0x2f: {  	[sflag:s23] =	ssyncset.done $0x0  }
0x30: {  	[sflag:s23] =	ssyncadd.s32 $0xFFFFFF00  }
0x31: {  	[tilespmem:s24], [sflag:$0x2] =	stream.indirect.gather [hbm4b:s1+s19], $0x80, s21, s19, $0xb8;
	[tilespmem:$0x19000] =	vst v63  }
0x32: {  	_ = 	snop  }
0x33: {  	[spmem:s3] =	stream.indirect.scatter.add.f32 [tilespmem:s20], [sflag:$0x3], $0x80, s25, s19, $0xb8;
	[tilespmem:$0x19000] =	vst v63  }
0x34: {  	s14 =	rddreg [dreg:$0xa]  }
0x35: {  	[tilespmem:s26], [sflag:$0x7] =	stream.linear.gather [hbm4b:s14+s4], $0x100, $0x38;
	[tilespmem:$0x19000] =	vst v63  }
0x36: {  	_ =	swait.ge [sflag:s28], $0x2800  }
0x37: {  	[sflag:s28] =	ssyncset.done $0x0  }
0x38: {  	[sflag:s28] =	ssyncadd.s32 $0xFFFFD800  }
0x39: {  	_ =	swait.ge [sflag:s29], $0x100  }
0x3a: {  	[sflag:s29] =	ssyncset.done $0x0  }
0x3b: {  	[sflag:s29] =	ssyncadd.s32 $0xFFFFFF00  }
0x3c: {  	_ =	swait.ge [sflag:s30], $0x2800  }
0x3d: {  	[sflag:s30] =	ssyncset.done $0x0  }
0x3e: {  	[sflag:s30] =	ssyncadd.s32 $0xFFFFD800  }
0x3f: {  	[tilespmem:s20], [sflag:$0x1] =	stream.indirect.gather [hbm4b:s1+s19], $0x80, s26, s19, $0xb8;
	[tilespmem:$0x19000] =	vst v63  }
0x40: {  	_ = 	snop  }
0x41: {  	[spmem:s3] =	stream.indirect.scatter.add.f32 [tilespmem:s24], [sflag:$0x4], $0x80, s31, s19, $0xb8;
	[tilespmem:$0x19000] =	vst v63  }
0x42: {  	s8 =	rddreg [dreg:$0xb]  }
0x43: {  	[tilespmem:s0], [sflag:$0x8] =	stream.linear.gather [hbm4b:s8+s4], $0x100, $0x38;
	[tilespmem:$0x19000] =	vst v63  }
0x44: {  	_ =	swait.ge [sflag:s22], $0x2800  }
0x45: {  	[sflag:s22] =	ssyncset.done $0x0  }
0x46: {  	[sflag:s22] =	ssyncadd.s32 $0xFFFFD800  }
0x47: {  	_ =	swait.ge [sflag:s2], $0x100  }
0x48: {  	[sflag:s2] =	ssyncset.done $0x0  }
0x49: {  	[sflag:s2] =	ssyncadd.s32 $0xFFFFFF00  }
0x4a: {  	_ =	swait.ge [sflag:s6], $0x2800  }
0x4b: {  	[sflag:s6] =	ssyncset.done $0x0  }
0x4c: {  	s8 =	rddreg [dreg:$0xf];
	[sflag:s6] =	ssyncadd.s32 $0xFFFFD800  }
0x4d: {  	[tilespmem:s24], [sflag:$0x2] =	stream.indirect.gather [hbm4b:s1+s19], $0x80, s0, s19, $0xb8;
	[tilespmem:$0x19000] =	vst v63  }
0x4e: {  	s13 =	sshrl.u32 s8, $0x3  }
0x4f: {  	[spmem:s3] =	stream.indirect.scatter.add.f32 [tilespmem:s20], [sflag:$0x3], $0x80, s9, s19, $0xb8;
	[tilespmem:$0x19000] =	vst v63  }
0x50: {  	s7 =	sadd.s32 s5, s13  }
0x51: {  	[tilespmem:s18], [sflag:$0x5] =	stream.linear.gather [hbm4b:s7+s4], $0x100, $0x38;
	[tilespmem:$0x19000] =	vst v63  }
0x52: {  	_ =	swait.ge [sflag:s28], $0x2800  }
0x53: {  	[sflag:s28] =	ssyncset.done $0x0  }
0x54: {  	[sflag:s28] =	ssyncadd.s32 $0xFFFFD800  }
0x55: {  	_ =	swait.ge [sflag:s10], $0x100  }
0x56: {  	[sflag:s10] =	ssyncset.done $0x0  }
0x57: {  	[sflag:s10] =	ssyncadd.s32 $0xFFFFFF00  }
0x58: {  	_ =	swait.ge [sflag:s30], $0x2800  }
0x59: {  	[sflag:s30] =	ssyncset.done $0x0  }
0x5a: {  	[sflag:s30] =	ssyncadd.s32 $0xFFFFD800  }
0x5b: {  	[tilespmem:s20], [sflag:$0x1] =	stream.indirect.gather [hbm4b:s1+s19], $0x80, s18, s19, $0xb8;
	[tilespmem:$0x19000] =	vst v63  }
0x5c: {  	s14 =	rddreg [dreg:$0x6]  }
0x5d: {  	[spmem:s3] =	stream.indirect.scatter.add.f32 [tilespmem:s24], [sflag:$0x4], $0x80, s11, s19, $0xb8;
	[tilespmem:$0x19000] =	vst v63  }
0x5e: {  	s7 =	sadd.s32 $0x0, s14  }
0x5f: {  	[tilespmem:s21], [sflag:$0x6] =	stream.linear.gather [hbm4b:s7+s4], $0x100, $0x38;
	[tilespmem:$0x19000] =	vst v63  }
0x60: {  	_ =	swait.ge [sflag:s22], $0x2800  }
0x61: {  	[sflag:s22] =	ssyncset.done $0x0  }
0x62: {  	[sflag:s22] =	ssyncadd.s32 $0xFFFFD800  }
0x63: {  	_ =	swait.ge [sflag:s23], $0x100  }
0x64: {  	[sflag:s23] =	ssyncset.done $0x0  }
0x65: {  	[sflag:s23] =	ssyncadd.s32 $0xFFFFFF00  }
0x66: {  	_ =	swait.ge [sflag:s6], $0x2800  }
0x67: {  	[sflag:s6] =	ssyncset.done $0x0  }
0x68: {  	[sflag:s6] =	ssyncadd.s32 $0xFFFFD800  }
0x69: {  	[tilespmem:s24], [sflag:$0x2] =	stream.indirect.gather [hbm4b:s1+s19], $0x80, s21, s19, $0xb8;
	[tilespmem:$0x19000] =	vst v63  }
0x6a: {  	s13 =	rddreg [dreg:$0x5]  }
0x6b: {  	[spmem:s3] =	stream.indirect.scatter.add.f32 [tilespmem:s20], [sflag:$0x3], $0x80, s25, s19, $0xb8;
	[tilespmem:$0x19000] =	vst v63  }
0x6c: {  	s7 =	sadd.s32 $0x0, s13  }
0x6d: {  	[tilespmem:s26], [sflag:$0x7] =	stream.linear.gather [hbm4b:s7+s4], $0x100, $0x38;
	[tilespmem:$0x19000] =	vst v63  }
0x6e: {  	_ =	swait.ge [sflag:s28], $0x2800  }
0x6f: {  	[sflag:s28] =	ssyncset.done $0x0  }
0x70: {  	[sflag:s28] =	ssyncadd.s32 $0xFFFFD800  }
0x71: {  	_ =	swait.ge [sflag:s29], $0x100  }
0x72: {  	[sflag:s29] =	ssyncset.done $0x0  }
0x73: {  	[sflag:s29] =	ssyncadd.s32 $0xFFFFFF00  }
0x74: {  	_ =	swait.ge [sflag:s30], $0x2800  }
0x75: {  	[sflag:s30] =	ssyncset.done $0x0  }
0x76: {  	s14 =	rddreg [dreg:$0x4];
	[sflag:s30] =	ssyncadd.s32 $0xFFFFD800  }
0x77: {  	[tilespmem:s20], [sflag:$0x1] =	stream.indirect.gather [hbm4b:s1+s19], $0x80, s26, s19, $0xb8;
	[tilespmem:$0x19000] =	vst v63  }
0x78: {  	s13 =	simm.s32 $0x80;
	s7 =	sadd.s32 $0x0, s14;
	s14 =	sadd.s32 $0x400, s8  }
0x79: {  	[spmem:s3] =	stream.indirect.scatter.add.f32 [tilespmem:s24], [sflag:$0x4], $0x80, s31, s19, $0xb8;
	[tilespmem:$0x19000] =	vst v63  }
.LBB2_2:
0x7a: {  	[tilespmem:s0], [sflag:$0x8] =	stream.linear.gather [hbm4b:s7+s4], $0x100, $0x38;
	[tilespmem:$0x19000] =	vst v63  }
0x7b: {  	_ =	swait.ge [sflag:s22], $0x2800  }
0x7c: {  	[sflag:s22] =	ssyncset.done $0x0  }
0x7d: {  	[sflag:s22] =	ssyncadd.s32 $0xFFFFD800  }
0x7e: {  	_ =	swait.ge [sflag:s2], $0x100  }
0x7f: {  	[sflag:s2] =	ssyncset.done $0x0  }
0x80: {  	[sflag:s2] =	ssyncadd.s32 $0xFFFFFF00  }
0x81: {  	_ =	swait.ge [sflag:s6], $0x2800  }
0x82: {  	[sflag:s6] =	ssyncset.done $0x0  }
0x83: {  	[sflag:s6] =	ssyncadd.s32 $0xFFFFD800  }
0x84: {  	[tilespmem:s24], [sflag:$0x2] =	stream.indirect.gather [hbm4b:s1+s19], $0x80, s0, s19, $0xb8;
	[tilespmem:$0x19000] =	vst v63  }
0x85: {  	s8 =	sshrl.u32 s14, $0x3  }
0x86: {  	[spmem:s3] =	stream.indirect.scatter.add.f32 [tilespmem:s20], [sflag:$0x3], $0x80, s9, s19, $0xb8;
	[tilespmem:$0x19000] =	vst v63  }
0x87: {  	s8 =	sadd.s32 s5, s8  }
0x88: {  	[tilespmem:s18], [sflag:$0x5] =	stream.linear.gather [hbm4b:s8+s4], $0x100, $0x38;
	[tilespmem:$0x19000] =	vst v63  }
0x89: {  	_ =	swait.ge [sflag:s28], $0x2800  }
0x8a: {  	[sflag:s28] =	ssyncset.done $0x0  }
0x8b: {  	[sflag:s28] =	ssyncadd.s32 $0xFFFFD800  }
0x8c: {  	_ =	swait.ge [sflag:s10], $0x100  }
0x8d: {  	[sflag:s10] =	ssyncset.done $0x0  }
0x8e: {  	[sflag:s10] =	ssyncadd.s32 $0xFFFFFF00  }
0x8f: {  	_ =	swait.ge [sflag:s30], $0x2800  }
0x90: {  	[sflag:s30] =	ssyncset.done $0x0  }
0x91: {  	[sflag:s30] =	ssyncadd.s32 $0xFFFFD800  }
0x92: {  	[tilespmem:s20], [sflag:$0x1] =	stream.indirect.gather [hbm4b:s1+s19], $0x80, s18, s19, $0xb8;
	[tilespmem:$0x19000] =	vst v63  }
0x93: {  	s7 =	smov.u32 s13;
	s8 =	rddreg [dreg:$0x6]  }
0x94: {  	[spmem:s3] =	stream.indirect.scatter.add.f32 [tilespmem:s24], [sflag:$0x4], $0x80, s11, s19, $0xb8;
	[tilespmem:$0x19000] =	vst v63  }
0x95: {  	s8 =	sadd.s32 s7, s8  }
0x96: {  	[tilespmem:s21], [sflag:$0x6] =	stream.linear.gather [hbm4b:s8+s4], $0x100, $0x38;
	[tilespmem:$0x19000] =	vst v63  }
0x97: {  	_ =	swait.ge [sflag:s22], $0x2800  }
0x98: {  	[sflag:s22] =	ssyncset.done $0x0  }
0x99: {  	[sflag:s22] =	ssyncadd.s32 $0xFFFFD800  }
0x9a: {  	_ =	swait.ge [sflag:s23], $0x100  }
0x9b: {  	[sflag:s23] =	ssyncset.done $0x0  }
0x9c: {  	[sflag:s23] =	ssyncadd.s32 $0xFFFFFF00  }
0x9d: {  	_ =	swait.ge [sflag:s6], $0x2800  }
0x9e: {  	[sflag:s6] =	ssyncset.done $0x0  }
0x9f: {  	[sflag:s6] =	ssyncadd.s32 $0xFFFFD800  }
0xa0: {  	[tilespmem:s24], [sflag:$0x2] =	stream.indirect.gather [hbm4b:s1+s19], $0x80, s21, s19, $0xb8;
	[tilespmem:$0x19000] =	vst v63  }
0xa1: {  	s8 =	rddreg [dreg:$0x5]  }
0xa2: {  	[spmem:s3] =	stream.indirect.scatter.add.f32 [tilespmem:s20], [sflag:$0x3], $0x80, s25, s19, $0xb8;
	[tilespmem:$0x19000] =	vst v63  }
0xa3: {  	s8 =	sadd.s32 s7, s8  }
0xa4: {  	[tilespmem:s26], [sflag:$0x7] =	stream.linear.gather [hbm4b:s8+s4], $0x100, $0x38;
	[tilespmem:$0x19000] =	vst v63  }
0xa5: {  	_ =	swait.ge [sflag:s28], $0x2800  }
0xa6: {  	[sflag:s28] =	ssyncset.done $0x0  }
0xa7: {  	[sflag:s28] =	ssyncadd.s32 $0xFFFFD800  }
0xa8: {  	_ =	swait.ge [sflag:s29], $0x100  }
0xa9: {  	[sflag:s29] =	ssyncset.done $0x0  }
0xaa: {  	[sflag:s29] =	ssyncadd.s32 $0xFFFFFF00  }
0xab: {  	p0 =	sne.s32 s13, $0xE80;
	_ =	swait.ge [sflag:s30], $0x2800  }
.Ltmp0:
0xac: {  	[sflag:s30] =	ssyncset.done $0x0;
	(pc) =	sbr.rel @p0 .LBB2_2-.Ltmp0, $4  }
0xad: {  	s8 =	rddreg [dreg:$0x4];
	[sflag:s30] =	ssyncadd.s32 $0xFFFFD800  }
0xae: {  	[tilespmem:s20], [sflag:$0x1] =	stream.indirect.gather [hbm4b:s1+s19], $0x80, s26, s19, $0xb8;
	[tilespmem:$0x19000] =	vst v63  }
0xaf: {  	s13 =	sadd.s32 $0x80, s13;
	s14 =	sadd.s32 $0x400, s14;
	s7 =	sadd.s32 s7, s8  }
0xb0: {  	[spmem:s3] =	stream.indirect.scatter.add.f32 [tilespmem:s24], [sflag:$0x4], $0x80, s31, s19, $0xb8;
	[tilespmem:$0x19000] =	vst v63  }
0xb1: {  	[tilespmem:s0], [sflag:$0x8] =	stream.linear.gather [hbm4b:s7+s4], $0x100, $0x38;
	[tilespmem:$0x19000] =	vst v63  }
0xb2: {  	_ =	swait.ge [sflag:s22], $0x2800  }
0xb3: {  	[sflag:s22] =	ssyncset.done $0x0  }
0xb4: {  	[sflag:s22] =	ssyncadd.s32 $0xFFFFD800  }
0xb5: {  	_ =	swait.ge [sflag:s2], $0x100  }
0xb6: {  	[sflag:s2] =	ssyncset.done $0x0  }
0xb7: {  	[sflag:s2] =	ssyncadd.s32 $0xFFFFFF00  }
0xb8: {  	_ =	swait.ge [sflag:s6], $0x2800  }
0xb9: {  	[sflag:s6] =	ssyncset.done $0x0  }
0xba: {  	[sflag:s6] =	ssyncadd.s32 $0xFFFFD800  }
0xbb: {  	[tilespmem:s24], [sflag:$0x2] =	stream.indirect.gather [hbm4b:s1+s19], $0x80, s0, s19, $0xb8;
	[tilespmem:$0x19000] =	vst v63  }
0xbc: {  	_ = 	snop  }
0xbd: {  	[spmem:s3] =	stream.indirect.scatter.add.f32 [tilespmem:s20], [sflag:$0x3], $0x80, s9, s19, $0xb8;
	[tilespmem:$0x19000] =	vst v63  }
0xbe: {  	s13 =	rddreg [dreg:$0xc]  }
0xbf: {  	[tilespmem:s18], [sflag:$0x5] =	stream.linear.gather [hbm4b:s13+s4], $0x100, $0x38;
	[tilespmem:$0x19000] =	vst v63  }
0xc0: {  	_ =	swait.ge [sflag:s28], $0x2800  }
0xc1: {  	[sflag:s28] =	ssyncset.done $0x0  }
0xc2: {  	[sflag:s28] =	ssyncadd.s32 $0xFFFFD800  }
0xc3: {  	_ =	swait.ge [sflag:s10], $0x100  }
0xc4: {  	[sflag:s10] =	ssyncset.done $0x0  }
0xc5: {  	[sflag:s10] =	ssyncadd.s32 $0xFFFFFF00  }
0xc6: {  	_ =	swait.ge [sflag:s30], $0x2800  }
0xc7: {  	[sflag:s30] =	ssyncset.done $0x0  }
0xc8: {  	[sflag:s30] =	ssyncadd.s32 $0xFFFFD800  }
0xc9: {  	[tilespmem:s20], [sflag:$0x1] =	stream.indirect.gather [hbm4b:s1+s19], $0x80, s18, s19, $0xb8;
	[tilespmem:$0x19000] =	vst v63  }
0xca: {  	_ = 	snop  }
0xcb: {  	[spmem:s3] =	stream.indirect.scatter.add.f32 [tilespmem:s24], [sflag:$0x4], $0x80, s11, s19, $0xb8;
	[tilespmem:$0x19000] =	vst v63  }
0xcc: {  	_ =	swait.ge [sflag:s22], $0x2800  }
0xcd: {  	[sflag:s22] =	ssyncset.done $0x0  }
0xce: {  	[sflag:s22] =	ssyncadd.s32 $0xFFFFD800  }
0xcf: {  	_ =	swait.ge [sflag:s6], $0x2800  }
0xd0: {  	[sflag:s6] =	ssyncset.done $0x0  }
0xd1: {  	[sflag:s6] =	ssyncadd.s32 $0xFFFFD800  }
0xd2: {  	[spmem:s3] =	stream.indirect.scatter.add.f32 [tilespmem:s20], [sflag:$0x3], $0x80, s25, s19, $0xb8;
	[tilespmem:$0x19000] =	vst v63  }
0xd3: {  	_ =	swait.ge [sflag:s30], $0x2800  }
0xd4: {  	[sflag:s30] =	ssyncset.done $0x0  }
0xd5: {  	[sflag:s30] =	ssyncadd.s32 $0xFFFFD800  }
0xd6: {  	[bflag:$0x0] =	sbarrier.arrive $0xFFFF  }
0xd7: {  	s14 =	rddreg [dreg:$0xd]  }
0xd8: {  	[hbm:s14], [sflag:s15] =	dma.local [spmem:s16], $0x2780  }
0xd9: {  	_ =	swait.ge [sflag:s17], $0x2780  }
0xda: {  	s8 =	smov.u32 s15;
	s12 =	sadd.s32 $0x1, s12;
	s15 =	rddreg [dreg:$0xe]  }
0xdb: {  	p0 =	sne.s32 s12, s15  }
.Ltmp1:
0xdc: {  	_ = 	snop;
	(pc) =	sbr.rel @p0 .LBB2_1-.Ltmp1, $3  }
0xdd: {  	_ =	sdelay $0x1  }
0xde: {  	[sflag:s17] =	ssyncset.done $0x0  }
0xdf: {  	[sflag:s17] =	ssyncadd.s32 $0xFFFFD880  }
0xe0: {  	_ =	sfence.sel $0x180000  }
0xe1: {  	[bflag:$0x0] =	sbarrier.arrive $0xFFFF  }
0xe2: {  	_ =	strace $0x9000004D  }
0xe3: {  	s0 =	stileid.u32;
	[bflag:$0x2] =	sbarrier.arrive $0xFFFF  }
0xe4: {  	p0 =	sne.s32 s0, $0x0;
	s0 =	rddreg [dreg:$0x3]  }
0xe5: {  	s0 =	sadd.s32 @!p0 $0x100000, s0  }
0xe6: {  	[sflag:s0] =	ssyncadd.tile.s32 @!p0 $0x1;
	_ =	shalt  }
.Lfunc_end2:
_tile_overlayer_lowered:
.L_overlay_start_2:
0xe7: {  	(tag) =	ssettag $0x2  }
0xe8: {  	s0 =	rddreg [dreg:$0x0];
	s2 =	stileid.u32  }
0xe9: {  	s1 =	rddreg [dreg:$0x1];
	p0 =	sne.s32 s2, $0x0  }
0xea: {  	s3 =	rddreg [dreg:$0x2];
	[bflag:$0x3] =	sbarrier.arrive $0xFFFF;
	s2 =	simm.s32 @!p0 $0x1C09  }
0xeb: {  	[timem:s3], [sflag:s2] =	dma.local @!p0 [hbm:s0], s1  }
0xec: {  	s0 =	simm.s32 @!p0 $0x9  }
0xed: {  	_ =	swait.ge @!p0 [sflag:s0], s1  }
0xee: {  	s1 =	ssub.s32 @!p0 $0x0, s1;
	[sflag:s0] =	ssyncset.done @!p0 $0x0  }
0xef: {  	[sflag:s0] =	ssyncadd.s32 @!p0 s1  }
0xf0: {  	[bflag:$0x3] =	sbarrier.arrive $0xFFFF  }
0xf1: {  	_ =	shalt  }

// kernel: kernel.8.cloned.1.call-start
scs
__scs_entry_jumppad:
0x0: {  	(pc) =	sbr.rel $0x88, $3  }
0x1: {  	(tag) =	ssettag $0x0;
	lr =	simm.s32 $0x1  }
0x2: {  	[smem:$0x3F9E] =	sst lr;
	_ =	strace $0xD0000000  }
0x3: {  	_ = 	snop  }
0x4: {  	_ = 	snop  }
0x5: {  	_ = 	snop  }
0x6: {  	_ = 	snop  }
0x7: {  	_ = 	snop  }
__scs_overlays_trampoline_lowered:
0x8: {  	[smem:$0x3FAD] =	sst s0  }
0x9: {  	[smem:$0x3FAE] =	sst s1  }
0xa: {  	[smem:$0x3FAF] =	sst s2  }
0xb: {  	[smem:$0x3FB0] =	sst s3  }
0xc: {  	[smem:$0x3FB1] =	sst s4  }
0xd: {  	[smem:$0x3FB2] =	sst s5  }
0xe: {  	[smem:$0x3FB3] =	sst s6  }
0xf: {  	[smem:$0x3FB4] =	sst s7  }
0x10: {  	[smem:$0x3FB5] =	sst s8  }
0x11: {  	[smem:$0x3FB6] =	sst s9;
	s0 =	simm.s32 @!p0 $0x0  }
0x12: {  	s1 =	sld [smem:$0x3F9C];
	s0 =	simm.s32 @p0 $0x1  }
0x13: {  	[smem:$0x3FB7] =	sst s0;
	s0 =	simm.s32 @!p1 $0x0  }
0x14: {  	s2 =	sld [smem:$0x3F9B];
	s0 =	simm.s32 @p1 $0x1  }
0x15: {  	[smem:$0x3FB8] =	sst s0;
	s0 =	simm.s32 @!p2 $0x0  }
0x16: {  	s3 =	sld [smem:$0x3FDB];
	s0 =	simm.s32 @p2 $0x1  }
0x17: {  	s4 =	simm.s32 $0x1BF5;
	[smem:$0x3FBA] =	sst s0  }
0x18: {  	s0 =	sld [smem:$0x3F9D];
	_ =	swait.ge [sflag:s4], $0x0  }
0x19: {  	s7 =	sld [smem:$0x3F9E]  }
0x1a: {  	s8 =	sadd.s32 $0xFFFFE003, lr  }
0x1b: {  	s9 =	sadd.s32 $0xFFFFFEF7, lr;
	s5 =	simm.s32 $0xFFFFFFFF;
	p2 =	slt.u32 s8, $0xFFFFF086  }
0x1c: {  	p1 =	slt.u32 s9, $0xF7A;
	s5 =	simm.s32 @!p2 $0x0  }
0x1d: {  	s5 =	simm.s32 @p1 $0x1;
	p0 =	seq.s32 s7, s2  }
0x1e: {  	s7 =	smul.u32 @!p0 $0xF7A, s2;
	p2 =	seq.s32 @!p0 s5, $0x0  }
0x1f: {  	s9 =	smul.u32 $0xF7A, s1;
	s8 =	simm.s32 @!p0 $0x1BF5;
	p2 =	por !p2, p0  }
0x20: {  	[sflag:s8] =	ssyncset.s32 @!p0 $0xFFFFF086;
	s6 =	sadd.s32 @!p0 s3, s7;
	s7 =	simm.s32 @!p0 $0x108  }
0x21: {  	s3 =	sadd.s32 s3, s9;
	s6 =	sadd.s32 @!p0 $0x88, s6;
	s7 =	simm.s32 @p2 $0x1082  }
0x22: {  	[simem:s7], [sflag:s8] =	dma.local @!p0 [hbm:s6], $0xF7A  }
0x23: {  	s9 =	sor.u32 $0xD0000000, s2;
	s6 =	simm.s32 $0x108;
	_ =	swait.ge @!p0 [sflag:s8], $0x0  }
0x24: {  	s3 =	sadd.s32 $0x88, s3;
	s6 =	simm.s32 @!p1 $0x1082;
	[sflag:s4] =	ssyncset.s32 $0xFFFFF086  }
0x25: {  	[simem:s6], [sflag:s4] =	dma.local [hbm:s3], $0xF7A  }
0x26: {  	[smem:$0x3F9E] =	sst s1;
	(tag) =	ssettag s2;
	_ =	strace s9  }
0x27: {  	s1 =	sld [smem:$0x3FAE]  }
0x28: {  	s2 =	sld [smem:$0x3FAF]  }
0x29: {  	s4 =	sld [smem:$0x3FB1]  }
0x2a: {  	p0 =	seq.s32 s5, $0x0;
	s5 =	sld [smem:$0x3FB2]  }
0x2b: {  	s6 =	sld [smem:$0x3FB3]  }
0x2c: {  	s7 =	sld [smem:$0x3FB4]  }
0x2d: {  	s3 =	simm.s32 $0x108;
	s8 =	sld [smem:$0x3FB5]  }
0x2e: {  	s3 =	simm.s32 @!p0 $0x1082;
	s9 =	sld [smem:$0x3FB6]  }
0x2f: {  	lr =	sadd.s32 s0, s3;
	s0 =	sld [smem:$0x3FAD]  }
0x30: {  	s3 =	sld [smem:$0x3FB0]  }
0x31: {  	[smem:$0x3FB9] =	sst s10  }
0x32: {  	s10 =	sld [smem:$0x3FB7];
	_ =	sdelay $0x3  }
0x33: {  	p0 =	seq.s32 s10, $0x1;
	s10 =	sld [smem:$0x3FB9];
	_ =	sdelay $0x3  }
0x34: {  	[smem:$0x3FB9] =	sst s10  }
0x35: {  	s10 =	sld [smem:$0x3FB8];
	_ =	sdelay $0x3  }
0x36: {  	p1 =	seq.s32 s10, $0x1;
	s10 =	sld [smem:$0x3FB9];
	_ =	sdelay $0x3  }
0x37: {  	[smem:$0x3FB9] =	sst s10  }
0x38: {  	s10 =	sld [smem:$0x3FBA]  }
0x39: {  	_ = 	snop;
	(pc) =	sbr.ind lr, $3  }
0x3a: {  	_ = 	snop  }
0x3b: {  	_ = 	snop  }
0x3c: {  	p2 =	seq.s32 s10, $0x1;
	s10 =	sld [smem:$0x3FB9]  }
0x3d: {  	_ =	shalt  }
0x3e: {  	_ =	shalt  }
0x3f: {  	_ =	shalt  }
0x40: {  	_ =	shalt  }
0x41: {  	_ =	shalt  }
0x42: {  	_ =	shalt  }
0x43: {  	_ =	shalt  }
0x44: {  	_ =	shalt  }
0x45: {  	_ =	shalt  }
0x46: {  	_ =	shalt  }
0x47: {  	_ =	shalt  }
0x48: {  	_ =	shalt  }
0x49: {  	_ =	shalt  }
0x4a: {  	_ =	shalt  }
0x4b: {  	_ =	shalt  }
0x4c: {  	_ =	shalt  }
0x4d: {  	_ =	shalt  }
0x4e: {  	_ =	shalt  }
0x4f: {  	_ =	shalt  }
0x50: {  	_ =	shalt  }
0x51: {  	_ =	shalt  }
0x52: {  	_ =	shalt  }
0x53: {  	_ =	shalt  }
0x54: {  	_ =	shalt  }
0x55: {  	_ =	shalt  }
0x56: {  	_ =	shalt  }
0x57: {  	_ =	shalt  }
0x58: {  	_ =	shalt  }
0x59: {  	_ =	shalt  }
0x5a: {  	_ =	shalt  }
0x5b: {  	_ =	shalt  }
0x5c: {  	_ =	shalt  }
0x5d: {  	_ =	shalt  }
0x5e: {  	_ =	shalt  }
0x5f: {  	_ =	shalt  }
0x60: {  	_ =	shalt  }
0x61: {  	_ =	shalt  }
0x62: {  	_ =	shalt  }
0x63: {  	_ =	shalt  }
0x64: {  	_ =	shalt  }
0x65: {  	_ =	shalt  }
0x66: {  	_ =	shalt  }
0x67: {  	_ =	shalt  }
0x68: {  	_ =	shalt  }
0x69: {  	_ =	shalt  }
0x6a: {  	_ =	shalt  }
0x6b: {  	_ =	shalt  }
0x6c: {  	_ =	shalt  }
0x6d: {  	_ =	shalt  }
0x6e: {  	_ =	shalt  }
0x6f: {  	_ =	shalt  }
0x70: {  	_ =	shalt  }
0x71: {  	_ =	shalt  }
0x72: {  	_ =	shalt  }
0x73: {  	_ =	shalt  }
0x74: {  	_ =	shalt  }
0x75: {  	_ =	shalt  }
0x76: {  	_ =	shalt  }
0x77: {  	_ =	shalt  }
0x78: {  	_ =	shalt  }
0x79: {  	_ =	shalt  }
0x7a: {  	_ =	shalt  }
0x7b: {  	_ =	shalt  }
0x7c: {  	_ =	shalt  }
0x7d: {  	_ =	shalt  }
0x7e: {  	_ =	shalt  }
0x7f: {  	_ =	shalt  }
0x80: {  	_ =	shalt  }
0x81: {  	_ =	shalt  }
0x82: {  	_ =	shalt  }
0x83: {  	_ =	shalt  }
0x84: {  	_ =	shalt  }
0x85: {  	_ =	shalt  }
0x86: {  	_ =	shalt  }
0x87: {  	_ =	shalt  }
.Lfunc_end0:
.L_simem_size_0:
called_computation_lowered:
.L_overlay_start_0:
0x88: {  	s2 =	sld [smem:$0x3FD9]  }
0x89: {  	s3 =	sld [smem:$0x3FFE];
	_ =	sdelay $0x1  }
0x8a: {  	s1 =	srdreg.scid  }
0x8b: {  	s0 =	sand.u32 $0x1, s1  }
0x8c: {  	s17 =	sshll.u32 s0, $0xA;
	s2 =	sadd.s32 s3, s2  }
0x8d: {  	s2 =	sadd.s32 s2, s17  }
0x8e: {  	[smem:$0x3FC5] =	sst s2  }
0x8f: {  	_ = 	snop  }
0x90: {  	s2 =	sld [smem:$0x3FD0];
	(tm) =	ssettm $0x1  }
0x91: {  	s18 =	sld [smem:$0x3FFB];
	_ =	sdelay $0x3  }
0x92: {  	_ =	strace s18  }
0x93: {  	s3 =	sld [smem:$0x3FFC];
	_ =	sdelay $0x3  }
0x94: {  	_ =	strace s3  }
0x95: {  	s3 =	sld [smem:$0x3FFD];
	_ =	sdelay $0x3  }
0x96: {  	_ =	strace s3  }
0x97: {  	_ =	strace $0x8FFFFFFF  }
0x98: {  	s19 =	sld [smem:$0x3FDB];
	_ =	sdelay $0x1  }
0x99: {  	s4 =	simm.s32 $_scs_section_size  }
0x9a: {  	s5 =	simm.s32 $_size__tile_overlayer_lowered;
	s6 =	simm.s32 $_tile_overlayer_lowered  }
0x9b: {  	s22 =	simm.s32 $0x1BFF;
	s21 =	sshll.u32 s6, $0x1;
	s3 =	sadd.s32 s4, s19  }
0x9c: {  	s7 =	simm.s32 $0x0;
	s20 =	sshll.u32 s5, $0x1;
	s5 =	sadd.s32 s21, s3  }
0x9d: {  	[timem:s7], [sflag:s22] =	dma.local [hbm:s5], s20  }
0x9e: {  	_ =	swait.ge [sflag:s22], s20  }
0x9f: {  	s4 =	ssub.s32 $0x0, s20;
	[sflag:s22] =	ssyncset.done $0x0  }
0xa0: {  	[sflag:s22] =	ssyncadd.s32 s4;
	_ =	sdelay $0x1  }
0xa1: {  	s23 =	simm.s32 $0x1B8B  }
0xa2: {  	_ =	swait.ge [sflag:s23], $0x1  }
0xa3: {  	[sflag:s23] =	ssyncset.done $0x0  }
0xa4: {  	s25 =	simm.s32 $0x1B8E;
	s24 =	sld [smem:$0x3FFE];
	[sflag:s23] =	ssyncadd.s32 $0xFFFFFFFF  }
0xa5: {  	s26 =	simm.s32 $execute0_lowered;
	[smem:$0x3FD2] =	sst s25  }
0xa6: {  	s5 =	sshll.u32 s26, $0x1;
	_ =	strace $0x80000046;
	[dreg:$0x1] =	wrdreg $0xFFFFFFFF  }
0xa7: {  	s28 =	simm.s32 $_size_execute0_lowered;
	s3 =	sadd.s32 s3, s5;
	[dreg:$0x0] =	wrdreg $0x0  }
0xa8: {  	s5 =	sshll.u32 s28, $0x1;
	[dreg:$0x2] =	wrdreg s3  }
0xa9: {  	[dreg:$0x3] =	wrdreg s5  }
0xaa: {  	[dreg:$0x4] =	wrdreg $0xC0  }
0xab: {  	_ =	task [dreg:s7], $0x5FFFF  }
0xac: {  	[dreg:$0x1] =	wrdreg $0xFFFFFFFF  }
0xad: {  	[dreg:$0x0] =	wrdreg $0x60  }
0xae: {  	[dreg:$0x2] =	wrdreg s2  }
0xaf: {  	[dreg:$0x3] =	wrdreg s24  }
0xb0: {  	[dreg:$0x4] =	wrdreg $0x0  }
0xb1: {  	[dreg:$0x5] =	wrdreg $0x9  }
0xb2: {  	_ =	task.clear_ibuf [dreg:s7], $0x6FFFF;
	_ =	strace $0x90000046  }
0xb3: {  	s29 =	simm.s32 $0x9;
	_ =	strace $0x80000048  }
0xb4: {  	_ =	swait.ge [sflag:s29], $0x1  }
0xb5: {  	[sflag:s29] =	ssyncadd.s32 $0xFFFFFFFF  }
0xb6: {  	_ =	strace $0x90000048  }
0xb7: {  	_ =	sfence  }
0xb8: {  	s30 =	sld [smem:$0x0];
	_ =	sdelay $0x2  }
0xb9: {  	s31 =	sshll.u32 s1, $0xD;
	s1 =	sshrl.u32 s1, $0x2  }
0xba: {  	s3 =	sand.u32 $0x4000, s31;
	s1 =	sadd.s32 s1, s30  }
0xbb: {  	s0 =	sor.u32 s3, s0;
	s1 =	sshll.u32 s1, $0x11  }
0xbc: {  	s0 =	sor.u32 s1, s0  }
0xbd: {  	s0 =	sadd.s32 $0x8F2B, s0  }
0xbe: {  	[sflag:s0] =	ssyncadd.remote.s32 $0x1  }
0xbf: {  	_ =	sfence.sel $0xFFFF  }
0xc0: {  	[dreg:$0x0] =	wrdreg $0xFFFFFFFF;
	(pc) =	sbr.abs _section_cstart, $3  }
0xc1: {  	[dreg:$0x1] =	wrdreg $0xFFFFFFFF  }
0xc2: {  	_ =	task.clear_ibuf [dreg:s7], $0x2FFFF;
	_ =	strace $0x9FFFFFFF  }
0xc3: {  	(tm) =	ssettm $0x7FFFFFFF  }
tec
execute0_lowered:
.L_overlay_start_1:
0x0: {  	(tag) =	ssettag $0x1  }
0x1: {  	s0 =	rddreg [dreg:$0x0]  }
0x2: {  	s1 =	rddreg [dreg:$0x1]  }
0x3: {  	s2 =	srdreg.scid;
	s8 =	stileid.u32  }
0x4: {  	s3 =	rddreg [dreg:$0x2];
	s4 =	sand.u32 $0x1, s2;
	s5 =	smul.u32 $0x500, s8  }
0x5: {  	s2 =	simm.s32 $0x0;
	s11 =	sshrl.u32 s8, $0x3;
	s12 =	smul.u32 $0x5000, s8  }
0x6: {  	s6 =	sshll.u32 s4, $0x7;
	[smem:$0x7FF] =	sst s2;
	s10 =	ssub.s32 $0x2, s4  }
0x7: {  	s4 =	sshll.u32 s4, $0x4;
	s5 =	sor.u32 s6, s5;
	_ =	strace $0x80000047  }
0x8: {  	s7 =	sshrl.u32 s10, $0x1;
	s6 =	smul.u32 $0x50000, s11;
	s4 =	sor.u32 s8, s4  }
0x9: {  	s8 =	sshll.u32 s8, $0x7;
	s5 =	sshrl.u32 s5, $0x3;
	s7 =	ssub.s32 s10, s7  }
0xa: {  	s4 =	smul.u32 $0x271, s4;
	s8 =	sand.u32 $0x380, s8;
	s1 =	sadd.s32 s5, s1  }
0xb: {  	s6 =	sshrl.u32 s6, $0x2;
	s5 =	sshrl.u32 s12, $0x2;
	s7 =	smax.u32 s7, $0x1  }
0xc: {  	s6 =	sadd.s32 s6, s3;
	s0 =	sadd.s32 s0, s4;
	[dreg:$0x16] =	wrdreg s7  }
0xd: {  	s5 =	sadd.s32 s5, s3;
	[dreg:$0x4] =	wrdreg s0;
	s13 =	sadd.s32 s8, s6  }
0xe: {  	s14 =	sadd.s32 $0x80, s5;
	[dreg:$0x5] =	wrdreg s13  }
0xf: {  	s15 =	sadd.s32 $0x100, s5;
	[dreg:$0x6] =	wrdreg s14  }
0x10: {  	s16 =	sadd.s32 $0x180, s5;
	[dreg:$0x7] =	wrdreg s15  }
0x11: {  	s17 =	sadd.s32 $0x200, s5;
	[dreg:$0x8] =	wrdreg s16  }
0x12: {  	s18 =	sadd.s32 $0x280, s5;
	[dreg:$0x9] =	wrdreg s17  }
0x13: {  	s19 =	sadd.s32 $0x300, s5;
	[dreg:$0xa] =	wrdreg s18  }
0x14: {  	s20 =	sadd.s32 $0x380, s5;
	[dreg:$0xb] =	wrdreg s19  }
0x15: {  	s21 =	sadd.s32 $0x14000, s5;
	[dreg:$0xc] =	wrdreg s20  }
0x16: {  	s22 =	sadd.s32 $0x14080, s5;
	[dreg:$0xd] =	wrdreg s21  }
0x17: {  	s23 =	sadd.s32 $0x14100, s5;
	[dreg:$0xe] =	wrdreg s22  }
0x18: {  	s24 =	sadd.s32 $0x14180, s5;
	[dreg:$0xf] =	wrdreg s23  }
0x19: {  	s25 =	sadd.s32 $0x14200, s5;
	[dreg:$0x10] =	wrdreg s24  }
0x1a: {  	s26 =	sadd.s32 $0x14280, s5;
	[dreg:$0x11] =	wrdreg s25  }
0x1b: {  	s3 =	sadd.s32 $0x14300, s5;
	[dreg:$0x12] =	wrdreg s26  }
0x1c: {  	s4 =	sadd.s32 $0x14380, s5;
	[dreg:$0x13] =	wrdreg s3  }
0x1d: {  	s6 =	sadd.s32 $0x1800, s1;
	[dreg:$0x14] =	wrdreg s4  }
0x1e: {  	s8 =	sadd.s32 $0x400, s5;
	[dreg:$0x15] =	wrdreg s6  }
0x1f: {  	s9 =	sadd.s32 $0x800, s5;
	[dreg:$0x17] =	wrdreg s8  }
0x20: {  	s10 =	sadd.s32 $0xC00, s5;
	[dreg:$0x18] =	wrdreg s9  }
0x21: {  	s11 =	sadd.s32 $0x1000, s5;
	[dreg:$0x19] =	wrdreg s10  }
0x22: {  	s12 =	sadd.s32 $0x480, s5;
	[dreg:$0x1a] =	wrdreg s11  }
0x23: {  	s1 =	sadd.s32 $0x1200, s5;
	[dreg:$0x1b] =	wrdreg s12  }
0x24: {  	s7 =	sadd.s32 $0x1280, s5;
	[smem:$0x7E6] =	sst s1  }
0x25: {  	s13 =	sadd.s32 $0x880, s5;
	[smem:$0x7EA] =	sst s7  }
0x26: {  	s14 =	sadd.s32 $0xC80, s5;
	[dreg:$0x1c] =	wrdreg s13  }
0x27: {  	s15 =	sadd.s32 $0x1080, s5;
	[dreg:$0x1d] =	wrdreg s14  }
0x28: {  	s16 =	sadd.s32 $0x500, s5;
	[dreg:$0x1e] =	wrdreg s15  }
0x29: {  	s17 =	sadd.s32 $0x900, s5;
	[dreg:$0x1f] =	wrdreg s16  }
0x2a: {  	s18 =	sadd.s32 $0xD00, s5;
	[smem:$0x7DC] =	sst s17  }
0x2b: {  	s19 =	sadd.s32 $0x1100, s5;
	[smem:$0x7DD] =	sst s18  }
0x2c: {  	s20 =	sadd.s32 $0x580, s5;
	[smem:$0x7DE] =	sst s19  }
0x2d: {  	s21 =	sadd.s32 $0x980, s5;
	[smem:$0x7DF] =	sst s20  }
0x2e: {  	s22 =	sadd.s32 $0xD80, s5;
	[smem:$0x7E0] =	sst s21  }
0x2f: {  	s23 =	sadd.s32 $0x1180, s5;
	[smem:$0x7E1] =	sst s22  }
0x30: {  	s24 =	sadd.s32 $0x600, s5;
	[smem:$0x7E2] =	sst s23  }
0x31: {  	s25 =	sadd.s32 $0xA00, s5;
	[smem:$0x7E3] =	sst s24  }
0x32: {  	s26 =	sadd.s32 $0xE00, s5;
	[smem:$0x7E4] =	sst s25  }
0x33: {  	s3 =	sadd.s32 $0x680, s5;
	[smem:$0x7E5] =	sst s26  }
0x34: {  	s4 =	sadd.s32 $0xA80, s5;
	[smem:$0x7E7] =	sst s3  }
0x35: {  	s6 =	sadd.s32 $0xE80, s5;
	[smem:$0x7E8] =	sst s4  }
0x36: {  	s8 =	sadd.s32 $0x700, s5;
	[smem:$0x7E9] =	sst s6  }
0x37: {  	s9 =	sadd.s32 $0xB00, s5;
	[smem:$0x7EB] =	sst s8  }
0x38: {  	s10 =	sadd.s32 $0xF00, s5;
	[smem:$0x7EC] =	sst s9  }
0x39: {  	s11 =	sadd.s32 $0x1300, s5;
	[smem:$0x7ED] =	sst s10  }
0x3a: {  	s12 =	sadd.s32 $0x780, s5;
	[smem:$0x7EE] =	sst s11  }
0x3b: {  	[smem:$0x7EF] =	sst s12;
	s13 =	sadd.s32 $0xB80, s5  }
0x3c: {  	s14 =	sadd.s32 $0xF80, s5;
	[smem:$0x7F0] =	sst s13  }
0x3d: {  	s15 =	sadd.s32 $0x1380, s5;
	[smem:$0x7F1] =	sst s14  }
0x3e: {  	s16 =	sadd.s32 $0x14400, s5;
	[smem:$0x7F2] =	sst s15  }
0x3f: {  	s30 =	simm.s32 $0x1;
	s17 =	sadd.s32 $0x14800, s5;
	[smem:$0x7F3] =	sst s16  }
0x40: {  	s31 =	simm.s32 $0x2800;
	s18 =	sadd.s32 $0x14C00, s5;
	[smem:$0x7F4] =	sst s17  }
0x41: {  	s28 =	sadd.s32 $0x14F80, s5;
	s19 =	sadd.s32 $0x15000, s5;
	[smem:$0x7F5] =	sst s18  }
0x42: {  	s29 =	sadd.s32 $0x15380, s5;
	s20 =	sadd.s32 $0x14480, s5;
	[smem:$0x7F6] =	sst s19  }
0x43: {  	s1 =	simm.s32 $0x80;
	s21 =	sadd.s32 $0x14880, s5;
	[smem:$0x7F7] =	sst s20  }
0x44: {  	s22 =	sadd.s32 $0x14C80, s5;
	s23 =	sadd.s32 $0x15080, s5;
	[smem:$0x7F8] =	sst s21  }
0x45: {  	s24 =	sadd.s32 $0x14500, s5;
	s25 =	sadd.s32 $0x14900, s5;
	[smem:$0x7F9] =	sst s22  }
0x46: {  	s26 =	sadd.s32 $0x14D00, s5;
	s8 =	sadd.s32 $0x15100, s5;
	[smem:$0x7FA] =	sst s23  }
0x47: {  	s9 =	sadd.s32 $0x14580, s5;
	s10 =	sadd.s32 $0x14980, s5;
	[smem:$0x7FB] =	sst s24  }
0x48: {  	s11 =	sadd.s32 $0x14D80, s5;
	s12 =	sadd.s32 $0x15180, s5;
	[smem:$0x7FC] =	sst s25  }
0x49: {  	[smem:$0x7FD] =	sst s26;
	s13 =	sadd.s32 $0x14600, s5;
	s14 =	sadd.s32 $0x14A00, s5  }
0x4a: {  	s15 =	sadd.s32 $0x14E00, s5;
	s16 =	sadd.s32 $0x15200, s5;
	s17 =	sadd.s32 $0x14680, s5  }
0x4b: {  	s18 =	sadd.s32 $0x14A80, s5;
	s19 =	sadd.s32 $0x14E80, s5;
	s20 =	sadd.s32 $0x15280, s5  }
0x4c: {  	s21 =	sadd.s32 $0x14700, s5;
	s22 =	sadd.s32 $0x14B00, s5;
	s23 =	sadd.s32 $0x14F00, s5  }
0x4d: {  	v0 =	vimm.f32 $0.0e+00;
	vm0 =	vmmov $0xff;
	v1 =	vimm.f32 $1.000000000e+00;
	s24 =	sadd.s32 $0x15300, s5;
	s25 =	sadd.s32 $0x14780, s5;
	s26 =	sadd.s32 $0x14B80, s5  }
.LBB2_1:
0x4e: {  	s0 =	simm.s32 $0x40;
	s3 =	simm.s32 $0x0  }
.LBB2_2:
0x4f: {  	p0 =	sne.s32 s0, $0x9FC0;
	[tilespmem:s3+$0x2800] =	vst v0;
	s3 =	smov.u32 s0;
	s0 =	sadd.s32 $0x40, s0  }
.Ltmp0:
0x50: {  	(pc) =	sbr.rel @p0 .LBB2_2-.Ltmp0, $2  }
0x51: {  	_ =	sdelay $0x2  }
0x52: {  	s3 =	sshra.s32 s3, $0x2  }
0x53: {  	[tilespmem:s3+$0x2800] =	vst v0;
	s0 =	simm.s32 $0x0;
	s7 =	rddreg [dreg:$0x4];
	s4 =	simm.s32 $0x5000  }
0x54: {  	[tilespmem:s4], [sflag:$0x1] =	stream.linear.gather [hbm4b:s7+s0], $0x1388, $0x38;
	[tilespmem:$0x8E80] =	vst v63  }
0x55: {  	_ =	swait.ge [sflag:s30], $0x1388  }
0x56: {  	[sflag:s30] =	ssyncset.done $0x0  }
0x57: {  	[sflag:s30] =	ssyncadd.s32 $0xFFFFEC78  }
0x58: {  	v2 =	vld [tilespmem:$0x6380];
	_ =	sdelay $0x4  }
0x59: {  	v2 =	vnsel vm0, $0x2710, v2  }
0x5a: {  	s3 =	simm.s32 $0x0;
	s0 =	simm.s32 $0x40;
	[tilespmem:$0x6380] =	vst v2  }
.LBB2_4:
0x5b: {  	p0 =	sne.s32 s0, $0x4E00;
	v2 =	vld [tilespmem:s3+$0x5000];
	_ =	sdelay $0x3  }
.Ltmp1:
0x5c: {  	(pc) =	sbr.rel @p0 .LBB2_4-.Ltmp1, $2  }
0x5d: {  	_ =	sdelay $0x2  }
0x5e: {  	s3 =	sshra.s32 s0, $0x2;
	s0 =	sadd.s32 $0x40, s0;
	[tilespmem:v2+s31+$0x0] =	vst.idx.add.f32.msk $0xffff, v1  }
0x5f: {  	v2 =	vld [tilespmem:s3+$0x5000];
	_ =	sdelay $0x7  }
0x60: {  	s0 =	rddreg [dreg:$0x5];
	s7 =	simm.s32 $0x400;
	[tilespmem:v2+s31+$0x0] =	vst.idx.add.f32.msk $0xffff, v1  }
0x61: {  	[spmem:s0] =	stream.strided.scatter [tilespmem:s31], [sflag:$0x1], $0x2800, s7, s1, $0x38;
	[tilespmem:$0x8E80] =	vst v63  }
0x62: {  	_ =	swait.ge [sflag:s30], $0x2800  }
0x63: {  	[sflag:s30] =	ssyncset.done $0x0  }
0x64: {  	[sflag:s30] =	ssyncadd.s32 $0xFFFFD800  }
0x65: {  	s4 =	simm.s32 $0x6400;
	[bflag:$0x0] =	sbarrier.arrive $0xFFFF  }
0x66: {  	[tilespmem:s4], [sflag:$0x1] =	stream.linear.gather [spmem:s5], $0x80, $0x38;
	[tilespmem:$0x8E80] =	vst v63  }
0x67: {  	s7 =	simm.s32 $0x6800;
	s6 =	rddreg [dreg:$0x17]  }
0x68: {  	[tilespmem:s7], [sflag:$0x1] =	stream.linear.gather [spmem:s6], $0x80, $0x38;
	[tilespmem:$0x8E80] =	vst v63  }
0x69: {  	s3 =	rddreg [dreg:$0x18];
	s4 =	simm.s32 $0x6C00  }
0x6a: {  	[tilespmem:s4], [sflag:$0x1] =	stream.linear.gather [spmem:s3], $0x80, $0x38;
	[tilespmem:$0x8E80] =	vst v63  }
0x6b: {  	s6 =	rddreg [dreg:$0x19];
	s7 =	simm.s32 $0x7000  }
0x6c: {  	[tilespmem:s7], [sflag:$0x1] =	stream.linear.gather [spmem:s6], $0x80, $0x38;
	[tilespmem:$0x8E80] =	vst v63  }
0x6d: {  	s3 =	rddreg [dreg:$0x1a];
	s4 =	simm.s32 $0x7400  }
0x6e: {  	[tilespmem:s4], [sflag:$0x1] =	stream.linear.gather [spmem:s3], $0x80, $0x38;
	[tilespmem:$0x8E80] =	vst v63  }
0x6f: {  	_ =	swait.ge [sflag:s30], $0x280  }
0x70: {  	[sflag:s30] =	ssyncset.done $0x0  }
0x71: {  	s7 =	simm.s32 $0x6480;
	s6 =	rddreg [dreg:$0x6];
	[sflag:s30] =	ssyncadd.s32 $0xFFFFFD80  }
0x72: {  	[tilespmem:s7], [sflag:$0x1] =	stream.linear.gather [spmem:s6], $0x80, $0x38;
	[tilespmem:$0x8E80] =	vst v63  }
0x73: {  	s4 =	simm.s32 $0x6880;
	s3 =	rddreg [dreg:$0x1b]  }
0x74: {  	[tilespmem:s4], [sflag:$0x1] =	stream.linear.gather [spmem:s3], $0x80, $0x38;
	[tilespmem:$0x8E80] =	vst v63  }
0x75: {  	s6 =	rddreg [dreg:$0x1c];
	s7 =	simm.s32 $0x6C80  }
0x76: {  	[tilespmem:s7], [sflag:$0x1] =	stream.linear.gather [spmem:s6], $0x80, $0x38;
	[tilespmem:$0x8E80] =	vst v63  }
0x77: {  	s3 =	rddreg [dreg:$0x1d];
	s4 =	simm.s32 $0x7080  }
0x78: {  	[tilespmem:s4], [sflag:$0x1] =	stream.linear.gather [spmem:s3], $0x80, $0x38;
	[tilespmem:$0x8E80] =	vst v63  }
0x79: {  	s6 =	rddreg [dreg:$0x1e];
	s7 =	simm.s32 $0x7480  }
0x7a: {  	[tilespmem:s7], [sflag:$0x1] =	stream.linear.gather [spmem:s6], $0x80, $0x38;
	[tilespmem:$0x8E80] =	vst v63  }
0x7b: {  	_ =	swait.ge [sflag:s30], $0x280  }
0x7c: {  	[sflag:s30] =	ssyncset.done $0x0;
	s3 =	rddreg [dreg:$0x7]  }
0x7d: {  	s4 =	simm.s32 $0x6500;
	s6 =	rddreg [dreg:$0x1f];
	[sflag:s30] =	ssyncadd.s32 $0xFFFFFD80  }
0x7e: {  	[tilespmem:s4], [sflag:$0x1] =	stream.linear.gather [spmem:s3], $0x80, $0x38;
	[tilespmem:$0x8E80] =	vst v63  }
0x7f: {  	s7 =	simm.s32 $0x6900;
	s3 =	sld [smem:$0x7DC]  }
0x80: {  	[tilespmem:s7], [sflag:$0x1] =	stream.linear.gather [spmem:s6], $0x80, $0x38;
	[tilespmem:$0x8E80] =	vst v63  }
0x81: {  	s4 =	simm.s32 $0x6D00;
	s6 =	sld [smem:$0x7DD]  }
0x82: {  	[tilespmem:s4], [sflag:$0x1] =	stream.linear.gather [spmem:s3], $0x80, $0x38;
	[tilespmem:$0x8E80] =	vst v63  }
0x83: {  	s7 =	simm.s32 $0x7100;
	s3 =	sld [smem:$0x7DE]  }
0x84: {  	[tilespmem:s7], [sflag:$0x1] =	stream.linear.gather [spmem:s6], $0x80, $0x38;
	[tilespmem:$0x8E80] =	vst v63  }
0x85: {  	s4 =	simm.s32 $0x7500  }
0x86: {  	[tilespmem:s4], [sflag:$0x1] =	stream.linear.gather [spmem:s3], $0x80, $0x38;
	[tilespmem:$0x8E80] =	vst v63  }
0x87: {  	_ =	swait.ge [sflag:s30], $0x280  }
0x88: {  	[sflag:s30] =	ssyncset.done $0x0;
	s6 =	rddreg [dreg:$0x8]  }
0x89: {  	s7 =	simm.s32 $0x6580;
	s3 =	sld [smem:$0x7DF];
	[sflag:s30] =	ssyncadd.s32 $0xFFFFFD80  }
0x8a: {  	[tilespmem:s7], [sflag:$0x1] =	stream.linear.gather [spmem:s6], $0x80, $0x38;
	[tilespmem:$0x8E80] =	vst v63  }
0x8b: {  	s4 =	simm.s32 $0x6980;
	s6 =	sld [smem:$0x7E0]  }
0x8c: {  	[tilespmem:s4], [sflag:$0x1] =	stream.linear.gather [spmem:s3], $0x80, $0x38;
	[tilespmem:$0x8E80] =	vst v63  }
0x8d: {  	s7 =	simm.s32 $0x6D80;
	s3 =	sld [smem:$0x7E1]  }
0x8e: {  	[tilespmem:s7], [sflag:$0x1] =	stream.linear.gather [spmem:s6], $0x80, $0x38;
	[tilespmem:$0x8E80] =	vst v63  }
0x8f: {  	s4 =	simm.s32 $0x7180;
	s6 =	sld [smem:$0x7E2]  }
0x90: {  	[tilespmem:s4], [sflag:$0x1] =	stream.linear.gather [spmem:s3], $0x80, $0x38;
	[tilespmem:$0x8E80] =	vst v63  }
0x91: {  	s7 =	simm.s32 $0x7580  }
0x92: {  	[tilespmem:s7], [sflag:$0x1] =	stream.linear.gather [spmem:s6], $0x80, $0x38;
	[tilespmem:$0x8E80] =	vst v63  }
0x93: {  	_ =	swait.ge [sflag:s30], $0x280  }
0x94: {  	[sflag:s30] =	ssyncset.done $0x0;
	s3 =	rddreg [dreg:$0x9]  }
0x95: {  	s4 =	simm.s32 $0x6600;
	s6 =	sld [smem:$0x7E3];
	[sflag:s30] =	ssyncadd.s32 $0xFFFFFD80  }
0x96: {  	[tilespmem:s4], [sflag:$0x1] =	stream.linear.gather [spmem:s3], $0x80, $0x38;
	[tilespmem:$0x8E80] =	vst v63  }
0x97: {  	s7 =	simm.s32 $0x6A00;
	s3 =	sld [smem:$0x7E4]  }
0x98: {  	[tilespmem:s7], [sflag:$0x1] =	stream.linear.gather [spmem:s6], $0x80, $0x38;
	[tilespmem:$0x8E80] =	vst v63  }
0x99: {  	s4 =	simm.s32 $0x6E00;
	s6 =	sld [smem:$0x7E5]  }
0x9a: {  	[tilespmem:s4], [sflag:$0x1] =	stream.linear.gather [spmem:s3], $0x80, $0x38;
	[tilespmem:$0x8E80] =	vst v63  }
0x9b: {  	s7 =	simm.s32 $0x7200;
	s3 =	sld [smem:$0x7E6]  }
0x9c: {  	[tilespmem:s7], [sflag:$0x1] =	stream.linear.gather [spmem:s6], $0x80, $0x38;
	[tilespmem:$0x8E80] =	vst v63  }
0x9d: {  	s4 =	simm.s32 $0x7600  }
0x9e: {  	[tilespmem:s4], [sflag:$0x1] =	stream.linear.gather [spmem:s3], $0x80, $0x38;
	[tilespmem:$0x8E80] =	vst v63  }
0x9f: {  	_ =	swait.ge [sflag:s30], $0x280  }
0xa0: {  	[sflag:s30] =	ssyncset.done $0x0;
	s6 =	rddreg [dreg:$0xa]  }
0xa1: {  	s7 =	simm.s32 $0x6680;
	s3 =	sld [smem:$0x7E7];
	[sflag:s30] =	ssyncadd.s32 $0xFFFFFD80  }
0xa2: {  	[tilespmem:s7], [sflag:$0x1] =	stream.linear.gather [spmem:s6], $0x80, $0x38;
	[tilespmem:$0x8E80] =	vst v63  }
0xa3: {  	s4 =	simm.s32 $0x6A80;
	s6 =	sld [smem:$0x7E8]  }
0xa4: {  	[tilespmem:s4], [sflag:$0x1] =	stream.linear.gather [spmem:s3], $0x80, $0x38;
	[tilespmem:$0x8E80] =	vst v63  }
0xa5: {  	s7 =	simm.s32 $0x6E80;
	s3 =	sld [smem:$0x7E9]  }
0xa6: {  	[tilespmem:s7], [sflag:$0x1] =	stream.linear.gather [spmem:s6], $0x80, $0x38;
	[tilespmem:$0x8E80] =	vst v63  }
0xa7: {  	s4 =	simm.s32 $0x7280;
	s6 =	sld [smem:$0x7EA]  }
0xa8: {  	[tilespmem:s4], [sflag:$0x1] =	stream.linear.gather [spmem:s3], $0x80, $0x38;
	[tilespmem:$0x8E80] =	vst v63  }
0xa9: {  	s7 =	simm.s32 $0x7680  }
0xaa: {  	[tilespmem:s7], [sflag:$0x1] =	stream.linear.gather [spmem:s6], $0x80, $0x38;
	[tilespmem:$0x8E80] =	vst v63  }
0xab: {  	_ =	swait.ge [sflag:s30], $0x280  }
0xac: {  	[sflag:s30] =	ssyncset.done $0x0;
	s3 =	rddreg [dreg:$0xb]  }
0xad: {  	s4 =	simm.s32 $0x6700;
	s6 =	sld [smem:$0x7EB];
	[sflag:s30] =	ssyncadd.s32 $0xFFFFFD80  }
0xae: {  	[tilespmem:s4], [sflag:$0x1] =	stream.linear.gather [spmem:s3], $0x80, $0x38;
	[tilespmem:$0x8E80] =	vst v63  }
0xaf: {  	s7 =	simm.s32 $0x6B00;
	s3 =	sld [smem:$0x7EC]  }
0xb0: {  	[tilespmem:s7], [sflag:$0x1] =	stream.linear.gather [spmem:s6], $0x80, $0x38;
	[tilespmem:$0x8E80] =	vst v63  }
0xb1: {  	s4 =	simm.s32 $0x6F00;
	s6 =	sld [smem:$0x7ED]  }
0xb2: {  	[tilespmem:s4], [sflag:$0x1] =	stream.linear.gather [spmem:s3], $0x80, $0x38;
	[tilespmem:$0x8E80] =	vst v63  }
0xb3: {  	s7 =	simm.s32 $0x7300;
	s3 =	sld [smem:$0x7EE]  }
0xb4: {  	[tilespmem:s7], [sflag:$0x1] =	stream.linear.gather [spmem:s6], $0x80, $0x38;
	[tilespmem:$0x8E80] =	vst v63  }
0xb5: {  	s4 =	simm.s32 $0x7700  }
0xb6: {  	[tilespmem:s4], [sflag:$0x1] =	stream.linear.gather [spmem:s3], $0x80, $0x38;
	[tilespmem:$0x8E80] =	vst v63  }
0xb7: {  	_ =	swait.ge [sflag:s30], $0x280  }
0xb8: {  	[sflag:s30] =	ssyncset.done $0x0;
	s6 =	rddreg [dreg:$0xc]  }
0xb9: {  	s7 =	simm.s32 $0x6780;
	s3 =	sld [smem:$0x7EF];
	[sflag:s30] =	ssyncadd.s32 $0xFFFFFD80  }
0xba: {  	[tilespmem:s7], [sflag:$0x1] =	stream.linear.gather [spmem:s6], $0x80, $0x38;
	[tilespmem:$0x8E80] =	vst v63  }
0xbb: {  	s4 =	simm.s32 $0x6B80;
	s6 =	sld [smem:$0x7F0]  }
0xbc: {  	[tilespmem:s4], [sflag:$0x1] =	stream.linear.gather [spmem:s3], $0x80, $0x38;
	[tilespmem:$0x8E80] =	vst v63  }
0xbd: {  	s7 =	simm.s32 $0x6F80;
	s3 =	sld [smem:$0x7F1]  }
0xbe: {  	[tilespmem:s7], [sflag:$0x1] =	stream.linear.gather [spmem:s6], $0x80, $0x38;
	[tilespmem:$0x8E80] =	vst v63  }
0xbf: {  	s4 =	simm.s32 $0x7380;
	s6 =	sld [smem:$0x7F2]  }
0xc0: {  	[tilespmem:s4], [sflag:$0x1] =	stream.linear.gather [spmem:s3], $0x80, $0x38;
	[tilespmem:$0x8E80] =	vst v63  }
0xc1: {  	s7 =	simm.s32 $0x7780  }
0xc2: {  	[tilespmem:s7], [sflag:$0x1] =	stream.linear.gather [spmem:s6], $0x80, $0x38;
	[tilespmem:$0x8E80] =	vst v63  }
0xc3: {  	_ =	swait.ge [sflag:s30], $0x280  }
0xc4: {  	[sflag:s30] =	ssyncset.done $0x0;
	s3 =	rddreg [dreg:$0xd]  }
0xc5: {  	s4 =	simm.s32 $0x7800;
	s6 =	sld [smem:$0x7F3];
	[sflag:s30] =	ssyncadd.s32 $0xFFFFFD80  }
0xc6: {  	[tilespmem:s4], [sflag:$0x1] =	stream.linear.gather [spmem:s3], $0x80, $0x38;
	[tilespmem:$0x8E80] =	vst v63  }
0xc7: {  	s7 =	simm.s32 $0x7C00;
	s3 =	sld [smem:$0x7F4]  }
0xc8: {  	[tilespmem:s7], [sflag:$0x1] =	stream.linear.gather [spmem:s6], $0x80, $0x38;
	[tilespmem:$0x8E80] =	vst v63  }
0xc9: {  	s4 =	simm.s32 $0x8000;
	s6 =	sld [smem:$0x7F5]  }
0xca: {  	[tilespmem:s4], [sflag:$0x1] =	stream.linear.gather [spmem:s3], $0x80, $0x38;
	[tilespmem:$0x8E80] =	vst v63  }
0xcb: {  	s7 =	simm.s32 $0x8400;
	s3 =	sld [smem:$0x7F6]  }
0xcc: {  	[tilespmem:s7], [sflag:$0x1] =	stream.linear.gather [spmem:s6], $0x80, $0x38;
	[tilespmem:$0x8E80] =	vst v63  }
0xcd: {  	s4 =	simm.s32 $0x8800  }
0xce: {  	[tilespmem:s4], [sflag:$0x1] =	stream.linear.gather [spmem:s3], $0x80, $0x38;
	[tilespmem:$0x8E80] =	vst v63  }
0xcf: {  	_ =	swait.ge [sflag:s30], $0x280  }
0xd0: {  	[sflag:s30] =	ssyncset.done $0x0;
	s6 =	rddreg [dreg:$0xe]  }
0xd1: {  	s7 =	simm.s32 $0x7880;
	s3 =	sld [smem:$0x7F7];
	[sflag:s30] =	ssyncadd.s32 $0xFFFFFD80  }
0xd2: {  	[tilespmem:s7], [sflag:$0x1] =	stream.linear.gather [spmem:s6], $0x80, $0x38;
	[tilespmem:$0x8E80] =	vst v63  }
0xd3: {  	s4 =	simm.s32 $0x7C80;
	s6 =	sld [smem:$0x7F8]  }
0xd4: {  	[tilespmem:s4], [sflag:$0x1] =	stream.linear.gather [spmem:s3], $0x80, $0x38;
	[tilespmem:$0x8E80] =	vst v63  }
0xd5: {  	s7 =	simm.s32 $0x8080;
	s3 =	sld [smem:$0x7F9]  }
0xd6: {  	[tilespmem:s7], [sflag:$0x1] =	stream.linear.gather [spmem:s6], $0x80, $0x38;
	[tilespmem:$0x8E80] =	vst v63  }
0xd7: {  	s4 =	simm.s32 $0x8480;
	s6 =	sld [smem:$0x7FA]  }
0xd8: {  	[tilespmem:s4], [sflag:$0x1] =	stream.linear.gather [spmem:s3], $0x80, $0x38;
	[tilespmem:$0x8E80] =	vst v63  }
0xd9: {  	s7 =	simm.s32 $0x8880  }
0xda: {  	[tilespmem:s7], [sflag:$0x1] =	stream.linear.gather [spmem:s6], $0x80, $0x38;
	[tilespmem:$0x8E80] =	vst v63  }
0xdb: {  	_ =	swait.ge [sflag:s30], $0x280  }
0xdc: {  	[sflag:s30] =	ssyncset.done $0x0;
	s3 =	rddreg [dreg:$0xf]  }
0xdd: {  	s4 =	simm.s32 $0x7900;
	s6 =	sld [smem:$0x7FB];
	[sflag:s30] =	ssyncadd.s32 $0xFFFFFD80  }
0xde: {  	[tilespmem:s4], [sflag:$0x1] =	stream.linear.gather [spmem:s3], $0x80, $0x38;
	[tilespmem:$0x8E80] =	vst v63  }
0xdf: {  	s7 =	simm.s32 $0x7D00;
	s3 =	sld [smem:$0x7FC]  }
0xe0: {  	[tilespmem:s7], [sflag:$0x1] =	stream.linear.gather [spmem:s6], $0x80, $0x38;
	[tilespmem:$0x8E80] =	vst v63  }
0xe1: {  	s4 =	simm.s32 $0x8100;
	s6 =	sld [smem:$0x7FD]  }
0xe2: {  	[tilespmem:s4], [sflag:$0x1] =	stream.linear.gather [spmem:s3], $0x80, $0x38;
	[tilespmem:$0x8E80] =	vst v63  }
0xe3: {  	s7 =	simm.s32 $0x8500  }
0xe4: {  	[tilespmem:s7], [sflag:$0x1] =	stream.linear.gather [spmem:s6], $0x80, $0x38;
	[tilespmem:$0x8E80] =	vst v63  }
0xe5: {  	s4 =	simm.s32 $0x8900  }
0xe6: {  	[tilespmem:s4], [sflag:$0x1] =	stream.linear.gather [spmem:s8], $0x80, $0x38;
	[tilespmem:$0x8E80] =	vst v63  }
0xe7: {  	_ =	swait.ge [sflag:s30], $0x280  }
0xe8: {  	[sflag:s30] =	ssyncset.done $0x0  }
0xe9: {  	s7 =	simm.s32 $0x7980;
	s6 =	rddreg [dreg:$0x10];
	[sflag:s30] =	ssyncadd.s32 $0xFFFFFD80  }
0xea: {  	[tilespmem:s7], [sflag:$0x1] =	stream.linear.gather [spmem:s6], $0x80, $0x38;
	[tilespmem:$0x8E80] =	vst v63  }
0xeb: {  	s3 =	simm.s32 $0x7D80  }
0xec: {  	[tilespmem:s3], [sflag:$0x1] =	stream.linear.gather [spmem:s9], $0x80, $0x38;
	[tilespmem:$0x8E80] =	vst v63  }
0xed: {  	s4 =	simm.s32 $0x8180  }
0xee: {  	[tilespmem:s4], [sflag:$0x1] =	stream.linear.gather [spmem:s10], $0x80, $0x38;
	[tilespmem:$0x8E80] =	vst v63  }
0xef: {  	s6 =	simm.s32 $0x8580  }
0xf0: {  	[tilespmem:s6], [sflag:$0x1] =	stream.linear.gather [spmem:s11], $0x80, $0x38;
	[tilespmem:$0x8E80] =	vst v63  }
0xf1: {  	s7 =	simm.s32 $0x8980  }
0xf2: {  	[tilespmem:s7], [sflag:$0x1] =	stream.linear.gather [spmem:s12], $0x80, $0x38;
	[tilespmem:$0x8E80] =	vst v63  }
0xf3: {  	_ =	swait.ge [sflag:s30], $0x280  }
0xf4: {  	[sflag:s30] =	ssyncset.done $0x0  }
0xf5: {  	s4 =	simm.s32 $0x7A00;
	s3 =	rddreg [dreg:$0x11];
	[sflag:s30] =	ssyncadd.s32 $0xFFFFFD80  }
0xf6: {  	[tilespmem:s4], [sflag:$0x1] =	stream.linear.gather [spmem:s3], $0x80, $0x38;
	[tilespmem:$0x8E80] =	vst v63  }
0xf7: {  	s6 =	simm.s32 $0x7E00  }
0xf8: {  	[tilespmem:s6], [sflag:$0x1] =	stream.linear.gather [spmem:s13], $0x80, $0x38;
	[tilespmem:$0x8E80] =	vst v63  }
0xf9: {  	s7 =	simm.s32 $0x8200  }
0xfa: {  	[tilespmem:s7], [sflag:$0x1] =	stream.linear.gather [spmem:s14], $0x80, $0x38;
	[tilespmem:$0x8E80] =	vst v63  }
0xfb: {  	s3 =	simm.s32 $0x8600  }
0xfc: {  	[tilespmem:s3], [sflag:$0x1] =	stream.linear.gather [spmem:s15], $0x80, $0x38;
	[tilespmem:$0x8E80] =	vst v63  }
0xfd: {  	s4 =	simm.s32 $0x8A00  }
0xfe: {  	[tilespmem:s4], [sflag:$0x1] =	stream.linear.gather [spmem:s16], $0x80, $0x38;
	[tilespmem:$0x8E80] =	vst v63  }
0xff: {  	_ =	swait.ge [sflag:s30], $0x280  }
0x100: {  	[sflag:s30] =	ssyncset.done $0x0  }
0x101: {  	s7 =	simm.s32 $0x7A80;
	s6 =	rddreg [dreg:$0x12];
	[sflag:s30] =	ssyncadd.s32 $0xFFFFFD80  }
0x102: {  	[tilespmem:s7], [sflag:$0x1] =	stream.linear.gather [spmem:s6], $0x80, $0x38;
	[tilespmem:$0x8E80] =	vst v63  }
0x103: {  	s3 =	simm.s32 $0x7E80  }
0x104: {  	[tilespmem:s3], [sflag:$0x1] =	stream.linear.gather [spmem:s17], $0x80, $0x38;
	[tilespmem:$0x8E80] =	vst v63  }
0x105: {  	s4 =	simm.s32 $0x8280  }
0x106: {  	[tilespmem:s4], [sflag:$0x1] =	stream.linear.gather [spmem:s18], $0x80, $0x38;
	[tilespmem:$0x8E80] =	vst v63  }
0x107: {  	s6 =	simm.s32 $0x8680  }
0x108: {  	[tilespmem:s6], [sflag:$0x1] =	stream.linear.gather [spmem:s19], $0x80, $0x38;
	[tilespmem:$0x8E80] =	vst v63  }
0x109: {  	s7 =	simm.s32 $0x8A80  }
0x10a: {  	[tilespmem:s7], [sflag:$0x1] =	stream.linear.gather [spmem:s20], $0x80, $0x38;
	[tilespmem:$0x8E80] =	vst v63  }
0x10b: {  	_ =	swait.ge [sflag:s30], $0x280  }
0x10c: {  	[sflag:s30] =	ssyncset.done $0x0  }
0x10d: {  	s4 =	simm.s32 $0x7B00;
	s3 =	rddreg [dreg:$0x13];
	[sflag:s30] =	ssyncadd.s32 $0xFFFFFD80  }
0x10e: {  	[tilespmem:s4], [sflag:$0x1] =	stream.linear.gather [spmem:s3], $0x80, $0x38;
	[tilespmem:$0x8E80] =	vst v63  }
0x10f: {  	s6 =	simm.s32 $0x7F00  }
0x110: {  	[tilespmem:s6], [sflag:$0x1] =	stream.linear.gather [spmem:s21], $0x80, $0x38;
	[tilespmem:$0x8E80] =	vst v63  }
0x111: {  	s7 =	simm.s32 $0x8300  }
0x112: {  	[tilespmem:s7], [sflag:$0x1] =	stream.linear.gather [spmem:s22], $0x80, $0x38;
	[tilespmem:$0x8E80] =	vst v63  }
0x113: {  	s3 =	simm.s32 $0x8700  }
0x114: {  	[tilespmem:s3], [sflag:$0x1] =	stream.linear.gather [spmem:s23], $0x80, $0x38;
	[tilespmem:$0x8E80] =	vst v63  }
0x115: {  	s4 =	simm.s32 $0x8B00  }
0x116: {  	[tilespmem:s4], [sflag:$0x1] =	stream.linear.gather [spmem:s24], $0x80, $0x38;
	[tilespmem:$0x8E80] =	vst v63  }
0x117: {  	_ =	swait.ge [sflag:s30], $0x280  }
0x118: {  	[sflag:s30] =	ssyncset.done $0x0  }
0x119: {  	s7 =	simm.s32 $0x7B80;
	s6 =	rddreg [dreg:$0x14];
	[sflag:s30] =	ssyncadd.s32 $0xFFFFFD80  }
0x11a: {  	[tilespmem:s7], [sflag:$0x1] =	stream.linear.gather [spmem:s6], $0x80, $0x38;
	[tilespmem:$0x8E80] =	vst v63  }
0x11b: {  	s4 =	simm.s32 $0x7F80  }
0x11c: {  	[tilespmem:s4], [sflag:$0x1] =	stream.linear.gather [spmem:s25], $0x80, $0x38;
	[tilespmem:$0x8E80] =	vst v63  }
0x11d: {  	s6 =	simm.s32 $0x8380  }
0x11e: {  	[tilespmem:s6], [sflag:$0x1] =	stream.linear.gather [spmem:s26], $0x80, $0x38;
	[tilespmem:$0x8E80] =	vst v63  }
0x11f: {  	s7 =	simm.s32 $0x8780  }
0x120: {  	[tilespmem:s7], [sflag:$0x1] =	stream.linear.gather [spmem:s28], $0x80, $0x38;
	[tilespmem:$0x8E80] =	vst v63  }
0x121: {  	s3 =	simm.s32 $0x8B80  }
0x122: {  	[tilespmem:s3], [sflag:$0x1] =	stream.linear.gather [spmem:s29], $0x80, $0x38;
	[tilespmem:$0x8E80] =	vst v63  }
0x123: {  	s4 =	simm.s32 $0x0;
	_ =	swait.ge [sflag:s30], $0x280  }
0x124: {  	s0 =	sand.u32 $0x1C00, s4;
	s6 =	sand.u32 $0x70, s4;
	[sflag:s30] =	ssyncset.done $0x0  }
0x125: {  	s0 =	sor.u32 s6, s0;
	[sflag:s30] =	ssyncadd.s32 $0xFFFFFD80  }
0x126: {  	v2 =	vld [tilespmem:s0+$0x6480]  }
0x127: {  	v3 =	vld [tilespmem:s0+$0x6400];
	_ =	sdelay $0x1  }
0x128: {  	v4 =	vld [tilespmem:s0+$0x6500];
	_ =	sdelay $0x1  }
0x129: {  	v5 =	vld [tilespmem:s0+$0x6580]  }
0x12a: {  	v2 =	vadd.f32 v2, v3  }
0x12b: {  	v3 =	vld [tilespmem:s0+$0x6600]  }
0x12c: {  	v2 =	vadd.f32 v4, v2  }
0x12d: {  	v56 =	vld [tilespmem:s0+$0x6680]  }
0x12e: {  	v2 =	vadd.f32 v5, v2  }
0x12f: {  	v57 =	vld [tilespmem:s0+$0x6700]  }
0x130: {  	v2 =	vadd.f32 v3, v2  }
0x131: {  	v3 =	vld [tilespmem:s0+$0x6780]  }
0x132: {  	v2 =	vadd.f32 v56, v2  }
0x133: {  	v58 =	vld [tilespmem:s0+$0x7800]  }
0x134: {  	v2 =	vadd.f32 v57, v2  }
0x135: {  	v59 =	vld [tilespmem:s0+$0x7880]  }
0x136: {  	v2 =	vadd.f32 v3, v2  }
0x137: {  	v3 =	vld [tilespmem:s0+$0x7900]  }
0x138: {  	v2 =	vadd.f32 v58, v2  }
0x139: {  	v60 =	vld [tilespmem:s0+$0x7980]  }
0x13a: {  	v2 =	vadd.f32 v59, v2  }
0x13b: {  	v61 =	vld [tilespmem:s0+$0x7A00]  }
0x13c: {  	v2 =	vadd.f32 v3, v2  }
0x13d: {  	v3 =	vld [tilespmem:s0+$0x7A80]  }
0x13e: {  	v2 =	vadd.f32 v60, v2  }
0x13f: {  	v62 =	vld [tilespmem:s0+$0x7B00]  }
0x140: {  	v2 =	vadd.f32 v61, v2  }
0x141: {  	v63 =	vld [tilespmem:s0+$0x7B80]  }
0x142: {  	v2 =	vadd.f32 v3, v2;
	_ =	sdelay $0x1  }
0x143: {  	v2 =	vadd.f32 v62, v2;
	_ =	sdelay $0x1  }
0x144: {  	s4 =	simm.s32 $0x80;
	s7 =	simm.s32 $0x10;
	v2 =	vadd.f32 v63, v2  }
0x145: {  	s6 =	sand.u32 $0x1C00, s4;
	s3 =	sand.u32 $0x70, s7;
	s0 =	simm.s32 $0x8C00  }
0x146: {  	s3 =	sor.u32 s3, s6;
	s6 =	simm.s32 $0x20;
	[tilespmem:s0+$0x0] =	vst v2  }
.LBB2_6:
0x147: {  	p0 =	sne.s32 s6, $0x270;
	v2 =	vld [tilespmem:s3+$0x6480]  }
0x148: {  	v3 =	vld [tilespmem:s3+$0x6400];
	_ =	sdelay $0x1  }
0x149: {  	v4 =	vld [tilespmem:s3+$0x6500];
	_ =	sdelay $0x1  }
0x14a: {  	v5 =	vld [tilespmem:s3+$0x6580]  }
0x14b: {  	v2 =	vadd.f32 v2, v3  }
0x14c: {  	v3 =	vld [tilespmem:s3+$0x6600]  }
0x14d: {  	v2 =	vadd.f32 v4, v2  }
0x14e: {  	v4 =	vld [tilespmem:s3+$0x6680]  }
0x14f: {  	v2 =	vadd.f32 v5, v2  }
0x150: {  	v5 =	vld [tilespmem:s3+$0x6700]  }
0x151: {  	v2 =	vadd.f32 v3, v2  }
0x152: {  	v3 =	vld [tilespmem:s3+$0x6780]  }
0x153: {  	v2 =	vadd.f32 v4, v2  }
0x154: {  	v4 =	vld [tilespmem:s3+$0x7800]  }
0x155: {  	v2 =	vadd.f32 v5, v2  }
0x156: {  	v5 =	vld [tilespmem:s3+$0x7880]  }
0x157: {  	v2 =	vadd.f32 v3, v2  }
0x158: {  	v3 =	vld [tilespmem:s3+$0x7900]  }
0x159: {  	v2 =	vadd.f32 v4, v2  }
0x15a: {  	v4 =	vld [tilespmem:s3+$0x7980]  }
0x15b: {  	v2 =	vadd.f32 v5, v2  }
0x15c: {  	v5 =	vld [tilespmem:s3+$0x7A00]  }
0x15d: {  	v2 =	vadd.f32 v3, v2  }
0x15e: {  	v3 =	vld [tilespmem:s3+$0x7A80]  }
0x15f: {  	v2 =	vadd.f32 v4, v2  }
0x160: {  	v4 =	vld [tilespmem:s3+$0x7B00]  }
0x161: {  	v2 =	vadd.f32 v5, v2  }
0x162: {  	v5 =	vld [tilespmem:s3+$0x7B80]  }
0x163: {  	v2 =	vadd.f32 v3, v2;
	_ =	sdelay $0x1  }
.Ltmp2:
0x164: {  	v2 =	vadd.f32 v4, v2;
	(pc) =	sbr.rel @p0 .LBB2_6-.Ltmp2, $4  }
0x165: {  	_ = 	snop  }
0x166: {  	s4 =	sadd.s32 $0x80, s4;
	v2 =	vadd.f32 v5, v2  }
0x167: {  	s0 =	sadd.s32 $0x10, s0;
	s7 =	sand.u32 $0x1C00, s4;
	s3 =	sand.u32 $0x70, s6  }
0x168: {  	s6 =	sadd.s32 $0x10, s6;
	s3 =	sor.u32 s3, s7;
	[tilespmem:s0+$0x0] =	vst v2  }
0x169: {  	v2 =	vld [tilespmem:s3+$0x6480]  }
0x16a: {  	v3 =	vld [tilespmem:s3+$0x6400];
	_ =	sdelay $0x1  }
0x16b: {  	v4 =	vld [tilespmem:s3+$0x6500];
	_ =	sdelay $0x1  }
0x16c: {  	v5 =	vld [tilespmem:s3+$0x6580]  }
0x16d: {  	v2 =	vadd.f32 v2, v3  }
0x16e: {  	v3 =	vld [tilespmem:s3+$0x6600]  }
0x16f: {  	v2 =	vadd.f32 v4, v2  }
0x170: {  	v56 =	vld [tilespmem:s3+$0x6680]  }
0x171: {  	v2 =	vadd.f32 v5, v2  }
0x172: {  	v57 =	vld [tilespmem:s3+$0x6700]  }
0x173: {  	v2 =	vadd.f32 v3, v2  }
0x174: {  	v3 =	vld [tilespmem:s3+$0x6780]  }
0x175: {  	v2 =	vadd.f32 v56, v2  }
0x176: {  	v58 =	vld [tilespmem:s3+$0x7800]  }
0x177: {  	v2 =	vadd.f32 v57, v2  }
0x178: {  	v59 =	vld [tilespmem:s3+$0x7880]  }
0x179: {  	v2 =	vadd.f32 v3, v2  }
0x17a: {  	v3 =	vld [tilespmem:s3+$0x7900]  }
0x17b: {  	v2 =	vadd.f32 v58, v2  }
0x17c: {  	v60 =	vld [tilespmem:s3+$0x7980]  }
0x17d: {  	v2 =	vadd.f32 v59, v2  }
0x17e: {  	v61 =	vld [tilespmem:s3+$0x7A00]  }
0x17f: {  	v2 =	vadd.f32 v3, v2  }
0x180: {  	v3 =	vld [tilespmem:s3+$0x7A80]  }
0x181: {  	v2 =	vadd.f32 v60, v2  }
0x182: {  	v62 =	vld [tilespmem:s3+$0x7B00]  }
0x183: {  	v2 =	vadd.f32 v61, v2  }
0x184: {  	v63 =	vld [tilespmem:s3+$0x7B80]  }
0x185: {  	v2 =	vadd.f32 v3, v2;
	_ =	sdelay $0x1  }
0x186: {  	v2 =	vadd.f32 v62, v2;
	_ =	sdelay $0x1  }
0x187: {  	v2 =	vadd.f32 v63, v2  }
0x188: {  	s0 =	sadd.s32 $0x10, s0  }
0x189: {  	s6 =	simm.s32 $0x100;
	s4 =	simm.s32 $0x8C00;
	s3 =	rddreg [dreg:$0x15];
	[tilespmem:s0+$0x0] =	vst v2  }
0x18a: {  	[hbm4b:s3+s1] =	stream.strided.scatter [tilespmem:s4], [sflag:$0x1], $0x280, s6, s1, $0x38;
	[tilespmem:$0x8E80] =	vst v63  }
0x18b: {  	_ =	swait.ge [sflag:s30], $0x280  }
0x18c: {  	s2 =	sadd.s32 $0x1, s2;
	s7 =	rddreg [dreg:$0x16]  }
0x18d: {  	p0 =	sne.s32 s2, s7  }
.Ltmp3:
0x18e: {  	_ = 	snop;
	(pc) =	sbr.rel @p0 .LBB2_1-.Ltmp3, $3  }
0x18f: {  	_ =	sdelay $0x1  }
0x190: {  	[sflag:s30] =	ssyncset.done $0x0  }
0x191: {  	[sflag:s30] =	ssyncadd.s32 $0xFFFFFD80  }
0x192: {  	_ =	sfence.sel $0x180000  }
0x193: {  	[bflag:$0x0] =	sbarrier.arrive $0xFFFF  }
0x194: {  	_ =	strace $0x90000047  }
0x195: {  	s0 =	stileid.u32;
	[bflag:$0x2] =	sbarrier.arrive $0xFFFF  }
0x196: {  	p0 =	sne.s32 s0, $0x0;
	s0 =	rddreg [dreg:$0x3]  }
0x197: {  	s0 =	sadd.s32 @!p0 $0x100000, s0  }
0x198: {  	[sflag:s0] =	ssyncadd.tile.s32 @!p0 $0x1;
	_ =	shalt  }
.Lfunc_end2:
_tile_overlayer_lowered:
.L_overlay_start_2:
0x199: {  	(tag) =	ssettag $0x2  }
0x19a: {  	s0 =	rddreg [dreg:$0x0];
	s2 =	stileid.u32  }
0x19b: {  	s1 =	rddreg [dreg:$0x1];
	p0 =	sne.s32 s2, $0x0  }
0x19c: {  	s3 =	rddreg [dreg:$0x2];
	[bflag:$0x3] =	sbarrier.arrive $0xFFFF;
	s2 =	simm.s32 @!p0 $0x1C01  }
0x19d: {  	[timem:s3], [sflag:s2] =	dma.local @!p0 [hbm:s0], s1  }
0x19e: {  	s0 =	simm.s32 @!p0 $0x1  }
0x19f: {  	_ =	swait.ge @!p0 [sflag:s0], s1  }
0x1a0: {  	s1 =	ssub.s32 @!p0 $0x0, s1;
	[sflag:s0] =	ssyncset.done @!p0 $0x0  }
0x1a1: {  	[sflag:s0] =	ssyncadd.s32 @!p0 s1  }
0x1a2: {  	[bflag:$0x3] =	sbarrier.arrive $0xFFFF  }
0x1a3: {  	_ =	shalt  }

</sc_bundles>
